<compile_context>
chip_gen: v7x
topology: tpu7x:2x2x1
jax: 0.10.2.dev20260603
libtpu: 0.0.44.dev20260713+nightly
codegen_flags: <defaults>
</compile_context>

<pallas_src>
import functools

import jax
import jax.numpy as jnp
from jax import lax
from jax.experimental import pallas as pl
from jax.experimental.pallas import tpu as pltpu
from jax.experimental.pallas import tpu_sc as plsc

NC = 2
NS = 16
NW = NC * NS
L = 16
TD = 128


@functools.lru_cache(maxsize=None)
def _make_sc_kernel(B, K, D, V):
    RB = B // NW
    NBUF = 4
    assert B % NW == 0 and RB % NBUF == 0 and K % 8 == 0
    bases = list(range(0, K, L))
    if bases[-1] + L > K:
        bases[-1] = K - L

    mesh = plsc.VectorSubcoreMesh(core_axis_name="c", subcore_axis_name="s")

    @functools.partial(
        pl.kernel,
        out_type=jax.ShapeDtypeStruct((B * K,), jnp.float32),
        mesh=mesh,
        compiler_params=pltpu.CompilerParams(
            use_tc_tiling_on_sc=False, needs_layout_passes=False),
        scratch_types=[
            pltpu.VMEM((RB * K,), jnp.int32),
            pltpu.VMEM((RB, D), jnp.float32),
            [pltpu.VMEM((K, D), jnp.float32) for _ in range(NBUF)],
            pltpu.VMEM((RB * K,), jnp.float32),
            [pltpu.SemaphoreType.DMA for _ in range(NBUF)],
        ],
    )
    def sc_kernel(z_hbm, idx_hbm, table_hbm, out_hbm,
                  idx_v, z_v, rows, out_v, sems):
        wid = lax.axis_index("s") * NC + lax.axis_index("c")
        base = wid * RB
        pltpu.sync_copy(idx_hbm.at[pl.ds(base * K, RB * K)], idx_v)
        pltpu.sync_copy(z_hbm.at[pl.ds(base, RB)], z_v)

        def issue(i, rows_buf, sem):
            pltpu.async_copy(
                table_hbm.at[idx_v.at[pl.ds(i * K, K)]], rows_buf, sem)

        def wait(rows_buf, sem):
            pltpu.make_async_copy(
                table_hbm.at[pl.ds(0, K)], rows_buf, sem).wait()

        iota = lax.iota(jnp.int32, L)

        def compute(i, rows_buf):
            ivec = jnp.broadcast_to(i, (L,))
            nh = len(bases) // 2 + 1
            for half in (bases[:nh], bases[nh:]):
                def rbody(r, accs, half=half):
                    rot = (iota + r) & (L - 1)
                    new = list(accs)
                    for dg in range(D // L):
                        dvec = dg * L + rot
                        m = plsc.load_gather(z_v, [ivec, dvec])
                        for gi, kb in enumerate(half):
                            col = plsc.load_gather(
                                rows_buf, [kb + iota, dvec])
                            new[gi] = new[gi] + m * col
                    return tuple(new)
                accs = lax.fori_loop(
                    0, L, rbody,
                    tuple(jnp.zeros((L,), jnp.float32) for _ in half))
                for gi, kb in enumerate(half):
                    out_v[pl.ds(i * K + kb, L)] = accs[gi]

        for s in range(NBUF):
            issue(s, rows[s], sems[s])

        def body(j, carry):
            for s in range(NBUF):
                i = NBUF * j + s
                wait(rows[s], sems[s])
                compute(i, rows[s])

                @pl.when(i + NBUF < RB)
                def _(s=s, i=i):
                    issue(i + NBUF, rows[s], sems[s])
            return carry

        lax.fori_loop(0, RB // NBUF, body, 0)
        pltpu.sync_copy(out_v, out_hbm.at[pl.ds(base * K, RB * K)])

    return sc_kernel


def kernel(z_B1D, cand_idx_BK, id_embed):
    B, _, D = z_B1D.shape
    K = cand_idx_BK.shape[1]
    V = id_embed.shape[0]
    z = z_B1D.reshape(B, D)
    idx = cand_idx_BK.reshape(-1)
    if idx.dtype != jnp.int32:
        idx = idx.astype(jnp.int32)
    table = jnp.pad(id_embed, ((0, 0), (0, TD - D))).reshape(2 * V, D)
    idx2 = idx * 2
    out = _make_sc_kernel(B, K, D, V)(z, idx2, table)
    return out.reshape(B, K)

# --- scband reference (transcript-rebuilt; emitter-appended) ---
"""Pipeline reference for scband-span-hpohead-55585466745493 (READ-ONLY COPY).

The authoritative reference and input builder live on the scoring server;
editing this copy changes nothing except your own understanding.
"""

import jax, jax.numpy as jnp
import numpy as np

B = 4096
K = 200
D = 64
VOCAB = 1000000

def setup_inputs(seed: int = 0) -> dict:
    key = jax.random.key(seed)
    k1, k2, k3 = jax.random.split(key, 3)
    z_B1D = jax.random.normal(k1, (B, 1, D), dtype=jnp.float32)
    cand_idx_BK = jax.random.randint(k2, (B, K), 0, VOCAB, dtype=jnp.int64) if jax.config.read('jax_enable_x64') else jax.random.randint(k2, (B, K), 0, VOCAB, dtype=jnp.int32)
    id_embed = jax.random.normal(k3, (VOCAB, D), dtype=jnp.float32) * 0.02
    return {"z_B1D": z_B1D, "cand_idx_BK": cand_idx_BK, "id_embed": id_embed}

def reference(z_B1D, cand_idx_BK, id_embed):
    # E = self.id_embed(cand_idx_BK)  -> embedding gather
    E = jnp.take(id_embed, cand_idx_BK, axis=0)  # [B, K, D]
    # z = z_B1D.squeeze(1)
    z = jnp.squeeze(z_B1D, axis=1)  # [B, D]
    # torch.einsum('bd,bkd->bk', z, E)
    return jnp.einsum('bd,bkd->bk', z, E)

if __name__ == "__main__":
    import jax
    _d = setup_inputs()
    print(jax.jit(kernel)(*tuple(_d.values())))

</pallas_src>

<mosaic_0001>
#map = affine_map<(d0, d1) -> (0, 0)>
#map1 = affine_map<(d0, d1) -> (0)>
module attributes {stable_mosaic.version = 14 : i64} {
  func.func @sc_kernel(%arg0: i32, %arg1: i32, %arg2: memref<4096x64xf32, #tpu.memory_space<hbm>>, %arg3: memref<819200xi32, #tpu.memory_space<hbm>>, %arg4: memref<2000000x64xf32, #tpu.memory_space<hbm>>, %arg5: memref<819200xf32, #tpu.memory_space<hbm>>, %arg6: memref<25600xi32, #tpu.memory_space<vmem>>, %arg7: memref<128x64xf32, #tpu.memory_space<vmem>>, %arg8: memref<200x64xf32, #tpu.memory_space<vmem>>, %arg9: memref<200x64xf32, #tpu.memory_space<vmem>>, %arg10: memref<200x64xf32, #tpu.memory_space<vmem>>, %arg11: memref<200x64xf32, #tpu.memory_space<vmem>>, %arg12: memref<25600xf32, #tpu.memory_space<vmem>>, %arg13: memref<!tpu.dma_semaphore, #tpu.memory_space<semaphore_mem>>, %arg14: memref<!tpu.dma_semaphore, #tpu.memory_space<semaphore_mem>>, %arg15: memref<!tpu.dma_semaphore, #tpu.memory_space<semaphore_mem>>, %arg16: memref<!tpu.dma_semaphore, #tpu.memory_space<semaphore_mem>>) attributes {dimension_semantics = [#tpu.dimension_semantics<core_parallel>, #tpu.dimension_semantics<subcore_parallel>], iteration_bounds = array<i64: 2, 16>, scalar_prefetch = 0 : i64, scratch_operands = 11 : i64, tpu.core_type = #tpu.core_type<sc_vector_subcore>, window_params = [{transform_indices = #map}, {transform_indices = #map1}, {transform_indices = #map}, {transform_indices = #map1}]} {
    %mul3A = arith.constant 2 : i32
    %mul3A_0 = arith.muli %arg1, %mul3A : i32
    %add3A = arith.addi %mul3A_0, %arg0 : i32
    %mul3A_1 = arith.constant 128 : i32
    %mul3A_2 = arith.muli %add3A, %mul3A_1 : i32
    %mul3A_3 = arith.constant 200 : i32
    %mul3A_4 = arith.muli %mul3A_2, %mul3A_3 : i32
    "tpu.region"() ({
      %run_scoped3A = tpu.sem_alloc : memref<!tpu.dma_semaphore, #tpu.memory_space<semaphore_mem>>
      %dma_start3A_31 = tpu.memref_slice %arg3[%mul3A_4] : memref<819200xi32, #tpu.memory_space<hbm>> -> memref<25600xi32, #tpu.memory_space<hbm>>
      %dma_start3A_32 = tpu.memref_slice %arg3[%mul3A_4] : memref<819200xi32, #tpu.memory_space<hbm>> -> memref<25600xi32, #tpu.memory_space<hbm>>
      tpu.enqueue_dma source(%dma_start3A_32 : memref<25600xi32, #tpu.memory_space<hbm>>) target(%arg6 : memref<25600xi32, #tpu.memory_space<vmem>>) target_semaphore(%run_scoped3A : memref<!tpu.dma_semaphore, #tpu.memory_space<semaphore_mem>>)
      %dma_wait3A = tpu.memref_slice %arg3[%mul3A_4] : memref<819200xi32, #tpu.memory_space<hbm>> -> memref<25600xi32, #tpu.memory_space<hbm>>
      %dma_wait3A_33 = tpu.memref_slice %arg3[%mul3A_4] : memref<819200xi32, #tpu.memory_space<hbm>> -> memref<25600xi32, #tpu.memory_space<hbm>>
      tpu.wait_dma2 semaphore(%run_scoped3A : memref<!tpu.dma_semaphore, #tpu.memory_space<semaphore_mem>>) src(%dma_wait3A_33 : memref<25600xi32, #tpu.memory_space<hbm>>) dst(%arg6 : memref<25600xi32, #tpu.memory_space<vmem>>)
      tpu.yield
    }) : () -> ()
    "tpu.region"() ({
      %run_scoped3A = tpu.sem_alloc : memref<!tpu.dma_semaphore, #tpu.memory_space<semaphore_mem>>
      %dma_start3A_31 = arith.constant 0 : i32
      %dma_start3A_32 = tpu.memref_slice %arg2[%mul3A_2, %dma_start3A_31] : memref<4096x64xf32, #tpu.memory_space<hbm>> -> memref<128x64xf32, #tpu.memory_space<hbm>>
      %dma_start3A_33 = arith.constant 0 : i32
      %dma_start3A_34 = tpu.memref_slice %arg2[%mul3A_2, %dma_start3A_33] : memref<4096x64xf32, #tpu.memory_space<hbm>> -> memref<128x64xf32, #tpu.memory_space<hbm>>
      tpu.enqueue_dma source(%dma_start3A_34 : memref<128x64xf32, #tpu.memory_space<hbm>>) target(%arg7 : memref<128x64xf32, #tpu.memory_space<vmem>>) target_semaphore(%run_scoped3A : memref<!tpu.dma_semaphore, #tpu.memory_space<semaphore_mem>>)
      %dma_wait3A = arith.constant 0 : i32
      %dma_wait3A_35 = tpu.memref_slice %arg2[%mul3A_2, %dma_wait3A] : memref<4096x64xf32, #tpu.memory_space<hbm>> -> memref<128x64xf32, #tpu.memory_space<hbm>>
      %dma_wait3A_36 = arith.constant 0 : i32
      %dma_wait3A_37 = tpu.memref_slice %arg2[%mul3A_2, %dma_wait3A_36] : memref<4096x64xf32, #tpu.memory_space<hbm>> -> memref<128x64xf32, #tpu.memory_space<hbm>>
      tpu.wait_dma2 semaphore(%run_scoped3A : memref<!tpu.dma_semaphore, #tpu.memory_space<semaphore_mem>>) src(%dma_wait3A_37 : memref<128x64xf32, #tpu.memory_space<hbm>>) dst(%arg7 : memref<128x64xf32, #tpu.memory_space<vmem>>)
      tpu.yield
    }) : () -> ()
    %iota3A = tpu.iota {dimensions = array<i32: 0>} : vector<16xi32>
    %dma_start3A = arith.constant 0 : i32
    %dma_start3A_5 = tpu.memref_slice %arg6[%dma_start3A] : memref<25600xi32, #tpu.memory_space<vmem>> -> memref<200xi32, #tpu.memory_space<vmem>>
    %dma_start3A_6 = arith.constant 0 : i32
    %dma_start3A_7 = arith.constant 0 : i32
    %dma_start3A_8 = tpu.memref_slice %arg4[%dma_start3A_6, %dma_start3A_7] : memref<2000000x64xf32, #tpu.memory_space<hbm>> -> memref<2000000x64xf32, #tpu.memory_space<hbm>>
    tpu.enqueue_indirect_dma source(%dma_start3A_8 : memref<2000000x64xf32, #tpu.memory_space<hbm>>) target(%arg8 : memref<200x64xf32, #tpu.memory_space<vmem>>) offsets(%dma_start3A_5 : memref<200xi32, #tpu.memory_space<vmem>>) semaphore(%arg13 : memref<!tpu.dma_semaphore, #tpu.memory_space<semaphore_mem>>)
    %dma_start3A_9 = arith.constant 200 : i32
    %dma_start3A_10 = tpu.memref_slice %arg6[%dma_start3A_9] : memref<25600xi32, #tpu.memory_space<vmem>> -> memref<200xi32, #tpu.memory_space<vmem>>
    %dma_start3A_11 = arith.constant 0 : i32
    %dma_start3A_12 = arith.constant 0 : i32
    %dma_start3A_13 = tpu.memref_slice %arg4[%dma_start3A_11, %dma_start3A_12] : memref<2000000x64xf32, #tpu.memory_space<hbm>> -> memref<2000000x64xf32, #tpu.memory_space<hbm>>
    tpu.enqueue_indirect_dma source(%dma_start3A_13 : memref<2000000x64xf32, #tpu.memory_space<hbm>>) target(%arg9 : memref<200x64xf32, #tpu.memory_space<vmem>>) offsets(%dma_start3A_10 : memref<200xi32, #tpu.memory_space<vmem>>) semaphore(%arg14 : memref<!tpu.dma_semaphore, #tpu.memory_space<semaphore_mem>>)
    %dma_start3A_14 = arith.constant 400 : i32
    %dma_start3A_15 = tpu.memref_slice %arg6[%dma_start3A_14] : memref<25600xi32, #tpu.memory_space<vmem>> -> memref<200xi32, #tpu.memory_space<vmem>>
    %dma_start3A_16 = arith.constant 0 : i32
    %dma_start3A_17 = arith.constant 0 : i32
    %dma_start3A_18 = tpu.memref_slice %arg4[%dma_start3A_16, %dma_start3A_17] : memref<2000000x64xf32, #tpu.memory_space<hbm>> -> memref<2000000x64xf32, #tpu.memory_space<hbm>>
    tpu.enqueue_indirect_dma source(%dma_start3A_18 : memref<2000000x64xf32, #tpu.memory_space<hbm>>) target(%arg10 : memref<200x64xf32, #tpu.memory_space<vmem>>) offsets(%dma_start3A_15 : memref<200xi32, #tpu.memory_space<vmem>>) semaphore(%arg15 : memref<!tpu.dma_semaphore, #tpu.memory_space<semaphore_mem>>)
    %dma_start3A_19 = arith.constant 600 : i32
    %dma_start3A_20 = tpu.memref_slice %arg6[%dma_start3A_19] : memref<25600xi32, #tpu.memory_space<vmem>> -> memref<200xi32, #tpu.memory_space<vmem>>
    %dma_start3A_21 = arith.constant 0 : i32
    %dma_start3A_22 = arith.constant 0 : i32
    %dma_start3A_23 = tpu.memref_slice %arg4[%dma_start3A_21, %dma_start3A_22] : memref<2000000x64xf32, #tpu.memory_space<hbm>> -> memref<2000000x64xf32, #tpu.memory_space<hbm>>
    tpu.enqueue_indirect_dma source(%dma_start3A_23 : memref<2000000x64xf32, #tpu.memory_space<hbm>>) target(%arg11 : memref<200x64xf32, #tpu.memory_space<vmem>>) offsets(%dma_start3A_20 : memref<200xi32, #tpu.memory_space<vmem>>) semaphore(%arg16 : memref<!tpu.dma_semaphore, #tpu.memory_space<semaphore_mem>>)
    %scan3A = arith.constant 0 : i32
    %scan3A_24 = arith.constant 0 : i32
    %scan3A_25 = arith.constant 32 : i32
    %scan3A_26 = arith.addi %scan3A_24, %scan3A_25 : i32
    %scan3A_27 = arith.constant 1 : i32
    scf.for %scan3A_31 = %scan3A_24 to %scan3A_26 step %scan3A_27  : i32 {
      %mul3A_32 = arith.constant 4 : i32
      %mul3A_33 = arith.muli %mul3A_32, %scan3A_31 : i32
      %add3A_34 = arith.constant 0 : i32
      %add3A_35 = arith.addi %mul3A_33, %add3A_34 : i32
      %dma_wait3A = arith.constant 0 : i32
      %dma_wait3A_36 = arith.constant 0 : i32
      %dma_wait3A_37 = tpu.memref_slice %arg4[%dma_wait3A, %dma_wait3A_36] : memref<2000000x64xf32, #tpu.memory_space<hbm>> -> memref<200x64xf32, #tpu.memory_space<hbm>>
      %dma_wait3A_38 = arith.constant 0 : i32
      %dma_wait3A_39 = arith.constant 0 : i32
      %dma_wait3A_40 = tpu.memref_slice %arg4[%dma_wait3A_38, %dma_wait3A_39] : memref<2000000x64xf32, #tpu.memory_space<hbm>> -> memref<200x64xf32, #tpu.memory_space<hbm>>
      tpu.wait_dma2 semaphore(%arg13 : memref<!tpu.dma_semaphore, #tpu.memory_space<semaphore_mem>>) src(%dma_wait3A_40 : memref<200x64xf32, #tpu.memory_space<hbm>>) dst(%arg8 : memref<200x64xf32, #tpu.memory_space<vmem>>)
      %broadcast_in_dim3A = vector.broadcast %add3A_35 : i32 to vector<16xi32>
      %broadcast_in_dim3A_41 = arith.constant 0.000000e+00 : f32
      %broadcast_in_dim3A_42 = vector.broadcast %broadcast_in_dim3A_41 : f32 to vector<16xf32>
      %broadcast_in_dim3A_43 = arith.constant 0.000000e+00 : f32
      %broadcast_in_dim3A_44 = vector.broadcast %broadcast_in_dim3A_43 : f32 to vector<16xf32>
      %broadcast_in_dim3A_45 = arith.constant 0.000000e+00 : f32
      %broadcast_in_dim3A_46 = vector.broadcast %broadcast_in_dim3A_45 : f32 to vector<16xf32>
      %broadcast_in_dim3A_47 = arith.constant 0.000000e+00 : f32
      %broadcast_in_dim3A_48 = vector.broadcast %broadcast_in_dim3A_47 : f32 to vector<16xf32>
      %broadcast_in_dim3A_49 = arith.constant 0.000000e+00 : f32
      %broadcast_in_dim3A_50 = vector.broadcast %broadcast_in_dim3A_49 : f32 to vector<16xf32>
      %broadcast_in_dim3A_51 = arith.constant 0.000000e+00 : f32
      %broadcast_in_dim3A_52 = vector.broadcast %broadcast_in_dim3A_51 : f32 to vector<16xf32>
      %broadcast_in_dim3A_53 = arith.constant 0.000000e+00 : f32
      %broadcast_in_dim3A_54 = vector.broadcast %broadcast_in_dim3A_53 : f32 to vector<16xf32>
      %scan3A_55 = arith.constant 0 : i32
      %scan3A_56 = arith.constant 16 : i32
      %scan3A_57 = arith.addi %scan3A_55, %scan3A_56 : i32
      %scan3A_58 = arith.constant 1 : i32
      %scan3A_59:7 = scf.for %scan3A_562 = %scan3A_55 to %scan3A_57 step %scan3A_58 iter_args(%scan3A_563 = %broadcast_in_dim3A_42, %scan3A_564 = %broadcast_in_dim3A_44, %scan3A_565 = %broadcast_in_dim3A_46, %scan3A_566 = %broadcast_in_dim3A_48, %scan3A_567 = %broadcast_in_dim3A_50, %scan3A_568 = %broadcast_in_dim3A_52, %scan3A_569 = %broadcast_in_dim3A_54) -> (vector<16xf32>, vector<16xf32>, vector<16xf32>, vector<16xf32>, vector<16xf32>, vector<16xf32>, vector<16xf32>)  : i32 {
        %add3A_570 = vector.broadcast %scan3A_562 : i32 to vector<16xi32>
        %add3A_571 = arith.addi %iota3A, %add3A_570 : vector<16xi32>
        %and3A = arith.constant 15 : i32
        %and3A_572 = vector.broadcast %and3A : i32 to vector<16xi32>
        %and3A_573 = arith.andi %add3A_571, %and3A_572 : vector<16xi32>
        %add3A_574 = arith.constant 0 : i32
        %add3A_575 = vector.broadcast %add3A_574 : i32 to vector<16xi32>
        %add3A_576 = arith.addi %add3A_575, %and3A_573 : vector<16xi32>
        %gather3A = tpu.vector_load_idx %arg7[%broadcast_in_dim3A, %add3A_576] : memref<128x64xf32, #tpu.memory_space<vmem>>[vector<16xi32>, vector<16xi32>], vector<16xf32>,
        %add3A_577 = arith.constant 0 : i32
        %add3A_578 = vector.broadcast %add3A_577 : i32 to vector<16xi32>
        %add3A_579 = arith.addi %add3A_578, %iota3A : vector<16xi32>
        %gather3A_580 = tpu.vector_load_idx %arg8[%add3A_579, %add3A_576] : memref<200x64xf32, #tpu.memory_space<vmem>>[vector<16xi32>, vector<16xi32>], vector<16xf32>,
        %mul3A_581 = arith.mulf %gather3A, %gather3A_580 : vector<16xf32>
        %add3A_582 = arith.addf %scan3A_563, %mul3A_581 : vector<16xf32>
        %add3A_583 = arith.constant 16 : i32
        %add3A_584 = vector.broadcast %add3A_583 : i32 to vector<16xi32>
        %add3A_585 = arith.addi %add3A_584, %iota3A : vector<16xi32>
        %gather3A_586 = tpu.vector_load_idx %arg8[%add3A_585, %add3A_576] : memref<200x64xf32, #tpu.memory_space<vmem>>[vector<16xi32>, vector<16xi32>], vector<16xf32>,
        %mul3A_587 = arith.mulf %gather3A, %gather3A_586 : vector<16xf32>
        %add3A_588 = arith.addf %scan3A_564, %mul3A_587 : vector<16xf32>
        %add3A_589 = arith.constant 32 : i32
        %add3A_590 = vector.broadcast %add3A_589 : i32 to vector<16xi32>
        %add3A_591 = arith.addi %add3A_590, %iota3A : vector<16xi32>
        %gather3A_592 = tpu.vector_load_idx %arg8[%add3A_591, %add3A_576] : memref<200x64xf32, #tpu.memory_space<vmem>>[vector<16xi32>, vector<16xi32>], vector<16xf32>,
        %mul3A_593 = arith.mulf %gather3A, %gather3A_592 : vector<16xf32>
        %add3A_594 = arith.addf %scan3A_565, %mul3A_593 : vector<16xf32>
        %add3A_595 = arith.constant 48 : i32
        %add3A_596 = vector.broadcast %add3A_595 : i32 to vector<16xi32>
        %add3A_597 = arith.addi %add3A_596, %iota3A : vector<16xi32>
        %gather3A_598 = tpu.vector_load_idx %arg8[%add3A_597, %add3A_576] : memref<200x64xf32, #tpu.memory_space<vmem>>[vector<16xi32>, vector<16xi32>], vector<16xf32>,
        %mul3A_599 = arith.mulf %gather3A, %gather3A_598 : vector<16xf32>
        %add3A_600 = arith.addf %scan3A_566, %mul3A_599 : vector<16xf32>
        %add3A_601 = arith.constant 64 : i32
        %add3A_602 = vector.broadcast %add3A_601 : i32 to vector<16xi32>
        %add3A_603 = arith.addi %add3A_602, %iota3A : vector<16xi32>
        %gather3A_604 = tpu.vector_load_idx %arg8[%add3A_603, %add3A_576] : memref<200x64xf32, #tpu.memory_space<vmem>>[vector<16xi32>, vector<16xi32>], vector<16xf32>,
        %mul3A_605 = arith.mulf %gather3A, %gather3A_604 : vector<16xf32>
        %add3A_606 = arith.addf %scan3A_567, %mul3A_605 : vector<16xf32>
        %add3A_607 = arith.constant 80 : i32
        %add3A_608 = vector.broadcast %add3A_607 : i32 to vector<16xi32>
        %add3A_609 = arith.addi %add3A_608, %iota3A : vector<16xi32>
        %gather3A_610 = tpu.vector_load_idx %arg8[%add3A_609, %add3A_576] : memref<200x64xf32, #tpu.memory_space<vmem>>[vector<16xi32>, vector<16xi32>], vector<16xf32>,
        %mul3A_611 = arith.mulf %gather3A, %gather3A_610 : vector<16xf32>
        %add3A_612 = arith.addf %scan3A_568, %mul3A_611 : vector<16xf32>
        %add3A_613 = arith.constant 96 : i32
        %add3A_614 = vector.broadcast %add3A_613 : i32 to vector<16xi32>
        %add3A_615 = arith.addi %add3A_614, %iota3A : vector<16xi32>
        %gather3A_616 = tpu.vector_load_idx %arg8[%add3A_615, %add3A_576] : memref<200x64xf32, #tpu.memory_space<vmem>>[vector<16xi32>, vector<16xi32>], vector<16xf32>,
        %mul3A_617 = arith.mulf %gather3A, %gather3A_616 : vector<16xf32>
        %add3A_618 = arith.addf %scan3A_569, %mul3A_617 : vector<16xf32>
        %add3A_619 = arith.constant 16 : i32
        %add3A_620 = vector.broadcast %add3A_619 : i32 to vector<16xi32>
        %add3A_621 = arith.addi %add3A_620, %and3A_573 : vector<16xi32>
        %gather3A_622 = tpu.vector_load_idx %arg7[%broadcast_in_dim3A, %add3A_621] : memref<128x64xf32, #tpu.memory_space<vmem>>[vector<16xi32>, vector<16xi32>], vector<16xf32>,
        %add3A_623 = arith.constant 0 : i32
        %add3A_624 = vector.broadcast %add3A_623 : i32 to vector<16xi32>
        %add3A_625 = arith.addi %add3A_624, %iota3A : vector<16xi32>
        %gather3A_626 = tpu.vector_load_idx %arg8[%add3A_625, %add3A_621] : memref<200x64xf32, #tpu.memory_space<vmem>>[vector<16xi32>, vector<16xi32>], vector<16xf32>,
        %mul3A_627 = arith.mulf %gather3A_622, %gather3A_626 : vector<16xf32>
        %add3A_628 = arith.addf %add3A_582, %mul3A_627 : vector<16xf32>
        %add3A_629 = arith.constant 16 : i32
        %add3A_630 = vector.broadcast %add3A_629 : i32 to vector<16xi32>
        %add3A_631 = arith.addi %add3A_630, %iota3A : vector<16xi32>
        %gather3A_632 = tpu.vector_load_idx %arg8[%add3A_631, %add3A_621] : memref<200x64xf32, #tpu.memory_space<vmem>>[vector<16xi32>, vector<16xi32>], vector<16xf32>,
        %mul3A_633 = arith.mulf %gather3A_622, %gather3A_632 : vector<16xf32>
        %add3A_634 = arith.addf %add3A_588, %mul3A_633 : vector<16xf32>
        %add3A_635 = arith.constant 32 : i32
        %add3A_636 = vector.broadcast %add3A_635 : i32 to vector<16xi32>
        %add3A_637 = arith.addi %add3A_636, %iota3A : vector<16xi32>
        %gather3A_638 = tpu.vector_load_idx %arg8[%add3A_637, %add3A_621] : memref<200x64xf32, #tpu.memory_space<vmem>>[vector<16xi32>, vector<16xi32>], vector<16xf32>,
        %mul3A_639 = arith.mulf %gather3A_622, %gather3A_638 : vector<16xf32>
        %add3A_640 = arith.addf %add3A_594, %mul3A_639 : vector<16xf32>
        %add3A_641 = arith.constant 48 : i32
        %add3A_642 = vector.broadcast %add3A_641 : i32 to vector<16xi32>
        %add3A_643 = arith.addi %add3A_642, %iota3A : vector<16xi32>
        %gather3A_644 = tpu.vector_load_idx %arg8[%add3A_643, %add3A_621] : memref<200x64xf32, #tpu.memory_space<vmem>>[vector<16xi32>, vector<16xi32>], vector<16xf32>,
        %mul3A_645 = arith.mulf %gather3A_622, %gather3A_644 : vector<16xf32>
        %add3A_646 = arith.addf %add3A_600, %mul3A_645 : vector<16xf32>
        %add3A_647 = arith.constant 64 : i32
        %add3A_648 = vector.broadcast %add3A_647 : i32 to vector<16xi32>
        %add3A_649 = arith.addi %add3A_648, %iota3A : vector<16xi32>
        %gather3A_650 = tpu.vector_load_idx %arg8[%add3A_649, %add3A_621] : memref<200x64xf32, #tpu.memory_space<vmem>>[vector<16xi32>, vector<16xi32>], vector<16xf32>,
        %mul3A_651 = arith.mulf %gather3A_622, %gather3A_650 : vector<16xf32>
        %add3A_652 = arith.addf %add3A_606, %mul3A_651 : vector<16xf32>
        %add3A_653 = arith.constant 80 : i32
        %add3A_654 = vector.broadcast %add3A_653 : i32 to vector<16xi32>
        %add3A_655 = arith.addi %add3A_654, %iota3A : vector<16xi32>
        %gather3A_656 = tpu.vector_load_idx %arg8[%add3A_655, %add3A_621] : memref<200x64xf32, #tpu.memory_space<vmem>>[vector<16xi32>, vector<16xi32>], vector<16xf32>,
        %mul3A_657 = arith.mulf %gather3A_622, %gather3A_656 : vector<16xf32>
        %add3A_658 = arith.addf %add3A_612, %mul3A_657 : vector<16xf32>
        %add3A_659 = arith.constant 96 : i32
        %add3A_660 = vector.broadcast %add3A_659 : i32 to vector<16xi32>
        %add3A_661 = arith.addi %add3A_660, %iota3A : vector<16xi32>
        %gather3A_662 = tpu.vector_load_idx %arg8[%add3A_661, %add3A_621] : memref<200x64xf32, #tpu.memory_space<vmem>>[vector<16xi32>, vector<16xi32>], vector<16xf32>,
        %mul3A_663 = arith.mulf %gather3A_622, %gather3A_662 : vector<16xf32>
        %add3A_664 = arith.addf %add3A_618, %mul3A_663 : vector<16xf32>
        %add3A_665 = arith.constant 32 : i32
        %add3A_666 = vector.broadcast %add3A_665 : i32 to vector<16xi32>
        %add3A_667 = arith.addi %add3A_666, %and3A_573 : vector<16xi32>
        %gather3A_668 = tpu.vector_load_idx %arg7[%broadcast_in_dim3A, %add3A_667] : memref<128x64xf32, #tpu.memory_space<vmem>>[vector<16xi32>, vector<16xi32>], vector<16xf32>,
        %add3A_669 = arith.constant 0 : i32
        %add3A_670 = vector.broadcast %add3A_669 : i32 to vector<16xi32>
        %add3A_671 = arith.addi %add3A_670, %iota3A : vector<16xi32>
        %gather3A_672 = tpu.vector_load_idx %arg8[%add3A_671, %add3A_667] : memref<200x64xf32, #tpu.memory_space<vmem>>[vector<16xi32>, vector<16xi32>], vector<16xf32>,
        %mul3A_673 = arith.mulf %gather3A_668, %gather3A_672 : vector<16xf32>
        %add3A_674 = arith.addf %add3A_628, %mul3A_673 : vector<16xf32>
        %add3A_675 = arith.constant 16 : i32
        %add3A_676 = vector.broadcast %add3A_675 : i32 to vector<16xi32>
        %add3A_677 = arith.addi %add3A_676, %iota3A : vector<16xi32>
        %gather3A_678 = tpu.vector_load_idx %arg8[%add3A_677, %add3A_667] : memref<200x64xf32, #tpu.memory_space<vmem>>[vector<16xi32>, vector<16xi32>], vector<16xf32>,
        %mul3A_679 = arith.mulf %gather3A_668, %gather3A_678 : vector<16xf32>
        %add3A_680 = arith.addf %add3A_634, %mul3A_679 : vector<16xf32>
        %add3A_681 = arith.constant 32 : i32
        %add3A_682 = vector.broadcast %add3A_681 : i32 to vector<16xi32>
        %add3A_683 = arith.addi %add3A_682, %iota3A : vector<16xi32>
        %gather3A_684 = tpu.vector_load_idx %arg8[%add3A_683, %add3A_667] : memref<200x64xf32, #tpu.memory_space<vmem>>[vector<16xi32>, vector<16xi32>], vector<16xf32>,
        %mul3A_685 = arith.mulf %gather3A_668, %gather3A_684 : vector<16xf32>
        %add3A_686 = arith.addf %add3A_640, %mul3A_685 : vector<16xf32>
        %add3A_687 = arith.constant 48 : i32
        %add3A_688 = vector.broadcast %add3A_687 : i32 to vector<16xi32>
        %add3A_689 = arith.addi %add3A_688, %iota3A : vector<16xi32>
        %gather3A_690 = tpu.vector_load_idx %arg8[%add3A_689, %add3A_667] : memref<200x64xf32, #tpu.memory_space<vmem>>[vector<16xi32>, vector<16xi32>], vector<16xf32>,
        %mul3A_691 = arith.mulf %gather3A_668, %gather3A_690 : vector<16xf32>
        %add3A_692 = arith.addf %add3A_646, %mul3A_691 : vector<16xf32>
        %add3A_693 = arith.constant 64 : i32
        %add3A_694 = vector.broadcast %add3A_693 : i32 to vector<16xi32>
        %add3A_695 = arith.addi %add3A_694, %iota3A : vector<16xi32>
        %gather3A_696 = tpu.vector_load_idx %arg8[%add3A_695, %add3A_667] : memref<200x64xf32, #tpu.memory_space<vmem>>[vector<16xi32>, vector<16xi32>], vector<16xf32>,
        %mul3A_697 = arith.mulf %gather3A_668, %gather3A_696 : vector<16xf32>
        %add3A_698 = arith.addf %add3A_652, %mul3A_697 : vector<16xf32>
        %add3A_699 = arith.constant 80 : i32
        %add3A_700 = vector.broadcast %add3A_699 : i32 to vector<16xi32>
        %add3A_701 = arith.addi %add3A_700, %iota3A : vector<16xi32>
        %gather3A_702 = tpu.vector_load_idx %arg8[%add3A_701, %add3A_667] : memref<200x64xf32, #tpu.memory_space<vmem>>[vector<16xi32>, vector<16xi32>], vector<16xf32>,
        %mul3A_703 = arith.mulf %gather3A_668, %gather3A_702 : vector<16xf32>
        %add3A_704 = arith.addf %add3A_658, %mul3A_703 : vector<16xf32>
        %add3A_705 = arith.constant 96 : i32
        %add3A_706 = vector.broadcast %add3A_705 : i32 to vector<16xi32>
        %add3A_707 = arith.addi %add3A_706, %iota3A : vector<16xi32>
        %gather3A_708 = tpu.vector_load_idx %arg8[%add3A_707, %add3A_667] : memref<200x64xf32, #tpu.memory_space<vmem>>[vector<16xi32>, vector<16xi32>], vector<16xf32>,
        %mul3A_709 = arith.mulf %gather3A_668, %gather3A_708 : vector<16xf32>
        %add3A_710 = arith.addf %add3A_664, %mul3A_709 : vector<16xf32>
        %add3A_711 = arith.constant 48 : i32
        %add3A_712 = vector.broadcast %add3A_711 : i32 to vector<16xi32>
        %add3A_713 = arith.addi %add3A_712, %and3A_573 : vector<16xi32>
        %gather3A_714 = tpu.vector_load_idx %arg7[%broadcast_in_dim3A, %add3A_713] : memref<128x64xf32, #tpu.memory_space<vmem>>[vector<16xi32>, vector<16xi32>], vector<16xf32>,
        %add3A_715 = arith.constant 0 : i32
        %add3A_716 = vector.broadcast %add3A_715 : i32 to vector<16xi32>
        %add3A_717 = arith.addi %add3A_716, %iota3A : vector<16xi32>
        %gather3A_718 = tpu.vector_load_idx %arg8[%add3A_717, %add3A_713] : memref<200x64xf32, #tpu.memory_space<vmem>>[vector<16xi32>, vector<16xi32>], vector<16xf32>,
        %mul3A_719 = arith.mulf %gather3A_714, %gather3A_718 : vector<16xf32>
        %add3A_720 = arith.addf %add3A_674, %mul3A_719 : vector<16xf32>
        %add3A_721 = arith.constant 16 : i32
        %add3A_722 = vector.broadcast %add3A_721 : i32 to vector<16xi32>
        %add3A_723 = arith.addi %add3A_722, %iota3A : vector<16xi32>
        %gather3A_724 = tpu.vector_load_idx %arg8[%add3A_723, %add3A_713] : memref<200x64xf32, #tpu.memory_space<vmem>>[vector<16xi32>, vector<16xi32>], vector<16xf32>,
        %mul3A_725 = arith.mulf %gather3A_714, %gather3A_724 : vector<16xf32>
        %add3A_726 = arith.addf %add3A_680, %mul3A_725 : vector<16xf32>
        %add3A_727 = arith.constant 32 : i32
        %add3A_728 = vector.broadcast %add3A_727 : i32 to vector<16xi32>
        %add3A_729 = arith.addi %add3A_728, %iota3A : vector<16xi32>
        %gather3A_730 = tpu.vector_load_idx %arg8[%add3A_729, %add3A_713] : memref<200x64xf32, #tpu.memory_space<vmem>>[vector<16xi32>, vector<16xi32>], vector<16xf32>,
        %mul3A_731 = arith.mulf %gather3A_714, %gather3A_730 : vector<16xf32>
        %add3A_732 = arith.addf %add3A_686, %mul3A_731 : vector<16xf32>
        %add3A_733 = arith.constant 48 : i32
        %add3A_734 = vector.broadcast %add3A_733 : i32 to vector<16xi32>
        %add3A_735 = arith.addi %add3A_734, %iota3A : vector<16xi32>
        %gather3A_736 = tpu.vector_load_idx %arg8[%add3A_735, %add3A_713] : memref<200x64xf32, #tpu.memory_space<vmem>>[vector<16xi32>, vector<16xi32>], vector<16xf32>,
        %mul3A_737 = arith.mulf %gather3A_714, %gather3A_736 : vector<16xf32>
        %add3A_738 = arith.addf %add3A_692, %mul3A_737 : vector<16xf32>
        %add3A_739 = arith.constant 64 : i32
        %add3A_740 = vector.broadcast %add3A_739 : i32 to vector<16xi32>
        %add3A_741 = arith.addi %add3A_740, %iota3A : vector<16xi32>
        %gather3A_742 = tpu.vector_load_idx %arg8[%add3A_741, %add3A_713] : memref<200x64xf32, #tpu.memory_space<vmem>>[vector<16xi32>, vector<16xi32>], vector<16xf32>,
        %mul3A_743 = arith.mulf %gather3A_714, %gather3A_742 : vector<16xf32>
        %add3A_744 = arith.addf %add3A_698, %mul3A_743 : vector<16xf32>
        %add3A_745 = arith.constant 80 : i32
        %add3A_746 = vector.broadcast %add3A_745 : i32 to vector<16xi32>
        %add3A_747 = arith.addi %add3A_746, %iota3A : vector<16xi32>
        %gather3A_748 = tpu.vector_load_idx %arg8[%add3A_747, %add3A_713] : memref<200x64xf32, #tpu.memory_space<vmem>>[vector<16xi32>, vector<16xi32>], vector<16xf32>,
        %mul3A_749 = arith.mulf %gather3A_714, %gather3A_748 : vector<16xf32>
        %add3A_750 = arith.addf %add3A_704, %mul3A_749 : vector<16xf32>
        %add3A_751 = arith.constant 96 : i32
        %add3A_752 = vector.broadcast %add3A_751 : i32 to vector<16xi32>
        %add3A_753 = arith.addi %add3A_752, %iota3A : vector<16xi32>
        %gather3A_754 = tpu.vector_load_idx %arg8[%add3A_753, %add3A_713] : memref<200x64xf32, #tpu.memory_space<vmem>>[vector<16xi32>, vector<16xi32>], vector<16xf32>,
        %mul3A_755 = arith.mulf %gather3A_714, %gather3A_754 : vector<16xf32>
        %add3A_756 = arith.addf %add3A_710, %mul3A_755 : vector<16xf32>
        scf.yield %add3A_720, %add3A_726, %add3A_732, %add3A_738, %add3A_744, %add3A_750, %add3A_756 : vector<16xf32>, vector<16xf32>, vector<16xf32>, vector<16xf32>, vector<16xf32>, vector<16xf32>, vector<16xf32>
      }
      %scan3A_60 = arith.constant 16 : i32
      %mul3A_61 = arith.constant 200 : i32
      %mul3A_62 = arith.muli %add3A_35, %mul3A_61 : i32
      %add3A_63 = arith.constant 0 : i32
      %add3A_64 = arith.addi %mul3A_62, %add3A_63 : i32
      %swap3A = arith.index_cast %add3A_64 : i32 to index
      %swap3A_65 = tpu.vector_load %arg12[%swap3A] {strides = array<i32>} : memref<25600xf32, #tpu.memory_space<vmem>>, vector<16xf32>,
      tpu.vector_store %arg12[%swap3A], %scan3A_59#0 {strides = array<i32>} : memref<25600xf32, #tpu.memory_space<vmem>>, vector<16xf32>,
      %mul3A_66 = arith.constant 200 : i32
      %mul3A_67 = arith.muli %add3A_35, %mul3A_66 : i32
      %add3A_68 = arith.constant 16 : i32
      %add3A_69 = arith.addi %mul3A_67, %add3A_68 : i32
      %swap3A_70 = arith.index_cast %add3A_69 : i32 to index
      %swap3A_71 = tpu.vector_load %arg12[%swap3A_70] {strides = array<i32>} : memref<25600xf32, #tpu.memory_space<vmem>>, vector<16xf32>,
      tpu.vector_store %arg12[%swap3A_70], %scan3A_59#1 {strides = array<i32>} : memref<25600xf32, #tpu.memory_space<vmem>>, vector<16xf32>,
      %mul3A_72 = arith.constant 200 : i32
      %mul3A_73 = arith.muli %add3A_35, %mul3A_72 : i32
      %add3A_74 = arith.constant 32 : i32
      %add3A_75 = arith.addi %mul3A_73, %add3A_74 : i32
      %swap3A_76 = arith.index_cast %add3A_75 : i32 to index
      %swap3A_77 = tpu.vector_load %arg12[%swap3A_76] {strides = array<i32>} : memref<25600xf32, #tpu.memory_space<vmem>>, vector<16xf32>,
      tpu.vector_store %arg12[%swap3A_76], %scan3A_59#2 {strides = array<i32>} : memref<25600xf32, #tpu.memory_space<vmem>>, vector<16xf32>,
      %mul3A_78 = arith.constant 200 : i32
      %mul3A_79 = arith.muli %add3A_35, %mul3A_78 : i32
      %add3A_80 = arith.constant 48 : i32
      %add3A_81 = arith.addi %mul3A_79, %add3A_80 : i32
      %swap3A_82 = arith.index_cast %add3A_81 : i32 to index
      %swap3A_83 = tpu.vector_load %arg12[%swap3A_82] {strides = array<i32>} : memref<25600xf32, #tpu.memory_space<vmem>>, vector<16xf32>,
      tpu.vector_store %arg12[%swap3A_82], %scan3A_59#3 {strides = array<i32>} : memref<25600xf32, #tpu.memory_space<vmem>>, vector<16xf32>,
      %mul3A_84 = arith.constant 200 : i32
      %mul3A_85 = arith.muli %add3A_35, %mul3A_84 : i32
      %add3A_86 = arith.constant 64 : i32
      %add3A_87 = arith.addi %mul3A_85, %add3A_86 : i32
      %swap3A_88 = arith.index_cast %add3A_87 : i32 to index
      %swap3A_89 = tpu.vector_load %arg12[%swap3A_88] {strides = array<i32>} : memref<25600xf32, #tpu.memory_space<vmem>>, vector<16xf32>,
      tpu.vector_store %arg12[%swap3A_88], %scan3A_59#4 {strides = array<i32>} : memref<25600xf32, #tpu.memory_space<vmem>>, vector<16xf32>,
      %mul3A_90 = arith.constant 200 : i32
      %mul3A_91 = arith.muli %add3A_35, %mul3A_90 : i32
      %add3A_92 = arith.constant 80 : i32
      %add3A_93 = arith.addi %mul3A_91, %add3A_92 : i32
      %swap3A_94 = arith.index_cast %add3A_93 : i32 to index
      %swap3A_95 = tpu.vector_load %arg12[%swap3A_94] {strides = array<i32>} : memref<25600xf32, #tpu.memory_space<vmem>>, vector<16xf32>,
      tpu.vector_store %arg12[%swap3A_94], %scan3A_59#5 {strides = array<i32>} : memref<25600xf32, #tpu.memory_space<vmem>>, vector<16xf32>,
      %mul3A_96 = arith.constant 200 : i32
      %mul3A_97 = arith.muli %add3A_35, %mul3A_96 : i32
      %add3A_98 = arith.constant 96 : i32
      %add3A_99 = arith.addi %mul3A_97, %add3A_98 : i32
      %swap3A_100 = arith.index_cast %add3A_99 : i32 to index
      %swap3A_101 = tpu.vector_load %arg12[%swap3A_100] {strides = array<i32>} : memref<25600xf32, #tpu.memory_space<vmem>>, vector<16xf32>,
      tpu.vector_store %arg12[%swap3A_100], %scan3A_59#6 {strides = array<i32>} : memref<25600xf32, #tpu.memory_space<vmem>>, vector<16xf32>,
      %broadcast_in_dim3A_102 = arith.constant 0.000000e+00 : f32
      %broadcast_in_dim3A_103 = vector.broadcast %broadcast_in_dim3A_102 : f32 to vector<16xf32>
      %broadcast_in_dim3A_104 = arith.constant 0.000000e+00 : f32
      %broadcast_in_dim3A_105 = vector.broadcast %broadcast_in_dim3A_104 : f32 to vector<16xf32>
      %broadcast_in_dim3A_106 = arith.constant 0.000000e+00 : f32
      %broadcast_in_dim3A_107 = vector.broadcast %broadcast_in_dim3A_106 : f32 to vector<16xf32>
      %broadcast_in_dim3A_108 = arith.constant 0.000000e+00 : f32
      %broadcast_in_dim3A_109 = vector.broadcast %broadcast_in_dim3A_108 : f32 to vector<16xf32>
      %broadcast_in_dim3A_110 = arith.constant 0.000000e+00 : f32
      %broadcast_in_dim3A_111 = vector.broadcast %broadcast_in_dim3A_110 : f32 to vector<16xf32>
      %broadcast_in_dim3A_112 = arith.constant 0.000000e+00 : f32
      %broadcast_in_dim3A_113 = vector.broadcast %broadcast_in_dim3A_112 : f32 to vector<16xf32>
      %scan3A_114 = arith.constant 0 : i32
      %scan3A_115 = arith.constant 16 : i32
      %scan3A_116 = arith.addi %scan3A_114, %scan3A_115 : i32
      %scan3A_117 = arith.constant 1 : i32
      %scan3A_118:6 = scf.for %scan3A_562 = %scan3A_114 to %scan3A_116 step %scan3A_117 iter_args(%scan3A_563 = %broadcast_in_dim3A_103, %scan3A_564 = %broadcast_in_dim3A_105, %scan3A_565 = %broadcast_in_dim3A_107, %scan3A_566 = %broadcast_in_dim3A_109, %scan3A_567 = %broadcast_in_dim3A_111, %scan3A_568 = %broadcast_in_dim3A_113) -> (vector<16xf32>, vector<16xf32>, vector<16xf32>, vector<16xf32>, vector<16xf32>, vector<16xf32>)  : i32 {
        %add3A_569 = vector.broadcast %scan3A_562 : i32 to vector<16xi32>
        %add3A_570 = arith.addi %iota3A, %add3A_569 : vector<16xi32>
        %and3A = arith.constant 15 : i32
        %and3A_571 = vector.broadcast %and3A : i32 to vector<16xi32>
        %and3A_572 = arith.andi %add3A_570, %and3A_571 : vector<16xi32>
        %add3A_573 = arith.constant 0 : i32
        %add3A_574 = vector.broadcast %add3A_573 : i32 to vector<16xi32>
        %add3A_575 = arith.addi %add3A_574, %and3A_572 : vector<16xi32>
        %gather3A = tpu.vector_load_idx %arg7[%broadcast_in_dim3A, %add3A_575] : memref<128x64xf32, #tpu.memory_space<vmem>>[vector<16xi32>, vector<16xi32>], vector<16xf32>,
        %add3A_576 = arith.constant 112 : i32
        %add3A_577 = vector.broadcast %add3A_576 : i32 to vector<16xi32>
        %add3A_578 = arith.addi %add3A_577, %iota3A : vector<16xi32>
        %gather3A_579 = tpu.vector_load_idx %arg8[%add3A_578, %add3A_575] : memref<200x64xf32, #tpu.memory_space<vmem>>[vector<16xi32>, vector<16xi32>], vector<16xf32>,
        %mul3A_580 = arith.mulf %gather3A, %gather3A_579 : vector<16xf32>
        %add3A_581 = arith.addf %scan3A_563, %mul3A_580 : vector<16xf32>
        %add3A_582 = arith.constant 128 : i32
        %add3A_583 = vector.broadcast %add3A_582 : i32 to vector<16xi32>
        %add3A_584 = arith.addi %add3A_583, %iota3A : vector<16xi32>
        %gather3A_585 = tpu.vector_load_idx %arg8[%add3A_584, %add3A_575] : memref<200x64xf32, #tpu.memory_space<vmem>>[vector<16xi32>, vector<16xi32>], vector<16xf32>,
        %mul3A_586 = arith.mulf %gather3A, %gather3A_585 : vector<16xf32>
        %add3A_587 = arith.addf %scan3A_564, %mul3A_586 : vector<16xf32>
        %add3A_588 = arith.constant 144 : i32
        %add3A_589 = vector.broadcast %add3A_588 : i32 to vector<16xi32>
        %add3A_590 = arith.addi %add3A_589, %iota3A : vector<16xi32>
        %gather3A_591 = tpu.vector_load_idx %arg8[%add3A_590, %add3A_575] : memref<200x64xf32, #tpu.memory_space<vmem>>[vector<16xi32>, vector<16xi32>], vector<16xf32>,
        %mul3A_592 = arith.mulf %gather3A, %gather3A_591 : vector<16xf32>
        %add3A_593 = arith.addf %scan3A_565, %mul3A_592 : vector<16xf32>
        %add3A_594 = arith.constant 160 : i32
        %add3A_595 = vector.broadcast %add3A_594 : i32 to vector<16xi32>
        %add3A_596 = arith.addi %add3A_595, %iota3A : vector<16xi32>
        %gather3A_597 = tpu.vector_load_idx %arg8[%add3A_596, %add3A_575] : memref<200x64xf32, #tpu.memory_space<vmem>>[vector<16xi32>, vector<16xi32>], vector<16xf32>,
        %mul3A_598 = arith.mulf %gather3A, %gather3A_597 : vector<16xf32>
        %add3A_599 = arith.addf %scan3A_566, %mul3A_598 : vector<16xf32>
        %add3A_600 = arith.constant 176 : i32
        %add3A_601 = vector.broadcast %add3A_600 : i32 to vector<16xi32>
        %add3A_602 = arith.addi %add3A_601, %iota3A : vector<16xi32>
        %gather3A_603 = tpu.vector_load_idx %arg8[%add3A_602, %add3A_575] : memref<200x64xf32, #tpu.memory_space<vmem>>[vector<16xi32>, vector<16xi32>], vector<16xf32>,
        %mul3A_604 = arith.mulf %gather3A, %gather3A_603 : vector<16xf32>
        %add3A_605 = arith.addf %scan3A_567, %mul3A_604 : vector<16xf32>
        %add3A_606 = arith.constant 184 : i32
        %add3A_607 = vector.broadcast %add3A_606 : i32 to vector<16xi32>
        %add3A_608 = arith.addi %add3A_607, %iota3A : vector<16xi32>
        %gather3A_609 = tpu.vector_load_idx %arg8[%add3A_608, %add3A_575] : memref<200x64xf32, #tpu.memory_space<vmem>>[vector<16xi32>, vector<16xi32>], vector<16xf32>,
        %mul3A_610 = arith.mulf %gather3A, %gather3A_609 : vector<16xf32>
        %add3A_611 = arith.addf %scan3A_568, %mul3A_610 : vector<16xf32>
        %add3A_612 = arith.constant 16 : i32
        %add3A_613 = vector.broadcast %add3A_612 : i32 to vector<16xi32>
        %add3A_614 = arith.addi %add3A_613, %and3A_572 : vector<16xi32>
        %gather3A_615 = tpu.vector_load_idx %arg7[%broadcast_in_dim3A, %add3A_614] : memref<128x64xf32, #tpu.memory_space<vmem>>[vector<16xi32>, vector<16xi32>], vector<16xf32>,
        %add3A_616 = arith.constant 112 : i32
        %add3A_617 = vector.broadcast %add3A_616 : i32 to vector<16xi32>
        %add3A_618 = arith.addi %add3A_617, %iota3A : vector<16xi32>
        %gather3A_619 = tpu.vector_load_idx %arg8[%add3A_618, %add3A_614] : memref<200x64xf32, #tpu.memory_space<vmem>>[vector<16xi32>, vector<16xi32>], vector<16xf32>,
        %mul3A_620 = arith.mulf %gather3A_615, %gather3A_619 : vector<16xf32>
        %add3A_621 = arith.addf %add3A_581, %mul3A_620 : vector<16xf32>
        %add3A_622 = arith.constant 128 : i32
        %add3A_623 = vector.broadcast %add3A_622 : i32 to vector<16xi32>
        %add3A_624 = arith.addi %add3A_623, %iota3A : vector<16xi32>
        %gather3A_625 = tpu.vector_load_idx %arg8[%add3A_624, %add3A_614] : memref<200x64xf32, #tpu.memory_space<vmem>>[vector<16xi32>, vector<16xi32>], vector<16xf32>,
        %mul3A_626 = arith.mulf %gather3A_615, %gather3A_625 : vector<16xf32>
        %add3A_627 = arith.addf %add3A_587, %mul3A_626 : vector<16xf32>
        %add3A_628 = arith.constant 144 : i32
        %add3A_629 = vector.broadcast %add3A_628 : i32 to vector<16xi32>
        %add3A_630 = arith.addi %add3A_629, %iota3A : vector<16xi32>
        %gather3A_631 = tpu.vector_load_idx %arg8[%add3A_630, %add3A_614] : memref<200x64xf32, #tpu.memory_space<vmem>>[vector<16xi32>, vector<16xi32>], vector<16xf32>,
        %mul3A_632 = arith.mulf %gather3A_615, %gather3A_631 : vector<16xf32>
        %add3A_633 = arith.addf %add3A_593, %mul3A_632 : vector<16xf32>
        %add3A_634 = arith.constant 160 : i32
        %add3A_635 = vector.broadcast %add3A_634 : i32 to vector<16xi32>
        %add3A_636 = arith.addi %add3A_635, %iota3A : vector<16xi32>
        %gather3A_637 = tpu.vector_load_idx %arg8[%add3A_636, %add3A_614] : memref<200x64xf32, #tpu.memory_space<vmem>>[vector<16xi32>, vector<16xi32>], vector<16xf32>,
        %mul3A_638 = arith.mulf %gather3A_615, %gather3A_637 : vector<16xf32>
        %add3A_639 = arith.addf %add3A_599, %mul3A_638 : vector<16xf32>
        %add3A_640 = arith.constant 176 : i32
        %add3A_641 = vector.broadcast %add3A_640 : i32 to vector<16xi32>
        %add3A_642 = arith.addi %add3A_641, %iota3A : vector<16xi32>
        %gather3A_643 = tpu.vector_load_idx %arg8[%add3A_642, %add3A_614] : memref<200x64xf32, #tpu.memory_space<vmem>>[vector<16xi32>, vector<16xi32>], vector<16xf32>,
        %mul3A_644 = arith.mulf %gather3A_615, %gather3A_643 : vector<16xf32>
        %add3A_645 = arith.addf %add3A_605, %mul3A_644 : vector<16xf32>
        %add3A_646 = arith.constant 184 : i32
        %add3A_647 = vector.broadcast %add3A_646 : i32 to vector<16xi32>
        %add3A_648 = arith.addi %add3A_647, %iota3A : vector<16xi32>
        %gather3A_649 = tpu.vector_load_idx %arg8[%add3A_648, %add3A_614] : memref<200x64xf32, #tpu.memory_space<vmem>>[vector<16xi32>, vector<16xi32>], vector<16xf32>,
        %mul3A_650 = arith.mulf %gather3A_615, %gather3A_649 : vector<16xf32>
        %add3A_651 = arith.addf %add3A_611, %mul3A_650 : vector<16xf32>
        %add3A_652 = arith.constant 32 : i32
        %add3A_653 = vector.broadcast %add3A_652 : i32 to vector<16xi32>
        %add3A_654 = arith.addi %add3A_653, %and3A_572 : vector<16xi32>
        %gather3A_655 = tpu.vector_load_idx %arg7[%broadcast_in_dim3A, %add3A_654] : memref<128x64xf32, #tpu.memory_space<vmem>>[vector<16xi32>, vector<16xi32>], vector<16xf32>,
        %add3A_656 = arith.constant 112 : i32
        %add3A_657 = vector.broadcast %add3A_656 : i32 to vector<16xi32>
        %add3A_658 = arith.addi %add3A_657, %iota3A : vector<16xi32>
        %gather3A_659 = tpu.vector_load_idx %arg8[%add3A_658, %add3A_654] : memref<200x64xf32, #tpu.memory_space<vmem>>[vector<16xi32>, vector<16xi32>], vector<16xf32>,
        %mul3A_660 = arith.mulf %gather3A_655, %gather3A_659 : vector<16xf32>
        %add3A_661 = arith.addf %add3A_621, %mul3A_660 : vector<16xf32>
        %add3A_662 = arith.constant 128 : i32
        %add3A_663 = vector.broadcast %add3A_662 : i32 to vector<16xi32>
        %add3A_664 = arith.addi %add3A_663, %iota3A : vector<16xi32>
        %gather3A_665 = tpu.vector_load_idx %arg8[%add3A_664, %add3A_654] : memref<200x64xf32, #tpu.memory_space<vmem>>[vector<16xi32>, vector<16xi32>], vector<16xf32>,
        %mul3A_666 = arith.mulf %gather3A_655, %gather3A_665 : vector<16xf32>
        %add3A_667 = arith.addf %add3A_627, %mul3A_666 : vector<16xf32>
        %add3A_668 = arith.constant 144 : i32
        %add3A_669 = vector.broadcast %add3A_668 : i32 to vector<16xi32>
        %add3A_670 = arith.addi %add3A_669, %iota3A : vector<16xi32>
        %gather3A_671 = tpu.vector_load_idx %arg8[%add3A_670, %add3A_654] : memref<200x64xf32, #tpu.memory_space<vmem>>[vector<16xi32>, vector<16xi32>], vector<16xf32>,
        %mul3A_672 = arith.mulf %gather3A_655, %gather3A_671 : vector<16xf32>
        %add3A_673 = arith.addf %add3A_633, %mul3A_672 : vector<16xf32>
        %add3A_674 = arith.constant 160 : i32
        %add3A_675 = vector.broadcast %add3A_674 : i32 to vector<16xi32>
        %add3A_676 = arith.addi %add3A_675, %iota3A : vector<16xi32>
        %gather3A_677 = tpu.vector_load_idx %arg8[%add3A_676, %add3A_654] : memref<200x64xf32, #tpu.memory_space<vmem>>[vector<16xi32>, vector<16xi32>], vector<16xf32>,
        %mul3A_678 = arith.mulf %gather3A_655, %gather3A_677 : vector<16xf32>
        %add3A_679 = arith.addf %add3A_639, %mul3A_678 : vector<16xf32>
        %add3A_680 = arith.constant 176 : i32
        %add3A_681 = vector.broadcast %add3A_680 : i32 to vector<16xi32>
        %add3A_682 = arith.addi %add3A_681, %iota3A : vector<16xi32>
        %gather3A_683 = tpu.vector_load_idx %arg8[%add3A_682, %add3A_654] : memref<200x64xf32, #tpu.memory_space<vmem>>[vector<16xi32>, vector<16xi32>], vector<16xf32>,
        %mul3A_684 = arith.mulf %gather3A_655, %gather3A_683 : vector<16xf32>
        %add3A_685 = arith.addf %add3A_645, %mul3A_684 : vector<16xf32>
        %add3A_686 = arith.constant 184 : i32
        %add3A_687 = vector.broadcast %add3A_686 : i32 to vector<16xi32>
        %add3A_688 = arith.addi %add3A_687, %iota3A : vector<16xi32>
        %gather3A_689 = tpu.vector_load_idx %arg8[%add3A_688, %add3A_654] : memref<200x64xf32, #tpu.memory_space<vmem>>[vector<16xi32>, vector<16xi32>], vector<16xf32>,
        %mul3A_690 = arith.mulf %gather3A_655, %gather3A_689 : vector<16xf32>
        %add3A_691 = arith.addf %add3A_651, %mul3A_690 : vector<16xf32>
        %add3A_692 = arith.constant 48 : i32
        %add3A_693 = vector.broadcast %add3A_692 : i32 to vector<16xi32>
        %add3A_694 = arith.addi %add3A_693, %and3A_572 : vector<16xi32>
        %gather3A_695 = tpu.vector_load_idx %arg7[%broadcast_in_dim3A, %add3A_694] : memref<128x64xf32, #tpu.memory_space<vmem>>[vector<16xi32>, vector<16xi32>], vector<16xf32>,
        %add3A_696 = arith.constant 112 : i32
        %add3A_697 = vector.broadcast %add3A_696 : i32 to vector<16xi32>
        %add3A_698 = arith.addi %add3A_697, %iota3A : vector<16xi32>
        %gather3A_699 = tpu.vector_load_idx %arg8[%add3A_698, %add3A_694] : memref<200x64xf32, #tpu.memory_space<vmem>>[vector<16xi32>, vector<16xi32>], vector<16xf32>,
        %mul3A_700 = arith.mulf %gather3A_695, %gather3A_699 : vector<16xf32>
        %add3A_701 = arith.addf %add3A_661, %mul3A_700 : vector<16xf32>
        %add3A_702 = arith.constant 128 : i32
        %add3A_703 = vector.broadcast %add3A_702 : i32 to vector<16xi32>
        %add3A_704 = arith.addi %add3A_703, %iota3A : vector<16xi32>
        %gather3A_705 = tpu.vector_load_idx %arg8[%add3A_704, %add3A_694] : memref<200x64xf32, #tpu.memory_space<vmem>>[vector<16xi32>, vector<16xi32>], vector<16xf32>,
        %mul3A_706 = arith.mulf %gather3A_695, %gather3A_705 : vector<16xf32>
        %add3A_707 = arith.addf %add3A_667, %mul3A_706 : vector<16xf32>
        %add3A_708 = arith.constant 144 : i32
        %add3A_709 = vector.broadcast %add3A_708 : i32 to vector<16xi32>
        %add3A_710 = arith.addi %add3A_709, %iota3A : vector<16xi32>
        %gather3A_711 = tpu.vector_load_idx %arg8[%add3A_710, %add3A_694] : memref<200x64xf32, #tpu.memory_space<vmem>>[vector<16xi32>, vector<16xi32>], vector<16xf32>,
        %mul3A_712 = arith.mulf %gather3A_695, %gather3A_711 : vector<16xf32>
        %add3A_713 = arith.addf %add3A_673, %mul3A_712 : vector<16xf32>
        %add3A_714 = arith.constant 160 : i32
        %add3A_715 = vector.broadcast %add3A_714 : i32 to vector<16xi32>
        %add3A_716 = arith.addi %add3A_715, %iota3A : vector<16xi32>
        %gather3A_717 = tpu.vector_load_idx %arg8[%add3A_716, %add3A_694] : memref<200x64xf32, #tpu.memory_space<vmem>>[vector<16xi32>, vector<16xi32>], vector<16xf32>,
        %mul3A_718 = arith.mulf %gather3A_695, %gather3A_717 : vector<16xf32>
        %add3A_719 = arith.addf %add3A_679, %mul3A_718 : vector<16xf32>
        %add3A_720 = arith.constant 176 : i32
        %add3A_721 = vector.broadcast %add3A_720 : i32 to vector<16xi32>
        %add3A_722 = arith.addi %add3A_721, %iota3A : vector<16xi32>
        %gather3A_723 = tpu.vector_load_idx %arg8[%add3A_722, %add3A_694] : memref<200x64xf32, #tpu.memory_space<vmem>>[vector<16xi32>, vector<16xi32>], vector<16xf32>,
        %mul3A_724 = arith.mulf %gather3A_695, %gather3A_723 : vector<16xf32>
        %add3A_725 = arith.addf %add3A_685, %mul3A_724 : vector<16xf32>
        %add3A_726 = arith.constant 184 : i32
        %add3A_727 = vector.broadcast %add3A_726 : i32 to vector<16xi32>
        %add3A_728 = arith.addi %add3A_727, %iota3A : vector<16xi32>
        %gather3A_729 = tpu.vector_load_idx %arg8[%add3A_728, %add3A_694] : memref<200x64xf32, #tpu.memory_space<vmem>>[vector<16xi32>, vector<16xi32>], vector<16xf32>,
        %mul3A_730 = arith.mulf %gather3A_695, %gather3A_729 : vector<16xf32>
        %add3A_731 = arith.addf %add3A_691, %mul3A_730 : vector<16xf32>
        scf.yield %add3A_701, %add3A_707, %add3A_713, %add3A_719, %add3A_725, %add3A_731 : vector<16xf32>, vector<16xf32>, vector<16xf32>, vector<16xf32>, vector<16xf32>, vector<16xf32>
      }
      %scan3A_119 = arith.constant 16 : i32
      %mul3A_120 = arith.constant 200 : i32
      %mul3A_121 = arith.muli %add3A_35, %mul3A_120 : i32
      %add3A_122 = arith.constant 112 : i32
      %add3A_123 = arith.addi %mul3A_121, %add3A_122 : i32
      %swap3A_124 = arith.index_cast %add3A_123 : i32 to index
      %swap3A_125 = tpu.vector_load %arg12[%swap3A_124] {strides = array<i32>} : memref<25600xf32, #tpu.memory_space<vmem>>, vector<16xf32>,
      tpu.vector_store %arg12[%swap3A_124], %scan3A_118#0 {strides = array<i32>} : memref<25600xf32, #tpu.memory_space<vmem>>, vector<16xf32>,
      %mul3A_126 = arith.constant 200 : i32
      %mul3A_127 = arith.muli %add3A_35, %mul3A_126 : i32
      %add3A_128 = arith.constant 128 : i32
      %add3A_129 = arith.addi %mul3A_127, %add3A_128 : i32
      %swap3A_130 = arith.index_cast %add3A_129 : i32 to index
      %swap3A_131 = tpu.vector_load %arg12[%swap3A_130] {strides = array<i32>} : memref<25600xf32, #tpu.memory_space<vmem>>, vector<16xf32>,
      tpu.vector_store %arg12[%swap3A_130], %scan3A_118#1 {strides = array<i32>} : memref<25600xf32, #tpu.memory_space<vmem>>, vector<16xf32>,
      %mul3A_132 = arith.constant 200 : i32
      %mul3A_133 = arith.muli %add3A_35, %mul3A_132 : i32
      %add3A_134 = arith.constant 144 : i32
      %add3A_135 = arith.addi %mul3A_133, %add3A_134 : i32
      %swap3A_136 = arith.index_cast %add3A_135 : i32 to index
      %swap3A_137 = tpu.vector_load %arg12[%swap3A_136] {strides = array<i32>} : memref<25600xf32, #tpu.memory_space<vmem>>, vector<16xf32>,
      tpu.vector_store %arg12[%swap3A_136], %scan3A_118#2 {strides = array<i32>} : memref<25600xf32, #tpu.memory_space<vmem>>, vector<16xf32>,
      %mul3A_138 = arith.constant 200 : i32
      %mul3A_139 = arith.muli %add3A_35, %mul3A_138 : i32
      %add3A_140 = arith.constant 160 : i32
      %add3A_141 = arith.addi %mul3A_139, %add3A_140 : i32
      %swap3A_142 = arith.index_cast %add3A_141 : i32 to index
      %swap3A_143 = tpu.vector_load %arg12[%swap3A_142] {strides = array<i32>} : memref<25600xf32, #tpu.memory_space<vmem>>, vector<16xf32>,
      tpu.vector_store %arg12[%swap3A_142], %scan3A_118#3 {strides = array<i32>} : memref<25600xf32, #tpu.memory_space<vmem>>, vector<16xf32>,
      %mul3A_144 = arith.constant 200 : i32
      %mul3A_145 = arith.muli %add3A_35, %mul3A_144 : i32
      %add3A_146 = arith.constant 176 : i32
      %add3A_147 = arith.addi %mul3A_145, %add3A_146 : i32
      %swap3A_148 = arith.index_cast %add3A_147 : i32 to index
      %swap3A_149 = tpu.vector_load %arg12[%swap3A_148] {strides = array<i32>} : memref<25600xf32, #tpu.memory_space<vmem>>, vector<16xf32>,
      tpu.vector_store %arg12[%swap3A_148], %scan3A_118#4 {strides = array<i32>} : memref<25600xf32, #tpu.memory_space<vmem>>, vector<16xf32>,
      %mul3A_150 = arith.constant 200 : i32
      %mul3A_151 = arith.muli %add3A_35, %mul3A_150 : i32
      %add3A_152 = arith.constant 184 : i32
      %add3A_153 = arith.addi %mul3A_151, %add3A_152 : i32
      %swap3A_154 = arith.index_cast %add3A_153 : i32 to index
      %swap3A_155 = tpu.vector_load %arg12[%swap3A_154] {strides = array<i32>} : memref<25600xf32, #tpu.memory_space<vmem>>, vector<16xf32>,
      tpu.vector_store %arg12[%swap3A_154], %scan3A_118#5 {strides = array<i32>} : memref<25600xf32, #tpu.memory_space<vmem>>, vector<16xf32>,
      %add3A_156 = arith.constant 4 : i32
      %add3A_157 = arith.addi %add3A_35, %add3A_156 : i32
      %lt3A = arith.constant 128 : i32
      %lt3A_158 = arith.cmpi slt, %add3A_157, %lt3A : i32
      %convert_element_type3A = arith.extui %lt3A_158 : i1 to i32
      %cond3A = arith.constant 0 : i32
      %cond3A_159 = arith.cmpi ne, %convert_element_type3A, %cond3A : i32
      scf.if %cond3A_159 {
        %add3A_562 = arith.constant 4 : i32
        %add3A_563 = arith.addi %add3A_35, %add3A_562 : i32
        %mul3A_564 = arith.constant 200 : i32
        %mul3A_565 = arith.muli %add3A_563, %mul3A_564 : i32
        %dma_start3A_566 = tpu.memref_slice %arg6[%mul3A_565] : memref<25600xi32, #tpu.memory_space<vmem>> -> memref<200xi32, #tpu.memory_space<vmem>>
        %dma_start3A_567 = arith.constant 0 : i32
        %dma_start3A_568 = arith.constant 0 : i32
        %dma_start3A_569 = tpu.memref_slice %arg4[%dma_start3A_567, %dma_start3A_568] : memref<2000000x64xf32, #tpu.memory_space<hbm>> -> memref<2000000x64xf32, #tpu.memory_space<hbm>>
        tpu.enqueue_indirect_dma source(%dma_start3A_569 : memref<2000000x64xf32, #tpu.memory_space<hbm>>) target(%arg8 : memref<200x64xf32, #tpu.memory_space<vmem>>) offsets(%dma_start3A_566 : memref<200xi32, #tpu.memory_space<vmem>>) semaphore(%arg13 : memref<!tpu.dma_semaphore, #tpu.memory_space<semaphore_mem>>)
      } else {
      }
      %mul3A_160 = arith.constant 4 : i32
      %mul3A_161 = arith.muli %mul3A_160, %scan3A_31 : i32
      %add3A_162 = arith.constant 1 : i32
      %add3A_163 = arith.addi %mul3A_161, %add3A_162 : i32
      %dma_wait3A_164 = arith.constant 0 : i32
      %dma_wait3A_165 = arith.constant 0 : i32
      %dma_wait3A_166 = tpu.memref_slice %arg4[%dma_wait3A_164, %dma_wait3A_165] : memref<2000000x64xf32, #tpu.memory_space<hbm>> -> memref<200x64xf32, #tpu.memory_space<hbm>>
      %dma_wait3A_167 = arith.constant 0 : i32
      %dma_wait3A_168 = arith.constant 0 : i32
      %dma_wait3A_169 = tpu.memref_slice %arg4[%dma_wait3A_167, %dma_wait3A_168] : memref<2000000x64xf32, #tpu.memory_space<hbm>> -> memref<200x64xf32, #tpu.memory_space<hbm>>
      tpu.wait_dma2 semaphore(%arg14 : memref<!tpu.dma_semaphore, #tpu.memory_space<semaphore_mem>>) src(%dma_wait3A_169 : memref<200x64xf32, #tpu.memory_space<hbm>>) dst(%arg9 : memref<200x64xf32, #tpu.memory_space<vmem>>)
      %broadcast_in_dim3A_170 = vector.broadcast %add3A_163 : i32 to vector<16xi32>
      %broadcast_in_dim3A_171 = arith.constant 0.000000e+00 : f32
      %broadcast_in_dim3A_172 = vector.broadcast %broadcast_in_dim3A_171 : f32 to vector<16xf32>
      %broadcast_in_dim3A_173 = arith.constant 0.000000e+00 : f32
      %broadcast_in_dim3A_174 = vector.broadcast %broadcast_in_dim3A_173 : f32 to vector<16xf32>
      %broadcast_in_dim3A_175 = arith.constant 0.000000e+00 : f32
      %broadcast_in_dim3A_176 = vector.broadcast %broadcast_in_dim3A_175 : f32 to vector<16xf32>
      %broadcast_in_dim3A_177 = arith.constant 0.000000e+00 : f32
      %broadcast_in_dim3A_178 = vector.broadcast %broadcast_in_dim3A_177 : f32 to vector<16xf32>
      %broadcast_in_dim3A_179 = arith.constant 0.000000e+00 : f32
      %broadcast_in_dim3A_180 = vector.broadcast %broadcast_in_dim3A_179 : f32 to vector<16xf32>
      %broadcast_in_dim3A_181 = arith.constant 0.000000e+00 : f32
      %broadcast_in_dim3A_182 = vector.broadcast %broadcast_in_dim3A_181 : f32 to vector<16xf32>
      %broadcast_in_dim3A_183 = arith.constant 0.000000e+00 : f32
      %broadcast_in_dim3A_184 = vector.broadcast %broadcast_in_dim3A_183 : f32 to vector<16xf32>
      %scan3A_185 = arith.constant 0 : i32
      %scan3A_186 = arith.constant 16 : i32
      %scan3A_187 = arith.addi %scan3A_185, %scan3A_186 : i32
      %scan3A_188 = arith.constant 1 : i32
      %scan3A_189:7 = scf.for %scan3A_562 = %scan3A_185 to %scan3A_187 step %scan3A_188 iter_args(%scan3A_563 = %broadcast_in_dim3A_172, %scan3A_564 = %broadcast_in_dim3A_174, %scan3A_565 = %broadcast_in_dim3A_176, %scan3A_566 = %broadcast_in_dim3A_178, %scan3A_567 = %broadcast_in_dim3A_180, %scan3A_568 = %broadcast_in_dim3A_182, %scan3A_569 = %broadcast_in_dim3A_184) -> (vector<16xf32>, vector<16xf32>, vector<16xf32>, vector<16xf32>, vector<16xf32>, vector<16xf32>, vector<16xf32>)  : i32 {
        %add3A_570 = vector.broadcast %scan3A_562 : i32 to vector<16xi32>
        %add3A_571 = arith.addi %iota3A, %add3A_570 : vector<16xi32>
        %and3A = arith.constant 15 : i32
        %and3A_572 = vector.broadcast %and3A : i32 to vector<16xi32>
        %and3A_573 = arith.andi %add3A_571, %and3A_572 : vector<16xi32>
        %add3A_574 = arith.constant 0 : i32
        %add3A_575 = vector.broadcast %add3A_574 : i32 to vector<16xi32>
        %add3A_576 = arith.addi %add3A_575, %and3A_573 : vector<16xi32>
        %gather3A = tpu.vector_load_idx %arg7[%broadcast_in_dim3A_170, %add3A_576] : memref<128x64xf32, #tpu.memory_space<vmem>>[vector<16xi32>, vector<16xi32>], vector<16xf32>,
        %add3A_577 = arith.constant 0 : i32
        %add3A_578 = vector.broadcast %add3A_577 : i32 to vector<16xi32>
        %add3A_579 = arith.addi %add3A_578, %iota3A : vector<16xi32>
        %gather3A_580 = tpu.vector_load_idx %arg9[%add3A_579, %add3A_576] : memref<200x64xf32, #tpu.memory_space<vmem>>[vector<16xi32>, vector<16xi32>], vector<16xf32>,
        %mul3A_581 = arith.mulf %gather3A, %gather3A_580 : vector<16xf32>
        %add3A_582 = arith.addf %scan3A_563, %mul3A_581 : vector<16xf32>
        %add3A_583 = arith.constant 16 : i32
        %add3A_584 = vector.broadcast %add3A_583 : i32 to vector<16xi32>
        %add3A_585 = arith.addi %add3A_584, %iota3A : vector<16xi32>
        %gather3A_586 = tpu.vector_load_idx %arg9[%add3A_585, %add3A_576] : memref<200x64xf32, #tpu.memory_space<vmem>>[vector<16xi32>, vector<16xi32>], vector<16xf32>,
        %mul3A_587 = arith.mulf %gather3A, %gather3A_586 : vector<16xf32>
        %add3A_588 = arith.addf %scan3A_564, %mul3A_587 : vector<16xf32>
        %add3A_589 = arith.constant 32 : i32
        %add3A_590 = vector.broadcast %add3A_589 : i32 to vector<16xi32>
        %add3A_591 = arith.addi %add3A_590, %iota3A : vector<16xi32>
        %gather3A_592 = tpu.vector_load_idx %arg9[%add3A_591, %add3A_576] : memref<200x64xf32, #tpu.memory_space<vmem>>[vector<16xi32>, vector<16xi32>], vector<16xf32>,
        %mul3A_593 = arith.mulf %gather3A, %gather3A_592 : vector<16xf32>
        %add3A_594 = arith.addf %scan3A_565, %mul3A_593 : vector<16xf32>
        %add3A_595 = arith.constant 48 : i32
        %add3A_596 = vector.broadcast %add3A_595 : i32 to vector<16xi32>
        %add3A_597 = arith.addi %add3A_596, %iota3A : vector<16xi32>
        %gather3A_598 = tpu.vector_load_idx %arg9[%add3A_597, %add3A_576] : memref<200x64xf32, #tpu.memory_space<vmem>>[vector<16xi32>, vector<16xi32>], vector<16xf32>,
        %mul3A_599 = arith.mulf %gather3A, %gather3A_598 : vector<16xf32>
        %add3A_600 = arith.addf %scan3A_566, %mul3A_599 : vector<16xf32>
        %add3A_601 = arith.constant 64 : i32
        %add3A_602 = vector.broadcast %add3A_601 : i32 to vector<16xi32>
        %add3A_603 = arith.addi %add3A_602, %iota3A : vector<16xi32>
        %gather3A_604 = tpu.vector_load_idx %arg9[%add3A_603, %add3A_576] : memref<200x64xf32, #tpu.memory_space<vmem>>[vector<16xi32>, vector<16xi32>], vector<16xf32>,
        %mul3A_605 = arith.mulf %gather3A, %gather3A_604 : vector<16xf32>
        %add3A_606 = arith.addf %scan3A_567, %mul3A_605 : vector<16xf32>
        %add3A_607 = arith.constant 80 : i32
        %add3A_608 = vector.broadcast %add3A_607 : i32 to vector<16xi32>
        %add3A_609 = arith.addi %add3A_608, %iota3A : vector<16xi32>
        %gather3A_610 = tpu.vector_load_idx %arg9[%add3A_609, %add3A_576] : memref<200x64xf32, #tpu.memory_space<vmem>>[vector<16xi32>, vector<16xi32>], vector<16xf32>,
        %mul3A_611 = arith.mulf %gather3A, %gather3A_610 : vector<16xf32>
        %add3A_612 = arith.addf %scan3A_568, %mul3A_611 : vector<16xf32>
        %add3A_613 = arith.constant 96 : i32
        %add3A_614 = vector.broadcast %add3A_613 : i32 to vector<16xi32>
        %add3A_615 = arith.addi %add3A_614, %iota3A : vector<16xi32>
        %gather3A_616 = tpu.vector_load_idx %arg9[%add3A_615, %add3A_576] : memref<200x64xf32, #tpu.memory_space<vmem>>[vector<16xi32>, vector<16xi32>], vector<16xf32>,
        %mul3A_617 = arith.mulf %gather3A, %gather3A_616 : vector<16xf32>
        %add3A_618 = arith.addf %scan3A_569, %mul3A_617 : vector<16xf32>
        %add3A_619 = arith.constant 16 : i32
        %add3A_620 = vector.broadcast %add3A_619 : i32 to vector<16xi32>
        %add3A_621 = arith.addi %add3A_620, %and3A_573 : vector<16xi32>
        %gather3A_622 = tpu.vector_load_idx %arg7[%broadcast_in_dim3A_170, %add3A_621] : memref<128x64xf32, #tpu.memory_space<vmem>>[vector<16xi32>, vector<16xi32>], vector<16xf32>,
        %add3A_623 = arith.constant 0 : i32
        %add3A_624 = vector.broadcast %add3A_623 : i32 to vector<16xi32>
        %add3A_625 = arith.addi %add3A_624, %iota3A : vector<16xi32>
        %gather3A_626 = tpu.vector_load_idx %arg9[%add3A_625, %add3A_621] : memref<200x64xf32, #tpu.memory_space<vmem>>[vector<16xi32>, vector<16xi32>], vector<16xf32>,
        %mul3A_627 = arith.mulf %gather3A_622, %gather3A_626 : vector<16xf32>
        %add3A_628 = arith.addf %add3A_582, %mul3A_627 : vector<16xf32>
        %add3A_629 = arith.constant 16 : i32
        %add3A_630 = vector.broadcast %add3A_629 : i32 to vector<16xi32>
        %add3A_631 = arith.addi %add3A_630, %iota3A : vector<16xi32>
        %gather3A_632 = tpu.vector_load_idx %arg9[%add3A_631, %add3A_621] : memref<200x64xf32, #tpu.memory_space<vmem>>[vector<16xi32>, vector<16xi32>], vector<16xf32>,
        %mul3A_633 = arith.mulf %gather3A_622, %gather3A_632 : vector<16xf32>
        %add3A_634 = arith.addf %add3A_588, %mul3A_633 : vector<16xf32>
        %add3A_635 = arith.constant 32 : i32
        %add3A_636 = vector.broadcast %add3A_635 : i32 to vector<16xi32>
        %add3A_637 = arith.addi %add3A_636, %iota3A : vector<16xi32>
        %gather3A_638 = tpu.vector_load_idx %arg9[%add3A_637, %add3A_621] : memref<200x64xf32, #tpu.memory_space<vmem>>[vector<16xi32>, vector<16xi32>], vector<16xf32>,
        %mul3A_639 = arith.mulf %gather3A_622, %gather3A_638 : vector<16xf32>
        %add3A_640 = arith.addf %add3A_594, %mul3A_639 : vector<16xf32>
        %add3A_641 = arith.constant 48 : i32
        %add3A_642 = vector.broadcast %add3A_641 : i32 to vector<16xi32>
        %add3A_643 = arith.addi %add3A_642, %iota3A : vector<16xi32>
        %gather3A_644 = tpu.vector_load_idx %arg9[%add3A_643, %add3A_621] : memref<200x64xf32, #tpu.memory_space<vmem>>[vector<16xi32>, vector<16xi32>], vector<16xf32>,
        %mul3A_645 = arith.mulf %gather3A_622, %gather3A_644 : vector<16xf32>
        %add3A_646 = arith.addf %add3A_600, %mul3A_645 : vector<16xf32>
        %add3A_647 = arith.constant 64 : i32
        %add3A_648 = vector.broadcast %add3A_647 : i32 to vector<16xi32>
        %add3A_649 = arith.addi %add3A_648, %iota3A : vector<16xi32>
        %gather3A_650 = tpu.vector_load_idx %arg9[%add3A_649, %add3A_621] : memref<200x64xf32, #tpu.memory_space<vmem>>[vector<16xi32>, vector<16xi32>], vector<16xf32>,
        %mul3A_651 = arith.mulf %gather3A_622, %gather3A_650 : vector<16xf32>
        %add3A_652 = arith.addf %add3A_606, %mul3A_651 : vector<16xf32>
        %add3A_653 = arith.constant 80 : i32
        %add3A_654 = vector.broadcast %add3A_653 : i32 to vector<16xi32>
        %add3A_655 = arith.addi %add3A_654, %iota3A : vector<16xi32>
        %gather3A_656 = tpu.vector_load_idx %arg9[%add3A_655, %add3A_621] : memref<200x64xf32, #tpu.memory_space<vmem>>[vector<16xi32>, vector<16xi32>], vector<16xf32>,
        %mul3A_657 = arith.mulf %gather3A_622, %gather3A_656 : vector<16xf32>
        %add3A_658 = arith.addf %add3A_612, %mul3A_657 : vector<16xf32>
        %add3A_659 = arith.constant 96 : i32
        %add3A_660 = vector.broadcast %add3A_659 : i32 to vector<16xi32>
        %add3A_661 = arith.addi %add3A_660, %iota3A : vector<16xi32>
        %gather3A_662 = tpu.vector_load_idx %arg9[%add3A_661, %add3A_621] : memref<200x64xf32, #tpu.memory_space<vmem>>[vector<16xi32>, vector<16xi32>], vector<16xf32>,
        %mul3A_663 = arith.mulf %gather3A_622, %gather3A_662 : vector<16xf32>
        %add3A_664 = arith.addf %add3A_618, %mul3A_663 : vector<16xf32>
        %add3A_665 = arith.constant 32 : i32
        %add3A_666 = vector.broadcast %add3A_665 : i32 to vector<16xi32>
        %add3A_667 = arith.addi %add3A_666, %and3A_573 : vector<16xi32>
        %gather3A_668 = tpu.vector_load_idx %arg7[%broadcast_in_dim3A_170, %add3A_667] : memref<128x64xf32, #tpu.memory_space<vmem>>[vector<16xi32>, vector<16xi32>], vector<16xf32>,
        %add3A_669 = arith.constant 0 : i32
        %add3A_670 = vector.broadcast %add3A_669 : i32 to vector<16xi32>
        %add3A_671 = arith.addi %add3A_670, %iota3A : vector<16xi32>
        %gather3A_672 = tpu.vector_load_idx %arg9[%add3A_671, %add3A_667] : memref<200x64xf32, #tpu.memory_space<vmem>>[vector<16xi32>, vector<16xi32>], vector<16xf32>,
        %mul3A_673 = arith.mulf %gather3A_668, %gather3A_672 : vector<16xf32>
        %add3A_674 = arith.addf %add3A_628, %mul3A_673 : vector<16xf32>
        %add3A_675 = arith.constant 16 : i32
        %add3A_676 = vector.broadcast %add3A_675 : i32 to vector<16xi32>
        %add3A_677 = arith.addi %add3A_676, %iota3A : vector<16xi32>
        %gather3A_678 = tpu.vector_load_idx %arg9[%add3A_677, %add3A_667] : memref<200x64xf32, #tpu.memory_space<vmem>>[vector<16xi32>, vector<16xi32>], vector<16xf32>,
        %mul3A_679 = arith.mulf %gather3A_668, %gather3A_678 : vector<16xf32>
        %add3A_680 = arith.addf %add3A_634, %mul3A_679 : vector<16xf32>
        %add3A_681 = arith.constant 32 : i32
        %add3A_682 = vector.broadcast %add3A_681 : i32 to vector<16xi32>
        %add3A_683 = arith.addi %add3A_682, %iota3A : vector<16xi32>
        %gather3A_684 = tpu.vector_load_idx %arg9[%add3A_683, %add3A_667] : memref<200x64xf32, #tpu.memory_space<vmem>>[vector<16xi32>, vector<16xi32>], vector<16xf32>,
        %mul3A_685 = arith.mulf %gather3A_668, %gather3A_684 : vector<16xf32>
        %add3A_686 = arith.addf %add3A_640, %mul3A_685 : vector<16xf32>
        %add3A_687 = arith.constant 48 : i32
        %add3A_688 = vector.broadcast %add3A_687 : i32 to vector<16xi32>
        %add3A_689 = arith.addi %add3A_688, %iota3A : vector<16xi32>
        %gather3A_690 = tpu.vector_load_idx %arg9[%add3A_689, %add3A_667] : memref<200x64xf32, #tpu.memory_space<vmem>>[vector<16xi32>, vector<16xi32>], vector<16xf32>,
        %mul3A_691 = arith.mulf %gather3A_668, %gather3A_690 : vector<16xf32>
        %add3A_692 = arith.addf %add3A_646, %mul3A_691 : vector<16xf32>
        %add3A_693 = arith.constant 64 : i32
        %add3A_694 = vector.broadcast %add3A_693 : i32 to vector<16xi32>
        %add3A_695 = arith.addi %add3A_694, %iota3A : vector<16xi32>
        %gather3A_696 = tpu.vector_load_idx %arg9[%add3A_695, %add3A_667] : memref<200x64xf32, #tpu.memory_space<vmem>>[vector<16xi32>, vector<16xi32>], vector<16xf32>,
        %mul3A_697 = arith.mulf %gather3A_668, %gather3A_696 : vector<16xf32>
        %add3A_698 = arith.addf %add3A_652, %mul3A_697 : vector<16xf32>
        %add3A_699 = arith.constant 80 : i32
        %add3A_700 = vector.broadcast %add3A_699 : i32 to vector<16xi32>
        %add3A_701 = arith.addi %add3A_700, %iota3A : vector<16xi32>
        %gather3A_702 = tpu.vector_load_idx %arg9[%add3A_701, %add3A_667] : memref<200x64xf32, #tpu.memory_space<vmem>>[vector<16xi32>, vector<16xi32>], vector<16xf32>,
        %mul3A_703 = arith.mulf %gather3A_668, %gather3A_702 : vector<16xf32>
        %add3A_704 = arith.addf %add3A_658, %mul3A_703 : vector<16xf32>
        %add3A_705 = arith.constant 96 : i32
        %add3A_706 = vector.broadcast %add3A_705 : i32 to vector<16xi32>
        %add3A_707 = arith.addi %add3A_706, %iota3A : vector<16xi32>
        %gather3A_708 = tpu.vector_load_idx %arg9[%add3A_707, %add3A_667] : memref<200x64xf32, #tpu.memory_space<vmem>>[vector<16xi32>, vector<16xi32>], vector<16xf32>,
        %mul3A_709 = arith.mulf %gather3A_668, %gather3A_708 : vector<16xf32>
        %add3A_710 = arith.addf %add3A_664, %mul3A_709 : vector<16xf32>
        %add3A_711 = arith.constant 48 : i32
        %add3A_712 = vector.broadcast %add3A_711 : i32 to vector<16xi32>
        %add3A_713 = arith.addi %add3A_712, %and3A_573 : vector<16xi32>
        %gather3A_714 = tpu.vector_load_idx %arg7[%broadcast_in_dim3A_170, %add3A_713] : memref<128x64xf32, #tpu.memory_space<vmem>>[vector<16xi32>, vector<16xi32>], vector<16xf32>,
        %add3A_715 = arith.constant 0 : i32
        %add3A_716 = vector.broadcast %add3A_715 : i32 to vector<16xi32>
        %add3A_717 = arith.addi %add3A_716, %iota3A : vector<16xi32>
        %gather3A_718 = tpu.vector_load_idx %arg9[%add3A_717, %add3A_713] : memref<200x64xf32, #tpu.memory_space<vmem>>[vector<16xi32>, vector<16xi32>], vector<16xf32>,
        %mul3A_719 = arith.mulf %gather3A_714, %gather3A_718 : vector<16xf32>
        %add3A_720 = arith.addf %add3A_674, %mul3A_719 : vector<16xf32>
        %add3A_721 = arith.constant 16 : i32
        %add3A_722 = vector.broadcast %add3A_721 : i32 to vector<16xi32>
        %add3A_723 = arith.addi %add3A_722, %iota3A : vector<16xi32>
        %gather3A_724 = tpu.vector_load_idx %arg9[%add3A_723, %add3A_713] : memref<200x64xf32, #tpu.memory_space<vmem>>[vector<16xi32>, vector<16xi32>], vector<16xf32>,
        %mul3A_725 = arith.mulf %gather3A_714, %gather3A_724 : vector<16xf32>
        %add3A_726 = arith.addf %add3A_680, %mul3A_725 : vector<16xf32>
        %add3A_727 = arith.constant 32 : i32
        %add3A_728 = vector.broadcast %add3A_727 : i32 to vector<16xi32>
        %add3A_729 = arith.addi %add3A_728, %iota3A : vector<16xi32>
        %gather3A_730 = tpu.vector_load_idx %arg9[%add3A_729, %add3A_713] : memref<200x64xf32, #tpu.memory_space<vmem>>[vector<16xi32>, vector<16xi32>], vector<16xf32>,
        %mul3A_731 = arith.mulf %gather3A_714, %gather3A_730 : vector<16xf32>
        %add3A_732 = arith.addf %add3A_686, %mul3A_731 : vector<16xf32>
        %add3A_733 = arith.constant 48 : i32
        %add3A_734 = vector.broadcast %add3A_733 : i32 to vector<16xi32>
        %add3A_735 = arith.addi %add3A_734, %iota3A : vector<16xi32>
        %gather3A_736 = tpu.vector_load_idx %arg9[%add3A_735, %add3A_713] : memref<200x64xf32, #tpu.memory_space<vmem>>[vector<16xi32>, vector<16xi32>], vector<16xf32>,
        %mul3A_737 = arith.mulf %gather3A_714, %gather3A_736 : vector<16xf32>
        %add3A_738 = arith.addf %add3A_692, %mul3A_737 : vector<16xf32>
        %add3A_739 = arith.constant 64 : i32
        %add3A_740 = vector.broadcast %add3A_739 : i32 to vector<16xi32>
        %add3A_741 = arith.addi %add3A_740, %iota3A : vector<16xi32>
        %gather3A_742 = tpu.vector_load_idx %arg9[%add3A_741, %add3A_713] : memref<200x64xf32, #tpu.memory_space<vmem>>[vector<16xi32>, vector<16xi32>], vector<16xf32>,
        %mul3A_743 = arith.mulf %gather3A_714, %gather3A_742 : vector<16xf32>
        %add3A_744 = arith.addf %add3A_698, %mul3A_743 : vector<16xf32>
        %add3A_745 = arith.constant 80 : i32
        %add3A_746 = vector.broadcast %add3A_745 : i32 to vector<16xi32>
        %add3A_747 = arith.addi %add3A_746, %iota3A : vector<16xi32>
        %gather3A_748 = tpu.vector_load_idx %arg9[%add3A_747, %add3A_713] : memref<200x64xf32, #tpu.memory_space<vmem>>[vector<16xi32>, vector<16xi32>], vector<16xf32>,
        %mul3A_749 = arith.mulf %gather3A_714, %gather3A_748 : vector<16xf32>
        %add3A_750 = arith.addf %add3A_704, %mul3A_749 : vector<16xf32>
        %add3A_751 = arith.constant 96 : i32
        %add3A_752 = vector.broadcast %add3A_751 : i32 to vector<16xi32>
        %add3A_753 = arith.addi %add3A_752, %iota3A : vector<16xi32>
        %gather3A_754 = tpu.vector_load_idx %arg9[%add3A_753, %add3A_713] : memref<200x64xf32, #tpu.memory_space<vmem>>[vector<16xi32>, vector<16xi32>], vector<16xf32>,
        %mul3A_755 = arith.mulf %gather3A_714, %gather3A_754 : vector<16xf32>
        %add3A_756 = arith.addf %add3A_710, %mul3A_755 : vector<16xf32>
        scf.yield %add3A_720, %add3A_726, %add3A_732, %add3A_738, %add3A_744, %add3A_750, %add3A_756 : vector<16xf32>, vector<16xf32>, vector<16xf32>, vector<16xf32>, vector<16xf32>, vector<16xf32>, vector<16xf32>
      }
      %scan3A_190 = arith.constant 16 : i32
      %mul3A_191 = arith.constant 200 : i32
      %mul3A_192 = arith.muli %add3A_163, %mul3A_191 : i32
      %add3A_193 = arith.constant 0 : i32
      %add3A_194 = arith.addi %mul3A_192, %add3A_193 : i32
      %swap3A_195 = arith.index_cast %add3A_194 : i32 to index
      %swap3A_196 = tpu.vector_load %arg12[%swap3A_195] {strides = array<i32>} : memref<25600xf32, #tpu.memory_space<vmem>>, vector<16xf32>,
      tpu.vector_store %arg12[%swap3A_195], %scan3A_189#0 {strides = array<i32>} : memref<25600xf32, #tpu.memory_space<vmem>>, vector<16xf32>,
      %mul3A_197 = arith.constant 200 : i32
      %mul3A_198 = arith.muli %add3A_163, %mul3A_197 : i32
      %add3A_199 = arith.constant 16 : i32
      %add3A_200 = arith.addi %mul3A_198, %add3A_199 : i32
      %swap3A_201 = arith.index_cast %add3A_200 : i32 to index
      %swap3A_202 = tpu.vector_load %arg12[%swap3A_201] {strides = array<i32>} : memref<25600xf32, #tpu.memory_space<vmem>>, vector<16xf32>,
      tpu.vector_store %arg12[%swap3A_201], %scan3A_189#1 {strides = array<i32>} : memref<25600xf32, #tpu.memory_space<vmem>>, vector<16xf32>,
      %mul3A_203 = arith.constant 200 : i32
      %mul3A_204 = arith.muli %add3A_163, %mul3A_203 : i32
      %add3A_205 = arith.constant 32 : i32
      %add3A_206 = arith.addi %mul3A_204, %add3A_205 : i32
      %swap3A_207 = arith.index_cast %add3A_206 : i32 to index
      %swap3A_208 = tpu.vector_load %arg12[%swap3A_207] {strides = array<i32>} : memref<25600xf32, #tpu.memory_space<vmem>>, vector<16xf32>,
      tpu.vector_store %arg12[%swap3A_207], %scan3A_189#2 {strides = array<i32>} : memref<25600xf32, #tpu.memory_space<vmem>>, vector<16xf32>,
      %mul3A_209 = arith.constant 200 : i32
      %mul3A_210 = arith.muli %add3A_163, %mul3A_209 : i32
      %add3A_211 = arith.constant 48 : i32
      %add3A_212 = arith.addi %mul3A_210, %add3A_211 : i32
      %swap3A_213 = arith.index_cast %add3A_212 : i32 to index
      %swap3A_214 = tpu.vector_load %arg12[%swap3A_213] {strides = array<i32>} : memref<25600xf32, #tpu.memory_space<vmem>>, vector<16xf32>,
      tpu.vector_store %arg12[%swap3A_213], %scan3A_189#3 {strides = array<i32>} : memref<25600xf32, #tpu.memory_space<vmem>>, vector<16xf32>,
      %mul3A_215 = arith.constant 200 : i32
      %mul3A_216 = arith.muli %add3A_163, %mul3A_215 : i32
      %add3A_217 = arith.constant 64 : i32
      %add3A_218 = arith.addi %mul3A_216, %add3A_217 : i32
      %swap3A_219 = arith.index_cast %add3A_218 : i32 to index
      %swap3A_220 = tpu.vector_load %arg12[%swap3A_219] {strides = array<i32>} : memref<25600xf32, #tpu.memory_space<vmem>>, vector<16xf32>,
      tpu.vector_store %arg12[%swap3A_219], %scan3A_189#4 {strides = array<i32>} : memref<25600xf32, #tpu.memory_space<vmem>>, vector<16xf32>,
      %mul3A_221 = arith.constant 200 : i32
      %mul3A_222 = arith.muli %add3A_163, %mul3A_221 : i32
      %add3A_223 = arith.constant 80 : i32
      %add3A_224 = arith.addi %mul3A_222, %add3A_223 : i32
      %swap3A_225 = arith.index_cast %add3A_224 : i32 to index
      %swap3A_226 = tpu.vector_load %arg12[%swap3A_225] {strides = array<i32>} : memref<25600xf32, #tpu.memory_space<vmem>>, vector<16xf32>,
      tpu.vector_store %arg12[%swap3A_225], %scan3A_189#5 {strides = array<i32>} : memref<25600xf32, #tpu.memory_space<vmem>>, vector<16xf32>,
      %mul3A_227 = arith.constant 200 : i32
      %mul3A_228 = arith.muli %add3A_163, %mul3A_227 : i32
      %add3A_229 = arith.constant 96 : i32
      %add3A_230 = arith.addi %mul3A_228, %add3A_229 : i32
      %swap3A_231 = arith.index_cast %add3A_230 : i32 to index
      %swap3A_232 = tpu.vector_load %arg12[%swap3A_231] {strides = array<i32>} : memref<25600xf32, #tpu.memory_space<vmem>>, vector<16xf32>,
      tpu.vector_store %arg12[%swap3A_231], %scan3A_189#6 {strides = array<i32>} : memref<25600xf32, #tpu.memory_space<vmem>>, vector<16xf32>,
      %broadcast_in_dim3A_233 = arith.constant 0.000000e+00 : f32
      %broadcast_in_dim3A_234 = vector.broadcast %broadcast_in_dim3A_233 : f32 to vector<16xf32>
      %broadcast_in_dim3A_235 = arith.constant 0.000000e+00 : f32
      %broadcast_in_dim3A_236 = vector.broadcast %broadcast_in_dim3A_235 : f32 to vector<16xf32>
      %broadcast_in_dim3A_237 = arith.constant 0.000000e+00 : f32
      %broadcast_in_dim3A_238 = vector.broadcast %broadcast_in_dim3A_237 : f32 to vector<16xf32>
      %broadcast_in_dim3A_239 = arith.constant 0.000000e+00 : f32
      %broadcast_in_dim3A_240 = vector.broadcast %broadcast_in_dim3A_239 : f32 to vector<16xf32>
      %broadcast_in_dim3A_241 = arith.constant 0.000000e+00 : f32
      %broadcast_in_dim3A_242 = vector.broadcast %broadcast_in_dim3A_241 : f32 to vector<16xf32>
      %broadcast_in_dim3A_243 = arith.constant 0.000000e+00 : f32
      %broadcast_in_dim3A_244 = vector.broadcast %broadcast_in_dim3A_243 : f32 to vector<16xf32>
      %scan3A_245 = arith.constant 0 : i32
      %scan3A_246 = arith.constant 16 : i32
      %scan3A_247 = arith.addi %scan3A_245, %scan3A_246 : i32
      %scan3A_248 = arith.constant 1 : i32
      %scan3A_249:6 = scf.for %scan3A_562 = %scan3A_245 to %scan3A_247 step %scan3A_248 iter_args(%scan3A_563 = %broadcast_in_dim3A_234, %scan3A_564 = %broadcast_in_dim3A_236, %scan3A_565 = %broadcast_in_dim3A_238, %scan3A_566 = %broadcast_in_dim3A_240, %scan3A_567 = %broadcast_in_dim3A_242, %scan3A_568 = %broadcast_in_dim3A_244) -> (vector<16xf32>, vector<16xf32>, vector<16xf32>, vector<16xf32>, vector<16xf32>, vector<16xf32>)  : i32 {
        %add3A_569 = vector.broadcast %scan3A_562 : i32 to vector<16xi32>
        %add3A_570 = arith.addi %iota3A, %add3A_569 : vector<16xi32>
        %and3A = arith.constant 15 : i32
        %and3A_571 = vector.broadcast %and3A : i32 to vector<16xi32>
        %and3A_572 = arith.andi %add3A_570, %and3A_571 : vector<16xi32>
        %add3A_573 = arith.constant 0 : i32
        %add3A_574 = vector.broadcast %add3A_573 : i32 to vector<16xi32>
        %add3A_575 = arith.addi %add3A_574, %and3A_572 : vector<16xi32>
        %gather3A = tpu.vector_load_idx %arg7[%broadcast_in_dim3A_170, %add3A_575] : memref<128x64xf32, #tpu.memory_space<vmem>>[vector<16xi32>, vector<16xi32>], vector<16xf32>,
        %add3A_576 = arith.constant 112 : i32
        %add3A_577 = vector.broadcast %add3A_576 : i32 to vector<16xi32>
        %add3A_578 = arith.addi %add3A_577, %iota3A : vector<16xi32>
        %gather3A_579 = tpu.vector_load_idx %arg9[%add3A_578, %add3A_575] : memref<200x64xf32, #tpu.memory_space<vmem>>[vector<16xi32>, vector<16xi32>], vector<16xf32>,
        %mul3A_580 = arith.mulf %gather3A, %gather3A_579 : vector<16xf32>
        %add3A_581 = arith.addf %scan3A_563, %mul3A_580 : vector<16xf32>
        %add3A_582 = arith.constant 128 : i32
        %add3A_583 = vector.broadcast %add3A_582 : i32 to vector<16xi32>
        %add3A_584 = arith.addi %add3A_583, %iota3A : vector<16xi32>
        %gather3A_585 = tpu.vector_load_idx %arg9[%add3A_584, %add3A_575] : memref<200x64xf32, #tpu.memory_space<vmem>>[vector<16xi32>, vector<16xi32>], vector<16xf32>,
        %mul3A_586 = arith.mulf %gather3A, %gather3A_585 : vector<16xf32>
        %add3A_587 = arith.addf %scan3A_564, %mul3A_586 : vector<16xf32>
        %add3A_588 = arith.constant 144 : i32
        %add3A_589 = vector.broadcast %add3A_588 : i32 to vector<16xi32>
        %add3A_590 = arith.addi %add3A_589, %iota3A : vector<16xi32>
        %gather3A_591 = tpu.vector_load_idx %arg9[%add3A_590, %add3A_575] : memref<200x64xf32, #tpu.memory_space<vmem>>[vector<16xi32>, vector<16xi32>], vector<16xf32>,
        %mul3A_592 = arith.mulf %gather3A, %gather3A_591 : vector<16xf32>
        %add3A_593 = arith.addf %scan3A_565, %mul3A_592 : vector<16xf32>
        %add3A_594 = arith.constant 160 : i32
        %add3A_595 = vector.broadcast %add3A_594 : i32 to vector<16xi32>
        %add3A_596 = arith.addi %add3A_595, %iota3A : vector<16xi32>
        %gather3A_597 = tpu.vector_load_idx %arg9[%add3A_596, %add3A_575] : memref<200x64xf32, #tpu.memory_space<vmem>>[vector<16xi32>, vector<16xi32>], vector<16xf32>,
        %mul3A_598 = arith.mulf %gather3A, %gather3A_597 : vector<16xf32>
        %add3A_599 = arith.addf %scan3A_566, %mul3A_598 : vector<16xf32>
        %add3A_600 = arith.constant 176 : i32
        %add3A_601 = vector.broadcast %add3A_600 : i32 to vector<16xi32>
        %add3A_602 = arith.addi %add3A_601, %iota3A : vector<16xi32>
        %gather3A_603 = tpu.vector_load_idx %arg9[%add3A_602, %add3A_575] : memref<200x64xf32, #tpu.memory_space<vmem>>[vector<16xi32>, vector<16xi32>], vector<16xf32>,
        %mul3A_604 = arith.mulf %gather3A, %gather3A_603 : vector<16xf32>
        %add3A_605 = arith.addf %scan3A_567, %mul3A_604 : vector<16xf32>
        %add3A_606 = arith.constant 184 : i32
        %add3A_607 = vector.broadcast %add3A_606 : i32 to vector<16xi32>
        %add3A_608 = arith.addi %add3A_607, %iota3A : vector<16xi32>
        %gather3A_609 = tpu.vector_load_idx %arg9[%add3A_608, %add3A_575] : memref<200x64xf32, #tpu.memory_space<vmem>>[vector<16xi32>, vector<16xi32>], vector<16xf32>,
        %mul3A_610 = arith.mulf %gather3A, %gather3A_609 : vector<16xf32>
        %add3A_611 = arith.addf %scan3A_568, %mul3A_610 : vector<16xf32>
        %add3A_612 = arith.constant 16 : i32
        %add3A_613 = vector.broadcast %add3A_612 : i32 to vector<16xi32>
        %add3A_614 = arith.addi %add3A_613, %and3A_572 : vector<16xi32>
        %gather3A_615 = tpu.vector_load_idx %arg7[%broadcast_in_dim3A_170, %add3A_614] : memref<128x64xf32, #tpu.memory_space<vmem>>[vector<16xi32>, vector<16xi32>], vector<16xf32>,
        %add3A_616 = arith.constant 112 : i32
        %add3A_617 = vector.broadcast %add3A_616 : i32 to vector<16xi32>
        %add3A_618 = arith.addi %add3A_617, %iota3A : vector<16xi32>
        %gather3A_619 = tpu.vector_load_idx %arg9[%add3A_618, %add3A_614] : memref<200x64xf32, #tpu.memory_space<vmem>>[vector<16xi32>, vector<16xi32>], vector<16xf32>,
        %mul3A_620 = arith.mulf %gather3A_615, %gather3A_619 : vector<16xf32>
        %add3A_621 = arith.addf %add3A_581, %mul3A_620 : vector<16xf32>
        %add3A_622 = arith.constant 128 : i32
        %add3A_623 = vector.broadcast %add3A_622 : i32 to vector<16xi32>
        %add3A_624 = arith.addi %add3A_623, %iota3A : vector<16xi32>
        %gather3A_625 = tpu.vector_load_idx %arg9[%add3A_624, %add3A_614] : memref<200x64xf32, #tpu.memory_space<vmem>>[vector<16xi32>, vector<16xi32>], vector<16xf32>,
        %mul3A_626 = arith.mulf %gather3A_615, %gather3A_625 : vector<16xf32>
        %add3A_627 = arith.addf %add3A_587, %mul3A_626 : vector<16xf32>
        %add3A_628 = arith.constant 144 : i32
        %add3A_629 = vector.broadcast %add3A_628 : i32 to vector<16xi32>
        %add3A_630 = arith.addi %add3A_629, %iota3A : vector<16xi32>
        %gather3A_631 = tpu.vector_load_idx %arg9[%add3A_630, %add3A_614] : memref<200x64xf32, #tpu.memory_space<vmem>>[vector<16xi32>, vector<16xi32>], vector<16xf32>,
        %mul3A_632 = arith.mulf %gather3A_615, %gather3A_631 : vector<16xf32>
        %add3A_633 = arith.addf %add3A_593, %mul3A_632 : vector<16xf32>
        %add3A_634 = arith.constant 160 : i32
        %add3A_635 = vector.broadcast %add3A_634 : i32 to vector<16xi32>
        %add3A_636 = arith.addi %add3A_635, %iota3A : vector<16xi32>
        %gather3A_637 = tpu.vector_load_idx %arg9[%add3A_636, %add3A_614] : memref<200x64xf32, #tpu.memory_space<vmem>>[vector<16xi32>, vector<16xi32>], vector<16xf32>,
        %mul3A_638 = arith.mulf %gather3A_615, %gather3A_637 : vector<16xf32>
        %add3A_639 = arith.addf %add3A_599, %mul3A_638 : vector<16xf32>
        %add3A_640 = arith.constant 176 : i32
        %add3A_641 = vector.broadcast %add3A_640 : i32 to vector<16xi32>
        %add3A_642 = arith.addi %add3A_641, %iota3A : vector<16xi32>
        %gather3A_643 = tpu.vector_load_idx %arg9[%add3A_642, %add3A_614] : memref<200x64xf32, #tpu.memory_space<vmem>>[vector<16xi32>, vector<16xi32>], vector<16xf32>,
        %mul3A_644 = arith.mulf %gather3A_615, %gather3A_643 : vector<16xf32>
        %add3A_645 = arith.addf %add3A_605, %mul3A_644 : vector<16xf32>
        %add3A_646 = arith.constant 184 : i32
        %add3A_647 = vector.broadcast %add3A_646 : i32 to vector<16xi32>
        %add3A_648 = arith.addi %add3A_647, %iota3A : vector<16xi32>
        %gather3A_649 = tpu.vector_load_idx %arg9[%add3A_648, %add3A_614] : memref<200x64xf32, #tpu.memory_space<vmem>>[vector<16xi32>, vector<16xi32>], vector<16xf32>,
        %mul3A_650 = arith.mulf %gather3A_615, %gather3A_649 : vector<16xf32>
        %add3A_651 = arith.addf %add3A_611, %mul3A_650 : vector<16xf32>
        %add3A_652 = arith.constant 32 : i32
        %add3A_653 = vector.broadcast %add3A_652 : i32 to vector<16xi32>
        %add3A_654 = arith.addi %add3A_653, %and3A_572 : vector<16xi32>
        %gather3A_655 = tpu.vector_load_idx %arg7[%broadcast_in_dim3A_170, %add3A_654] : memref<128x64xf32, #tpu.memory_space<vmem>>[vector<16xi32>, vector<16xi32>], vector<16xf32>,
        %add3A_656 = arith.constant 112 : i32
        %add3A_657 = vector.broadcast %add3A_656 : i32 to vector<16xi32>
        %add3A_658 = arith.addi %add3A_657, %iota3A : vector<16xi32>
        %gather3A_659 = tpu.vector_load_idx %arg9[%add3A_658, %add3A_654] : memref<200x64xf32, #tpu.memory_space<vmem>>[vector<16xi32>, vector<16xi32>], vector<16xf32>,
        %mul3A_660 = arith.mulf %gather3A_655, %gather3A_659 : vector<16xf32>
        %add3A_661 = arith.addf %add3A_621, %mul3A_660 : vector<16xf32>
        %add3A_662 = arith.constant 128 : i32
        %add3A_663 = vector.broadcast %add3A_662 : i32 to vector<16xi32>
        %add3A_664 = arith.addi %add3A_663, %iota3A : vector<16xi32>
        %gather3A_665 = tpu.vector_load_idx %arg9[%add3A_664, %add3A_654] : memref<200x64xf32, #tpu.memory_space<vmem>>[vector<16xi32>, vector<16xi32>], vector<16xf32>,
        %mul3A_666 = arith.mulf %gather3A_655, %gather3A_665 : vector<16xf32>
        %add3A_667 = arith.addf %add3A_627, %mul3A_666 : vector<16xf32>
        %add3A_668 = arith.constant 144 : i32
        %add3A_669 = vector.broadcast %add3A_668 : i32 to vector<16xi32>
        %add3A_670 = arith.addi %add3A_669, %iota3A : vector<16xi32>
        %gather3A_671 = tpu.vector_load_idx %arg9[%add3A_670, %add3A_654] : memref<200x64xf32, #tpu.memory_space<vmem>>[vector<16xi32>, vector<16xi32>], vector<16xf32>,
        %mul3A_672 = arith.mulf %gather3A_655, %gather3A_671 : vector<16xf32>
        %add3A_673 = arith.addf %add3A_633, %mul3A_672 : vector<16xf32>
        %add3A_674 = arith.constant 160 : i32
        %add3A_675 = vector.broadcast %add3A_674 : i32 to vector<16xi32>
        %add3A_676 = arith.addi %add3A_675, %iota3A : vector<16xi32>
        %gather3A_677 = tpu.vector_load_idx %arg9[%add3A_676, %add3A_654] : memref<200x64xf32, #tpu.memory_space<vmem>>[vector<16xi32>, vector<16xi32>], vector<16xf32>,
        %mul3A_678 = arith.mulf %gather3A_655, %gather3A_677 : vector<16xf32>
        %add3A_679 = arith.addf %add3A_639, %mul3A_678 : vector<16xf32>
        %add3A_680 = arith.constant 176 : i32
        %add3A_681 = vector.broadcast %add3A_680 : i32 to vector<16xi32>
        %add3A_682 = arith.addi %add3A_681, %iota3A : vector<16xi32>
        %gather3A_683 = tpu.vector_load_idx %arg9[%add3A_682, %add3A_654] : memref<200x64xf32, #tpu.memory_space<vmem>>[vector<16xi32>, vector<16xi32>], vector<16xf32>,
        %mul3A_684 = arith.mulf %gather3A_655, %gather3A_683 : vector<16xf32>
        %add3A_685 = arith.addf %add3A_645, %mul3A_684 : vector<16xf32>
        %add3A_686 = arith.constant 184 : i32
        %add3A_687 = vector.broadcast %add3A_686 : i32 to vector<16xi32>
        %add3A_688 = arith.addi %add3A_687, %iota3A : vector<16xi32>
        %gather3A_689 = tpu.vector_load_idx %arg9[%add3A_688, %add3A_654] : memref<200x64xf32, #tpu.memory_space<vmem>>[vector<16xi32>, vector<16xi32>], vector<16xf32>,
        %mul3A_690 = arith.mulf %gather3A_655, %gather3A_689 : vector<16xf32>
        %add3A_691 = arith.addf %add3A_651, %mul3A_690 : vector<16xf32>
        %add3A_692 = arith.constant 48 : i32
        %add3A_693 = vector.broadcast %add3A_692 : i32 to vector<16xi32>
        %add3A_694 = arith.addi %add3A_693, %and3A_572 : vector<16xi32>
        %gather3A_695 = tpu.vector_load_idx %arg7[%broadcast_in_dim3A_170, %add3A_694] : memref<128x64xf32, #tpu.memory_space<vmem>>[vector<16xi32>, vector<16xi32>], vector<16xf32>,
        %add3A_696 = arith.constant 112 : i32
        %add3A_697 = vector.broadcast %add3A_696 : i32 to vector<16xi32>
        %add3A_698 = arith.addi %add3A_697, %iota3A : vector<16xi32>
        %gather3A_699 = tpu.vector_load_idx %arg9[%add3A_698, %add3A_694] : memref<200x64xf32, #tpu.memory_space<vmem>>[vector<16xi32>, vector<16xi32>], vector<16xf32>,
        %mul3A_700 = arith.mulf %gather3A_695, %gather3A_699 : vector<16xf32>
        %add3A_701 = arith.addf %add3A_661, %mul3A_700 : vector<16xf32>
        %add3A_702 = arith.constant 128 : i32
        %add3A_703 = vector.broadcast %add3A_702 : i32 to vector<16xi32>
        %add3A_704 = arith.addi %add3A_703, %iota3A : vector<16xi32>
        %gather3A_705 = tpu.vector_load_idx %arg9[%add3A_704, %add3A_694] : memref<200x64xf32, #tpu.memory_space<vmem>>[vector<16xi32>, vector<16xi32>], vector<16xf32>,
        %mul3A_706 = arith.mulf %gather3A_695, %gather3A_705 : vector<16xf32>
        %add3A_707 = arith.addf %add3A_667, %mul3A_706 : vector<16xf32>
        %add3A_708 = arith.constant 144 : i32
        %add3A_709 = vector.broadcast %add3A_708 : i32 to vector<16xi32>
        %add3A_710 = arith.addi %add3A_709, %iota3A : vector<16xi32>
        %gather3A_711 = tpu.vector_load_idx %arg9[%add3A_710, %add3A_694] : memref<200x64xf32, #tpu.memory_space<vmem>>[vector<16xi32>, vector<16xi32>], vector<16xf32>,
        %mul3A_712 = arith.mulf %gather3A_695, %gather3A_711 : vector<16xf32>
        %add3A_713 = arith.addf %add3A_673, %mul3A_712 : vector<16xf32>
        %add3A_714 = arith.constant 160 : i32
        %add3A_715 = vector.broadcast %add3A_714 : i32 to vector<16xi32>
        %add3A_716 = arith.addi %add3A_715, %iota3A : vector<16xi32>
        %gather3A_717 = tpu.vector_load_idx %arg9[%add3A_716, %add3A_694] : memref<200x64xf32, #tpu.memory_space<vmem>>[vector<16xi32>, vector<16xi32>], vector<16xf32>,
        %mul3A_718 = arith.mulf %gather3A_695, %gather3A_717 : vector<16xf32>
        %add3A_719 = arith.addf %add3A_679, %mul3A_718 : vector<16xf32>
        %add3A_720 = arith.constant 176 : i32
        %add3A_721 = vector.broadcast %add3A_720 : i32 to vector<16xi32>
        %add3A_722 = arith.addi %add3A_721, %iota3A : vector<16xi32>
        %gather3A_723 = tpu.vector_load_idx %arg9[%add3A_722, %add3A_694] : memref<200x64xf32, #tpu.memory_space<vmem>>[vector<16xi32>, vector<16xi32>], vector<16xf32>,
        %mul3A_724 = arith.mulf %gather3A_695, %gather3A_723 : vector<16xf32>
        %add3A_725 = arith.addf %add3A_685, %mul3A_724 : vector<16xf32>
        %add3A_726 = arith.constant 184 : i32
        %add3A_727 = vector.broadcast %add3A_726 : i32 to vector<16xi32>
        %add3A_728 = arith.addi %add3A_727, %iota3A : vector<16xi32>
        %gather3A_729 = tpu.vector_load_idx %arg9[%add3A_728, %add3A_694] : memref<200x64xf32, #tpu.memory_space<vmem>>[vector<16xi32>, vector<16xi32>], vector<16xf32>,
        %mul3A_730 = arith.mulf %gather3A_695, %gather3A_729 : vector<16xf32>
        %add3A_731 = arith.addf %add3A_691, %mul3A_730 : vector<16xf32>
        scf.yield %add3A_701, %add3A_707, %add3A_713, %add3A_719, %add3A_725, %add3A_731 : vector<16xf32>, vector<16xf32>, vector<16xf32>, vector<16xf32>, vector<16xf32>, vector<16xf32>
      }
      %scan3A_250 = arith.constant 16 : i32
      %mul3A_251 = arith.constant 200 : i32
      %mul3A_252 = arith.muli %add3A_163, %mul3A_251 : i32
      %add3A_253 = arith.constant 112 : i32
      %add3A_254 = arith.addi %mul3A_252, %add3A_253 : i32
      %swap3A_255 = arith.index_cast %add3A_254 : i32 to index
      %swap3A_256 = tpu.vector_load %arg12[%swap3A_255] {strides = array<i32>} : memref<25600xf32, #tpu.memory_space<vmem>>, vector<16xf32>,
      tpu.vector_store %arg12[%swap3A_255], %scan3A_249#0 {strides = array<i32>} : memref<25600xf32, #tpu.memory_space<vmem>>, vector<16xf32>,
      %mul3A_257 = arith.constant 200 : i32
      %mul3A_258 = arith.muli %add3A_163, %mul3A_257 : i32
      %add3A_259 = arith.constant 128 : i32
      %add3A_260 = arith.addi %mul3A_258, %add3A_259 : i32
      %swap3A_261 = arith.index_cast %add3A_260 : i32 to index
      %swap3A_262 = tpu.vector_load %arg12[%swap3A_261] {strides = array<i32>} : memref<25600xf32, #tpu.memory_space<vmem>>, vector<16xf32>,
      tpu.vector_store %arg12[%swap3A_261], %scan3A_249#1 {strides = array<i32>} : memref<25600xf32, #tpu.memory_space<vmem>>, vector<16xf32>,
      %mul3A_263 = arith.constant 200 : i32
      %mul3A_264 = arith.muli %add3A_163, %mul3A_263 : i32
      %add3A_265 = arith.constant 144 : i32
      %add3A_266 = arith.addi %mul3A_264, %add3A_265 : i32
      %swap3A_267 = arith.index_cast %add3A_266 : i32 to index
      %swap3A_268 = tpu.vector_load %arg12[%swap3A_267] {strides = array<i32>} : memref<25600xf32, #tpu.memory_space<vmem>>, vector<16xf32>,
      tpu.vector_store %arg12[%swap3A_267], %scan3A_249#2 {strides = array<i32>} : memref<25600xf32, #tpu.memory_space<vmem>>, vector<16xf32>,
      %mul3A_269 = arith.constant 200 : i32
      %mul3A_270 = arith.muli %add3A_163, %mul3A_269 : i32
      %add3A_271 = arith.constant 160 : i32
      %add3A_272 = arith.addi %mul3A_270, %add3A_271 : i32
      %swap3A_273 = arith.index_cast %add3A_272 : i32 to index
      %swap3A_274 = tpu.vector_load %arg12[%swap3A_273] {strides = array<i32>} : memref<25600xf32, #tpu.memory_space<vmem>>, vector<16xf32>,
      tpu.vector_store %arg12[%swap3A_273], %scan3A_249#3 {strides = array<i32>} : memref<25600xf32, #tpu.memory_space<vmem>>, vector<16xf32>,
      %mul3A_275 = arith.constant 200 : i32
      %mul3A_276 = arith.muli %add3A_163, %mul3A_275 : i32
      %add3A_277 = arith.constant 176 : i32
      %add3A_278 = arith.addi %mul3A_276, %add3A_277 : i32
      %swap3A_279 = arith.index_cast %add3A_278 : i32 to index
      %swap3A_280 = tpu.vector_load %arg12[%swap3A_279] {strides = array<i32>} : memref<25600xf32, #tpu.memory_space<vmem>>, vector<16xf32>,
      tpu.vector_store %arg12[%swap3A_279], %scan3A_249#4 {strides = array<i32>} : memref<25600xf32, #tpu.memory_space<vmem>>, vector<16xf32>,
      %mul3A_281 = arith.constant 200 : i32
      %mul3A_282 = arith.muli %add3A_163, %mul3A_281 : i32
      %add3A_283 = arith.constant 184 : i32
      %add3A_284 = arith.addi %mul3A_282, %add3A_283 : i32
      %swap3A_285 = arith.index_cast %add3A_284 : i32 to index
      %swap3A_286 = tpu.vector_load %arg12[%swap3A_285] {strides = array<i32>} : memref<25600xf32, #tpu.memory_space<vmem>>, vector<16xf32>,
      tpu.vector_store %arg12[%swap3A_285], %scan3A_249#5 {strides = array<i32>} : memref<25600xf32, #tpu.memory_space<vmem>>, vector<16xf32>,
      %add3A_287 = arith.constant 4 : i32
      %add3A_288 = arith.addi %add3A_163, %add3A_287 : i32
      %lt3A_289 = arith.constant 128 : i32
      %lt3A_290 = arith.cmpi slt, %add3A_288, %lt3A_289 : i32
      %convert_element_type3A_291 = arith.extui %lt3A_290 : i1 to i32
      %cond3A_292 = arith.constant 0 : i32
      %cond3A_293 = arith.cmpi ne, %convert_element_type3A_291, %cond3A_292 : i32
      scf.if %cond3A_293 {
        %add3A_562 = arith.constant 4 : i32
        %add3A_563 = arith.addi %add3A_163, %add3A_562 : i32
        %mul3A_564 = arith.constant 200 : i32
        %mul3A_565 = arith.muli %add3A_563, %mul3A_564 : i32
        %dma_start3A_566 = tpu.memref_slice %arg6[%mul3A_565] : memref<25600xi32, #tpu.memory_space<vmem>> -> memref<200xi32, #tpu.memory_space<vmem>>
        %dma_start3A_567 = arith.constant 0 : i32
        %dma_start3A_568 = arith.constant 0 : i32
        %dma_start3A_569 = tpu.memref_slice %arg4[%dma_start3A_567, %dma_start3A_568] : memref<2000000x64xf32, #tpu.memory_space<hbm>> -> memref<2000000x64xf32, #tpu.memory_space<hbm>>
        tpu.enqueue_indirect_dma source(%dma_start3A_569 : memref<2000000x64xf32, #tpu.memory_space<hbm>>) target(%arg9 : memref<200x64xf32, #tpu.memory_space<vmem>>) offsets(%dma_start3A_566 : memref<200xi32, #tpu.memory_space<vmem>>) semaphore(%arg14 : memref<!tpu.dma_semaphore, #tpu.memory_space<semaphore_mem>>)
      } else {
      }
      %mul3A_294 = arith.constant 4 : i32
      %mul3A_295 = arith.muli %mul3A_294, %scan3A_31 : i32
      %add3A_296 = arith.constant 2 : i32
      %add3A_297 = arith.addi %mul3A_295, %add3A_296 : i32
      %dma_wait3A_298 = arith.constant 0 : i32
      %dma_wait3A_299 = arith.constant 0 : i32
      %dma_wait3A_300 = tpu.memref_slice %arg4[%dma_wait3A_298, %dma_wait3A_299] : memref<2000000x64xf32, #tpu.memory_space<hbm>> -> memref<200x64xf32, #tpu.memory_space<hbm>>
      %dma_wait3A_301 = arith.constant 0 : i32
      %dma_wait3A_302 = arith.constant 0 : i32
      %dma_wait3A_303 = tpu.memref_slice %arg4[%dma_wait3A_301, %dma_wait3A_302] : memref<2000000x64xf32, #tpu.memory_space<hbm>> -> memref<200x64xf32, #tpu.memory_space<hbm>>
      tpu.wait_dma2 semaphore(%arg15 : memref<!tpu.dma_semaphore, #tpu.memory_space<semaphore_mem>>) src(%dma_wait3A_303 : memref<200x64xf32, #tpu.memory_space<hbm>>) dst(%arg10 : memref<200x64xf32, #tpu.memory_space<vmem>>)
      %broadcast_in_dim3A_304 = vector.broadcast %add3A_297 : i32 to vector<16xi32>
      %broadcast_in_dim3A_305 = arith.constant 0.000000e+00 : f32
      %broadcast_in_dim3A_306 = vector.broadcast %broadcast_in_dim3A_305 : f32 to vector<16xf32>
      %broadcast_in_dim3A_307 = arith.constant 0.000000e+00 : f32
      %broadcast_in_dim3A_308 = vector.broadcast %broadcast_in_dim3A_307 : f32 to vector<16xf32>
      %broadcast_in_dim3A_309 = arith.constant 0.000000e+00 : f32
      %broadcast_in_dim3A_310 = vector.broadcast %broadcast_in_dim3A_309 : f32 to vector<16xf32>
      %broadcast_in_dim3A_311 = arith.constant 0.000000e+00 : f32
      %broadcast_in_dim3A_312 = vector.broadcast %broadcast_in_dim3A_311 : f32 to vector<16xf32>
      %broadcast_in_dim3A_313 = arith.constant 0.000000e+00 : f32
      %broadcast_in_dim3A_314 = vector.broadcast %broadcast_in_dim3A_313 : f32 to vector<16xf32>
      %broadcast_in_dim3A_315 = arith.constant 0.000000e+00 : f32
      %broadcast_in_dim3A_316 = vector.broadcast %broadcast_in_dim3A_315 : f32 to vector<16xf32>
      %broadcast_in_dim3A_317 = arith.constant 0.000000e+00 : f32
      %broadcast_in_dim3A_318 = vector.broadcast %broadcast_in_dim3A_317 : f32 to vector<16xf32>
      %scan3A_319 = arith.constant 0 : i32
      %scan3A_320 = arith.constant 16 : i32
      %scan3A_321 = arith.addi %scan3A_319, %scan3A_320 : i32
      %scan3A_322 = arith.constant 1 : i32
      %scan3A_323:7 = scf.for %scan3A_562 = %scan3A_319 to %scan3A_321 step %scan3A_322 iter_args(%scan3A_563 = %broadcast_in_dim3A_306, %scan3A_564 = %broadcast_in_dim3A_308, %scan3A_565 = %broadcast_in_dim3A_310, %scan3A_566 = %broadcast_in_dim3A_312, %scan3A_567 = %broadcast_in_dim3A_314, %scan3A_568 = %broadcast_in_dim3A_316, %scan3A_569 = %broadcast_in_dim3A_318) -> (vector<16xf32>, vector<16xf32>, vector<16xf32>, vector<16xf32>, vector<16xf32>, vector<16xf32>, vector<16xf32>)  : i32 {
        %add3A_570 = vector.broadcast %scan3A_562 : i32 to vector<16xi32>
        %add3A_571 = arith.addi %iota3A, %add3A_570 : vector<16xi32>
        %and3A = arith.constant 15 : i32
        %and3A_572 = vector.broadcast %and3A : i32 to vector<16xi32>
        %and3A_573 = arith.andi %add3A_571, %and3A_572 : vector<16xi32>
        %add3A_574 = arith.constant 0 : i32
        %add3A_575 = vector.broadcast %add3A_574 : i32 to vector<16xi32>
        %add3A_576 = arith.addi %add3A_575, %and3A_573 : vector<16xi32>
        %gather3A = tpu.vector_load_idx %arg7[%broadcast_in_dim3A_304, %add3A_576] : memref<128x64xf32, #tpu.memory_space<vmem>>[vector<16xi32>, vector<16xi32>], vector<16xf32>,
        %add3A_577 = arith.constant 0 : i32
        %add3A_578 = vector.broadcast %add3A_577 : i32 to vector<16xi32>
        %add3A_579 = arith.addi %add3A_578, %iota3A : vector<16xi32>
        %gather3A_580 = tpu.vector_load_idx %arg10[%add3A_579, %add3A_576] : memref<200x64xf32, #tpu.memory_space<vmem>>[vector<16xi32>, vector<16xi32>], vector<16xf32>,
        %mul3A_581 = arith.mulf %gather3A, %gather3A_580 : vector<16xf32>
        %add3A_582 = arith.addf %scan3A_563, %mul3A_581 : vector<16xf32>
        %add3A_583 = arith.constant 16 : i32
        %add3A_584 = vector.broadcast %add3A_583 : i32 to vector<16xi32>
        %add3A_585 = arith.addi %add3A_584, %iota3A : vector<16xi32>
        %gather3A_586 = tpu.vector_load_idx %arg10[%add3A_585, %add3A_576] : memref<200x64xf32, #tpu.memory_space<vmem>>[vector<16xi32>, vector<16xi32>], vector<16xf32>,
        %mul3A_587 = arith.mulf %gather3A, %gather3A_586 : vector<16xf32>
        %add3A_588 = arith.addf %scan3A_564, %mul3A_587 : vector<16xf32>
        %add3A_589 = arith.constant 32 : i32
        %add3A_590 = vector.broadcast %add3A_589 : i32 to vector<16xi32>
        %add3A_591 = arith.addi %add3A_590, %iota3A : vector<16xi32>
        %gather3A_592 = tpu.vector_load_idx %arg10[%add3A_591, %add3A_576] : memref<200x64xf32, #tpu.memory_space<vmem>>[vector<16xi32>, vector<16xi32>], vector<16xf32>,
        %mul3A_593 = arith.mulf %gather3A, %gather3A_592 : vector<16xf32>
        %add3A_594 = arith.addf %scan3A_565, %mul3A_593 : vector<16xf32>
        %add3A_595 = arith.constant 48 : i32
        %add3A_596 = vector.broadcast %add3A_595 : i32 to vector<16xi32>
        %add3A_597 = arith.addi %add3A_596, %iota3A : vector<16xi32>
        %gather3A_598 = tpu.vector_load_idx %arg10[%add3A_597, %add3A_576] : memref<200x64xf32, #tpu.memory_space<vmem>>[vector<16xi32>, vector<16xi32>], vector<16xf32>,
        %mul3A_599 = arith.mulf %gather3A, %gather3A_598 : vector<16xf32>
        %add3A_600 = arith.addf %scan3A_566, %mul3A_599 : vector<16xf32>
        %add3A_601 = arith.constant 64 : i32
        %add3A_602 = vector.broadcast %add3A_601 : i32 to vector<16xi32>
        %add3A_603 = arith.addi %add3A_602, %iota3A : vector<16xi32>
        %gather3A_604 = tpu.vector_load_idx %arg10[%add3A_603, %add3A_576] : memref<200x64xf32, #tpu.memory_space<vmem>>[vector<16xi32>, vector<16xi32>], vector<16xf32>,
        %mul3A_605 = arith.mulf %gather3A, %gather3A_604 : vector<16xf32>
        %add3A_606 = arith.addf %scan3A_567, %mul3A_605 : vector<16xf32>
        %add3A_607 = arith.constant 80 : i32
        %add3A_608 = vector.broadcast %add3A_607 : i32 to vector<16xi32>
        %add3A_609 = arith.addi %add3A_608, %iota3A : vector<16xi32>
        %gather3A_610 = tpu.vector_load_idx %arg10[%add3A_609, %add3A_576] : memref<200x64xf32, #tpu.memory_space<vmem>>[vector<16xi32>, vector<16xi32>], vector<16xf32>,
        %mul3A_611 = arith.mulf %gather3A, %gather3A_610 : vector<16xf32>
        %add3A_612 = arith.addf %scan3A_568, %mul3A_611 : vector<16xf32>
        %add3A_613 = arith.constant 96 : i32
        %add3A_614 = vector.broadcast %add3A_613 : i32 to vector<16xi32>
        %add3A_615 = arith.addi %add3A_614, %iota3A : vector<16xi32>
        %gather3A_616 = tpu.vector_load_idx %arg10[%add3A_615, %add3A_576] : memref<200x64xf32, #tpu.memory_space<vmem>>[vector<16xi32>, vector<16xi32>], vector<16xf32>,
        %mul3A_617 = arith.mulf %gather3A, %gather3A_616 : vector<16xf32>
        %add3A_618 = arith.addf %scan3A_569, %mul3A_617 : vector<16xf32>
        %add3A_619 = arith.constant 16 : i32
        %add3A_620 = vector.broadcast %add3A_619 : i32 to vector<16xi32>
        %add3A_621 = arith.addi %add3A_620, %and3A_573 : vector<16xi32>
        %gather3A_622 = tpu.vector_load_idx %arg7[%broadcast_in_dim3A_304, %add3A_621] : memref<128x64xf32, #tpu.memory_space<vmem>>[vector<16xi32>, vector<16xi32>], vector<16xf32>,
        %add3A_623 = arith.constant 0 : i32
        %add3A_624 = vector.broadcast %add3A_623 : i32 to vector<16xi32>
        %add3A_625 = arith.addi %add3A_624, %iota3A : vector<16xi32>
        %gather3A_626 = tpu.vector_load_idx %arg10[%add3A_625, %add3A_621] : memref<200x64xf32, #tpu.memory_space<vmem>>[vector<16xi32>, vector<16xi32>], vector<16xf32>,
        %mul3A_627 = arith.mulf %gather3A_622, %gather3A_626 : vector<16xf32>
        %add3A_628 = arith.addf %add3A_582, %mul3A_627 : vector<16xf32>
        %add3A_629 = arith.constant 16 : i32
        %add3A_630 = vector.broadcast %add3A_629 : i32 to vector<16xi32>
        %add3A_631 = arith.addi %add3A_630, %iota3A : vector<16xi32>
        %gather3A_632 = tpu.vector_load_idx %arg10[%add3A_631, %add3A_621] : memref<200x64xf32, #tpu.memory_space<vmem>>[vector<16xi32>, vector<16xi32>], vector<16xf32>,
        %mul3A_633 = arith.mulf %gather3A_622, %gather3A_632 : vector<16xf32>
        %add3A_634 = arith.addf %add3A_588, %mul3A_633 : vector<16xf32>
        %add3A_635 = arith.constant 32 : i32
        %add3A_636 = vector.broadcast %add3A_635 : i32 to vector<16xi32>
        %add3A_637 = arith.addi %add3A_636, %iota3A : vector<16xi32>
        %gather3A_638 = tpu.vector_load_idx %arg10[%add3A_637, %add3A_621] : memref<200x64xf32, #tpu.memory_space<vmem>>[vector<16xi32>, vector<16xi32>], vector<16xf32>,
        %mul3A_639 = arith.mulf %gather3A_622, %gather3A_638 : vector<16xf32>
        %add3A_640 = arith.addf %add3A_594, %mul3A_639 : vector<16xf32>
        %add3A_641 = arith.constant 48 : i32
        %add3A_642 = vector.broadcast %add3A_641 : i32 to vector<16xi32>
        %add3A_643 = arith.addi %add3A_642, %iota3A : vector<16xi32>
        %gather3A_644 = tpu.vector_load_idx %arg10[%add3A_643, %add3A_621] : memref<200x64xf32, #tpu.memory_space<vmem>>[vector<16xi32>, vector<16xi32>], vector<16xf32>,
        %mul3A_645 = arith.mulf %gather3A_622, %gather3A_644 : vector<16xf32>
        %add3A_646 = arith.addf %add3A_600, %mul3A_645 : vector<16xf32>
        %add3A_647 = arith.constant 64 : i32
        %add3A_648 = vector.broadcast %add3A_647 : i32 to vector<16xi32>
        %add3A_649 = arith.addi %add3A_648, %iota3A : vector<16xi32>
        %gather3A_650 = tpu.vector_load_idx %arg10[%add3A_649, %add3A_621] : memref<200x64xf32, #tpu.memory_space<vmem>>[vector<16xi32>, vector<16xi32>], vector<16xf32>,
        %mul3A_651 = arith.mulf %gather3A_622, %gather3A_650 : vector<16xf32>
        %add3A_652 = arith.addf %add3A_606, %mul3A_651 : vector<16xf32>
        %add3A_653 = arith.constant 80 : i32
        %add3A_654 = vector.broadcast %add3A_653 : i32 to vector<16xi32>
        %add3A_655 = arith.addi %add3A_654, %iota3A : vector<16xi32>
        %gather3A_656 = tpu.vector_load_idx %arg10[%add3A_655, %add3A_621] : memref<200x64xf32, #tpu.memory_space<vmem>>[vector<16xi32>, vector<16xi32>], vector<16xf32>,
        %mul3A_657 = arith.mulf %gather3A_622, %gather3A_656 : vector<16xf32>
        %add3A_658 = arith.addf %add3A_612, %mul3A_657 : vector<16xf32>
        %add3A_659 = arith.constant 96 : i32
        %add3A_660 = vector.broadcast %add3A_659 : i32 to vector<16xi32>
        %add3A_661 = arith.addi %add3A_660, %iota3A : vector<16xi32>
        %gather3A_662 = tpu.vector_load_idx %arg10[%add3A_661, %add3A_621] : memref<200x64xf32, #tpu.memory_space<vmem>>[vector<16xi32>, vector<16xi32>], vector<16xf32>,
        %mul3A_663 = arith.mulf %gather3A_622, %gather3A_662 : vector<16xf32>
        %add3A_664 = arith.addf %add3A_618, %mul3A_663 : vector<16xf32>
        %add3A_665 = arith.constant 32 : i32
        %add3A_666 = vector.broadcast %add3A_665 : i32 to vector<16xi32>
        %add3A_667 = arith.addi %add3A_666, %and3A_573 : vector<16xi32>
        %gather3A_668 = tpu.vector_load_idx %arg7[%broadcast_in_dim3A_304, %add3A_667] : memref<128x64xf32, #tpu.memory_space<vmem>>[vector<16xi32>, vector<16xi32>], vector<16xf32>,
        %add3A_669 = arith.constant 0 : i32
        %add3A_670 = vector.broadcast %add3A_669 : i32 to vector<16xi32>
        %add3A_671 = arith.addi %add3A_670, %iota3A : vector<16xi32>
        %gather3A_672 = tpu.vector_load_idx %arg10[%add3A_671, %add3A_667] : memref<200x64xf32, #tpu.memory_space<vmem>>[vector<16xi32>, vector<16xi32>], vector<16xf32>,
        %mul3A_673 = arith.mulf %gather3A_668, %gather3A_672 : vector<16xf32>
        %add3A_674 = arith.addf %add3A_628, %mul3A_673 : vector<16xf32>
        %add3A_675 = arith.constant 16 : i32
        %add3A_676 = vector.broadcast %add3A_675 : i32 to vector<16xi32>
        %add3A_677 = arith.addi %add3A_676, %iota3A : vector<16xi32>
        %gather3A_678 = tpu.vector_load_idx %arg10[%add3A_677, %add3A_667] : memref<200x64xf32, #tpu.memory_space<vmem>>[vector<16xi32>, vector<16xi32>], vector<16xf32>,
        %mul3A_679 = arith.mulf %gather3A_668, %gather3A_678 : vector<16xf32>
        %add3A_680 = arith.addf %add3A_634, %mul3A_679 : vector<16xf32>
        %add3A_681 = arith.constant 32 : i32
        %add3A_682 = vector.broadcast %add3A_681 : i32 to vector<16xi32>
        %add3A_683 = arith.addi %add3A_682, %iota3A : vector<16xi32>
        %gather3A_684 = tpu.vector_load_idx %arg10[%add3A_683, %add3A_667] : memref<200x64xf32, #tpu.memory_space<vmem>>[vector<16xi32>, vector<16xi32>], vector<16xf32>,
        %mul3A_685 = arith.mulf %gather3A_668, %gather3A_684 : vector<16xf32>
        %add3A_686 = arith.addf %add3A_640, %mul3A_685 : vector<16xf32>
        %add3A_687 = arith.constant 48 : i32
        %add3A_688 = vector.broadcast %add3A_687 : i32 to vector<16xi32>
        %add3A_689 = arith.addi %add3A_688, %iota3A : vector<16xi32>
        %gather3A_690 = tpu.vector_load_idx %arg10[%add3A_689, %add3A_667] : memref<200x64xf32, #tpu.memory_space<vmem>>[vector<16xi32>, vector<16xi32>], vector<16xf32>,
        %mul3A_691 = arith.mulf %gather3A_668, %gather3A_690 : vector<16xf32>
        %add3A_692 = arith.addf %add3A_646, %mul3A_691 : vector<16xf32>
        %add3A_693 = arith.constant 64 : i32
        %add3A_694 = vector.broadcast %add3A_693 : i32 to vector<16xi32>
        %add3A_695 = arith.addi %add3A_694, %iota3A : vector<16xi32>
        %gather3A_696 = tpu.vector_load_idx %arg10[%add3A_695, %add3A_667] : memref<200x64xf32, #tpu.memory_space<vmem>>[vector<16xi32>, vector<16xi32>], vector<16xf32>,
        %mul3A_697 = arith.mulf %gather3A_668, %gather3A_696 : vector<16xf32>
        %add3A_698 = arith.addf %add3A_652, %mul3A_697 : vector<16xf32>
        %add3A_699 = arith.constant 80 : i32
        %add3A_700 = vector.broadcast %add3A_699 : i32 to vector<16xi32>
        %add3A_701 = arith.addi %add3A_700, %iota3A : vector<16xi32>
        %gather3A_702 = tpu.vector_load_idx %arg10[%add3A_701, %add3A_667] : memref<200x64xf32, #tpu.memory_space<vmem>>[vector<16xi32>, vector<16xi32>], vector<16xf32>,
        %mul3A_703 = arith.mulf %gather3A_668, %gather3A_702 : vector<16xf32>
        %add3A_704 = arith.addf %add3A_658, %mul3A_703 : vector<16xf32>
        %add3A_705 = arith.constant 96 : i32
        %add3A_706 = vector.broadcast %add3A_705 : i32 to vector<16xi32>
        %add3A_707 = arith.addi %add3A_706, %iota3A : vector<16xi32>
        %gather3A_708 = tpu.vector_load_idx %arg10[%add3A_707, %add3A_667] : memref<200x64xf32, #tpu.memory_space<vmem>>[vector<16xi32>, vector<16xi32>], vector<16xf32>,
        %mul3A_709 = arith.mulf %gather3A_668, %gather3A_708 : vector<16xf32>
        %add3A_710 = arith.addf %add3A_664, %mul3A_709 : vector<16xf32>
        %add3A_711 = arith.constant 48 : i32
        %add3A_712 = vector.broadcast %add3A_711 : i32 to vector<16xi32>
        %add3A_713 = arith.addi %add3A_712, %and3A_573 : vector<16xi32>
        %gather3A_714 = tpu.vector_load_idx %arg7[%broadcast_in_dim3A_304, %add3A_713] : memref<128x64xf32, #tpu.memory_space<vmem>>[vector<16xi32>, vector<16xi32>], vector<16xf32>,
        %add3A_715 = arith.constant 0 : i32
        %add3A_716 = vector.broadcast %add3A_715 : i32 to vector<16xi32>
        %add3A_717 = arith.addi %add3A_716, %iota3A : vector<16xi32>
        %gather3A_718 = tpu.vector_load_idx %arg10[%add3A_717, %add3A_713] : memref<200x64xf32, #tpu.memory_space<vmem>>[vector<16xi32>, vector<16xi32>], vector<16xf32>,
        %mul3A_719 = arith.mulf %gather3A_714, %gather3A_718 : vector<16xf32>
        %add3A_720 = arith.addf %add3A_674, %mul3A_719 : vector<16xf32>
        %add3A_721 = arith.constant 16 : i32
        %add3A_722 = vector.broadcast %add3A_721 : i32 to vector<16xi32>
        %add3A_723 = arith.addi %add3A_722, %iota3A : vector<16xi32>
        %gather3A_724 = tpu.vector_load_idx %arg10[%add3A_723, %add3A_713] : memref<200x64xf32, #tpu.memory_space<vmem>>[vector<16xi32>, vector<16xi32>], vector<16xf32>,
        %mul3A_725 = arith.mulf %gather3A_714, %gather3A_724 : vector<16xf32>
        %add3A_726 = arith.addf %add3A_680, %mul3A_725 : vector<16xf32>
        %add3A_727 = arith.constant 32 : i32
        %add3A_728 = vector.broadcast %add3A_727 : i32 to vector<16xi32>
        %add3A_729 = arith.addi %add3A_728, %iota3A : vector<16xi32>
        %gather3A_730 = tpu.vector_load_idx %arg10[%add3A_729, %add3A_713] : memref<200x64xf32, #tpu.memory_space<vmem>>[vector<16xi32>, vector<16xi32>], vector<16xf32>,
        %mul3A_731 = arith.mulf %gather3A_714, %gather3A_730 : vector<16xf32>
        %add3A_732 = arith.addf %add3A_686, %mul3A_731 : vector<16xf32>
        %add3A_733 = arith.constant 48 : i32
        %add3A_734 = vector.broadcast %add3A_733 : i32 to vector<16xi32>
        %add3A_735 = arith.addi %add3A_734, %iota3A : vector<16xi32>
        %gather3A_736 = tpu.vector_load_idx %arg10[%add3A_735, %add3A_713] : memref<200x64xf32, #tpu.memory_space<vmem>>[vector<16xi32>, vector<16xi32>], vector<16xf32>,
        %mul3A_737 = arith.mulf %gather3A_714, %gather3A_736 : vector<16xf32>
        %add3A_738 = arith.addf %add3A_692, %mul3A_737 : vector<16xf32>
        %add3A_739 = arith.constant 64 : i32
        %add3A_740 = vector.broadcast %add3A_739 : i32 to vector<16xi32>
        %add3A_741 = arith.addi %add3A_740, %iota3A : vector<16xi32>
        %gather3A_742 = tpu.vector_load_idx %arg10[%add3A_741, %add3A_713] : memref<200x64xf32, #tpu.memory_space<vmem>>[vector<16xi32>, vector<16xi32>], vector<16xf32>,
        %mul3A_743 = arith.mulf %gather3A_714, %gather3A_742 : vector<16xf32>
        %add3A_744 = arith.addf %add3A_698, %mul3A_743 : vector<16xf32>
        %add3A_745 = arith.constant 80 : i32
        %add3A_746 = vector.broadcast %add3A_745 : i32 to vector<16xi32>
        %add3A_747 = arith.addi %add3A_746, %iota3A : vector<16xi32>
        %gather3A_748 = tpu.vector_load_idx %arg10[%add3A_747, %add3A_713] : memref<200x64xf32, #tpu.memory_space<vmem>>[vector<16xi32>, vector<16xi32>], vector<16xf32>,
        %mul3A_749 = arith.mulf %gather3A_714, %gather3A_748 : vector<16xf32>
        %add3A_750 = arith.addf %add3A_704, %mul3A_749 : vector<16xf32>
        %add3A_751 = arith.constant 96 : i32
        %add3A_752 = vector.broadcast %add3A_751 : i32 to vector<16xi32>
        %add3A_753 = arith.addi %add3A_752, %iota3A : vector<16xi32>
        %gather3A_754 = tpu.vector_load_idx %arg10[%add3A_753, %add3A_713] : memref<200x64xf32, #tpu.memory_space<vmem>>[vector<16xi32>, vector<16xi32>], vector<16xf32>,
        %mul3A_755 = arith.mulf %gather3A_714, %gather3A_754 : vector<16xf32>
        %add3A_756 = arith.addf %add3A_710, %mul3A_755 : vector<16xf32>
        scf.yield %add3A_720, %add3A_726, %add3A_732, %add3A_738, %add3A_744, %add3A_750, %add3A_756 : vector<16xf32>, vector<16xf32>, vector<16xf32>, vector<16xf32>, vector<16xf32>, vector<16xf32>, vector<16xf32>
      }
      %scan3A_324 = arith.constant 16 : i32
      %mul3A_325 = arith.constant 200 : i32
      %mul3A_326 = arith.muli %add3A_297, %mul3A_325 : i32
      %add3A_327 = arith.constant 0 : i32
      %add3A_328 = arith.addi %mul3A_326, %add3A_327 : i32
      %swap3A_329 = arith.index_cast %add3A_328 : i32 to index
      %swap3A_330 = tpu.vector_load %arg12[%swap3A_329] {strides = array<i32>} : memref<25600xf32, #tpu.memory_space<vmem>>, vector<16xf32>,
      tpu.vector_store %arg12[%swap3A_329], %scan3A_323#0 {strides = array<i32>} : memref<25600xf32, #tpu.memory_space<vmem>>, vector<16xf32>,
      %mul3A_331 = arith.constant 200 : i32
      %mul3A_332 = arith.muli %add3A_297, %mul3A_331 : i32
      %add3A_333 = arith.constant 16 : i32
      %add3A_334 = arith.addi %mul3A_332, %add3A_333 : i32
      %swap3A_335 = arith.index_cast %add3A_334 : i32 to index
      %swap3A_336 = tpu.vector_load %arg12[%swap3A_335] {strides = array<i32>} : memref<25600xf32, #tpu.memory_space<vmem>>, vector<16xf32>,
      tpu.vector_store %arg12[%swap3A_335], %scan3A_323#1 {strides = array<i32>} : memref<25600xf32, #tpu.memory_space<vmem>>, vector<16xf32>,
      %mul3A_337 = arith.constant 200 : i32
      %mul3A_338 = arith.muli %add3A_297, %mul3A_337 : i32
      %add3A_339 = arith.constant 32 : i32
      %add3A_340 = arith.addi %mul3A_338, %add3A_339 : i32
      %swap3A_341 = arith.index_cast %add3A_340 : i32 to index
      %swap3A_342 = tpu.vector_load %arg12[%swap3A_341] {strides = array<i32>} : memref<25600xf32, #tpu.memory_space<vmem>>, vector<16xf32>,
      tpu.vector_store %arg12[%swap3A_341], %scan3A_323#2 {strides = array<i32>} : memref<25600xf32, #tpu.memory_space<vmem>>, vector<16xf32>,
      %mul3A_343 = arith.constant 200 : i32
      %mul3A_344 = arith.muli %add3A_297, %mul3A_343 : i32
      %add3A_345 = arith.constant 48 : i32
      %add3A_346 = arith.addi %mul3A_344, %add3A_345 : i32
      %swap3A_347 = arith.index_cast %add3A_346 : i32 to index
      %swap3A_348 = tpu.vector_load %arg12[%swap3A_347] {strides = array<i32>} : memref<25600xf32, #tpu.memory_space<vmem>>, vector<16xf32>,
      tpu.vector_store %arg12[%swap3A_347], %scan3A_323#3 {strides = array<i32>} : memref<25600xf32, #tpu.memory_space<vmem>>, vector<16xf32>,
      %mul3A_349 = arith.constant 200 : i32
      %mul3A_350 = arith.muli %add3A_297, %mul3A_349 : i32
      %add3A_351 = arith.constant 64 : i32
      %add3A_352 = arith.addi %mul3A_350, %add3A_351 : i32
      %swap3A_353 = arith.index_cast %add3A_352 : i32 to index
      %swap3A_354 = tpu.vector_load %arg12[%swap3A_353] {strides = array<i32>} : memref<25600xf32, #tpu.memory_space<vmem>>, vector<16xf32>,
      tpu.vector_store %arg12[%swap3A_353], %scan3A_323#4 {strides = array<i32>} : memref<25600xf32, #tpu.memory_space<vmem>>, vector<16xf32>,
      %mul3A_355 = arith.constant 200 : i32
      %mul3A_356 = arith.muli %add3A_297, %mul3A_355 : i32
      %add3A_357 = arith.constant 80 : i32
      %add3A_358 = arith.addi %mul3A_356, %add3A_357 : i32
      %swap3A_359 = arith.index_cast %add3A_358 : i32 to index
      %swap3A_360 = tpu.vector_load %arg12[%swap3A_359] {strides = array<i32>} : memref<25600xf32, #tpu.memory_space<vmem>>, vector<16xf32>,
      tpu.vector_store %arg12[%swap3A_359], %scan3A_323#5 {strides = array<i32>} : memref<25600xf32, #tpu.memory_space<vmem>>, vector<16xf32>,
      %mul3A_361 = arith.constant 200 : i32
      %mul3A_362 = arith.muli %add3A_297, %mul3A_361 : i32
      %add3A_363 = arith.constant 96 : i32
      %add3A_364 = arith.addi %mul3A_362, %add3A_363 : i32
      %swap3A_365 = arith.index_cast %add3A_364 : i32 to index
      %swap3A_366 = tpu.vector_load %arg12[%swap3A_365] {strides = array<i32>} : memref<25600xf32, #tpu.memory_space<vmem>>, vector<16xf32>,
      tpu.vector_store %arg12[%swap3A_365], %scan3A_323#6 {strides = array<i32>} : memref<25600xf32, #tpu.memory_space<vmem>>, vector<16xf32>,
      %broadcast_in_dim3A_367 = arith.constant 0.000000e+00 : f32
      %broadcast_in_dim3A_368 = vector.broadcast %broadcast_in_dim3A_367 : f32 to vector<16xf32>
      %broadcast_in_dim3A_369 = arith.constant 0.000000e+00 : f32
      %broadcast_in_dim3A_370 = vector.broadcast %broadcast_in_dim3A_369 : f32 to vector<16xf32>
      %broadcast_in_dim3A_371 = arith.constant 0.000000e+00 : f32
      %broadcast_in_dim3A_372 = vector.broadcast %broadcast_in_dim3A_371 : f32 to vector<16xf32>
      %broadcast_in_dim3A_373 = arith.constant 0.000000e+00 : f32
      %broadcast_in_dim3A_374 = vector.broadcast %broadcast_in_dim3A_373 : f32 to vector<16xf32>
      %broadcast_in_dim3A_375 = arith.constant 0.000000e+00 : f32
      %broadcast_in_dim3A_376 = vector.broadcast %broadcast_in_dim3A_375 : f32 to vector<16xf32>
      %broadcast_in_dim3A_377 = arith.constant 0.000000e+00 : f32
      %broadcast_in_dim3A_378 = vector.broadcast %broadcast_in_dim3A_377 : f32 to vector<16xf32>
      %scan3A_379 = arith.constant 0 : i32
      %scan3A_380 = arith.constant 16 : i32
      %scan3A_381 = arith.addi %scan3A_379, %scan3A_380 : i32
      %scan3A_382 = arith.constant 1 : i32
      %scan3A_383:6 = scf.for %scan3A_562 = %scan3A_379 to %scan3A_381 step %scan3A_382 iter_args(%scan3A_563 = %broadcast_in_dim3A_368, %scan3A_564 = %broadcast_in_dim3A_370, %scan3A_565 = %broadcast_in_dim3A_372, %scan3A_566 = %broadcast_in_dim3A_374, %scan3A_567 = %broadcast_in_dim3A_376, %scan3A_568 = %broadcast_in_dim3A_378) -> (vector<16xf32>, vector<16xf32>, vector<16xf32>, vector<16xf32>, vector<16xf32>, vector<16xf32>)  : i32 {
        %add3A_569 = vector.broadcast %scan3A_562 : i32 to vector<16xi32>
        %add3A_570 = arith.addi %iota3A, %add3A_569 : vector<16xi32>
        %and3A = arith.constant 15 : i32
        %and3A_571 = vector.broadcast %and3A : i32 to vector<16xi32>
        %and3A_572 = arith.andi %add3A_570, %and3A_571 : vector<16xi32>
        %add3A_573 = arith.constant 0 : i32
        %add3A_574 = vector.broadcast %add3A_573 : i32 to vector<16xi32>
        %add3A_575 = arith.addi %add3A_574, %and3A_572 : vector<16xi32>
        %gather3A = tpu.vector_load_idx %arg7[%broadcast_in_dim3A_304, %add3A_575] : memref<128x64xf32, #tpu.memory_space<vmem>>[vector<16xi32>, vector<16xi32>], vector<16xf32>,
        %add3A_576 = arith.constant 112 : i32
        %add3A_577 = vector.broadcast %add3A_576 : i32 to vector<16xi32>
        %add3A_578 = arith.addi %add3A_577, %iota3A : vector<16xi32>
        %gather3A_579 = tpu.vector_load_idx %arg10[%add3A_578, %add3A_575] : memref<200x64xf32, #tpu.memory_space<vmem>>[vector<16xi32>, vector<16xi32>], vector<16xf32>,
        %mul3A_580 = arith.mulf %gather3A, %gather3A_579 : vector<16xf32>
        %add3A_581 = arith.addf %scan3A_563, %mul3A_580 : vector<16xf32>
        %add3A_582 = arith.constant 128 : i32
        %add3A_583 = vector.broadcast %add3A_582 : i32 to vector<16xi32>
        %add3A_584 = arith.addi %add3A_583, %iota3A : vector<16xi32>
        %gather3A_585 = tpu.vector_load_idx %arg10[%add3A_584, %add3A_575] : memref<200x64xf32, #tpu.memory_space<vmem>>[vector<16xi32>, vector<16xi32>], vector<16xf32>,
        %mul3A_586 = arith.mulf %gather3A, %gather3A_585 : vector<16xf32>
        %add3A_587 = arith.addf %scan3A_564, %mul3A_586 : vector<16xf32>
        %add3A_588 = arith.constant 144 : i32
        %add3A_589 = vector.broadcast %add3A_588 : i32 to vector<16xi32>
        %add3A_590 = arith.addi %add3A_589, %iota3A : vector<16xi32>
        %gather3A_591 = tpu.vector_load_idx %arg10[%add3A_590, %add3A_575] : memref<200x64xf32, #tpu.memory_space<vmem>>[vector<16xi32>, vector<16xi32>], vector<16xf32>,
        %mul3A_592 = arith.mulf %gather3A, %gather3A_591 : vector<16xf32>
        %add3A_593 = arith.addf %scan3A_565, %mul3A_592 : vector<16xf32>
        %add3A_594 = arith.constant 160 : i32
        %add3A_595 = vector.broadcast %add3A_594 : i32 to vector<16xi32>
        %add3A_596 = arith.addi %add3A_595, %iota3A : vector<16xi32>
        %gather3A_597 = tpu.vector_load_idx %arg10[%add3A_596, %add3A_575] : memref<200x64xf32, #tpu.memory_space<vmem>>[vector<16xi32>, vector<16xi32>], vector<16xf32>,
        %mul3A_598 = arith.mulf %gather3A, %gather3A_597 : vector<16xf32>
        %add3A_599 = arith.addf %scan3A_566, %mul3A_598 : vector<16xf32>
        %add3A_600 = arith.constant 176 : i32
        %add3A_601 = vector.broadcast %add3A_600 : i32 to vector<16xi32>
        %add3A_602 = arith.addi %add3A_601, %iota3A : vector<16xi32>
        %gather3A_603 = tpu.vector_load_idx %arg10[%add3A_602, %add3A_575] : memref<200x64xf32, #tpu.memory_space<vmem>>[vector<16xi32>, vector<16xi32>], vector<16xf32>,
        %mul3A_604 = arith.mulf %gather3A, %gather3A_603 : vector<16xf32>
        %add3A_605 = arith.addf %scan3A_567, %mul3A_604 : vector<16xf32>
        %add3A_606 = arith.constant 184 : i32
        %add3A_607 = vector.broadcast %add3A_606 : i32 to vector<16xi32>
        %add3A_608 = arith.addi %add3A_607, %iota3A : vector<16xi32>
        %gather3A_609 = tpu.vector_load_idx %arg10[%add3A_608, %add3A_575] : memref<200x64xf32, #tpu.memory_space<vmem>>[vector<16xi32>, vector<16xi32>], vector<16xf32>,
        %mul3A_610 = arith.mulf %gather3A, %gather3A_609 : vector<16xf32>
        %add3A_611 = arith.addf %scan3A_568, %mul3A_610 : vector<16xf32>
        %add3A_612 = arith.constant 16 : i32
        %add3A_613 = vector.broadcast %add3A_612 : i32 to vector<16xi32>
        %add3A_614 = arith.addi %add3A_613, %and3A_572 : vector<16xi32>
        %gather3A_615 = tpu.vector_load_idx %arg7[%broadcast_in_dim3A_304, %add3A_614] : memref<128x64xf32, #tpu.memory_space<vmem>>[vector<16xi32>, vector<16xi32>], vector<16xf32>,
        %add3A_616 = arith.constant 112 : i32
        %add3A_617 = vector.broadcast %add3A_616 : i32 to vector<16xi32>
        %add3A_618 = arith.addi %add3A_617, %iota3A : vector<16xi32>
        %gather3A_619 = tpu.vector_load_idx %arg10[%add3A_618, %add3A_614] : memref<200x64xf32, #tpu.memory_space<vmem>>[vector<16xi32>, vector<16xi32>], vector<16xf32>,
        %mul3A_620 = arith.mulf %gather3A_615, %gather3A_619 : vector<16xf32>
        %add3A_621 = arith.addf %add3A_581, %mul3A_620 : vector<16xf32>
        %add3A_622 = arith.constant 128 : i32
        %add3A_623 = vector.broadcast %add3A_622 : i32 to vector<16xi32>
        %add3A_624 = arith.addi %add3A_623, %iota3A : vector<16xi32>
        %gather3A_625 = tpu.vector_load_idx %arg10[%add3A_624, %add3A_614] : memref<200x64xf32, #tpu.memory_space<vmem>>[vector<16xi32>, vector<16xi32>], vector<16xf32>,
        %mul3A_626 = arith.mulf %gather3A_615, %gather3A_625 : vector<16xf32>
        %add3A_627 = arith.addf %add3A_587, %mul3A_626 : vector<16xf32>
        %add3A_628 = arith.constant 144 : i32
        %add3A_629 = vector.broadcast %add3A_628 : i32 to vector<16xi32>
        %add3A_630 = arith.addi %add3A_629, %iota3A : vector<16xi32>
        %gather3A_631 = tpu.vector_load_idx %arg10[%add3A_630, %add3A_614] : memref<200x64xf32, #tpu.memory_space<vmem>>[vector<16xi32>, vector<16xi32>], vector<16xf32>,
        %mul3A_632 = arith.mulf %gather3A_615, %gather3A_631 : vector<16xf32>
        %add3A_633 = arith.addf %add3A_593, %mul3A_632 : vector<16xf32>
        %add3A_634 = arith.constant 160 : i32
        %add3A_635 = vector.broadcast %add3A_634 : i32 to vector<16xi32>
        %add3A_636 = arith.addi %add3A_635, %iota3A : vector<16xi32>
        %gather3A_637 = tpu.vector_load_idx %arg10[%add3A_636, %add3A_614] : memref<200x64xf32, #tpu.memory_space<vmem>>[vector<16xi32>, vector<16xi32>], vector<16xf32>,
        %mul3A_638 = arith.mulf %gather3A_615, %gather3A_637 : vector<16xf32>
        %add3A_639 = arith.addf %add3A_599, %mul3A_638 : vector<16xf32>
        %add3A_640 = arith.constant 176 : i32
        %add3A_641 = vector.broadcast %add3A_640 : i32 to vector<16xi32>
        %add3A_642 = arith.addi %add3A_641, %iota3A : vector<16xi32>
        %gather3A_643 = tpu.vector_load_idx %arg10[%add3A_642, %add3A_614] : memref<200x64xf32, #tpu.memory_space<vmem>>[vector<16xi32>, vector<16xi32>], vector<16xf32>,
        %mul3A_644 = arith.mulf %gather3A_615, %gather3A_643 : vector<16xf32>
        %add3A_645 = arith.addf %add3A_605, %mul3A_644 : vector<16xf32>
        %add3A_646 = arith.constant 184 : i32
        %add3A_647 = vector.broadcast %add3A_646 : i32 to vector<16xi32>
        %add3A_648 = arith.addi %add3A_647, %iota3A : vector<16xi32>
        %gather3A_649 = tpu.vector_load_idx %arg10[%add3A_648, %add3A_614] : memref<200x64xf32, #tpu.memory_space<vmem>>[vector<16xi32>, vector<16xi32>], vector<16xf32>,
        %mul3A_650 = arith.mulf %gather3A_615, %gather3A_649 : vector<16xf32>
        %add3A_651 = arith.addf %add3A_611, %mul3A_650 : vector<16xf32>
        %add3A_652 = arith.constant 32 : i32
        %add3A_653 = vector.broadcast %add3A_652 : i32 to vector<16xi32>
        %add3A_654 = arith.addi %add3A_653, %and3A_572 : vector<16xi32>
        %gather3A_655 = tpu.vector_load_idx %arg7[%broadcast_in_dim3A_304, %add3A_654] : memref<128x64xf32, #tpu.memory_space<vmem>>[vector<16xi32>, vector<16xi32>], vector<16xf32>,
        %add3A_656 = arith.constant 112 : i32
        %add3A_657 = vector.broadcast %add3A_656 : i32 to vector<16xi32>
        %add3A_658 = arith.addi %add3A_657, %iota3A : vector<16xi32>
        %gather3A_659 = tpu.vector_load_idx %arg10[%add3A_658, %add3A_654] : memref<200x64xf32, #tpu.memory_space<vmem>>[vector<16xi32>, vector<16xi32>], vector<16xf32>,
        %mul3A_660 = arith.mulf %gather3A_655, %gather3A_659 : vector<16xf32>
        %add3A_661 = arith.addf %add3A_621, %mul3A_660 : vector<16xf32>
        %add3A_662 = arith.constant 128 : i32
        %add3A_663 = vector.broadcast %add3A_662 : i32 to vector<16xi32>
        %add3A_664 = arith.addi %add3A_663, %iota3A : vector<16xi32>
        %gather3A_665 = tpu.vector_load_idx %arg10[%add3A_664, %add3A_654] : memref<200x64xf32, #tpu.memory_space<vmem>>[vector<16xi32>, vector<16xi32>], vector<16xf32>,
        %mul3A_666 = arith.mulf %gather3A_655, %gather3A_665 : vector<16xf32>
        %add3A_667 = arith.addf %add3A_627, %mul3A_666 : vector<16xf32>
        %add3A_668 = arith.constant 144 : i32
        %add3A_669 = vector.broadcast %add3A_668 : i32 to vector<16xi32>
        %add3A_670 = arith.addi %add3A_669, %iota3A : vector<16xi32>
        %gather3A_671 = tpu.vector_load_idx %arg10[%add3A_670, %add3A_654] : memref<200x64xf32, #tpu.memory_space<vmem>>[vector<16xi32>, vector<16xi32>], vector<16xf32>,
        %mul3A_672 = arith.mulf %gather3A_655, %gather3A_671 : vector<16xf32>
        %add3A_673 = arith.addf %add3A_633, %mul3A_672 : vector<16xf32>
        %add3A_674 = arith.constant 160 : i32
        %add3A_675 = vector.broadcast %add3A_674 : i32 to vector<16xi32>
        %add3A_676 = arith.addi %add3A_675, %iota3A : vector<16xi32>
        %gather3A_677 = tpu.vector_load_idx %arg10[%add3A_676, %add3A_654] : memref<200x64xf32, #tpu.memory_space<vmem>>[vector<16xi32>, vector<16xi32>], vector<16xf32>,
        %mul3A_678 = arith.mulf %gather3A_655, %gather3A_677 : vector<16xf32>
        %add3A_679 = arith.addf %add3A_639, %mul3A_678 : vector<16xf32>
        %add3A_680 = arith.constant 176 : i32
        %add3A_681 = vector.broadcast %add3A_680 : i32 to vector<16xi32>
        %add3A_682 = arith.addi %add3A_681, %iota3A : vector<16xi32>
        %gather3A_683 = tpu.vector_load_idx %arg10[%add3A_682, %add3A_654] : memref<200x64xf32, #tpu.memory_space<vmem>>[vector<16xi32>, vector<16xi32>], vector<16xf32>,
        %mul3A_684 = arith.mulf %gather3A_655, %gather3A_683 : vector<16xf32>
        %add3A_685 = arith.addf %add3A_645, %mul3A_684 : vector<16xf32>
        %add3A_686 = arith.constant 184 : i32
        %add3A_687 = vector.broadcast %add3A_686 : i32 to vector<16xi32>
        %add3A_688 = arith.addi %add3A_687, %iota3A : vector<16xi32>
        %gather3A_689 = tpu.vector_load_idx %arg10[%add3A_688, %add3A_654] : memref<200x64xf32, #tpu.memory_space<vmem>>[vector<16xi32>, vector<16xi32>], vector<16xf32>,
        %mul3A_690 = arith.mulf %gather3A_655, %gather3A_689 : vector<16xf32>
        %add3A_691 = arith.addf %add3A_651, %mul3A_690 : vector<16xf32>
        %add3A_692 = arith.constant 48 : i32
        %add3A_693 = vector.broadcast %add3A_692 : i32 to vector<16xi32>
        %add3A_694 = arith.addi %add3A_693, %and3A_572 : vector<16xi32>
        %gather3A_695 = tpu.vector_load_idx %arg7[%broadcast_in_dim3A_304, %add3A_694] : memref<128x64xf32, #tpu.memory_space<vmem>>[vector<16xi32>, vector<16xi32>], vector<16xf32>,
        %add3A_696 = arith.constant 112 : i32
        %add3A_697 = vector.broadcast %add3A_696 : i32 to vector<16xi32>
        %add3A_698 = arith.addi %add3A_697, %iota3A : vector<16xi32>
        %gather3A_699 = tpu.vector_load_idx %arg10[%add3A_698, %add3A_694] : memref<200x64xf32, #tpu.memory_space<vmem>>[vector<16xi32>, vector<16xi32>], vector<16xf32>,
        %mul3A_700 = arith.mulf %gather3A_695, %gather3A_699 : vector<16xf32>
        %add3A_701 = arith.addf %add3A_661, %mul3A_700 : vector<16xf32>
        %add3A_702 = arith.constant 128 : i32
        %add3A_703 = vector.broadcast %add3A_702 : i32 to vector<16xi32>
        %add3A_704 = arith.addi %add3A_703, %iota3A : vector<16xi32>
        %gather3A_705 = tpu.vector_load_idx %arg10[%add3A_704, %add3A_694] : memref<200x64xf32, #tpu.memory_space<vmem>>[vector<16xi32>, vector<16xi32>], vector<16xf32>,
        %mul3A_706 = arith.mulf %gather3A_695, %gather3A_705 : vector<16xf32>
        %add3A_707 = arith.addf %add3A_667, %mul3A_706 : vector<16xf32>
        %add3A_708 = arith.constant 144 : i32
        %add3A_709 = vector.broadcast %add3A_708 : i32 to vector<16xi32>
        %add3A_710 = arith.addi %add3A_709, %iota3A : vector<16xi32>
        %gather3A_711 = tpu.vector_load_idx %arg10[%add3A_710, %add3A_694] : memref<200x64xf32, #tpu.memory_space<vmem>>[vector<16xi32>, vector<16xi32>], vector<16xf32>,
        %mul3A_712 = arith.mulf %gather3A_695, %gather3A_711 : vector<16xf32>
        %add3A_713 = arith.addf %add3A_673, %mul3A_712 : vector<16xf32>
        %add3A_714 = arith.constant 160 : i32
        %add3A_715 = vector.broadcast %add3A_714 : i32 to vector<16xi32>
        %add3A_716 = arith.addi %add3A_715, %iota3A : vector<16xi32>
        %gather3A_717 = tpu.vector_load_idx %arg10[%add3A_716, %add3A_694] : memref<200x64xf32, #tpu.memory_space<vmem>>[vector<16xi32>, vector<16xi32>], vector<16xf32>,
        %mul3A_718 = arith.mulf %gather3A_695, %gather3A_717 : vector<16xf32>
        %add3A_719 = arith.addf %add3A_679, %mul3A_718 : vector<16xf32>
        %add3A_720 = arith.constant 176 : i32
        %add3A_721 = vector.broadcast %add3A_720 : i32 to vector<16xi32>
        %add3A_722 = arith.addi %add3A_721, %iota3A : vector<16xi32>
        %gather3A_723 = tpu.vector_load_idx %arg10[%add3A_722, %add3A_694] : memref<200x64xf32, #tpu.memory_space<vmem>>[vector<16xi32>, vector<16xi32>], vector<16xf32>,
        %mul3A_724 = arith.mulf %gather3A_695, %gather3A_723 : vector<16xf32>
        %add3A_725 = arith.addf %add3A_685, %mul3A_724 : vector<16xf32>
        %add3A_726 = arith.constant 184 : i32
        %add3A_727 = vector.broadcast %add3A_726 : i32 to vector<16xi32>
        %add3A_728 = arith.addi %add3A_727, %iota3A : vector<16xi32>
        %gather3A_729 = tpu.vector_load_idx %arg10[%add3A_728, %add3A_694] : memref<200x64xf32, #tpu.memory_space<vmem>>[vector<16xi32>, vector<16xi32>], vector<16xf32>,
        %mul3A_730 = arith.mulf %gather3A_695, %gather3A_729 : vector<16xf32>
        %add3A_731 = arith.addf %add3A_691, %mul3A_730 : vector<16xf32>
        scf.yield %add3A_701, %add3A_707, %add3A_713, %add3A_719, %add3A_725, %add3A_731 : vector<16xf32>, vector<16xf32>, vector<16xf32>, vector<16xf32>, vector<16xf32>, vector<16xf32>
      }
      %scan3A_384 = arith.constant 16 : i32
      %mul3A_385 = arith.constant 200 : i32
      %mul3A_386 = arith.muli %add3A_297, %mul3A_385 : i32
      %add3A_387 = arith.constant 112 : i32
      %add3A_388 = arith.addi %mul3A_386, %add3A_387 : i32
      %swap3A_389 = arith.index_cast %add3A_388 : i32 to index
      %swap3A_390 = tpu.vector_load %arg12[%swap3A_389] {strides = array<i32>} : memref<25600xf32, #tpu.memory_space<vmem>>, vector<16xf32>,
      tpu.vector_store %arg12[%swap3A_389], %scan3A_383#0 {strides = array<i32>} : memref<25600xf32, #tpu.memory_space<vmem>>, vector<16xf32>,
      %mul3A_391 = arith.constant 200 : i32
      %mul3A_392 = arith.muli %add3A_297, %mul3A_391 : i32
      %add3A_393 = arith.constant 128 : i32
      %add3A_394 = arith.addi %mul3A_392, %add3A_393 : i32
      %swap3A_395 = arith.index_cast %add3A_394 : i32 to index
      %swap3A_396 = tpu.vector_load %arg12[%swap3A_395] {strides = array<i32>} : memref<25600xf32, #tpu.memory_space<vmem>>, vector<16xf32>,
      tpu.vector_store %arg12[%swap3A_395], %scan3A_383#1 {strides = array<i32>} : memref<25600xf32, #tpu.memory_space<vmem>>, vector<16xf32>,
      %mul3A_397 = arith.constant 200 : i32
      %mul3A_398 = arith.muli %add3A_297, %mul3A_397 : i32
      %add3A_399 = arith.constant 144 : i32
      %add3A_400 = arith.addi %mul3A_398, %add3A_399 : i32
      %swap3A_401 = arith.index_cast %add3A_400 : i32 to index
      %swap3A_402 = tpu.vector_load %arg12[%swap3A_401] {strides = array<i32>} : memref<25600xf32, #tpu.memory_space<vmem>>, vector<16xf32>,
      tpu.vector_store %arg12[%swap3A_401], %scan3A_383#2 {strides = array<i32>} : memref<25600xf32, #tpu.memory_space<vmem>>, vector<16xf32>,
      %mul3A_403 = arith.constant 200 : i32
      %mul3A_404 = arith.muli %add3A_297, %mul3A_403 : i32
      %add3A_405 = arith.constant 160 : i32
      %add3A_406 = arith.addi %mul3A_404, %add3A_405 : i32
      %swap3A_407 = arith.index_cast %add3A_406 : i32 to index
      %swap3A_408 = tpu.vector_load %arg12[%swap3A_407] {strides = array<i32>} : memref<25600xf32, #tpu.memory_space<vmem>>, vector<16xf32>,
      tpu.vector_store %arg12[%swap3A_407], %scan3A_383#3 {strides = array<i32>} : memref<25600xf32, #tpu.memory_space<vmem>>, vector<16xf32>,
      %mul3A_409 = arith.constant 200 : i32
      %mul3A_410 = arith.muli %add3A_297, %mul3A_409 : i32
      %add3A_411 = arith.constant 176 : i32
      %add3A_412 = arith.addi %mul3A_410, %add3A_411 : i32
      %swap3A_413 = arith.index_cast %add3A_412 : i32 to index
      %swap3A_414 = tpu.vector_load %arg12[%swap3A_413] {strides = array<i32>} : memref<25600xf32, #tpu.memory_space<vmem>>, vector<16xf32>,
      tpu.vector_store %arg12[%swap3A_413], %scan3A_383#4 {strides = array<i32>} : memref<25600xf32, #tpu.memory_space<vmem>>, vector<16xf32>,
      %mul3A_415 = arith.constant 200 : i32
      %mul3A_416 = arith.muli %add3A_297, %mul3A_415 : i32
      %add3A_417 = arith.constant 184 : i32
      %add3A_418 = arith.addi %mul3A_416, %add3A_417 : i32
      %swap3A_419 = arith.index_cast %add3A_418 : i32 to index
      %swap3A_420 = tpu.vector_load %arg12[%swap3A_419] {strides = array<i32>} : memref<25600xf32, #tpu.memory_space<vmem>>, vector<16xf32>,
      tpu.vector_store %arg12[%swap3A_419], %scan3A_383#5 {strides = array<i32>} : memref<25600xf32, #tpu.memory_space<vmem>>, vector<16xf32>,
      %add3A_421 = arith.constant 4 : i32
      %add3A_422 = arith.addi %add3A_297, %add3A_421 : i32
      %lt3A_423 = arith.constant 128 : i32
      %lt3A_424 = arith.cmpi slt, %add3A_422, %lt3A_423 : i32
      %convert_element_type3A_425 = arith.extui %lt3A_424 : i1 to i32
      %cond3A_426 = arith.constant 0 : i32
      %cond3A_427 = arith.cmpi ne, %convert_element_type3A_425, %cond3A_426 : i32
      scf.if %cond3A_427 {
        %add3A_562 = arith.constant 4 : i32
        %add3A_563 = arith.addi %add3A_297, %add3A_562 : i32
        %mul3A_564 = arith.constant 200 : i32
        %mul3A_565 = arith.muli %add3A_563, %mul3A_564 : i32
        %dma_start3A_566 = tpu.memref_slice %arg6[%mul3A_565] : memref<25600xi32, #tpu.memory_space<vmem>> -> memref<200xi32, #tpu.memory_space<vmem>>
        %dma_start3A_567 = arith.constant 0 : i32
        %dma_start3A_568 = arith.constant 0 : i32
        %dma_start3A_569 = tpu.memref_slice %arg4[%dma_start3A_567, %dma_start3A_568] : memref<2000000x64xf32, #tpu.memory_space<hbm>> -> memref<2000000x64xf32, #tpu.memory_space<hbm>>
        tpu.enqueue_indirect_dma source(%dma_start3A_569 : memref<2000000x64xf32, #tpu.memory_space<hbm>>) target(%arg10 : memref<200x64xf32, #tpu.memory_space<vmem>>) offsets(%dma_start3A_566 : memref<200xi32, #tpu.memory_space<vmem>>) semaphore(%arg15 : memref<!tpu.dma_semaphore, #tpu.memory_space<semaphore_mem>>)
      } else {
      }
      %mul3A_428 = arith.constant 4 : i32
      %mul3A_429 = arith.muli %mul3A_428, %scan3A_31 : i32
      %add3A_430 = arith.constant 3 : i32
      %add3A_431 = arith.addi %mul3A_429, %add3A_430 : i32
      %dma_wait3A_432 = arith.constant 0 : i32
      %dma_wait3A_433 = arith.constant 0 : i32
      %dma_wait3A_434 = tpu.memref_slice %arg4[%dma_wait3A_432, %dma_wait3A_433] : memref<2000000x64xf32, #tpu.memory_space<hbm>> -> memref<200x64xf32, #tpu.memory_space<hbm>>
      %dma_wait3A_435 = arith.constant 0 : i32
      %dma_wait3A_436 = arith.constant 0 : i32
      %dma_wait3A_437 = tpu.memref_slice %arg4[%dma_wait3A_435, %dma_wait3A_436] : memref<2000000x64xf32, #tpu.memory_space<hbm>> -> memref<200x64xf32, #tpu.memory_space<hbm>>
      tpu.wait_dma2 semaphore(%arg16 : memref<!tpu.dma_semaphore, #tpu.memory_space<semaphore_mem>>) src(%dma_wait3A_437 : memref<200x64xf32, #tpu.memory_space<hbm>>) dst(%arg11 : memref<200x64xf32, #tpu.memory_space<vmem>>)
      %broadcast_in_dim3A_438 = vector.broadcast %add3A_431 : i32 to vector<16xi32>
      %broadcast_in_dim3A_439 = arith.constant 0.000000e+00 : f32
      %broadcast_in_dim3A_440 = vector.broadcast %broadcast_in_dim3A_439 : f32 to vector<16xf32>
      %broadcast_in_dim3A_441 = arith.constant 0.000000e+00 : f32
      %broadcast_in_dim3A_442 = vector.broadcast %broadcast_in_dim3A_441 : f32 to vector<16xf32>
      %broadcast_in_dim3A_443 = arith.constant 0.000000e+00 : f32
      %broadcast_in_dim3A_444 = vector.broadcast %broadcast_in_dim3A_443 : f32 to vector<16xf32>
      %broadcast_in_dim3A_445 = arith.constant 0.000000e+00 : f32
      %broadcast_in_dim3A_446 = vector.broadcast %broadcast_in_dim3A_445 : f32 to vector<16xf32>
      %broadcast_in_dim3A_447 = arith.constant 0.000000e+00 : f32
      %broadcast_in_dim3A_448 = vector.broadcast %broadcast_in_dim3A_447 : f32 to vector<16xf32>
      %broadcast_in_dim3A_449 = arith.constant 0.000000e+00 : f32
      %broadcast_in_dim3A_450 = vector.broadcast %broadcast_in_dim3A_449 : f32 to vector<16xf32>
      %broadcast_in_dim3A_451 = arith.constant 0.000000e+00 : f32
      %broadcast_in_dim3A_452 = vector.broadcast %broadcast_in_dim3A_451 : f32 to vector<16xf32>
      %scan3A_453 = arith.constant 0 : i32
      %scan3A_454 = arith.constant 16 : i32
      %scan3A_455 = arith.addi %scan3A_453, %scan3A_454 : i32
      %scan3A_456 = arith.constant 1 : i32
      %scan3A_457:7 = scf.for %scan3A_562 = %scan3A_453 to %scan3A_455 step %scan3A_456 iter_args(%scan3A_563 = %broadcast_in_dim3A_440, %scan3A_564 = %broadcast_in_dim3A_442, %scan3A_565 = %broadcast_in_dim3A_444, %scan3A_566 = %broadcast_in_dim3A_446, %scan3A_567 = %broadcast_in_dim3A_448, %scan3A_568 = %broadcast_in_dim3A_450, %scan3A_569 = %broadcast_in_dim3A_452) -> (vector<16xf32>, vector<16xf32>, vector<16xf32>, vector<16xf32>, vector<16xf32>, vector<16xf32>, vector<16xf32>)  : i32 {
        %add3A_570 = vector.broadcast %scan3A_562 : i32 to vector<16xi32>
        %add3A_571 = arith.addi %iota3A, %add3A_570 : vector<16xi32>
        %and3A = arith.constant 15 : i32
        %and3A_572 = vector.broadcast %and3A : i32 to vector<16xi32>
        %and3A_573 = arith.andi %add3A_571, %and3A_572 : vector<16xi32>
        %add3A_574 = arith.constant 0 : i32
        %add3A_575 = vector.broadcast %add3A_574 : i32 to vector<16xi32>
        %add3A_576 = arith.addi %add3A_575, %and3A_573 : vector<16xi32>
        %gather3A = tpu.vector_load_idx %arg7[%broadcast_in_dim3A_438, %add3A_576] : memref<128x64xf32, #tpu.memory_space<vmem>>[vector<16xi32>, vector<16xi32>], vector<16xf32>,
        %add3A_577 = arith.constant 0 : i32
        %add3A_578 = vector.broadcast %add3A_577 : i32 to vector<16xi32>
        %add3A_579 = arith.addi %add3A_578, %iota3A : vector<16xi32>
        %gather3A_580 = tpu.vector_load_idx %arg11[%add3A_579, %add3A_576] : memref<200x64xf32, #tpu.memory_space<vmem>>[vector<16xi32>, vector<16xi32>], vector<16xf32>,
        %mul3A_581 = arith.mulf %gather3A, %gather3A_580 : vector<16xf32>
        %add3A_582 = arith.addf %scan3A_563, %mul3A_581 : vector<16xf32>
        %add3A_583 = arith.constant 16 : i32
        %add3A_584 = vector.broadcast %add3A_583 : i32 to vector<16xi32>
        %add3A_585 = arith.addi %add3A_584, %iota3A : vector<16xi32>
        %gather3A_586 = tpu.vector_load_idx %arg11[%add3A_585, %add3A_576] : memref<200x64xf32, #tpu.memory_space<vmem>>[vector<16xi32>, vector<16xi32>], vector<16xf32>,
        %mul3A_587 = arith.mulf %gather3A, %gather3A_586 : vector<16xf32>
        %add3A_588 = arith.addf %scan3A_564, %mul3A_587 : vector<16xf32>
        %add3A_589 = arith.constant 32 : i32
        %add3A_590 = vector.broadcast %add3A_589 : i32 to vector<16xi32>
        %add3A_591 = arith.addi %add3A_590, %iota3A : vector<16xi32>
        %gather3A_592 = tpu.vector_load_idx %arg11[%add3A_591, %add3A_576] : memref<200x64xf32, #tpu.memory_space<vmem>>[vector<16xi32>, vector<16xi32>], vector<16xf32>,
        %mul3A_593 = arith.mulf %gather3A, %gather3A_592 : vector<16xf32>
        %add3A_594 = arith.addf %scan3A_565, %mul3A_593 : vector<16xf32>
        %add3A_595 = arith.constant 48 : i32
        %add3A_596 = vector.broadcast %add3A_595 : i32 to vector<16xi32>
        %add3A_597 = arith.addi %add3A_596, %iota3A : vector<16xi32>
        %gather3A_598 = tpu.vector_load_idx %arg11[%add3A_597, %add3A_576] : memref<200x64xf32, #tpu.memory_space<vmem>>[vector<16xi32>, vector<16xi32>], vector<16xf32>,
        %mul3A_599 = arith.mulf %gather3A, %gather3A_598 : vector<16xf32>
        %add3A_600 = arith.addf %scan3A_566, %mul3A_599 : vector<16xf32>
        %add3A_601 = arith.constant 64 : i32
        %add3A_602 = vector.broadcast %add3A_601 : i32 to vector<16xi32>
        %add3A_603 = arith.addi %add3A_602, %iota3A : vector<16xi32>
        %gather3A_604 = tpu.vector_load_idx %arg11[%add3A_603, %add3A_576] : memref<200x64xf32, #tpu.memory_space<vmem>>[vector<16xi32>, vector<16xi32>], vector<16xf32>,
        %mul3A_605 = arith.mulf %gather3A, %gather3A_604 : vector<16xf32>
        %add3A_606 = arith.addf %scan3A_567, %mul3A_605 : vector<16xf32>
        %add3A_607 = arith.constant 80 : i32
        %add3A_608 = vector.broadcast %add3A_607 : i32 to vector<16xi32>
        %add3A_609 = arith.addi %add3A_608, %iota3A : vector<16xi32>
        %gather3A_610 = tpu.vector_load_idx %arg11[%add3A_609, %add3A_576] : memref<200x64xf32, #tpu.memory_space<vmem>>[vector<16xi32>, vector<16xi32>], vector<16xf32>,
        %mul3A_611 = arith.mulf %gather3A, %gather3A_610 : vector<16xf32>
        %add3A_612 = arith.addf %scan3A_568, %mul3A_611 : vector<16xf32>
        %add3A_613 = arith.constant 96 : i32
        %add3A_614 = vector.broadcast %add3A_613 : i32 to vector<16xi32>
        %add3A_615 = arith.addi %add3A_614, %iota3A : vector<16xi32>
        %gather3A_616 = tpu.vector_load_idx %arg11[%add3A_615, %add3A_576] : memref<200x64xf32, #tpu.memory_space<vmem>>[vector<16xi32>, vector<16xi32>], vector<16xf32>,
        %mul3A_617 = arith.mulf %gather3A, %gather3A_616 : vector<16xf32>
        %add3A_618 = arith.addf %scan3A_569, %mul3A_617 : vector<16xf32>
        %add3A_619 = arith.constant 16 : i32
        %add3A_620 = vector.broadcast %add3A_619 : i32 to vector<16xi32>
        %add3A_621 = arith.addi %add3A_620, %and3A_573 : vector<16xi32>
        %gather3A_622 = tpu.vector_load_idx %arg7[%broadcast_in_dim3A_438, %add3A_621] : memref<128x64xf32, #tpu.memory_space<vmem>>[vector<16xi32>, vector<16xi32>], vector<16xf32>,
        %add3A_623 = arith.constant 0 : i32
        %add3A_624 = vector.broadcast %add3A_623 : i32 to vector<16xi32>
        %add3A_625 = arith.addi %add3A_624, %iota3A : vector<16xi32>
        %gather3A_626 = tpu.vector_load_idx %arg11[%add3A_625, %add3A_621] : memref<200x64xf32, #tpu.memory_space<vmem>>[vector<16xi32>, vector<16xi32>], vector<16xf32>,
        %mul3A_627 = arith.mulf %gather3A_622, %gather3A_626 : vector<16xf32>
        %add3A_628 = arith.addf %add3A_582, %mul3A_627 : vector<16xf32>
        %add3A_629 = arith.constant 16 : i32
        %add3A_630 = vector.broadcast %add3A_629 : i32 to vector<16xi32>
        %add3A_631 = arith.addi %add3A_630, %iota3A : vector<16xi32>
        %gather3A_632 = tpu.vector_load_idx %arg11[%add3A_631, %add3A_621] : memref<200x64xf32, #tpu.memory_space<vmem>>[vector<16xi32>, vector<16xi32>], vector<16xf32>,
        %mul3A_633 = arith.mulf %gather3A_622, %gather3A_632 : vector<16xf32>
        %add3A_634 = arith.addf %add3A_588, %mul3A_633 : vector<16xf32>
        %add3A_635 = arith.constant 32 : i32
        %add3A_636 = vector.broadcast %add3A_635 : i32 to vector<16xi32>
        %add3A_637 = arith.addi %add3A_636, %iota3A : vector<16xi32>
        %gather3A_638 = tpu.vector_load_idx %arg11[%add3A_637, %add3A_621] : memref<200x64xf32, #tpu.memory_space<vmem>>[vector<16xi32>, vector<16xi32>], vector<16xf32>,
        %mul3A_639 = arith.mulf %gather3A_622, %gather3A_638 : vector<16xf32>
        %add3A_640 = arith.addf %add3A_594, %mul3A_639 : vector<16xf32>
        %add3A_641 = arith.constant 48 : i32
        %add3A_642 = vector.broadcast %add3A_641 : i32 to vector<16xi32>
        %add3A_643 = arith.addi %add3A_642, %iota3A : vector<16xi32>
        %gather3A_644 = tpu.vector_load_idx %arg11[%add3A_643, %add3A_621] : memref<200x64xf32, #tpu.memory_space<vmem>>[vector<16xi32>, vector<16xi32>], vector<16xf32>,
        %mul3A_645 = arith.mulf %gather3A_622, %gather3A_644 : vector<16xf32>
        %add3A_646 = arith.addf %add3A_600, %mul3A_645 : vector<16xf32>
        %add3A_647 = arith.constant 64 : i32
        %add3A_648 = vector.broadcast %add3A_647 : i32 to vector<16xi32>
        %add3A_649 = arith.addi %add3A_648, %iota3A : vector<16xi32>
        %gather3A_650 = tpu.vector_load_idx %arg11[%add3A_649, %add3A_621] : memref<200x64xf32, #tpu.memory_space<vmem>>[vector<16xi32>, vector<16xi32>], vector<16xf32>,
        %mul3A_651 = arith.mulf %gather3A_622, %gather3A_650 : vector<16xf32>
        %add3A_652 = arith.addf %add3A_606, %mul3A_651 : vector<16xf32>
        %add3A_653 = arith.constant 80 : i32
        %add3A_654 = vector.broadcast %add3A_653 : i32 to vector<16xi32>
        %add3A_655 = arith.addi %add3A_654, %iota3A : vector<16xi32>
        %gather3A_656 = tpu.vector_load_idx %arg11[%add3A_655, %add3A_621] : memref<200x64xf32, #tpu.memory_space<vmem>>[vector<16xi32>, vector<16xi32>], vector<16xf32>,
        %mul3A_657 = arith.mulf %gather3A_622, %gather3A_656 : vector<16xf32>
        %add3A_658 = arith.addf %add3A_612, %mul3A_657 : vector<16xf32>
        %add3A_659 = arith.constant 96 : i32
        %add3A_660 = vector.broadcast %add3A_659 : i32 to vector<16xi32>
        %add3A_661 = arith.addi %add3A_660, %iota3A : vector<16xi32>
        %gather3A_662 = tpu.vector_load_idx %arg11[%add3A_661, %add3A_621] : memref<200x64xf32, #tpu.memory_space<vmem>>[vector<16xi32>, vector<16xi32>], vector<16xf32>,
        %mul3A_663 = arith.mulf %gather3A_622, %gather3A_662 : vector<16xf32>
        %add3A_664 = arith.addf %add3A_618, %mul3A_663 : vector<16xf32>
        %add3A_665 = arith.constant 32 : i32
        %add3A_666 = vector.broadcast %add3A_665 : i32 to vector<16xi32>
        %add3A_667 = arith.addi %add3A_666, %and3A_573 : vector<16xi32>
        %gather3A_668 = tpu.vector_load_idx %arg7[%broadcast_in_dim3A_438, %add3A_667] : memref<128x64xf32, #tpu.memory_space<vmem>>[vector<16xi32>, vector<16xi32>], vector<16xf32>,
        %add3A_669 = arith.constant 0 : i32
        %add3A_670 = vector.broadcast %add3A_669 : i32 to vector<16xi32>
        %add3A_671 = arith.addi %add3A_670, %iota3A : vector<16xi32>
        %gather3A_672 = tpu.vector_load_idx %arg11[%add3A_671, %add3A_667] : memref<200x64xf32, #tpu.memory_space<vmem>>[vector<16xi32>, vector<16xi32>], vector<16xf32>,
        %mul3A_673 = arith.mulf %gather3A_668, %gather3A_672 : vector<16xf32>
        %add3A_674 = arith.addf %add3A_628, %mul3A_673 : vector<16xf32>
        %add3A_675 = arith.constant 16 : i32
        %add3A_676 = vector.broadcast %add3A_675 : i32 to vector<16xi32>
        %add3A_677 = arith.addi %add3A_676, %iota3A : vector<16xi32>
        %gather3A_678 = tpu.vector_load_idx %arg11[%add3A_677, %add3A_667] : memref<200x64xf32, #tpu.memory_space<vmem>>[vector<16xi32>, vector<16xi32>], vector<16xf32>,
        %mul3A_679 = arith.mulf %gather3A_668, %gather3A_678 : vector<16xf32>
        %add3A_680 = arith.addf %add3A_634, %mul3A_679 : vector<16xf32>
        %add3A_681 = arith.constant 32 : i32
        %add3A_682 = vector.broadcast %add3A_681 : i32 to vector<16xi32>
        %add3A_683 = arith.addi %add3A_682, %iota3A : vector<16xi32>
        %gather3A_684 = tpu.vector_load_idx %arg11[%add3A_683, %add3A_667] : memref<200x64xf32, #tpu.memory_space<vmem>>[vector<16xi32>, vector<16xi32>], vector<16xf32>,
        %mul3A_685 = arith.mulf %gather3A_668, %gather3A_684 : vector<16xf32>
        %add3A_686 = arith.addf %add3A_640, %mul3A_685 : vector<16xf32>
        %add3A_687 = arith.constant 48 : i32
        %add3A_688 = vector.broadcast %add3A_687 : i32 to vector<16xi32>
        %add3A_689 = arith.addi %add3A_688, %iota3A : vector<16xi32>
        %gather3A_690 = tpu.vector_load_idx %arg11[%add3A_689, %add3A_667] : memref<200x64xf32, #tpu.memory_space<vmem>>[vector<16xi32>, vector<16xi32>], vector<16xf32>,
        %mul3A_691 = arith.mulf %gather3A_668, %gather3A_690 : vector<16xf32>
        %add3A_692 = arith.addf %add3A_646, %mul3A_691 : vector<16xf32>
        %add3A_693 = arith.constant 64 : i32
        %add3A_694 = vector.broadcast %add3A_693 : i32 to vector<16xi32>
        %add3A_695 = arith.addi %add3A_694, %iota3A : vector<16xi32>
        %gather3A_696 = tpu.vector_load_idx %arg11[%add3A_695, %add3A_667] : memref<200x64xf32, #tpu.memory_space<vmem>>[vector<16xi32>, vector<16xi32>], vector<16xf32>,
        %mul3A_697 = arith.mulf %gather3A_668, %gather3A_696 : vector<16xf32>
        %add3A_698 = arith.addf %add3A_652, %mul3A_697 : vector<16xf32>
        %add3A_699 = arith.constant 80 : i32
        %add3A_700 = vector.broadcast %add3A_699 : i32 to vector<16xi32>
        %add3A_701 = arith.addi %add3A_700, %iota3A : vector<16xi32>
        %gather3A_702 = tpu.vector_load_idx %arg11[%add3A_701, %add3A_667] : memref<200x64xf32, #tpu.memory_space<vmem>>[vector<16xi32>, vector<16xi32>], vector<16xf32>,
        %mul3A_703 = arith.mulf %gather3A_668, %gather3A_702 : vector<16xf32>
        %add3A_704 = arith.addf %add3A_658, %mul3A_703 : vector<16xf32>
        %add3A_705 = arith.constant 96 : i32
        %add3A_706 = vector.broadcast %add3A_705 : i32 to vector<16xi32>
        %add3A_707 = arith.addi %add3A_706, %iota3A : vector<16xi32>
        %gather3A_708 = tpu.vector_load_idx %arg11[%add3A_707, %add3A_667] : memref<200x64xf32, #tpu.memory_space<vmem>>[vector<16xi32>, vector<16xi32>], vector<16xf32>,
        %mul3A_709 = arith.mulf %gather3A_668, %gather3A_708 : vector<16xf32>
        %add3A_710 = arith.addf %add3A_664, %mul3A_709 : vector<16xf32>
        %add3A_711 = arith.constant 48 : i32
        %add3A_712 = vector.broadcast %add3A_711 : i32 to vector<16xi32>
        %add3A_713 = arith.addi %add3A_712, %and3A_573 : vector<16xi32>
        %gather3A_714 = tpu.vector_load_idx %arg7[%broadcast_in_dim3A_438, %add3A_713] : memref<128x64xf32, #tpu.memory_space<vmem>>[vector<16xi32>, vector<16xi32>], vector<16xf32>,
        %add3A_715 = arith.constant 0 : i32
        %add3A_716 = vector.broadcast %add3A_715 : i32 to vector<16xi32>
        %add3A_717 = arith.addi %add3A_716, %iota3A : vector<16xi32>
        %gather3A_718 = tpu.vector_load_idx %arg11[%add3A_717, %add3A_713] : memref<200x64xf32, #tpu.memory_space<vmem>>[vector<16xi32>, vector<16xi32>], vector<16xf32>,
        %mul3A_719 = arith.mulf %gather3A_714, %gather3A_718 : vector<16xf32>
        %add3A_720 = arith.addf %add3A_674, %mul3A_719 : vector<16xf32>
        %add3A_721 = arith.constant 16 : i32
        %add3A_722 = vector.broadcast %add3A_721 : i32 to vector<16xi32>
        %add3A_723 = arith.addi %add3A_722, %iota3A : vector<16xi32>
        %gather3A_724 = tpu.vector_load_idx %arg11[%add3A_723, %add3A_713] : memref<200x64xf32, #tpu.memory_space<vmem>>[vector<16xi32>, vector<16xi32>], vector<16xf32>,
        %mul3A_725 = arith.mulf %gather3A_714, %gather3A_724 : vector<16xf32>
        %add3A_726 = arith.addf %add3A_680, %mul3A_725 : vector<16xf32>
        %add3A_727 = arith.constant 32 : i32
        %add3A_728 = vector.broadcast %add3A_727 : i32 to vector<16xi32>
        %add3A_729 = arith.addi %add3A_728, %iota3A : vector<16xi32>
        %gather3A_730 = tpu.vector_load_idx %arg11[%add3A_729, %add3A_713] : memref<200x64xf32, #tpu.memory_space<vmem>>[vector<16xi32>, vector<16xi32>], vector<16xf32>,
        %mul3A_731 = arith.mulf %gather3A_714, %gather3A_730 : vector<16xf32>
        %add3A_732 = arith.addf %add3A_686, %mul3A_731 : vector<16xf32>
        %add3A_733 = arith.constant 48 : i32
        %add3A_734 = vector.broadcast %add3A_733 : i32 to vector<16xi32>
        %add3A_735 = arith.addi %add3A_734, %iota3A : vector<16xi32>
        %gather3A_736 = tpu.vector_load_idx %arg11[%add3A_735, %add3A_713] : memref<200x64xf32, #tpu.memory_space<vmem>>[vector<16xi32>, vector<16xi32>], vector<16xf32>,
        %mul3A_737 = arith.mulf %gather3A_714, %gather3A_736 : vector<16xf32>
        %add3A_738 = arith.addf %add3A_692, %mul3A_737 : vector<16xf32>
        %add3A_739 = arith.constant 64 : i32
        %add3A_740 = vector.broadcast %add3A_739 : i32 to vector<16xi32>
        %add3A_741 = arith.addi %add3A_740, %iota3A : vector<16xi32>
        %gather3A_742 = tpu.vector_load_idx %arg11[%add3A_741, %add3A_713] : memref<200x64xf32, #tpu.memory_space<vmem>>[vector<16xi32>, vector<16xi32>], vector<16xf32>,
        %mul3A_743 = arith.mulf %gather3A_714, %gather3A_742 : vector<16xf32>
        %add3A_744 = arith.addf %add3A_698, %mul3A_743 : vector<16xf32>
        %add3A_745 = arith.constant 80 : i32
        %add3A_746 = vector.broadcast %add3A_745 : i32 to vector<16xi32>
        %add3A_747 = arith.addi %add3A_746, %iota3A : vector<16xi32>
        %gather3A_748 = tpu.vector_load_idx %arg11[%add3A_747, %add3A_713] : memref<200x64xf32, #tpu.memory_space<vmem>>[vector<16xi32>, vector<16xi32>], vector<16xf32>,
        %mul3A_749 = arith.mulf %gather3A_714, %gather3A_748 : vector<16xf32>
        %add3A_750 = arith.addf %add3A_704, %mul3A_749 : vector<16xf32>
        %add3A_751 = arith.constant 96 : i32
        %add3A_752 = vector.broadcast %add3A_751 : i32 to vector<16xi32>
        %add3A_753 = arith.addi %add3A_752, %iota3A : vector<16xi32>
        %gather3A_754 = tpu.vector_load_idx %arg11[%add3A_753, %add3A_713] : memref<200x64xf32, #tpu.memory_space<vmem>>[vector<16xi32>, vector<16xi32>], vector<16xf32>,
        %mul3A_755 = arith.mulf %gather3A_714, %gather3A_754 : vector<16xf32>
        %add3A_756 = arith.addf %add3A_710, %mul3A_755 : vector<16xf32>
        scf.yield %add3A_720, %add3A_726, %add3A_732, %add3A_738, %add3A_744, %add3A_750, %add3A_756 : vector<16xf32>, vector<16xf32>, vector<16xf32>, vector<16xf32>, vector<16xf32>, vector<16xf32>, vector<16xf32>
      }
      %scan3A_458 = arith.constant 16 : i32
      %mul3A_459 = arith.constant 200 : i32
      %mul3A_460 = arith.muli %add3A_431, %mul3A_459 : i32
      %add3A_461 = arith.constant 0 : i32
      %add3A_462 = arith.addi %mul3A_460, %add3A_461 : i32
      %swap3A_463 = arith.index_cast %add3A_462 : i32 to index
      %swap3A_464 = tpu.vector_load %arg12[%swap3A_463] {strides = array<i32>} : memref<25600xf32, #tpu.memory_space<vmem>>, vector<16xf32>,
      tpu.vector_store %arg12[%swap3A_463], %scan3A_457#0 {strides = array<i32>} : memref<25600xf32, #tpu.memory_space<vmem>>, vector<16xf32>,
      %mul3A_465 = arith.constant 200 : i32
      %mul3A_466 = arith.muli %add3A_431, %mul3A_465 : i32
      %add3A_467 = arith.constant 16 : i32
      %add3A_468 = arith.addi %mul3A_466, %add3A_467 : i32
      %swap3A_469 = arith.index_cast %add3A_468 : i32 to index
      %swap3A_470 = tpu.vector_load %arg12[%swap3A_469] {strides = array<i32>} : memref<25600xf32, #tpu.memory_space<vmem>>, vector<16xf32>,
      tpu.vector_store %arg12[%swap3A_469], %scan3A_457#1 {strides = array<i32>} : memref<25600xf32, #tpu.memory_space<vmem>>, vector<16xf32>,
      %mul3A_471 = arith.constant 200 : i32
      %mul3A_472 = arith.muli %add3A_431, %mul3A_471 : i32
      %add3A_473 = arith.constant 32 : i32
      %add3A_474 = arith.addi %mul3A_472, %add3A_473 : i32
      %swap3A_475 = arith.index_cast %add3A_474 : i32 to index
      %swap3A_476 = tpu.vector_load %arg12[%swap3A_475] {strides = array<i32>} : memref<25600xf32, #tpu.memory_space<vmem>>, vector<16xf32>,
      tpu.vector_store %arg12[%swap3A_475], %scan3A_457#2 {strides = array<i32>} : memref<25600xf32, #tpu.memory_space<vmem>>, vector<16xf32>,
      %mul3A_477 = arith.constant 200 : i32
      %mul3A_478 = arith.muli %add3A_431, %mul3A_477 : i32
      %add3A_479 = arith.constant 48 : i32
      %add3A_480 = arith.addi %mul3A_478, %add3A_479 : i32
      %swap3A_481 = arith.index_cast %add3A_480 : i32 to index
      %swap3A_482 = tpu.vector_load %arg12[%swap3A_481] {strides = array<i32>} : memref<25600xf32, #tpu.memory_space<vmem>>, vector<16xf32>,
      tpu.vector_store %arg12[%swap3A_481], %scan3A_457#3 {strides = array<i32>} : memref<25600xf32, #tpu.memory_space<vmem>>, vector<16xf32>,
      %mul3A_483 = arith.constant 200 : i32
      %mul3A_484 = arith.muli %add3A_431, %mul3A_483 : i32
      %add3A_485 = arith.constant 64 : i32
      %add3A_486 = arith.addi %mul3A_484, %add3A_485 : i32
      %swap3A_487 = arith.index_cast %add3A_486 : i32 to index
      %swap3A_488 = tpu.vector_load %arg12[%swap3A_487] {strides = array<i32>} : memref<25600xf32, #tpu.memory_space<vmem>>, vector<16xf32>,
      tpu.vector_store %arg12[%swap3A_487], %scan3A_457#4 {strides = array<i32>} : memref<25600xf32, #tpu.memory_space<vmem>>, vector<16xf32>,
      %mul3A_489 = arith.constant 200 : i32
      %mul3A_490 = arith.muli %add3A_431, %mul3A_489 : i32
      %add3A_491 = arith.constant 80 : i32
      %add3A_492 = arith.addi %mul3A_490, %add3A_491 : i32
      %swap3A_493 = arith.index_cast %add3A_492 : i32 to index
      %swap3A_494 = tpu.vector_load %arg12[%swap3A_493] {strides = array<i32>} : memref<25600xf32, #tpu.memory_space<vmem>>, vector<16xf32>,
      tpu.vector_store %arg12[%swap3A_493], %scan3A_457#5 {strides = array<i32>} : memref<25600xf32, #tpu.memory_space<vmem>>, vector<16xf32>,
      %mul3A_495 = arith.constant 200 : i32
      %mul3A_496 = arith.muli %add3A_431, %mul3A_495 : i32
      %add3A_497 = arith.constant 96 : i32
      %add3A_498 = arith.addi %mul3A_496, %add3A_497 : i32
      %swap3A_499 = arith.index_cast %add3A_498 : i32 to index
      %swap3A_500 = tpu.vector_load %arg12[%swap3A_499] {strides = array<i32>} : memref<25600xf32, #tpu.memory_space<vmem>>, vector<16xf32>,
      tpu.vector_store %arg12[%swap3A_499], %scan3A_457#6 {strides = array<i32>} : memref<25600xf32, #tpu.memory_space<vmem>>, vector<16xf32>,
      %broadcast_in_dim3A_501 = arith.constant 0.000000e+00 : f32
      %broadcast_in_dim3A_502 = vector.broadcast %broadcast_in_dim3A_501 : f32 to vector<16xf32>
      %broadcast_in_dim3A_503 = arith.constant 0.000000e+00 : f32
      %broadcast_in_dim3A_504 = vector.broadcast %broadcast_in_dim3A_503 : f32 to vector<16xf32>
      %broadcast_in_dim3A_505 = arith.constant 0.000000e+00 : f32
      %broadcast_in_dim3A_506 = vector.broadcast %broadcast_in_dim3A_505 : f32 to vector<16xf32>
      %broadcast_in_dim3A_507 = arith.constant 0.000000e+00 : f32
      %broadcast_in_dim3A_508 = vector.broadcast %broadcast_in_dim3A_507 : f32 to vector<16xf32>
      %broadcast_in_dim3A_509 = arith.constant 0.000000e+00 : f32
      %broadcast_in_dim3A_510 = vector.broadcast %broadcast_in_dim3A_509 : f32 to vector<16xf32>
      %broadcast_in_dim3A_511 = arith.constant 0.000000e+00 : f32
      %broadcast_in_dim3A_512 = vector.broadcast %broadcast_in_dim3A_511 : f32 to vector<16xf32>
      %scan3A_513 = arith.constant 0 : i32
      %scan3A_514 = arith.constant 16 : i32
      %scan3A_515 = arith.addi %scan3A_513, %scan3A_514 : i32
      %scan3A_516 = arith.constant 1 : i32
      %scan3A_517:6 = scf.for %scan3A_562 = %scan3A_513 to %scan3A_515 step %scan3A_516 iter_args(%scan3A_563 = %broadcast_in_dim3A_502, %scan3A_564 = %broadcast_in_dim3A_504, %scan3A_565 = %broadcast_in_dim3A_506, %scan3A_566 = %broadcast_in_dim3A_508, %scan3A_567 = %broadcast_in_dim3A_510, %scan3A_568 = %broadcast_in_dim3A_512) -> (vector<16xf32>, vector<16xf32>, vector<16xf32>, vector<16xf32>, vector<16xf32>, vector<16xf32>)  : i32 {
        %add3A_569 = vector.broadcast %scan3A_562 : i32 to vector<16xi32>
        %add3A_570 = arith.addi %iota3A, %add3A_569 : vector<16xi32>
        %and3A = arith.constant 15 : i32
        %and3A_571 = vector.broadcast %and3A : i32 to vector<16xi32>
        %and3A_572 = arith.andi %add3A_570, %and3A_571 : vector<16xi32>
        %add3A_573 = arith.constant 0 : i32
        %add3A_574 = vector.broadcast %add3A_573 : i32 to vector<16xi32>
        %add3A_575 = arith.addi %add3A_574, %and3A_572 : vector<16xi32>
        %gather3A = tpu.vector_load_idx %arg7[%broadcast_in_dim3A_438, %add3A_575] : memref<128x64xf32, #tpu.memory_space<vmem>>[vector<16xi32>, vector<16xi32>], vector<16xf32>,
        %add3A_576 = arith.constant 112 : i32
        %add3A_577 = vector.broadcast %add3A_576 : i32 to vector<16xi32>
        %add3A_578 = arith.addi %add3A_577, %iota3A : vector<16xi32>
        %gather3A_579 = tpu.vector_load_idx %arg11[%add3A_578, %add3A_575] : memref<200x64xf32, #tpu.memory_space<vmem>>[vector<16xi32>, vector<16xi32>], vector<16xf32>,
        %mul3A_580 = arith.mulf %gather3A, %gather3A_579 : vector<16xf32>
        %add3A_581 = arith.addf %scan3A_563, %mul3A_580 : vector<16xf32>
        %add3A_582 = arith.constant 128 : i32
        %add3A_583 = vector.broadcast %add3A_582 : i32 to vector<16xi32>
        %add3A_584 = arith.addi %add3A_583, %iota3A : vector<16xi32>
        %gather3A_585 = tpu.vector_load_idx %arg11[%add3A_584, %add3A_575] : memref<200x64xf32, #tpu.memory_space<vmem>>[vector<16xi32>, vector<16xi32>], vector<16xf32>,
        %mul3A_586 = arith.mulf %gather3A, %gather3A_585 : vector<16xf32>
        %add3A_587 = arith.addf %scan3A_564, %mul3A_586 : vector<16xf32>
        %add3A_588 = arith.constant 144 : i32
        %add3A_589 = vector.broadcast %add3A_588 : i32 to vector<16xi32>
        %add3A_590 = arith.addi %add3A_589, %iota3A : vector<16xi32>
        %gather3A_591 = tpu.vector_load_idx %arg11[%add3A_590, %add3A_575] : memref<200x64xf32, #tpu.memory_space<vmem>>[vector<16xi32>, vector<16xi32>], vector<16xf32>,
        %mul3A_592 = arith.mulf %gather3A, %gather3A_591 : vector<16xf32>
        %add3A_593 = arith.addf %scan3A_565, %mul3A_592 : vector<16xf32>
        %add3A_594 = arith.constant 160 : i32
        %add3A_595 = vector.broadcast %add3A_594 : i32 to vector<16xi32>
        %add3A_596 = arith.addi %add3A_595, %iota3A : vector<16xi32>
        %gather3A_597 = tpu.vector_load_idx %arg11[%add3A_596, %add3A_575] : memref<200x64xf32, #tpu.memory_space<vmem>>[vector<16xi32>, vector<16xi32>], vector<16xf32>,
        %mul3A_598 = arith.mulf %gather3A, %gather3A_597 : vector<16xf32>
        %add3A_599 = arith.addf %scan3A_566, %mul3A_598 : vector<16xf32>
        %add3A_600 = arith.constant 176 : i32
        %add3A_601 = vector.broadcast %add3A_600 : i32 to vector<16xi32>
        %add3A_602 = arith.addi %add3A_601, %iota3A : vector<16xi32>
        %gather3A_603 = tpu.vector_load_idx %arg11[%add3A_602, %add3A_575] : memref<200x64xf32, #tpu.memory_space<vmem>>[vector<16xi32>, vector<16xi32>], vector<16xf32>,
        %mul3A_604 = arith.mulf %gather3A, %gather3A_603 : vector<16xf32>
        %add3A_605 = arith.addf %scan3A_567, %mul3A_604 : vector<16xf32>
        %add3A_606 = arith.constant 184 : i32
        %add3A_607 = vector.broadcast %add3A_606 : i32 to vector<16xi32>
        %add3A_608 = arith.addi %add3A_607, %iota3A : vector<16xi32>
        %gather3A_609 = tpu.vector_load_idx %arg11[%add3A_608, %add3A_575] : memref<200x64xf32, #tpu.memory_space<vmem>>[vector<16xi32>, vector<16xi32>], vector<16xf32>,
        %mul3A_610 = arith.mulf %gather3A, %gather3A_609 : vector<16xf32>
        %add3A_611 = arith.addf %scan3A_568, %mul3A_610 : vector<16xf32>
        %add3A_612 = arith.constant 16 : i32
        %add3A_613 = vector.broadcast %add3A_612 : i32 to vector<16xi32>
        %add3A_614 = arith.addi %add3A_613, %and3A_572 : vector<16xi32>
        %gather3A_615 = tpu.vector_load_idx %arg7[%broadcast_in_dim3A_438, %add3A_614] : memref<128x64xf32, #tpu.memory_space<vmem>>[vector<16xi32>, vector<16xi32>], vector<16xf32>,
        %add3A_616 = arith.constant 112 : i32
        %add3A_617 = vector.broadcast %add3A_616 : i32 to vector<16xi32>
        %add3A_618 = arith.addi %add3A_617, %iota3A : vector<16xi32>
        %gather3A_619 = tpu.vector_load_idx %arg11[%add3A_618, %add3A_614] : memref<200x64xf32, #tpu.memory_space<vmem>>[vector<16xi32>, vector<16xi32>], vector<16xf32>,
        %mul3A_620 = arith.mulf %gather3A_615, %gather3A_619 : vector<16xf32>
        %add3A_621 = arith.addf %add3A_581, %mul3A_620 : vector<16xf32>
        %add3A_622 = arith.constant 128 : i32
        %add3A_623 = vector.broadcast %add3A_622 : i32 to vector<16xi32>
        %add3A_624 = arith.addi %add3A_623, %iota3A : vector<16xi32>
        %gather3A_625 = tpu.vector_load_idx %arg11[%add3A_624, %add3A_614] : memref<200x64xf32, #tpu.memory_space<vmem>>[vector<16xi32>, vector<16xi32>], vector<16xf32>,
        %mul3A_626 = arith.mulf %gather3A_615, %gather3A_625 : vector<16xf32>
        %add3A_627 = arith.addf %add3A_587, %mul3A_626 : vector<16xf32>
        %add3A_628 = arith.constant 144 : i32
        %add3A_629 = vector.broadcast %add3A_628 : i32 to vector<16xi32>
        %add3A_630 = arith.addi %add3A_629, %iota3A : vector<16xi32>
        %gather3A_631 = tpu.vector_load_idx %arg11[%add3A_630, %add3A_614] : memref<200x64xf32, #tpu.memory_space<vmem>>[vector<16xi32>, vector<16xi32>], vector<16xf32>,
        %mul3A_632 = arith.mulf %gather3A_615, %gather3A_631 : vector<16xf32>
        %add3A_633 = arith.addf %add3A_593, %mul3A_632 : vector<16xf32>
        %add3A_634 = arith.constant 160 : i32
        %add3A_635 = vector.broadcast %add3A_634 : i32 to vector<16xi32>
        %add3A_636 = arith.addi %add3A_635, %iota3A : vector<16xi32>
        %gather3A_637 = tpu.vector_load_idx %arg11[%add3A_636, %add3A_614] : memref<200x64xf32, #tpu.memory_space<vmem>>[vector<16xi32>, vector<16xi32>], vector<16xf32>,
        %mul3A_638 = arith.mulf %gather3A_615, %gather3A_637 : vector<16xf32>
        %add3A_639 = arith.addf %add3A_599, %mul3A_638 : vector<16xf32>
        %add3A_640 = arith.constant 176 : i32
        %add3A_641 = vector.broadcast %add3A_640 : i32 to vector<16xi32>
        %add3A_642 = arith.addi %add3A_641, %iota3A : vector<16xi32>
        %gather3A_643 = tpu.vector_load_idx %arg11[%add3A_642, %add3A_614] : memref<200x64xf32, #tpu.memory_space<vmem>>[vector<16xi32>, vector<16xi32>], vector<16xf32>,
        %mul3A_644 = arith.mulf %gather3A_615, %gather3A_643 : vector<16xf32>
        %add3A_645 = arith.addf %add3A_605, %mul3A_644 : vector<16xf32>
        %add3A_646 = arith.constant 184 : i32
        %add3A_647 = vector.broadcast %add3A_646 : i32 to vector<16xi32>
        %add3A_648 = arith.addi %add3A_647, %iota3A : vector<16xi32>
        %gather3A_649 = tpu.vector_load_idx %arg11[%add3A_648, %add3A_614] : memref<200x64xf32, #tpu.memory_space<vmem>>[vector<16xi32>, vector<16xi32>], vector<16xf32>,
        %mul3A_650 = arith.mulf %gather3A_615, %gather3A_649 : vector<16xf32>
        %add3A_651 = arith.addf %add3A_611, %mul3A_650 : vector<16xf32>
        %add3A_652 = arith.constant 32 : i32
        %add3A_653 = vector.broadcast %add3A_652 : i32 to vector<16xi32>
        %add3A_654 = arith.addi %add3A_653, %and3A_572 : vector<16xi32>
        %gather3A_655 = tpu.vector_load_idx %arg7[%broadcast_in_dim3A_438, %add3A_654] : memref<128x64xf32, #tpu.memory_space<vmem>>[vector<16xi32>, vector<16xi32>], vector<16xf32>,
        %add3A_656 = arith.constant 112 : i32
        %add3A_657 = vector.broadcast %add3A_656 : i32 to vector<16xi32>
        %add3A_658 = arith.addi %add3A_657, %iota3A : vector<16xi32>
        %gather3A_659 = tpu.vector_load_idx %arg11[%add3A_658, %add3A_654] : memref<200x64xf32, #tpu.memory_space<vmem>>[vector<16xi32>, vector<16xi32>], vector<16xf32>,
        %mul3A_660 = arith.mulf %gather3A_655, %gather3A_659 : vector<16xf32>
        %add3A_661 = arith.addf %add3A_621, %mul3A_660 : vector<16xf32>
        %add3A_662 = arith.constant 128 : i32
        %add3A_663 = vector.broadcast %add3A_662 : i32 to vector<16xi32>
        %add3A_664 = arith.addi %add3A_663, %iota3A : vector<16xi32>
        %gather3A_665 = tpu.vector_load_idx %arg11[%add3A_664, %add3A_654] : memref<200x64xf32, #tpu.memory_space<vmem>>[vector<16xi32>, vector<16xi32>], vector<16xf32>,
        %mul3A_666 = arith.mulf %gather3A_655, %gather3A_665 : vector<16xf32>
        %add3A_667 = arith.addf %add3A_627, %mul3A_666 : vector<16xf32>
        %add3A_668 = arith.constant 144 : i32
        %add3A_669 = vector.broadcast %add3A_668 : i32 to vector<16xi32>
        %add3A_670 = arith.addi %add3A_669, %iota3A : vector<16xi32>
        %gather3A_671 = tpu.vector_load_idx %arg11[%add3A_670, %add3A_654] : memref<200x64xf32, #tpu.memory_space<vmem>>[vector<16xi32>, vector<16xi32>], vector<16xf32>,
        %mul3A_672 = arith.mulf %gather3A_655, %gather3A_671 : vector<16xf32>
        %add3A_673 = arith.addf %add3A_633, %mul3A_672 : vector<16xf32>
        %add3A_674 = arith.constant 160 : i32
        %add3A_675 = vector.broadcast %add3A_674 : i32 to vector<16xi32>
        %add3A_676 = arith.addi %add3A_675, %iota3A : vector<16xi32>
        %gather3A_677 = tpu.vector_load_idx %arg11[%add3A_676, %add3A_654] : memref<200x64xf32, #tpu.memory_space<vmem>>[vector<16xi32>, vector<16xi32>], vector<16xf32>,
        %mul3A_678 = arith.mulf %gather3A_655, %gather3A_677 : vector<16xf32>
        %add3A_679 = arith.addf %add3A_639, %mul3A_678 : vector<16xf32>
        %add3A_680 = arith.constant 176 : i32
        %add3A_681 = vector.broadcast %add3A_680 : i32 to vector<16xi32>
        %add3A_682 = arith.addi %add3A_681, %iota3A : vector<16xi32>
        %gather3A_683 = tpu.vector_load_idx %arg11[%add3A_682, %add3A_654] : memref<200x64xf32, #tpu.memory_space<vmem>>[vector<16xi32>, vector<16xi32>], vector<16xf32>,
        %mul3A_684 = arith.mulf %gather3A_655, %gather3A_683 : vector<16xf32>
        %add3A_685 = arith.addf %add3A_645, %mul3A_684 : vector<16xf32>
        %add3A_686 = arith.constant 184 : i32
        %add3A_687 = vector.broadcast %add3A_686 : i32 to vector<16xi32>
        %add3A_688 = arith.addi %add3A_687, %iota3A : vector<16xi32>
        %gather3A_689 = tpu.vector_load_idx %arg11[%add3A_688, %add3A_654] : memref<200x64xf32, #tpu.memory_space<vmem>>[vector<16xi32>, vector<16xi32>], vector<16xf32>,
        %mul3A_690 = arith.mulf %gather3A_655, %gather3A_689 : vector<16xf32>
        %add3A_691 = arith.addf %add3A_651, %mul3A_690 : vector<16xf32>
        %add3A_692 = arith.constant 48 : i32
        %add3A_693 = vector.broadcast %add3A_692 : i32 to vector<16xi32>
        %add3A_694 = arith.addi %add3A_693, %and3A_572 : vector<16xi32>
        %gather3A_695 = tpu.vector_load_idx %arg7[%broadcast_in_dim3A_438, %add3A_694] : memref<128x64xf32, #tpu.memory_space<vmem>>[vector<16xi32>, vector<16xi32>], vector<16xf32>,
        %add3A_696 = arith.constant 112 : i32
        %add3A_697 = vector.broadcast %add3A_696 : i32 to vector<16xi32>
        %add3A_698 = arith.addi %add3A_697, %iota3A : vector<16xi32>
        %gather3A_699 = tpu.vector_load_idx %arg11[%add3A_698, %add3A_694] : memref<200x64xf32, #tpu.memory_space<vmem>>[vector<16xi32>, vector<16xi32>], vector<16xf32>,
        %mul3A_700 = arith.mulf %gather3A_695, %gather3A_699 : vector<16xf32>
        %add3A_701 = arith.addf %add3A_661, %mul3A_700 : vector<16xf32>
        %add3A_702 = arith.constant 128 : i32
        %add3A_703 = vector.broadcast %add3A_702 : i32 to vector<16xi32>
        %add3A_704 = arith.addi %add3A_703, %iota3A : vector<16xi32>
        %gather3A_705 = tpu.vector_load_idx %arg11[%add3A_704, %add3A_694] : memref<200x64xf32, #tpu.memory_space<vmem>>[vector<16xi32>, vector<16xi32>], vector<16xf32>,
        %mul3A_706 = arith.mulf %gather3A_695, %gather3A_705 : vector<16xf32>
        %add3A_707 = arith.addf %add3A_667, %mul3A_706 : vector<16xf32>
        %add3A_708 = arith.constant 144 : i32
        %add3A_709 = vector.broadcast %add3A_708 : i32 to vector<16xi32>
        %add3A_710 = arith.addi %add3A_709, %iota3A : vector<16xi32>
        %gather3A_711 = tpu.vector_load_idx %arg11[%add3A_710, %add3A_694] : memref<200x64xf32, #tpu.memory_space<vmem>>[vector<16xi32>, vector<16xi32>], vector<16xf32>,
        %mul3A_712 = arith.mulf %gather3A_695, %gather3A_711 : vector<16xf32>
        %add3A_713 = arith.addf %add3A_673, %mul3A_712 : vector<16xf32>
        %add3A_714 = arith.constant 160 : i32
        %add3A_715 = vector.broadcast %add3A_714 : i32 to vector<16xi32>
        %add3A_716 = arith.addi %add3A_715, %iota3A : vector<16xi32>
        %gather3A_717 = tpu.vector_load_idx %arg11[%add3A_716, %add3A_694] : memref<200x64xf32, #tpu.memory_space<vmem>>[vector<16xi32>, vector<16xi32>], vector<16xf32>,
        %mul3A_718 = arith.mulf %gather3A_695, %gather3A_717 : vector<16xf32>
        %add3A_719 = arith.addf %add3A_679, %mul3A_718 : vector<16xf32>
        %add3A_720 = arith.constant 176 : i32
        %add3A_721 = vector.broadcast %add3A_720 : i32 to vector<16xi32>
        %add3A_722 = arith.addi %add3A_721, %iota3A : vector<16xi32>
        %gather3A_723 = tpu.vector_load_idx %arg11[%add3A_722, %add3A_694] : memref<200x64xf32, #tpu.memory_space<vmem>>[vector<16xi32>, vector<16xi32>], vector<16xf32>,
        %mul3A_724 = arith.mulf %gather3A_695, %gather3A_723 : vector<16xf32>
        %add3A_725 = arith.addf %add3A_685, %mul3A_724 : vector<16xf32>
        %add3A_726 = arith.constant 184 : i32
        %add3A_727 = vector.broadcast %add3A_726 : i32 to vector<16xi32>
        %add3A_728 = arith.addi %add3A_727, %iota3A : vector<16xi32>
        %gather3A_729 = tpu.vector_load_idx %arg11[%add3A_728, %add3A_694] : memref<200x64xf32, #tpu.memory_space<vmem>>[vector<16xi32>, vector<16xi32>], vector<16xf32>,
        %mul3A_730 = arith.mulf %gather3A_695, %gather3A_729 : vector<16xf32>
        %add3A_731 = arith.addf %add3A_691, %mul3A_730 : vector<16xf32>
        scf.yield %add3A_701, %add3A_707, %add3A_713, %add3A_719, %add3A_725, %add3A_731 : vector<16xf32>, vector<16xf32>, vector<16xf32>, vector<16xf32>, vector<16xf32>, vector<16xf32>
      }
      %scan3A_518 = arith.constant 16 : i32
      %mul3A_519 = arith.constant 200 : i32
      %mul3A_520 = arith.muli %add3A_431, %mul3A_519 : i32
      %add3A_521 = arith.constant 112 : i32
      %add3A_522 = arith.addi %mul3A_520, %add3A_521 : i32
      %swap3A_523 = arith.index_cast %add3A_522 : i32 to index
      %swap3A_524 = tpu.vector_load %arg12[%swap3A_523] {strides = array<i32>} : memref<25600xf32, #tpu.memory_space<vmem>>, vector<16xf32>,
      tpu.vector_store %arg12[%swap3A_523], %scan3A_517#0 {strides = array<i32>} : memref<25600xf32, #tpu.memory_space<vmem>>, vector<16xf32>,
      %mul3A_525 = arith.constant 200 : i32
      %mul3A_526 = arith.muli %add3A_431, %mul3A_525 : i32
      %add3A_527 = arith.constant 128 : i32
      %add3A_528 = arith.addi %mul3A_526, %add3A_527 : i32
      %swap3A_529 = arith.index_cast %add3A_528 : i32 to index
      %swap3A_530 = tpu.vector_load %arg12[%swap3A_529] {strides = array<i32>} : memref<25600xf32, #tpu.memory_space<vmem>>, vector<16xf32>,
      tpu.vector_store %arg12[%swap3A_529], %scan3A_517#1 {strides = array<i32>} : memref<25600xf32, #tpu.memory_space<vmem>>, vector<16xf32>,
      %mul3A_531 = arith.constant 200 : i32
      %mul3A_532 = arith.muli %add3A_431, %mul3A_531 : i32
      %add3A_533 = arith.constant 144 : i32
      %add3A_534 = arith.addi %mul3A_532, %add3A_533 : i32
      %swap3A_535 = arith.index_cast %add3A_534 : i32 to index
      %swap3A_536 = tpu.vector_load %arg12[%swap3A_535] {strides = array<i32>} : memref<25600xf32, #tpu.memory_space<vmem>>, vector<16xf32>,
      tpu.vector_store %arg12[%swap3A_535], %scan3A_517#2 {strides = array<i32>} : memref<25600xf32, #tpu.memory_space<vmem>>, vector<16xf32>,
      %mul3A_537 = arith.constant 200 : i32
      %mul3A_538 = arith.muli %add3A_431, %mul3A_537 : i32
      %add3A_539 = arith.constant 160 : i32
      %add3A_540 = arith.addi %mul3A_538, %add3A_539 : i32
      %swap3A_541 = arith.index_cast %add3A_540 : i32 to index
      %swap3A_542 = tpu.vector_load %arg12[%swap3A_541] {strides = array<i32>} : memref<25600xf32, #tpu.memory_space<vmem>>, vector<16xf32>,
      tpu.vector_store %arg12[%swap3A_541], %scan3A_517#3 {strides = array<i32>} : memref<25600xf32, #tpu.memory_space<vmem>>, vector<16xf32>,
      %mul3A_543 = arith.constant 200 : i32
      %mul3A_544 = arith.muli %add3A_431, %mul3A_543 : i32
      %add3A_545 = arith.constant 176 : i32
      %add3A_546 = arith.addi %mul3A_544, %add3A_545 : i32
      %swap3A_547 = arith.index_cast %add3A_546 : i32 to index
      %swap3A_548 = tpu.vector_load %arg12[%swap3A_547] {strides = array<i32>} : memref<25600xf32, #tpu.memory_space<vmem>>, vector<16xf32>,
      tpu.vector_store %arg12[%swap3A_547], %scan3A_517#4 {strides = array<i32>} : memref<25600xf32, #tpu.memory_space<vmem>>, vector<16xf32>,
      %mul3A_549 = arith.constant 200 : i32
      %mul3A_550 = arith.muli %add3A_431, %mul3A_549 : i32
      %add3A_551 = arith.constant 184 : i32
      %add3A_552 = arith.addi %mul3A_550, %add3A_551 : i32
      %swap3A_553 = arith.index_cast %add3A_552 : i32 to index
      %swap3A_554 = tpu.vector_load %arg12[%swap3A_553] {strides = array<i32>} : memref<25600xf32, #tpu.memory_space<vmem>>, vector<16xf32>,
      tpu.vector_store %arg12[%swap3A_553], %scan3A_517#5 {strides = array<i32>} : memref<25600xf32, #tpu.memory_space<vmem>>, vector<16xf32>,
      %add3A_555 = arith.constant 4 : i32
      %add3A_556 = arith.addi %add3A_431, %add3A_555 : i32
      %lt3A_557 = arith.constant 128 : i32
      %lt3A_558 = arith.cmpi slt, %add3A_556, %lt3A_557 : i32
      %convert_element_type3A_559 = arith.extui %lt3A_558 : i1 to i32
      %cond3A_560 = arith.constant 0 : i32
      %cond3A_561 = arith.cmpi ne, %convert_element_type3A_559, %cond3A_560 : i32
      scf.if %cond3A_561 {
        %add3A_562 = arith.constant 4 : i32
        %add3A_563 = arith.addi %add3A_431, %add3A_562 : i32
        %mul3A_564 = arith.constant 200 : i32
        %mul3A_565 = arith.muli %add3A_563, %mul3A_564 : i32
        %dma_start3A_566 = tpu.memref_slice %arg6[%mul3A_565] : memref<25600xi32, #tpu.memory_space<vmem>> -> memref<200xi32, #tpu.memory_space<vmem>>
        %dma_start3A_567 = arith.constant 0 : i32
        %dma_start3A_568 = arith.constant 0 : i32
        %dma_start3A_569 = tpu.memref_slice %arg4[%dma_start3A_567, %dma_start3A_568] : memref<2000000x64xf32, #tpu.memory_space<hbm>> -> memref<2000000x64xf32, #tpu.memory_space<hbm>>
        tpu.enqueue_indirect_dma source(%dma_start3A_569 : memref<2000000x64xf32, #tpu.memory_space<hbm>>) target(%arg11 : memref<200x64xf32, #tpu.memory_space<vmem>>) offsets(%dma_start3A_566 : memref<200xi32, #tpu.memory_space<vmem>>) semaphore(%arg16 : memref<!tpu.dma_semaphore, #tpu.memory_space<semaphore_mem>>)
      } else {
      }
    }
    %scan3A_28 = arith.constant 32 : i32
    %mul3A_29 = arith.constant 200 : i32
    %mul3A_30 = arith.muli %mul3A_2, %mul3A_29 : i32
    "tpu.region"() ({
      %run_scoped3A = tpu.sem_alloc : memref<!tpu.dma_semaphore, #tpu.memory_space<semaphore_mem>>
      %dma_start3A_31 = tpu.memref_slice %arg5[%mul3A_30] : memref<819200xf32, #tpu.memory_space<hbm>> -> memref<25600xf32, #tpu.memory_space<hbm>>
      %dma_start3A_32 = tpu.memref_slice %arg5[%mul3A_30] : memref<819200xf32, #tpu.memory_space<hbm>> -> memref<25600xf32, #tpu.memory_space<hbm>>
      tpu.enqueue_dma source(%arg12 : memref<25600xf32, #tpu.memory_space<vmem>>) target(%dma_start3A_32 : memref<25600xf32, #tpu.memory_space<hbm>>) target_semaphore(%run_scoped3A : memref<!tpu.dma_semaphore, #tpu.memory_space<semaphore_mem>>)
      %dma_wait3A = tpu.memref_slice %arg5[%mul3A_30] : memref<819200xf32, #tpu.memory_space<hbm>> -> memref<25600xf32, #tpu.memory_space<hbm>>
      %dma_wait3A_33 = tpu.memref_slice %arg5[%mul3A_30] : memref<819200xf32, #tpu.memory_space<hbm>> -> memref<25600xf32, #tpu.memory_space<hbm>>
      tpu.wait_dma2 semaphore(%run_scoped3A : memref<!tpu.dma_semaphore, #tpu.memory_space<semaphore_mem>>) src(%arg12 : memref<25600xf32, #tpu.memory_space<vmem>>) dst(%dma_wait3A_33 : memref<25600xf32, #tpu.memory_space<hbm>>)
      tpu.yield
    }) : () -> ()
    return
  }
}

</mosaic_0001>

<sc_bundles>
// kernel: kernel.3.cloned.1.call-start
scs
__scs_entry_jumppad:
0x0: {  	(pc) =	sbr.rel $0x88, $3  }
0x1: {  	(tag) =	ssettag $0x0;
	lr =	simm.s32 $0x1  }
0x2: {  	[smem:$0x3F9E] =	sst lr;
	_ =	strace $0xD0000000  }
0x3: {  	_ = 	snop  }
0x4: {  	_ = 	snop  }
0x5: {  	_ = 	snop  }
0x6: {  	_ = 	snop  }
0x7: {  	_ = 	snop  }
__scs_overlays_trampoline_lowered:
0x8: {  	[smem:$0x3FAD] =	sst s0  }
0x9: {  	[smem:$0x3FAE] =	sst s1  }
0xa: {  	[smem:$0x3FAF] =	sst s2  }
0xb: {  	[smem:$0x3FB0] =	sst s3  }
0xc: {  	[smem:$0x3FB1] =	sst s4  }
0xd: {  	[smem:$0x3FB2] =	sst s5  }
0xe: {  	[smem:$0x3FB3] =	sst s6  }
0xf: {  	[smem:$0x3FB4] =	sst s7  }
0x10: {  	[smem:$0x3FB5] =	sst s8  }
0x11: {  	[smem:$0x3FB6] =	sst s9;
	s0 =	simm.s32 @!p0 $0x0  }
0x12: {  	s1 =	sld [smem:$0x3F9C];
	s0 =	simm.s32 @p0 $0x1  }
0x13: {  	[smem:$0x3FB7] =	sst s0;
	s0 =	simm.s32 @!p1 $0x0  }
0x14: {  	s2 =	sld [smem:$0x3F9B];
	s0 =	simm.s32 @p1 $0x1  }
0x15: {  	[smem:$0x3FB8] =	sst s0;
	s0 =	simm.s32 @!p2 $0x0  }
0x16: {  	s3 =	sld [smem:$0x3FDB];
	s0 =	simm.s32 @p2 $0x1  }
0x17: {  	s4 =	simm.s32 $0x1BF5;
	[smem:$0x3FBA] =	sst s0  }
0x18: {  	s0 =	sld [smem:$0x3F9D];
	_ =	swait.ge [sflag:s4], $0x0  }
0x19: {  	s7 =	sld [smem:$0x3F9E]  }
0x1a: {  	s8 =	sadd.s32 $0xFFFFE003, lr  }
0x1b: {  	s9 =	sadd.s32 $0xFFFFFEF7, lr;
	s5 =	simm.s32 $0xFFFFFFFF;
	p2 =	slt.u32 s8, $0xFFFFF086  }
0x1c: {  	p1 =	slt.u32 s9, $0xF7A;
	s5 =	simm.s32 @!p2 $0x0  }
0x1d: {  	s5 =	simm.s32 @p1 $0x1;
	p0 =	seq.s32 s7, s2  }
0x1e: {  	s7 =	smul.u32 @!p0 $0xF7A, s2;
	p2 =	seq.s32 @!p0 s5, $0x0  }
0x1f: {  	s9 =	smul.u32 $0xF7A, s1;
	s8 =	simm.s32 @!p0 $0x1BF5;
	p2 =	por !p2, p0  }
0x20: {  	[sflag:s8] =	ssyncset.s32 @!p0 $0xFFFFF086;
	s6 =	sadd.s32 @!p0 s3, s7;
	s7 =	simm.s32 @!p0 $0x108  }
0x21: {  	s3 =	sadd.s32 s3, s9;
	s6 =	sadd.s32 @!p0 $0x88, s6;
	s7 =	simm.s32 @p2 $0x1082  }
0x22: {  	[simem:s7], [sflag:s8] =	dma.local @!p0 [hbm:s6], $0xF7A  }
0x23: {  	s9 =	sor.u32 $0xD0000000, s2;
	s6 =	simm.s32 $0x108;
	_ =	swait.ge @!p0 [sflag:s8], $0x0  }
0x24: {  	s3 =	sadd.s32 $0x88, s3;
	s6 =	simm.s32 @!p1 $0x1082;
	[sflag:s4] =	ssyncset.s32 $0xFFFFF086  }
0x25: {  	[simem:s6], [sflag:s4] =	dma.local [hbm:s3], $0xF7A  }
0x26: {  	[smem:$0x3F9E] =	sst s1;
	(tag) =	ssettag s2;
	_ =	strace s9  }
0x27: {  	s1 =	sld [smem:$0x3FAE]  }
0x28: {  	s2 =	sld [smem:$0x3FAF]  }
0x29: {  	s4 =	sld [smem:$0x3FB1]  }
0x2a: {  	p0 =	seq.s32 s5, $0x0;
	s5 =	sld [smem:$0x3FB2]  }
0x2b: {  	s6 =	sld [smem:$0x3FB3]  }
0x2c: {  	s7 =	sld [smem:$0x3FB4]  }
0x2d: {  	s3 =	simm.s32 $0x108;
	s8 =	sld [smem:$0x3FB5]  }
0x2e: {  	s3 =	simm.s32 @!p0 $0x1082;
	s9 =	sld [smem:$0x3FB6]  }
0x2f: {  	lr =	sadd.s32 s0, s3;
	s0 =	sld [smem:$0x3FAD]  }
0x30: {  	s3 =	sld [smem:$0x3FB0]  }
0x31: {  	[smem:$0x3FB9] =	sst s10  }
0x32: {  	s10 =	sld [smem:$0x3FB7];
	_ =	sdelay $0x3  }
0x33: {  	p0 =	seq.s32 s10, $0x1;
	s10 =	sld [smem:$0x3FB9];
	_ =	sdelay $0x3  }
0x34: {  	[smem:$0x3FB9] =	sst s10  }
0x35: {  	s10 =	sld [smem:$0x3FB8];
	_ =	sdelay $0x3  }
0x36: {  	p1 =	seq.s32 s10, $0x1;
	s10 =	sld [smem:$0x3FB9];
	_ =	sdelay $0x3  }
0x37: {  	[smem:$0x3FB9] =	sst s10  }
0x38: {  	s10 =	sld [smem:$0x3FBA]  }
0x39: {  	_ = 	snop;
	(pc) =	sbr.ind lr, $3  }
0x3a: {  	_ = 	snop  }
0x3b: {  	_ = 	snop  }
0x3c: {  	p2 =	seq.s32 s10, $0x1;
	s10 =	sld [smem:$0x3FB9]  }
0x3d: {  	_ =	shalt  }
0x3e: {  	_ =	shalt  }
0x3f: {  	_ =	shalt  }
0x40: {  	_ =	shalt  }
0x41: {  	_ =	shalt  }
0x42: {  	_ =	shalt  }
0x43: {  	_ =	shalt  }
0x44: {  	_ =	shalt  }
0x45: {  	_ =	shalt  }
0x46: {  	_ =	shalt  }
0x47: {  	_ =	shalt  }
0x48: {  	_ =	shalt  }
0x49: {  	_ =	shalt  }
0x4a: {  	_ =	shalt  }
0x4b: {  	_ =	shalt  }
0x4c: {  	_ =	shalt  }
0x4d: {  	_ =	shalt  }
0x4e: {  	_ =	shalt  }
0x4f: {  	_ =	shalt  }
0x50: {  	_ =	shalt  }
0x51: {  	_ =	shalt  }
0x52: {  	_ =	shalt  }
0x53: {  	_ =	shalt  }
0x54: {  	_ =	shalt  }
0x55: {  	_ =	shalt  }
0x56: {  	_ =	shalt  }
0x57: {  	_ =	shalt  }
0x58: {  	_ =	shalt  }
0x59: {  	_ =	shalt  }
0x5a: {  	_ =	shalt  }
0x5b: {  	_ =	shalt  }
0x5c: {  	_ =	shalt  }
0x5d: {  	_ =	shalt  }
0x5e: {  	_ =	shalt  }
0x5f: {  	_ =	shalt  }
0x60: {  	_ =	shalt  }
0x61: {  	_ =	shalt  }
0x62: {  	_ =	shalt  }
0x63: {  	_ =	shalt  }
0x64: {  	_ =	shalt  }
0x65: {  	_ =	shalt  }
0x66: {  	_ =	shalt  }
0x67: {  	_ =	shalt  }
0x68: {  	_ =	shalt  }
0x69: {  	_ =	shalt  }
0x6a: {  	_ =	shalt  }
0x6b: {  	_ =	shalt  }
0x6c: {  	_ =	shalt  }
0x6d: {  	_ =	shalt  }
0x6e: {  	_ =	shalt  }
0x6f: {  	_ =	shalt  }
0x70: {  	_ =	shalt  }
0x71: {  	_ =	shalt  }
0x72: {  	_ =	shalt  }
0x73: {  	_ =	shalt  }
0x74: {  	_ =	shalt  }
0x75: {  	_ =	shalt  }
0x76: {  	_ =	shalt  }
0x77: {  	_ =	shalt  }
0x78: {  	_ =	shalt  }
0x79: {  	_ =	shalt  }
0x7a: {  	_ =	shalt  }
0x7b: {  	_ =	shalt  }
0x7c: {  	_ =	shalt  }
0x7d: {  	_ =	shalt  }
0x7e: {  	_ =	shalt  }
0x7f: {  	_ =	shalt  }
0x80: {  	_ =	shalt  }
0x81: {  	_ =	shalt  }
0x82: {  	_ =	shalt  }
0x83: {  	_ =	shalt  }
0x84: {  	_ =	shalt  }
0x85: {  	_ =	shalt  }
0x86: {  	_ =	shalt  }
0x87: {  	_ =	shalt  }
.Lfunc_end0:
.L_simem_size_0:
called_computation.1_lowered:
.L_overlay_start_0:
0x88: {  	s2 =	sld [smem:$0x3FD9]  }
0x89: {  	s3 =	sld [smem:$0x3FFE];
	_ =	sdelay $0x1  }
0x8a: {  	s1 =	srdreg.scid  }
0x8b: {  	s0 =	sand.u32 $0x1, s1  }
0x8c: {  	s17 =	sshll.u32 s0, $0xA;
	s2 =	sadd.s32 s3, s2  }
0x8d: {  	s2 =	sadd.s32 s2, s17  }
0x8e: {  	[smem:$0x3FC5] =	sst s2  }
0x8f: {  	_ = 	snop  }
0x90: {  	s2 =	sld [smem:$0x3FD0];
	(tm) =	ssettm $0x1  }
0x91: {  	s18 =	sld [smem:$0x3FFB];
	_ =	sdelay $0x3  }
0x92: {  	_ =	strace s18  }
0x93: {  	s3 =	sld [smem:$0x3FFC];
	_ =	sdelay $0x3  }
0x94: {  	_ =	strace s3  }
0x95: {  	s3 =	sld [smem:$0x3FFD];
	_ =	sdelay $0x3  }
0x96: {  	_ =	strace s3  }
0x97: {  	_ =	strace $0x8FFFFFFF  }
0x98: {  	s19 =	sld [smem:$0x3FDB];
	_ =	sdelay $0x1  }
0x99: {  	s4 =	simm.s32 $_scs_section_size  }
0x9a: {  	s5 =	simm.s32 $_size__tile_overlayer_lowered;
	s6 =	simm.s32 $_tile_overlayer_lowered  }
0x9b: {  	s22 =	simm.s32 $0x1BFF;
	s21 =	sshll.u32 s6, $0x1;
	s3 =	sadd.s32 s4, s19  }
0x9c: {  	s7 =	simm.s32 $0x0;
	s20 =	sshll.u32 s5, $0x1;
	s5 =	sadd.s32 s21, s3  }
0x9d: {  	[timem:s7], [sflag:s22] =	dma.local [hbm:s5], s20  }
0x9e: {  	_ =	swait.ge [sflag:s22], s20  }
0x9f: {  	s4 =	ssub.s32 $0x0, s20;
	[sflag:s22] =	ssyncset.done $0x0  }
0xa0: {  	[sflag:s22] =	ssyncadd.s32 s4;
	_ =	sdelay $0x1  }
0xa1: {  	s23 =	simm.s32 $0x1B8B  }
0xa2: {  	_ =	swait.ge [sflag:s23], $0x1  }
0xa3: {  	[sflag:s23] =	ssyncset.done $0x0  }
0xa4: {  	s25 =	simm.s32 $0x1B8E;
	s24 =	sld [smem:$0x3FFE];
	[sflag:s23] =	ssyncadd.s32 $0xFFFFFFFF  }
0xa5: {  	s26 =	simm.s32 $execute0_lowered;
	[smem:$0x3FD2] =	sst s25  }
0xa6: {  	s5 =	sshll.u32 s26, $0x1;
	_ =	strace $0x80000049;
	[dreg:$0x1] =	wrdreg $0xFFFFFFFF  }
0xa7: {  	s28 =	simm.s32 $_size_execute0_lowered;
	s3 =	sadd.s32 s3, s5;
	[dreg:$0x0] =	wrdreg $0x0  }
0xa8: {  	s5 =	sshll.u32 s28, $0x1;
	[dreg:$0x2] =	wrdreg s3  }
0xa9: {  	[dreg:$0x3] =	wrdreg s5  }
0xaa: {  	[dreg:$0x4] =	wrdreg $0xC0  }
0xab: {  	_ =	task [dreg:s7], $0x5FFFF  }
0xac: {  	[dreg:$0x1] =	wrdreg $0xFFFFFFFF  }
0xad: {  	[dreg:$0x0] =	wrdreg $0x60  }
0xae: {  	[dreg:$0x2] =	wrdreg s24  }
0xaf: {  	[dreg:$0x3] =	wrdreg s2  }
0xb0: {  	[dreg:$0x4] =	wrdreg $0x9  }
0xb1: {  	_ =	task.clear_ibuf [dreg:s7], $0x5FFFF;
	_ =	strace $0x90000049  }
0xb2: {  	s29 =	simm.s32 $0x9;
	_ =	strace $0x8000004B  }
0xb3: {  	_ =	swait.ge [sflag:s29], $0x1  }
0xb4: {  	[sflag:s29] =	ssyncadd.s32 $0xFFFFFFFF  }
0xb5: {  	_ =	strace $0x9000004B  }
0xb6: {  	_ =	sfence  }
0xb7: {  	s30 =	sld [smem:$0x0];
	_ =	sdelay $0x2  }
0xb8: {  	s31 =	sshll.u32 s1, $0xD;
	s1 =	sshrl.u32 s1, $0x2  }
0xb9: {  	s3 =	sand.u32 $0x4000, s31;
	s1 =	sadd.s32 s1, s30  }
0xba: {  	s0 =	sor.u32 s3, s0;
	s1 =	sshll.u32 s1, $0x11  }
0xbb: {  	s0 =	sor.u32 s1, s0  }
0xbc: {  	s0 =	sadd.s32 $0x8F2B, s0  }
0xbd: {  	[sflag:s0] =	ssyncadd.remote.s32 $0x1  }
0xbe: {  	_ =	sfence.sel $0xFFFF  }
0xbf: {  	[dreg:$0x0] =	wrdreg $0xFFFFFFFF;
	(pc) =	sbr.abs _section_cstart, $3  }
0xc0: {  	[dreg:$0x1] =	wrdreg $0xFFFFFFFF  }
0xc1: {  	_ =	task.clear_ibuf [dreg:s7], $0x2FFFF;
	_ =	strace $0x9FFFFFFF  }
0xc2: {  	(tm) =	ssettm $0x7FFFFFFF  }
0xc3: {  	_ =	shalt  }
tec
execute0_lowered:
.L_overlay_start_1:
0x0: {  	(tag) =	ssettag $0x1  }
0x1: {  	v53 =	vlaneseq.u32;
	s4 =	rddreg [dreg:$0x0]  }
0x2: {  	s5 =	rddreg [dreg:$0x1];
	s2 =	simm.s32 $0x0;
	v54 =	vmul.u32 $0x40, v53  }
0x3: {  	[smem:$0x7FF] =	sst s2  }
0x4: {  	s0 =	rddreg [dreg:$0x2];
	_ =	strace $0x8000004A;
	v0 =	vadd.s32 $0x2E00, v54;
	[tilespmem:$0x1FD70] =	vst v54  }
0x5: {  	v55 =	vor.u32 $0x400, v54;
	[tilespmem:$0x1FCC0] =	vst v0  }
0x6: {  	v56 =	vor.u32 $0x800, v54;
	[tilespmem:$0x1FD80] =	vst v55  }
0x7: {  	v49 =	vor.u32 $0xC00, v54;
	[tilespmem:$0x1FD90] =	vst v56  }
0x8: {  	v50 =	vor.u32 $0x1000, v54;
	[tilespmem:$0x1FDA0] =	vst v49  }
0x9: {  	v51 =	vor.u32 $0x1400, v54;
	[tilespmem:$0x1FDB0] =	vst v50  }
0xa: {  	v52 =	vor.u32 $0x1800, v54;
	[tilespmem:$0x1FDC0] =	vst v51  }
0xb: {  	v21 =	vor.u32 $0x10, v54;
	[tilespmem:$0x1FDD0] =	vst v52  }
0xc: {  	v24 =	vor.u32 $0x410, v54;
	[tilespmem:$0x1FDE0] =	vst v21  }
0xd: {  	v59 =	vor.u32 $0x810, v54;
	[tilespmem:$0x1FDF0] =	vst v24  }
0xe: {  	v27 =	vor.u32 $0xC10, v54;
	[tilespmem:$0x1FE00] =	vst v59  }
0xf: {  	v30 =	vor.u32 $0x1010, v54;
	[tilespmem:$0x1FE10] =	vst v27  }
0x10: {  	v47 =	vor.u32 $0x1410, v54;
	[tilespmem:$0x1FE20] =	vst v30  }
0x11: {  	v29 =	vor.u32 $0x1810, v54;
	[tilespmem:$0x1FE30] =	vst v47  }
0x12: {  	v2 =	vor.u32 $0x20, v54;
	[tilespmem:$0x1FE40] =	vst v29  }
0x13: {  	v22 =	vor.u32 $0x420, v54;
	[tilespmem:$0x1FE50] =	vst v2  }
0x14: {  	v14 =	vor.u32 $0x820, v54;
	[tilespmem:$0x1FE60] =	vst v22  }
0x15: {  	v34 =	vor.u32 $0xC20, v54;
	[tilespmem:$0x1FE70] =	vst v14  }
0x16: {  	v15 =	vor.u32 $0x1020, v54;
	[tilespmem:$0x1FE80] =	vst v34  }
0x17: {  	v45 =	vor.u32 $0x1420, v54;
	[tilespmem:$0x1FE90] =	vst v15  }
0x18: {  	v25 =	vor.u32 $0x1820, v54;
	[tilespmem:$0x1FEA0] =	vst v45  }
0x19: {  	v46 =	vor.u32 $0x430, v54;
	[tilespmem:$0x1FEB0] =	vst v25  }
0x1a: {  	v16 =	vor.u32 $0x830, v54;
	[tilespmem:$0x1FEC0] =	vst v46  }
0x1b: {  	v37 =	vor.u32 $0xC30, v54;
	[tilespmem:$0x1FED0] =	vst v16  }
0x1c: {  	v7 =	vor.u32 $0x1030, v54;
	[tilespmem:$0x1FEE0] =	vst v37  }
0x1d: {  	v33 =	vor.u32 $0x1430, v54;
	[tilespmem:$0x1FEF0] =	vst v7  }
0x1e: {  	v38 =	vor.u32 $0x1830, v54;
	[tilespmem:$0x1FF00] =	vst v33  }
0x1f: {  	v60 =	vor.u32 $0x1C00, v54;
	[tilespmem:$0x1FF10] =	vst v38  }
0x20: {  	v62 =	vor.u32 $0x2000, v54;
	[tilespmem:$0x1FF20] =	vst v60  }
0x21: {  	v63 =	vor.u32 $0x2400, v54;
	[tilespmem:$0x1FF30] =	vst v62  }
0x22: {  	v58 =	vor.u32 $0x2800, v54;
	[tilespmem:$0x1FF40] =	vst v63  }
0x23: {  	v35 =	vor.u32 $0x2C00, v54;
	[tilespmem:$0x1FF50] =	vst v58  }
0x24: {  	v41 =	vor.u32 $0x2810, v54;
	[tilespmem:$0x1FF60] =	vst v35  }
0x25: {  	v42 =	vor.u32 $0x2C10, v54;
	[tilespmem:$0x1FF70] =	vst v41  }
0x26: {  	v43 =	vor.u32 $0x1C20, v54;
	[tilespmem:$0x1FF80] =	vst v42  }
0x27: {  	v40 =	vor.u32 $0x2020, v54;
	[tilespmem:$0x1FF90] =	vst v43  }
0x28: {  	v44 =	vor.u32 $0x2820, v54;
	[tilespmem:$0x1FFA0] =	vst v40  }
0x29: {  	v48 =	vor.u32 $0x2C20, v54;
	[tilespmem:$0x1FFB0] =	vst v44  }
0x2a: {  	v36 =	vadd.s32 $0x2E20, v54;
	[tilespmem:$0x1FFC0] =	vst v48  }
0x2b: {  	v39 =	vor.u32 $0x1C30, v54;
	[tilespmem:$0x1FFD0] =	vst v36  }
0x2c: {  	v31 =	vor.u32 $0x30, v54;
	[tilespmem:$0x1FFE0] =	vst v39  }
0x2d: {  	s3 =	srdreg.scid;
	s1 =	stileid.u32;
	s11 =	simm.s32 $0x8400;
	v0 =	vor.u32 $0x1C10, v54;
	[tilespmem:$0x1FFF0] =	vst v31  }
0x2e: {  	s12 =	simm.s32 $0xB600;
	s13 =	simm.s32 $0x190;
	s14 =	simm.s32 $0xE800;
	[tilespmem:$0x1FCD0] =	vst v0;
	v0 =	vor.u32 $0x2010, v54  }
0x2f: {  	s15 =	simm.s32 $0x258;
	s16 =	simm.s32 $0x11A00;
	s17 =	simm.s32 $0x1;
	[tilespmem:$0x1FCE0] =	vst v0;
	v0 =	vor.u32 $0x2410, v54  }
0x30: {  	s18 =	simm.s32 $0x2;
	s3 =	sand.u32 $0x1, s3;
	s6 =	sshll.u32 s1, $0x1;
	[tilespmem:$0x1FCF0] =	vst v0;
	v0 =	vadd.s32 $0x2E10, v54  }
0x31: {  	s19 =	simm.s32 $0x3;
	s20 =	simm.s32 $0x4;
	s6 =	sor.u32 s3, s6;
	[tilespmem:$0x1FD00] =	vst v0;
	v0 =	vor.u32 $0x2420, v54  }
0x32: {  	s21 =	simm.s32 $0x14C00;
	s7 =	sshll.u32 s6, $0xA;
	s6 =	smul.u32 $0xC80, s6;
	[tilespmem:$0x1FD10] =	vst v0;
	v0 =	vor.u32 $0x2030, v54  }
.Ltmp0:
0x33: {  	s22 =	simm.s32 $0x0;
	s8 =	ssub.s32 $0x2, s3;
	[tilespmem:$0x1FD20] =	vst v0;
	v0 =	vor.u32 $0x2430, v54;
	(pc) =	sbr.rel .LBB2_1-.Ltmp0, $4  }
0x34: {  	s3 =	sadd.s32 $0xF4B000, s4;
	s9 =	sshrl.u32 s8, $0x1;
	s7 =	sadd.s32 s7, s4;
	[tilespmem:$0x1FD30] =	vst v0;
	v0 =	vor.u32 $0x2830, v54  }
0x35: {  	s8 =	ssub.s32 s8, s9;
	s9 =	simm.s32 $0x6400;
	s10 =	sadd.s32 s6, s4;
	[tilespmem:$0x1FD40] =	vst v0;
	v0 =	vor.u32 $0x2C30, v54  }
0x36: {  	s4 =	sadd.s32 s5, s6;
	s5 =	sadd.s32 $0xF43000, s7;
	s7 =	smax.u32 s8, $0x1;
	[tilespmem:$0x1FD50] =	vst v0;
	v0 =	vadd.s32 $0x2E30, v54  }
0x37: {  	s8 =	simm.s32 $0x5;
	s6 =	sadd.s32 $0xC00, s10;
	s10 =	simm.s32 $0xC8;
	[tilespmem:$0x1FD60] =	vst v0  }
.LBB2_20:
0x38: {  	[hbm4b:s6+s2] =	stream.linear.scatter [tilespmem:s21], [sflag:$0x5], $0x6400, $0x38;
	[tilespmem:$0x1B000] =	vst v63  }
0x39: {  	_ =	swait.ge [sflag:s8], $0x6400  }
0x3a: {  	v21 =	vld [tilespmem:$0x1FDE0]  }
0x3b: {  	v24 =	vld [tilespmem:$0x1FDF0]  }
0x3c: {  	v59 =	vld [tilespmem:$0x1FE00]  }
0x3d: {  	v27 =	vld [tilespmem:$0x1FE10]  }
0x3e: {  	v30 =	vld [tilespmem:$0x1FE20]  }
0x3f: {  	v47 =	vld [tilespmem:$0x1FE30]  }
0x40: {  	v29 =	vld [tilespmem:$0x1FE40]  }
0x41: {  	v2 =	vld [tilespmem:$0x1FE50]  }
0x42: {  	v22 =	vld [tilespmem:$0x1FE60]  }
0x43: {  	v14 =	vld [tilespmem:$0x1FE70]  }
0x44: {  	v34 =	vld [tilespmem:$0x1FE80]  }
0x45: {  	v15 =	vld [tilespmem:$0x1FE90]  }
0x46: {  	v45 =	vld [tilespmem:$0x1FEA0]  }
0x47: {  	v25 =	vld [tilespmem:$0x1FEB0]  }
0x48: {  	s22 =	sadd.s32 $0x1, s22;
	v46 =	vld [tilespmem:$0x1FEC0]  }
0x49: {  	p0 =	sne.s32 s22, s7;
	v16 =	vld [tilespmem:$0x1FED0]  }
.Ltmp1:
0x4a: {  	v37 =	vld [tilespmem:$0x1FEE0];
	(pc) =	sbr.rel @!p0 .LBB2_21-.Ltmp1, $4  }
0x4b: {  	v7 =	vld [tilespmem:$0x1FEF0]  }
0x4c: {  	v33 =	vld [tilespmem:$0x1FF00]  }
0x4d: {  	[sflag:s8] =	ssyncset.done $0x0;
	v38 =	vld [tilespmem:$0x1FF10]  }
0x4e: {  	v31 =	vld [tilespmem:$0x1FFF0];
	[sflag:s8] =	ssyncadd.s32 $0xFFFF9C00  }
.LBB2_1:
0x4f: {  	[tilespmem:s2], [sflag:$0x5] =	stream.linear.gather [hbm4b:s4+s2], $0x6400, $0x38;
	[tilespmem:$0x1B000] =	vst v63  }
0x50: {  	_ =	swait.ge [sflag:s8], $0x6400  }
0x51: {  	[sflag:s8] =	ssyncset.done $0x0  }
0x52: {  	[sflag:s8] =	ssyncadd.s32 $0xFFFF9C00  }
0x53: {  	[tilespmem:s9], [sflag:$0x5] =	stream.linear.gather [hbm4b:s5+s2], $0x2000, $0x38;
	[tilespmem:$0x1B000] =	vst v63  }
0x54: {  	_ =	swait.ge [sflag:s8], $0x2000  }
0x55: {  	[sflag:s8] =	ssyncset.done $0x0  }
0x56: {  	[sflag:s8] =	ssyncadd.s32 $0xFFFFE000  }
0x57: {  	[tilespmem:s11], [sflag:$0x1] =	stream.indirect.gather [hbm4b:s3+s10], $0x40, s2, s10, $0xb8;
	[tilespmem:$0x1B000] =	vst v63  }
0x58: {  	_ = 	snop  }
0x59: {  	[tilespmem:s12], [sflag:$0x2] =	stream.indirect.gather [hbm4b:s3+s10], $0x40, s10, s10, $0xb8;
	[tilespmem:$0x1B000] =	vst v63  }
0x5a: {  	_ = 	snop  }
0x5b: {  	[tilespmem:s14], [sflag:$0x3] =	stream.indirect.gather [hbm4b:s3+s10], $0x40, s13, s10, $0xb8;
	[tilespmem:$0x1B000] =	vst v63  }
0x5c: {  	s23 =	simm.s32 $0x0  }
0x5d: {  	v42 =	vmov v2;
	[tilespmem:s16], [sflag:$0x4] =	stream.indirect.gather [hbm4b:s3+s10], $0x40, s15, s10, $0xb8;
	[tilespmem:$0x1B000] =	vst v63  }
.LBB2_2:
0x5e: {  	s25 =	sshll.u32 s23, $0x2  }
0x5f: {  	v0 =	vmov s25  }
0x60: {  	s24 =	simm.s32 $0x0;
	v0 =	vshll.u32 v0, $0x6  }
0x61: {  	v35 =	vbroadcast v0, $0x0;
	v0 =	vadd.s32 s24, v53  }
0x62: {  	v0 =	vand.u32 $0xF, v0  }
0x63: {  	v1 =	vor.u32 v35, v0  }
0x64: {  	v2 =	vor.u32 v54, v0  }
0x65: {  	_ =	swait.ge [sflag:s17], $0x3200;
	v3 =	vor.u32 v50, v0  }
0x66: {  	[sflag:s17] =	ssyncset.done $0x0;
	v4 =	vor.u32 v55, v0  }
0x67: {  	[sflag:s17] =	ssyncadd.s32 $0xFFFFCE00;
	v5 =	vor.u32 v38, v0  }
0x68: {  	v6 =	vor.u32 v37, v0;
	v1 =	vld.idx.msk [tilespmem:v1+s9+$0x0], $0xffff  }
0x69: {  	v9 =	vor.u32 v45, v0;
	v2 =	vld.idx.msk [tilespmem:v2+s11+$0x0], $0xffff  }
0x6a: {  	v43 =	vor.u32 $0x20, v35;
	v10 =	vor.u32 v56, v0;
	v3 =	vld.idx.msk [tilespmem:v3+s11+$0x0], $0xffff  }
0x6b: {  	v8 =	vor.u32 v43, v0;
	v4 =	vld.idx.msk [tilespmem:v4+s11+$0x0], $0xffff  }
0x6c: {  	v11 =	vld.idx.msk [tilespmem:v5+s11+$0x0], $0xffff;
	v5 =	vor.u32 v30, v0  }
0x6d: {  	v13 =	vor.u32 v34, v0;
	v18 =	vor.u32 $0x30, v35;
	v57 =	vld.idx.msk [tilespmem:v6+s11+$0x0], $0xffff  }
0x6e: {  	[tilespmem:$0x1FC80] =	vst v18;
	v18 =	vor.u32 v18, v0;
	v9 =	vld.idx.msk [tilespmem:v9+s11+$0x0], $0xffff  }
0x6f: {  	v41 =	vmovc v22;
	v48 =	vmov v27;
	v7 =	vor.u32 v7, v0;
	v6 =	vor.u32 v16, v0;
	v10 =	vld.idx.msk [tilespmem:v10+s11+$0x0], $0xffff  }
0x70: {  	v12 =	vor.u32 v15, v0;
	v14 =	vor.u32 v14, v0;
	v16 =	vld.idx.msk [tilespmem:v8+s9+$0x0], $0xffff;
	v8 =	vor.u32 v24, v0  }
0x71: {  	v39 =	vmovc v21;
	v60 =	vor.u32 $0x10, v35;
	v20 =	vor.u32 v51, v0;
	v15 =	vld.idx.msk [tilespmem:v5+s11+$0x0], $0xffff;
	v5 =	vor.u32 v52, v0  }
0x72: {  	v22 =	vor.u32 v22, v0;
	v23 =	vor.u32 v59, v0;
	v62 =	vor.u32 v27, v0;
	v13 =	vld.idx.msk [tilespmem:v13+s11+$0x0], $0xffff  }
0x73: {  	v26 =	vor.u32 v47, v0;
	v27 =	vor.u32 v21, v0;
	v28 =	vor.u32 v46, v0;
	v58 =	vld.idx.msk [tilespmem:v18+s9+$0x0], $0xffff  }
0x74: {  	v21 =	vor.u32 v33, v0;
	v31 =	vor.u32 v31, v0;
	v19 =	vor.u32 v60, v0;
	v17 =	vld.idx.msk [tilespmem:v6+s11+$0x0], $0xffff  }
0x75: {  	v18 =	vor.u32 v29, v0;
	v29 =	vor.u32 v42, v0;
	v6 =	vor.u32 v49, v0;
	v40 =	vld.idx.msk [tilespmem:v8+s11+$0x0], $0xffff  }
0x76: {  	v8 =	vmov v25;
	v25 =	vor.u32 v25, v0;
	v0 =	vmul.f32 v10, v1;
	v5 =	vld.idx.msk [tilespmem:v5+s11+$0x0], $0xffff  }
0x77: {  	v32 =	vimm.f32 $0.0e+00;
	v7 =	vld.idx.msk [tilespmem:v7+s11+$0x0], $0xffff;
	v3 =	vmul.f32 v3, v1  }
0x78: {  	v12 =	vld.idx.msk [tilespmem:v12+s11+$0x0], $0xffff;
	v0 =	vadd.f32 v0, v32  }
0x79: {  	v23 =	vld.idx.msk [tilespmem:v23+s11+$0x0], $0xffff;
	v3 =	vadd.f32 v3, v32  }
0x7a: {  	v27 =	vld.idx.msk [tilespmem:v27+s11+$0x0], $0xffff;
	[tilespmem:$0x1FC00] =	vst v0;
	v0 =	vmul.f32 v9, v16  }
0x7b: {  	[tilespmem:$0x1FC50] =	vst v3;
	v6 =	vld.idx.msk [tilespmem:v6+s11+$0x0], $0xffff;
	v3 =	vmul.f32 v5, v1;
	v5 =	vmul.f32 v13, v16  }
0x7c: {  	[tilespmem:$0x1FCB0] =	vst v0;
	v0 =	vld.idx.msk [tilespmem:v28+s11+$0x0], $0xffff  }
0x7d: {  	[tilespmem:$0x1FC70] =	vst v5;
	v5 =	vld.idx.msk [tilespmem:v25+s11+$0x0], $0xffff  }
0x7e: {  	v19 =	vld.idx.msk [tilespmem:v19+s9+$0x0], $0xffff;
	v4 =	vmul.f32 v4, v1;
	v12 =	vmul.f32 v12, v16  }
0x7f: {  	s31 =	simm.s32 $0x1;
	v2 =	vmul.f32 v2, v1;
	v10 =	vld.idx.msk [tilespmem:v22+s11+$0x0], $0xffff  }
0x80: {  	v33 =	vld.idx.msk [tilespmem:v18+s11+$0x0], $0xffff;
	v36 =	vadd.f32 v4, v32;
	v4 =	vadd.s32 s31, v53;
	[tilespmem:$0x1FC90] =	vst v12  }
0x81: {  	v61 =	vand.u32 $0xF, v4;
	v12 =	vld.idx.msk [tilespmem:v62+s11+$0x0], $0xffff;
	[tilespmem:$0x1FC20] =	vst v0;
	v0 =	vadd.f32 v2, v32;
	v2 =	vmul.f32 v6, v1  }
0x82: {  	v4 =	vor.u32 v56, v61;
	[tilespmem:$0x1FC30] =	vst v5;
	v5 =	vmul.f32 v7, v58;
	v7 =	vor.u32 v54, v61  }
0x83: {  	[tilespmem:$0x1FC40] =	vst v4;
	v4 =	vld.idx.msk [tilespmem:v21+s11+$0x0], $0xffff;
	v2 =	vadd.f32 v2, v32  }
0x84: {  	v28 =	vld.idx.msk [tilespmem:v29+s11+$0x0], $0xffff  }
0x85: {  	v6 =	vld.idx.msk [tilespmem:v31+s11+$0x0], $0xffff;
	[tilespmem:$0x1FC10] =	vst v2;
	v2 =	vor.u32 v35, v61  }
0x86: {  	v31 =	vld.idx.msk [tilespmem:v26+s11+$0x0], $0xffff;
	v26 =	vor.u32 v50, v61  }
0x87: {  	[tilespmem:$0x1FBD0] =	vst v35;
	v22 =	vmul.f32 v40, v19;
	v35 =	vor.u32 v55, v61;
	v40 =	vld.idx.msk [tilespmem:v7+s11+$0x0], $0xffff  }
0x88: {  	v63 =	vmul.f32 v11, v58;
	v21 =	vmul.f32 v15, v19;
	v7 =	vld [tilespmem:$0x1FEF0]  }
0x89: {  	v44 =	vld.idx.msk [tilespmem:v20+s11+$0x0], $0xffff;
	v11 =	vmul.f32 v17, v58;
	v9 =	vor.u32 v24, v61;
	v17 =	vor.u32 v38, v61  }
0x8a: {  	[tilespmem:$0x1FCA0] =	vst v9;
	v25 =	vadd.f32 v3, v32;
	v9 =	vld.idx.msk [tilespmem:v2+s9+$0x0], $0xffff;
	v2 =	vmul.f32 v33, v19  }
0x8b: {  	v38 =	vor.u32 v37, v61;
	v36 =	vadd.f32 v22, v36;
	v22 =	vmul.f32 v23, v19;
	v37 =	vld.idx.msk [tilespmem:v26+s11+$0x0], $0xffff  }
0x8c: {  	v24 =	vld.idx.msk [tilespmem:v35+s11+$0x0], $0xffff;
	v35 =	vmul.f32 v27, v19;
	v26 =	vadd.f32 v2, v25;
	v25 =	vmul.f32 v28, v16  }
0x8d: {  	v28 =	vmul.f32 v31, v19;
	v19 =	vmul.f32 v12, v19;
	v12 =	vld [tilespmem:$0x1FED0];
	v20 =	vor.u32 v7, v61;
	_ =	sdelay $0x3  }
0x8e: {  	v2 =	vld.idx.msk [tilespmem:v17+s11+$0x0], $0xffff  }
0x8f: {  	v17 =	vor.u32 v12, v61;
	v12 =	vld.idx.msk [tilespmem:v20+s11+$0x0], $0xffff  }
0x90: {  	v20 =	vld [tilespmem:$0x1FC00];
	_ =	sdelay $0x3  }
0x91: {  	v7 =	vor.u32 v8, v61;
	v8 =	vld.idx.msk [tilespmem:v38+s11+$0x0], $0xffff  }
0x92: {  	v38 =	vadd.f32 v22, v20;
	v20 =	vld [tilespmem:$0x1FE90];
	_ =	sdelay $0x4  }
0x93: {  	[tilespmem:$0x1FBE0] =	vst v60;
	v13 =	vor.u32 v60, v61;
	v60 =	vor.u32 v48, v61;
	v48 =	vor.u32 v20, v61;
	v20 =	vld [tilespmem:$0x1FC10];
	_ =	sdelay $0x4  }
0x94: {  	v62 =	vor.u32 v47, v61;
	v47 =	vadd.f32 v19, v20;
	v20 =	vld [tilespmem:$0x1FC20];
	_ =	sdelay $0x3  }
0x95: {  	v14 =	vld.idx.msk [tilespmem:v14+s11+$0x0], $0xffff  }
0x96: {  	v31 =	vmul.f32 v20, v58;
	v20 =	vld [tilespmem:$0x1FC30];
	_ =	sdelay $0x2  }
0x97: {  	v1 =	vmul.f32 v44, v1  }
0x98: {  	v3 =	vmul.f32 v14, v16;
	v14 =	vmul.f32 v10, v16  }
0x99: {  	v32 =	vadd.f32 v1, v32;
	v1 =	vor.u32 v39, v61;
	v39 =	vmul.f32 v20, v16;
	v16 =	vld [tilespmem:$0x1FC40];
	_ =	sdelay $0x1  }
0x9a: {  	v29 =	vor.u32 v45, v61;
	_ =	sdelay $0x4  }
0x9b: {  	v22 =	vld.idx.msk [tilespmem:v29+s11+$0x0], $0xffff  }
0x9c: {  	v29 =	vld.idx.msk [tilespmem:v16+s11+$0x0], $0xffff  }
0x9d: {  	v30 =	vor.u32 v30, v61;
	v16 =	vld [tilespmem:$0x1FC50];
	_ =	sdelay $0x4  }
0x9e: {  	v21 =	vadd.f32 v21, v16;
	v16 =	vld.idx.msk [tilespmem:v30+s11+$0x0], $0xffff  }
0x9f: {  	v30 =	vadd.f32 v28, v32;
	v28 =	vld [tilespmem:$0x1FE70];
	_ =	sdelay $0x3  }
0xa0: {  	[tilespmem:$0x1FC60] =	vst v4  }
0xa1: {  	v27 =	vor.u32 v41, v61;
	v41 =	vor.u32 v28, v61;
	v28 =	vld [tilespmem:$0x1FC60];
	_ =	sdelay $0x4  }
0xa2: {  	v32 =	vmul.f32 v37, v9;
	v37 =	vmul.f32 v28, v58;
	v28 =	vld [tilespmem:$0x1FC70];
	_ =	sdelay $0x4  }
0xa3: {  	v23 =	vmul.f32 v40, v9;
	v40 =	vadd.f32 v28, v47;
	v28 =	vld [tilespmem:$0x1FC80];
	_ =	sdelay $0x4  }
0xa4: {  	[tilespmem:$0x1FBF0] =	vst v43;
	v15 =	vor.u32 v43, v61;
	v43 =	vor.u32 v28, v61;
	v28 =	vld [tilespmem:$0x1FC90];
	_ =	sdelay $0x3  }
0xa5: {  	v19 =	vld [tilespmem:$0x1FE40]  }
0xa6: {  	v44 =	vadd.f32 v28, v21;
	v28 =	vld [tilespmem:$0x1FCA0]  }
0xa7: {  	v33 =	vor.u32 v34, v61;
	v34 =	vld.idx.msk [tilespmem:v48+s11+$0x0], $0xffff  }
0xa8: {  	v48 =	vld [tilespmem:$0x1FCB0]  }
0xa9: {  	v21 =	vld [tilespmem:$0x1FF00];
	_ =	sdelay $0x2  }
0xaa: {  	v18 =	vor.u32 v52, v61;
	v59 =	vor.u32 v59, v61;
	v4 =	vor.u32 v51, v61;
	v15 =	vld.idx.msk [tilespmem:v15+s9+$0x0], $0xffff  }
0xab: {  	v10 =	vor.u32 v49, v61;
	v17 =	vld.idx.msk [tilespmem:v17+s11+$0x0], $0xffff;
	v19 =	vor.u32 v19, v61;
	v20 =	vor.u32 v42, v61  }
0xac: {  	s24 =	simm.s32 $0x2;
	v42 =	vadd.f32 v48, v30;
	v30 =	vor.u32 v46, v61;
	v21 =	vor.u32 v21, v61;
	v28 =	vld.idx.msk [tilespmem:v28+s11+$0x0], $0xffff  }
.LBB2_3:
0xad: {  	_ =	sdelay $0x1  }
0xae: {  	v33 =	vld.idx.msk [tilespmem:v33+s11+$0x0], $0xffff  }
0xaf: {  	v48 =	vld.idx.msk [tilespmem:v41+s11+$0x0], $0xffff  }
0xb0: {  	v0 =	vadd.f32 v35, v0;
	v18 =	vld.idx.msk [tilespmem:v18+s11+$0x0], $0xffff  }
0xb1: {  	v6 =	vmul.f32 v6, v58;
	v3 =	vadd.f32 v3, v38;
	v10 =	vld.idx.msk [tilespmem:v10+s11+$0x0], $0xffff;
	v38 =	vmov v9  }
0xb2: {  	v24 =	vmul.f32 v24, v9;
	v21 =	vld.idx.msk [tilespmem:v21+s11+$0x0], $0xffff;
	v9 =	vmul.f32 v29, v38  }
0xb3: {  	v29 =	vld.idx.msk [tilespmem:v4+s11+$0x0], $0xffff;
	v0 =	vadd.f32 v25, v0;
	v25 =	vadd.f32 v39, v26;
	v26 =	vmul.f32 v57, v58  }
0xb4: {  	v5 =	vadd.f32 v5, v44;
	v37 =	vadd.f32 v37, v42;
	v58 =	vld [tilespmem:$0x1FFF0]  }
0xb5: {  	v0 =	vadd.f32 v6, v0;
	v6 =	vadd.f32 v26, v40;
	v26 =	vld.idx.msk [tilespmem:v1+s11+$0x0], $0xffff  }
0xb6: {  	v3 =	vadd.f32 v11, v3;
	v57 =	vmovc v8;
	v8 =	vadd.f32 v63, v25;
	v40 =	vmov v15;
	v1 =	vld [tilespmem:$0x1FBE0]  }
0xb7: {  	v4 =	vld.idx.msk [tilespmem:v27+s11+$0x0], $0xffff;
	v42 =	vmul.f32 v34, v40;
	v34 =	vadd.f32 v32, v5;
	v5 =	vmul.f32 v18, v38  }
0xb8: {  	s26 =	smov.u32 s24;
	v39 =	vld.idx.msk [tilespmem:v13+s9+$0x0], $0xffff;
	v45 =	vadd.f32 v9, v3  }
0xb9: {  	v9 =	vld [tilespmem:$0x1FDF0];
	v46 =	vmul.f32 v22, v40;
	v22 =	vadd.f32 v5, v8;
	v5 =	vadd.s32 s26, v53  }
0xba: {  	v14 =	vadd.f32 v14, v36;
	v36 =	vor.u32 v58, v61;
	v58 =	vld.idx.msk [tilespmem:v43+s9+$0x0], $0xffff;
	v61 =	vand.u32 $0xF, v5  }
0xbb: {  	v13 =	vor.u32 v1, v61;
	v1 =	vld [tilespmem:$0x1FE10]  }
0xbc: {  	v43 =	vld.idx.msk [tilespmem:v7+s11+$0x0], $0xffff  }
0xbd: {  	v8 =	vld.idx.msk [tilespmem:v19+s11+$0x0], $0xffff  }
0xbe: {  	v19 =	vld.idx.msk [tilespmem:v20+s11+$0x0], $0xffff  }
0xbf: {  	v47 =	vmul.f32 v16, v39;
	v16 =	vld.idx.msk [tilespmem:v60+s11+$0x0], $0xffff  }
0xc0: {  	v60 =	vor.u32 v1, v61;
	v1 =	vld [tilespmem:$0x1FEE0]  }
0xc1: {  	v7 =	vmul.f32 v10, v38;
	v20 =	vld.idx.msk [tilespmem:v62+s11+$0x0], $0xffff  }
0xc2: {  	v14 =	vadd.f32 v31, v14;
	v3 =	vmul.f32 v48, v40;
	v48 =	vor.u32 v9, v61;
	v9 =	vld [tilespmem:$0x1FE00]  }
0xc3: {  	v0 =	vadd.f32 v23, v0;
	v23 =	vmul.f32 v28, v39;
	v28 =	vadd.f32 v7, v6;
	v7 =	vld [tilespmem:$0x1FBD0]  }
0xc4: {  	v32 =	vadd.f32 v24, v14;
	v24 =	vor.u32 v50, v61;
	v6 =	vld.idx.msk [tilespmem:v36+s11+$0x0], $0xffff  }
0xc5: {  	v27 =	vor.u32 v1, v61;
	v1 =	vld [tilespmem:$0x1FE30]  }
0xc6: {  	v63 =	vmul.f32 v2, v58;
	v2 =	vor.u32 v55, v61;
	v36 =	vld.idx.msk [tilespmem:v59+s11+$0x0], $0xffff  }
0xc7: {  	v59 =	vor.u32 v9, v61;
	v9 =	vld [tilespmem:$0x1FF10]  }
0xc8: {  	v53 =	vmul.f32 v8, v39;
	v8 =	vld [tilespmem:$0x1FE40]  }
0xc9: {  	v5 =	vmul.f32 v12, v58;
	v12 =	vor.u32 v54, v61;
	v50 =	vld.idx.msk [tilespmem:v24+s11+$0x0], $0xffff  }
0xca: {  	v62 =	vor.u32 v1, v61;
	v1 =	vld [tilespmem:$0x1FBF0]  }
0xcb: {  	v24 =	vld.idx.msk [tilespmem:v2+s11+$0x0], $0xffff  }
0xcc: {  	v11 =	vmul.f32 v17, v58;
	v2 =	vld [tilespmem:$0x1FED0];
	v17 =	vor.u32 v9, v61  }
0xcd: {  	v15 =	vld.idx.msk [tilespmem:v30+s11+$0x0], $0xffff  }
0xce: {  	v10 =	vor.u32 v49, v61;
	v7 =	vor.u32 v7, v61;
	v49 =	vld.idx.msk [tilespmem:v12+s11+$0x0], $0xffff  }
0xcf: {  	v41 =	vor.u32 v1, v61;
	v1 =	vld [tilespmem:$0x1FEF0]  }
0xd0: {  	v25 =	vmul.f32 v19, v40;
	v19 =	vor.u32 v8, v61;
	v8 =	vld [tilespmem:$0x1FE90]  }
0xd1: {  	v54 =	vor.u32 v2, v61;
	v2 =	vld.idx.msk [tilespmem:v17+s11+$0x0], $0xffff  }
0xd2: {  	v17 =	vld [tilespmem:$0x1FE60]  }
0xd3: {  	v9 =	vld.idx.msk [tilespmem:v7+s9+$0x0], $0xffff  }
0xd4: {  	v12 =	vor.u32 v1, v61;
	v1 =	vld [tilespmem:$0x1FE20]  }
0xd5: {  	v30 =	vor.u32 v56, v61;
	v31 =	vmul.f32 v15, v58;
	v15 =	vld [tilespmem:$0x1FE50]  }
0xd6: {  	v35 =	vmul.f32 v26, v39;
	v26 =	vadd.f32 v53, v22;
	v22 =	vld [tilespmem:$0x1FE70]  }
0xd7: {  	v56 =	vor.u32 v8, v61;
	v8 =	vld.idx.msk [tilespmem:v27+s11+$0x0], $0xffff;
	v27 =	vor.u32 v17, v61;
	v17 =	vmul.f32 v29, v38  }
0xd8: {  	v38 =	vmul.f32 v36, v39;
	v36 =	vadd.f32 v23, v32;
	v23 =	vmul.f32 v49, v9;
	v49 =	vld [tilespmem:$0x1FDA0]  }
0xd9: {  	v14 =	vmul.f32 v4, v40;
	v4 =	vor.u32 v51, v61;
	v51 =	vor.u32 v1, v61;
	v1 =	vld [tilespmem:$0x1FEA0]  }
0xda: {  	v29 =	vld.idx.msk [tilespmem:v30+s11+$0x0], $0xffff  }
0xdb: {  	v32 =	vmul.f32 v50, v9;
	v50 =	vld [tilespmem:$0x1FDB0]  }
0xdc: {  	v30 =	vadd.f32 v17, v37;
	v17 =	vld.idx.msk [tilespmem:v54+s11+$0x0], $0xffff  }
0xdd: {  	v54 =	vld [tilespmem:$0x1FD70]  }
0xde: {  	v18 =	vor.u32 v52, v61;
	v52 =	vor.u32 v1, v61;
	v1 =	vld [tilespmem:$0x1FE80]  }
0xdf: {  	v38 =	vadd.f32 v38, v45;
	v45 =	vadd.f32 v47, v34;
	v34 =	vld.idx.msk [tilespmem:v56+s11+$0x0], $0xffff  }
0xe0: {  	v55 =	vmul.f32 v20, v39;
	v39 =	vmul.f32 v16, v39;
	v56 =	vld [tilespmem:$0x1FD90]  }
0xe1: {  	v37 =	vmul.f32 v21, v58;
	v21 =	vld [tilespmem:$0x1FC80]  }
0xe2: {  	v44 =	vmul.f32 v33, v40;
	v28 =	vadd.f32 v39, v28;
	v47 =	vadd.f32 v55, v30;
	v55 =	vld [tilespmem:$0x1FD80]  }
0xe3: {  	v33 =	vor.u32 v1, v61;
	v1 =	vld [tilespmem:$0x1FEB0]  }
0xe4: {  	v39 =	vmul.f32 v43, v40;
	v40 =	vadd.f32 v44, v28;
	v28 =	vld.idx.msk [tilespmem:v48+s11+$0x0], $0xffff  }
0xe5: {  	v30 =	vld [tilespmem:$0x1FEC0]  }
0xe6: {  	v20 =	vor.u32 v15, v61;
	v15 =	vld.idx.msk [tilespmem:v41+s9+$0x0], $0xffff  }
0xe7: {  	v43 =	vor.u32 v21, v61;
	v21 =	vld [tilespmem:$0x1FF00]  }
0xe8: {  	p0 =	sne.s32 s24, $0xF;
	v7 =	vor.u32 v1, v61;
	v1 =	vld [tilespmem:$0x1FDE0]  }
.Ltmp2:
0xe9: {  	v12 =	vld.idx.msk [tilespmem:v12+s11+$0x0], $0xffff;
	(pc) =	sbr.rel @p0 .LBB2_3-.Ltmp2, $4  }
0xea: {  	v16 =	vld.idx.msk [tilespmem:v51+s11+$0x0], $0xffff  }
0xeb: {  	v53 =	vlaneseq.u32;
	v51 =	vld [tilespmem:$0x1FDC0]  }
0xec: {  	v44 =	vadd.f32 v42, v45;
	v41 =	vor.u32 v22, v61;
	v42 =	vadd.f32 v46, v47;
	v22 =	vld.idx.msk [tilespmem:v52+s11+$0x0], $0xffff  }
0xed: {  	s24 =	sadd.s32 $0x1, s24;
	v30 =	vor.u32 v30, v61;
	v21 =	vor.u32 v21, v61;
	v52 =	vld [tilespmem:$0x1FDD0];
	v1 =	vor.u32 v1, v61  }
0xee: {  	_ =	sdelay $0x3  }
0xef: {  	v33 =	vld.idx.msk [tilespmem:v33+s11+$0x0], $0xffff  }
0xf0: {  	v41 =	vld.idx.msk [tilespmem:v41+s11+$0x0], $0xffff  }
0xf1: {  	v18 =	vld.idx.msk [tilespmem:v18+s11+$0x0], $0xffff  }
0xf2: {  	v10 =	vld.idx.msk [tilespmem:v10+s11+$0x0], $0xffff  }
0xf3: {  	v4 =	vld.idx.msk [tilespmem:v4+s11+$0x0], $0xffff  }
0xf4: {  	v27 =	vld.idx.msk [tilespmem:v27+s11+$0x0], $0xffff  }
0xf5: {  	v19 =	vld.idx.msk [tilespmem:v19+s11+$0x0], $0xffff  }
0xf6: {  	v20 =	vld.idx.msk [tilespmem:v20+s11+$0x0], $0xffff  }
0xf7: {  	v46 =	vld.idx.msk [tilespmem:v59+s11+$0x0], $0xffff  }
0xf8: {  	v1 =	vld.idx.msk [tilespmem:v1+s11+$0x0], $0xffff  }
0xf9: {  	v47 =	vld.idx.msk [tilespmem:v60+s11+$0x0], $0xffff  }
0xfa: {  	v7 =	vld.idx.msk [tilespmem:v7+s11+$0x0], $0xffff  }
0xfb: {  	v14 =	vadd.f32 v14, v36;
	v36 =	vld [tilespmem:$0x1FFA0]  }
0xfc: {  	v48 =	vld [tilespmem:$0x1FF30]  }
0xfd: {  	v60 =	vld [tilespmem:$0x1FFC0]  }
0xfe: {  	v52 =	vld [tilespmem:$0x1FBE0]  }
0xff: {  	v0 =	vadd.f32 v35, v0;
	v35 =	vld [tilespmem:$0x1FCD0]  }
0x100: {  	v3 =	vadd.f32 v3, v38;
	v38 =	vld [tilespmem:$0x1FFD0]  }
0x101: {  	v24 =	vmul.f32 v24, v9;
	v51 =	vld [tilespmem:$0x1FC80]  }
0x102: {  	v26 =	vadd.f32 v39, v26;
	v29 =	vmul.f32 v29, v9;
	v39 =	vld [tilespmem:$0x1FFE0];
	v18 =	vmul.f32 v18, v9  }
0x103: {  	v10 =	vmul.f32 v10, v9;
	v4 =	vmul.f32 v4, v9;
	v9 =	vld [tilespmem:$0x1FFF0]  }
0x104: {  	v5 =	vadd.f32 v5, v44;
	v45 =	vmul.f32 v57, v58;
	v44 =	vld [tilespmem:$0x1FD60];
	v0 =	vadd.f32 v25, v0  }
0x105: {  	v6 =	vmul.f32 v6, v58;
	v25 =	vld.idx.msk [tilespmem:v43+s9+$0x0], $0xffff;
	v14 =	vadd.f32 v31, v14;
	v3 =	vadd.f32 v11, v3  }
0x106: {  	v11 =	vadd.f32 v45, v40;
	v26 =	vadd.f32 v63, v26;
	v45 =	vld [tilespmem:$0x1FBD0]  }
0x107: {  	v5 =	vadd.f32 v32, v5;
	v0 =	vadd.f32 v6, v0;
	v6 =	vld.idx.msk [tilespmem:v13+s9+$0x0], $0xffff  }
0x108: {  	v31 =	vmul.f32 v34, v15;
	v34 =	vld [tilespmem:$0x1FF20];
	v22 =	vmul.f32 v22, v15;
	v9 =	vor.u32 v9, v61  }
0x109: {  	v32 =	vld [tilespmem:$0x1FD10];
	v13 =	vadd.f32 v37, v42;
	v14 =	vadd.f32 v24, v14;
	v24 =	vmul.f32 v33, v15  }
0x10a: {  	v63 =	vld [tilespmem:$0x1FF50];
	v3 =	vadd.f32 v29, v3;
	v29 =	vmul.f32 v41, v15;
	v27 =	vmul.f32 v27, v15  }
0x10b: {  	v7 =	vmul.f32 v7, v15;
	v0 =	vadd.f32 v23, v0;
	v23 =	vld.idx.msk [tilespmem:v62+s11+$0x0], $0xffff;
	v18 =	vadd.f32 v18, v26  }
0x10c: {  	v40 =	vld [tilespmem:$0x1FD20];
	v10 =	vadd.f32 v10, v11;
	v28 =	vmul.f32 v28, v6;
	v19 =	vmul.f32 v19, v6  }
0x10d: {  	v4 =	vadd.f32 v4, v13;
	v11 =	vmul.f32 v16, v6;
	v16 =	vmul.f32 v17, v25;
	v9 =	vld.idx.msk [tilespmem:v9+s11+$0x0], $0xffff  }
0x10e: {  	v26 =	vld.idx.msk [tilespmem:v30+s11+$0x0], $0xffff;
	v1 =	vmul.f32 v1, v6;
	v17 =	vadd.f32 v19, v18;
	v18 =	vmul.f32 v20, v15  }
0x10f: {  	v14 =	vadd.f32 v28, v14;
	v19 =	vld.idx.msk [tilespmem:v21+s11+$0x0], $0xffff;
	v20 =	vmul.f32 v46, v6;
	v21 =	vmul.f32 v47, v6  }
0x110: {  	v43 =	vld [tilespmem:$0x1FD50];
	v6 =	vmul.f32 v23, v6;
	v0 =	vadd.f32 v1, v0;
	v5 =	vadd.f32 v11, v5  }
0x111: {  	v37 =	vld [tilespmem:$0x1FF90];
	v12 =	vmul.f32 v12, v25;
	v3 =	vadd.f32 v20, v3;
	v10 =	vadd.f32 v21, v10  }
0x112: {  	v42 =	vld [tilespmem:$0x1FD40];
	v0 =	vadd.f32 v18, v0;
	v4 =	vadd.f32 v6, v4;
	v9 =	vmul.f32 v9, v25  }
0x113: {  	s26 =	smul.u32 $0xC80, s23;
	v33 =	vld [tilespmem:$0x1FF40];
	v1 =	vmul.f32 v26, v25;
	v6 =	vadd.f32 v27, v14;
	v5 =	vadd.f32 v31, v5  }
0x114: {  	v41 =	vld [tilespmem:$0x1FD30];
	v2 =	vmul.f32 v2, v25;
	v3 =	vadd.f32 v29, v3;
	v0 =	vadd.f32 v9, v0  }
0x115: {  	s28 =	simm.s32 $0x0;
	s24 =	sshra.s32 s26, $0x2;
	v62 =	vld [tilespmem:$0x1FF60];
	v8 =	vmul.f32 v8, v25;
	v1 =	vadd.f32 v1, v6;
	v9 =	vadd.f32 v24, v10  }
0x116: {  	v30 =	vld [tilespmem:$0x1FD00];
	v4 =	vadd.f32 v22, v4;
	v3 =	vadd.f32 v16, v3;
	[tilespmem:s24+$0x14C00] =	vst v0;
	v0 =	vadd.s32 s28, v53  }
0x117: {  	v47 =	vld [tilespmem:$0x1FCF0];
	v11 =	vmul.f32 v19, v25;
	[tilespmem:s24+$0x14C10] =	vst v1;
	v6 =	vadd.f32 v8, v9;
	v0 =	vand.u32 $0xF, v0  }
0x118: {  	v46 =	vld [tilespmem:$0x1FCE0];
	v1 =	vadd.f32 v12, v5;
	v5 =	vadd.f32 v7, v17;
	[tilespmem:s24+$0x14C20] =	vst v3;
	v3 =	vor.u32 v45, v0  }
0x119: {  	v14 =	vld [tilespmem:$0x1FBF0];
	v4 =	vadd.f32 v11, v4;
	[tilespmem:s24+$0x14C30] =	vst v6;
	v6 =	vor.u32 v33, v0  }
0x11a: {  	v2 =	vadd.f32 v2, v5;
	[tilespmem:s24+$0x14C40] =	vst v1;
	v25 =	vld [tilespmem:$0x1FFB0];
	v1 =	vor.u32 v34, v0  }
0x11b: {  	v29 =	vld [tilespmem:$0x1FCC0];
	[tilespmem:s24+$0x14C50] =	vst v4;
	v4 =	vor.u32 v36, v0  }
0x11c: {  	[tilespmem:s24+$0x14C60] =	vst v2;
	v24 =	vld [tilespmem:$0x1FF80];
	v2 =	vor.u32 v37, v0  }
0x11d: {  	v5 =	vor.u32 v47, v0;
	v3 =	vld.idx.msk [tilespmem:v3+s9+$0x0], $0xffff  }
0x11e: {  	v7 =	vor.u32 v48, v0;
	v6 =	vld.idx.msk [tilespmem:v6+s11+$0x0], $0xffff  }
0x11f: {  	v9 =	vor.u32 v25, v0;
	v1 =	vld.idx.msk [tilespmem:v1+s11+$0x0], $0xffff  }
0x120: {  	v10 =	vor.u32 v29, v0;
	v4 =	vld.idx.msk [tilespmem:v4+s11+$0x0], $0xffff  }
0x121: {  	v11 =	vor.u32 v62, v0;
	v2 =	vld.idx.msk [tilespmem:v2+s11+$0x0], $0xffff  }
0x122: {  	v12 =	vor.u32 v60, v0;
	v5 =	vld.idx.msk [tilespmem:v5+s11+$0x0], $0xffff  }
0x123: {  	v7 =	vld.idx.msk [tilespmem:v7+s11+$0x0], $0xffff  }
0x124: {  	v13 =	vor.u32 v32, v0;
	v9 =	vld.idx.msk [tilespmem:v9+s11+$0x0], $0xffff  }
0x125: {  	v14 =	vor.u32 v14, v0;
	v10 =	vld.idx.msk [tilespmem:v10+s11+$0x0], $0xffff  }
0x126: {  	v15 =	vor.u32 v63, v0;
	v11 =	vld.idx.msk [tilespmem:v11+s11+$0x0], $0xffff  }
0x127: {  	v16 =	vor.u32 v52, v0;
	v31 =	vld.idx.msk [tilespmem:v12+s11+$0x0], $0xffff  }
0x128: {  	v17 =	vor.u32 v35, v0;
	v12 =	vld [tilespmem:$0x1FF70]  }
0x129: {  	v23 =	vor.u32 v46, v0;
	v13 =	vld.idx.msk [tilespmem:v13+s11+$0x0], $0xffff  }
0x12a: {  	v8 =	vor.u32 v24, v0;
	v14 =	vld.idx.msk [tilespmem:v14+s9+$0x0], $0xffff  }
0x12b: {  	v20 =	vor.u32 v38, v0;
	v15 =	vld.idx.msk [tilespmem:v15+s11+$0x0], $0xffff  }
0x12c: {  	v19 =	vimm.f32 $0.0e+00;
	v21 =	vor.u32 v30, v0;
	v22 =	vor.u32 v51, v0;
	v16 =	vld.idx.msk [tilespmem:v16+s9+$0x0], $0xffff  }
0x12d: {  	v58 =	vor.u32 v39, v0;
	v59 =	vor.u32 v40, v0;
	v26 =	vor.u32 v44, v0;
	v17 =	vld.idx.msk [tilespmem:v17+s11+$0x0], $0xffff  }
0x12e: {  	v27 =	vor.u32 v43, v0;
	v23 =	vld.idx.msk [tilespmem:v23+s11+$0x0], $0xffff;
	v18 =	vor.u32 v12, v0;
	v7 =	vmul.f32 v7, v3  }
0x12f: {  	v28 =	vor.u32 v41, v0;
	v8 =	vld.idx.msk [tilespmem:v8+s11+$0x0], $0xffff;
	v6 =	vmul.f32 v6, v3;
	v1 =	vmul.f32 v1, v3  }
0x130: {  	v10 =	vmul.f32 v10, v3;
	v4 =	vmul.f32 v4, v14;
	v61 =	vadd.f32 v7, v19;
	v7 =	vld.idx.msk [tilespmem:v20+s11+$0x0], $0xffff  }
0x131: {  	v0 =	vor.u32 v42, v0;
	v11 =	vmul.f32 v11, v3;
	v13 =	vmul.f32 v13, v14;
	v20 =	vld.idx.msk [tilespmem:v21+s11+$0x0], $0xffff  }
0x132: {  	s28 =	simm.s32 $0x1;
	v2 =	vmul.f32 v2, v14;
	v3 =	vmul.f32 v15, v3;
	[tilespmem:$0x1FBB0] =	vst v4;
	v4 =	vld.idx.msk [tilespmem:v26+s11+$0x0], $0xffff  }
0x133: {  	v5 =	vmul.f32 v5, v16;
	v17 =	vmul.f32 v17, v16;
	v21 =	vadd.s32 s28, v53;
	v18 =	vld.idx.msk [tilespmem:v18+s11+$0x0], $0xffff  }
0x134: {  	v27 =	vld.idx.msk [tilespmem:v27+s11+$0x0], $0xffff;
	v1 =	vadd.f32 v1, v19;
	v6 =	vadd.f32 v6, v19;
	v57 =	vand.u32 $0xF, v21  }
0x135: {  	v15 =	vld.idx.msk [tilespmem:v59+s11+$0x0], $0xffff;
	v26 =	vmul.f32 v9, v14;
	v9 =	vadd.f32 v11, v19;
	v11 =	vor.u32 v45, v57  }
0x136: {  	v10 =	vadd.f32 v10, v19;
	v21 =	vld.idx.msk [tilespmem:v28+s11+$0x0], $0xffff;
	v5 =	vadd.f32 v5, v6;
	v6 =	vor.u32 v37, v57  }
0x137: {  	v3 =	vadd.f32 v3, v19;
	v19 =	vor.u32 v48, v57;
	v45 =	vld.idx.msk [tilespmem:v0+s11+$0x0], $0xffff;
	v0 =	vmul.f32 v8, v16  }
0x138: {  	[tilespmem:$0x1FBC0] =	vst v4;
	v4 =	vmul.f32 v31, v14;
	v31 =	vld.idx.msk [tilespmem:v22+s9+$0x0], $0xffff;
	v8 =	vmul.f32 v18, v16  }
0x139: {  	v22 =	vld.idx.msk [tilespmem:v58+s11+$0x0], $0xffff;
	v18 =	vmul.f32 v20, v16;
	v16 =	vmul.f32 v23, v16;
	v23 =	vor.u32 v36, v57  }
0x13a: {  	v14 =	vmul.f32 v7, v14;
	v7 =	vor.u32 v33, v57;
	v9 =	vadd.f32 v0, v9;
	v0 =	vld.idx.msk [tilespmem:v11+s9+$0x0], $0xffff  }
0x13b: {  	v1 =	vadd.f32 v17, v1;
	v33 =	vadd.f32 v13, v5;
	v5 =	vld.idx.msk [tilespmem:v6+s11+$0x0], $0xffff  }
0x13c: {  	v17 =	vor.u32 v47, v57;
	v48 =	vor.u32 v60, v57;
	v6 =	vld [tilespmem:$0x1FBB0];
	v10 =	vadd.f32 v18, v10  }
0x13d: {  	v28 =	vor.u32 v24, v57;
	v11 =	vadd.f32 v4, v9;
	v20 =	vor.u32 v34, v57;
	v36 =	vld.idx.msk [tilespmem:v19+s11+$0x0], $0xffff  }
0x13e: {  	v24 =	vadd.f32 v14, v10;
	v10 =	vmul.f32 v22, v31;
	v4 =	vld.idx.msk [tilespmem:v23+s11+$0x0], $0xffff;
	v23 =	vadd.f32 v2, v1  }
0x13f: {  	v59 =	vmov v32;
	v32 =	vor.u32 v32, v57;
	v47 =	vld.idx.msk [tilespmem:v7+s11+$0x0], $0xffff  }
0x140: {  	v22 =	vadd.f32 v10, v23;
	v10 =	vld [tilespmem:$0x1FBF0]  }
0x141: {  	v14 =	vmul.f32 v21, v31;
	v21 =	vmul.f32 v15, v31;
	v15 =	vld.idx.msk [tilespmem:v48+s11+$0x0], $0xffff  }
0x142: {  	v16 =	vadd.f32 v16, v61;
	v61 =	vmov v29;
	v29 =	vor.u32 v29, v57;
	v34 =	vld.idx.msk [tilespmem:v20+s11+$0x0], $0xffff  }
0x143: {  	v9 =	vor.u32 v35, v57;
	v3 =	vadd.f32 v8, v3;
	v20 =	vor.u32 v25, v57;
	v1 =	vld.idx.msk [tilespmem:v17+s11+$0x0], $0xffff  }
0x144: {  	v58 =	vmovc v60;
	v18 =	vor.u32 v62, v57;
	v62 =	vmov v25;
	v2 =	vmul.f32 v27, v31;
	v25 =	vld.idx.msk [tilespmem:v32+s11+$0x0], $0xffff  }
0x145: {  	v60 =	vmovc v12;
	v7 =	vor.u32 v63, v57;
	v3 =	vadd.f32 v26, v3;
	v17 =	vor.u32 v10, v57;
	v10 =	vld [tilespmem:$0x1FBC0]  }
0x146: {  	v27 =	vadd.f32 v6, v16;
	v16 =	vmul.f32 v45, v31;
	v13 =	vadd.f32 v2, v11;
	v2 =	vld.idx.msk [tilespmem:v28+s11+$0x0], $0xffff  }
0x147: {  	v8 =	vor.u32 v52, v57;
	v52 =	vmovc v35;
	v63 =	vmov v30;
	v6 =	vor.u32 v12, v57;
	v19 =	vld.idx.msk [tilespmem:v29+s11+$0x0], $0xffff  }
0x148: {  	v12 =	vor.u32 v30, v57;
	v26 =	vmul.f32 v36, v0;
	v3 =	vadd.f32 v16, v3;
	v11 =	vld.idx.msk [tilespmem:v20+s11+$0x0], $0xffff  }
0x149: {  	v16 =	vor.u32 v46, v57;
	v20 =	vld.idx.msk [tilespmem:v18+s11+$0x0], $0xffff;
	v18 =	vadd.f32 v14, v33;
	v14 =	vmul.f32 v47, v0  }
0x14a: {  	s28 =	simm.s32 $0x2;
	v23 =	vmul.f32 v34, v0;
	v28 =	vmul.f32 v10, v31;
	v10 =	vor.u32 v51, v57;
	v51 =	vmovc v46  }
.LBB2_5:
0x14b: {  	v29 =	vld.idx.msk [tilespmem:v17+s9+$0x0], $0xffff  }
0x14c: {  	v7 =	vld.idx.msk [tilespmem:v7+s11+$0x0], $0xffff  }
0x14d: {  	v31 =	vld.idx.msk [tilespmem:v8+s9+$0x0], $0xffff  }
0x14e: {  	v34 =	vld.idx.msk [tilespmem:v9+s11+$0x0], $0xffff  }
0x14f: {  	v16 =	vld.idx.msk [tilespmem:v16+s11+$0x0], $0xffff  }
0x150: {  	v12 =	vld.idx.msk [tilespmem:v12+s11+$0x0], $0xffff  }
0x151: {  	v33 =	vor.u32 v44, v57;
	v9 =	vmul.f32 v19, v0;
	v19 =	vld.idx.msk [tilespmem:v6+s11+$0x0], $0xffff  }
0x152: {  	v24 =	vadd.f32 v28, v24;
	v14 =	vadd.f32 v14, v18;
	v18 =	vmul.f32 v4, v29;
	v4 =	vld [tilespmem:$0x1FBD0]  }
0x153: {  	v17 =	vor.u32 v38, v57;
	v6 =	vmul.f32 v20, v0;
	v38 =	vmul.f32 v7, v0;
	v0 =	vld [tilespmem:$0x1FF50]  }
0x154: {  	v32 =	vor.u32 v42, v57;
	v20 =	vadd.f32 v9, v24;
	v24 =	vmul.f32 v5, v29;
	v5 =	vld [tilespmem:$0x1FF20]  }
0x155: {  	v8 =	vor.u32 v41, v57;
	v13 =	vadd.f32 v6, v13;
	v6 =	vld [tilespmem:$0x1FF30]  }
0x156: {  	v22 =	vadd.f32 v23, v22;
	v23 =	vmul.f32 v25, v29;
	v25 =	vld.idx.msk [tilespmem:v33+s11+$0x0], $0xffff  }
0x157: {  	v21 =	vadd.f32 v21, v27;
	v27 =	vor.u32 v39, v57;
	v33 =	vld.idx.msk [tilespmem:v10+s9+$0x0], $0xffff  }
0x158: {  	s29 =	smov.u32 s28;
	v10 =	vld.idx.msk [tilespmem:v17+s11+$0x0], $0xffff  }
0x159: {  	v28 =	vor.u32 v40, v57;
	v9 =	vadd.s32 s29, v53;
	v32 =	vld.idx.msk [tilespmem:v32+s11+$0x0], $0xffff  }
0x15a: {  	v30 =	vor.u32 v43, v57;
	v57 =	vand.u32 $0xF, v9;
	v39 =	vld.idx.msk [tilespmem:v8+s11+$0x0], $0xffff  }
0x15b: {  	v7 =	vor.u32 v0, v57;
	v0 =	vld [tilespmem:$0x1FBE0]  }
0x15c: {  	v48 =	vor.u32 v61, v57;
	v27 =	vld.idx.msk [tilespmem:v27+s11+$0x0], $0xffff  }
0x15d: {  	v35 =	vor.u32 v6, v57;
	v6 =	vld [tilespmem:$0x1FF40]  }
0x15e: {  	v2 =	vmul.f32 v2, v31;
	v45 =	vor.u32 v58, v57;
	v28 =	vld.idx.msk [tilespmem:v28+s11+$0x0], $0xffff  }
0x15f: {  	v3 =	vadd.f32 v38, v3;
	v30 =	vld.idx.msk [tilespmem:v30+s11+$0x0], $0xffff;
	v19 =	vmul.f32 v19, v31;
	v5 =	vor.u32 v5, v57  }
0x160: {  	v8 =	vor.u32 v0, v57;
	v0 =	vld [tilespmem:$0x1FFA0]  }
0x161: {  	v15 =	vmul.f32 v15, v29;
	v13 =	vadd.f32 v2, v13;
	v3 =	vadd.f32 v19, v3;
	v19 =	vld.idx.msk [tilespmem:v48+s11+$0x0], $0xffff  }
0x162: {  	v26 =	vadd.f32 v26, v21;
	v21 =	vor.u32 v6, v57;
	v6 =	vld [tilespmem:$0x1FF60]  }
0x163: {  	v13 =	vadd.f32 v15, v13;
	v15 =	vld.idx.msk [tilespmem:v45+s11+$0x0], $0xffff  }
0x164: {  	v1 =	vmul.f32 v1, v31;
	v47 =	vld.idx.msk [tilespmem:v5+s11+$0x0], $0xffff  }
0x165: {  	v34 =	vmul.f32 v34, v31;
	v40 =	vor.u32 v0, v57;
	v0 =	vld [tilespmem:$0x1FF80]  }
0x166: {  	v46 =	vmul.f32 v12, v31;
	v14 =	vadd.f32 v1, v14;
	v5 =	vld [tilespmem:$0x1FC80]  }
0x167: {  	v22 =	vadd.f32 v34, v22;
	v31 =	vmul.f32 v16, v31;
	v37 =	vor.u32 v6, v57;
	v6 =	vld [tilespmem:$0x1FCF0]  }
0x168: {  	v34 =	vor.u32 v59, v57;
	v38 =	vadd.f32 v23, v14;
	v39 =	vmul.f32 v39, v33;
	v43 =	vld.idx.msk [tilespmem:v21+s11+$0x0], $0xffff  }
0x169: {  	v26 =	vadd.f32 v31, v26;
	v21 =	vmul.f32 v28, v33;
	v28 =	vmul.f32 v30, v33;
	v30 =	vld.idx.msk [tilespmem:v35+s11+$0x0], $0xffff  }
0x16a: {  	v4 =	vor.u32 v4, v57;
	v41 =	vor.u32 v0, v57;
	v0 =	vld [tilespmem:$0x1FF90]  }
0x16b: {  	v35 =	vmul.f32 v27, v33;
	v27 =	vadd.f32 v18, v26;
	v18 =	vadd.f32 v39, v38;
	v39 =	vld [tilespmem:$0x1FFE0]  }
0x16c: {  	v36 =	vmul.f32 v11, v29;
	v20 =	vadd.f32 v46, v20;
	v29 =	vmul.f32 v10, v29;
	v38 =	vld [tilespmem:$0x1FFD0]  }
0x16d: {  	v13 =	vadd.f32 v28, v13;
	v28 =	vmul.f32 v25, v33;
	v25 =	vld.idx.msk [tilespmem:v34+s11+$0x0], $0xffff  }
0x16e: {  	v22 =	vadd.f32 v24, v22;
	v24 =	vadd.f32 v29, v20;
	v11 =	vor.u32 v6, v57;
	v20 =	vld.idx.msk [tilespmem:v37+s11+$0x0], $0xffff  }
0x16f: {  	v44 =	vor.u32 v62, v57;
	v42 =	vor.u32 v0, v57;
	v0 =	vld.idx.msk [tilespmem:v4+s9+$0x0], $0xffff  }
0x170: {  	v4 =	vld [tilespmem:$0x1FBF0]  }
0x171: {  	v2 =	vld.idx.msk [tilespmem:v41+s11+$0x0], $0xffff  }
0x172: {  	v41 =	vld [tilespmem:$0x1FD30]  }
0x173: {  	v1 =	vld.idx.msk [tilespmem:v11+s11+$0x0], $0xffff  }
0x174: {  	v11 =	vld.idx.msk [tilespmem:v44+s11+$0x0], $0xffff  }
0x175: {  	p0 =	sne.s32 s28, $0xF;
	v44 =	vld [tilespmem:$0x1FD60]  }
.Ltmp3:
0x176: {  	v17 =	vor.u32 v4, v57;
	v4 =	vld.idx.msk [tilespmem:v40+s11+$0x0], $0xffff;
	(pc) =	sbr.rel @p0 .LBB2_5-.Ltmp3, $4  }
0x177: {  	v3 =	vadd.f32 v36, v3;
	v29 =	vmul.f32 v32, v33;
	v10 =	vor.u32 v5, v57;
	v5 =	vld.idx.msk [tilespmem:v42+s11+$0x0], $0xffff  }
0x178: {  	v9 =	vor.u32 v52, v57;
	v12 =	vor.u32 v63, v57;
	v16 =	vor.u32 v51, v57;
	v42 =	vld [tilespmem:$0x1FD40]  }
0x179: {  	v3 =	vadd.f32 v29, v3;
	v22 =	vadd.f32 v35, v22;
	v14 =	vmul.f32 v43, v0;
	v43 =	vld [tilespmem:$0x1FD50]  }
0x17a: {  	s28 =	sadd.s32 $0x1, s28;
	v6 =	vor.u32 v60, v57;
	v23 =	vmul.f32 v47, v0;
	v40 =	vld [tilespmem:$0x1FD20];
	v26 =	vmul.f32 v30, v0  }
0x17b: {  	_ =	sdelay $0x3  }
0x17c: {  	v17 =	vld.idx.msk [tilespmem:v17+s9+$0x0], $0xffff  }
0x17d: {  	v7 =	vld.idx.msk [tilespmem:v7+s11+$0x0], $0xffff  }
0x17e: {  	v29 =	vor.u32 v38, v57;
	v21 =	vadd.f32 v21, v27;
	v8 =	vld.idx.msk [tilespmem:v8+s9+$0x0], $0xffff  }
0x17f: {  	v24 =	vadd.f32 v28, v24;
	v27 =	vor.u32 v39, v57;
	v9 =	vld.idx.msk [tilespmem:v9+s11+$0x0], $0xffff;
	v31 =	vor.u32 v41, v57  }
0x180: {  	v33 =	vor.u32 v44, v57;
	v19 =	vmul.f32 v19, v0;
	v20 =	vmul.f32 v20, v0;
	v12 =	vld.idx.msk [tilespmem:v12+s11+$0x0], $0xffff  }
0x181: {  	v16 =	vld.idx.msk [tilespmem:v16+s11+$0x0], $0xffff;
	v14 =	vadd.f32 v14, v18;
	v22 =	vadd.f32 v23, v22;
	v32 =	vor.u32 v42, v57  }
0x182: {  	v6 =	vld.idx.msk [tilespmem:v6+s11+$0x0], $0xffff;
	v21 =	vadd.f32 v26, v21;
	v28 =	vor.u32 v40, v57;
	v23 =	vmul.f32 v25, v17  }
0x183: {  	v10 =	vld.idx.msk [tilespmem:v10+s9+$0x0], $0xffff;
	v30 =	vor.u32 v43, v57;
	v4 =	vmul.f32 v4, v17;
	v5 =	vmul.f32 v5, v17  }
0x184: {  	v0 =	vmul.f32 v7, v0;
	v7 =	vadd.f32 v20, v13;
	v13 =	vld.idx.msk [tilespmem:v27+s11+$0x0], $0xffff;
	v2 =	vmul.f32 v2, v8  }
0x185: {  	v19 =	vadd.f32 v19, v24;
	v1 =	vmul.f32 v1, v8;
	v12 =	vmul.f32 v12, v8;
	v24 =	vld.idx.msk [tilespmem:v31+s11+$0x0], $0xffff  }
0x186: {  	v9 =	vmul.f32 v9, v8;
	v16 =	vmul.f32 v16, v8;
	v2 =	vadd.f32 v2, v7;
	v7 =	vld.idx.msk [tilespmem:v32+s11+$0x0], $0xffff  }
0x187: {  	v6 =	vmul.f32 v6, v8;
	v1 =	vadd.f32 v1, v14;
	v0 =	vadd.f32 v0, v3;
	v20 =	vld.idx.msk [tilespmem:v28+s11+$0x0], $0xffff  }
0x188: {  	v15 =	vmul.f32 v15, v17;
	v18 =	vld.idx.msk [tilespmem:v29+s11+$0x0], $0xffff;
	v3 =	vadd.f32 v9, v22;
	v12 =	vadd.f32 v12, v19  }
0x189: {  	v11 =	vmul.f32 v11, v17;
	v14 =	vadd.f32 v16, v21;
	v8 =	vld.idx.msk [tilespmem:v30+s11+$0x0], $0xffff;
	v0 =	vadd.f32 v6, v0  }
0x18a: {  	v16 =	vld.idx.msk [tilespmem:v33+s11+$0x0], $0xffff;
	v1 =	vadd.f32 v23, v1;
	v3 =	vadd.f32 v5, v3;
	v13 =	vmul.f32 v13, v10  }
0x18b: {  	v4 =	vadd.f32 v4, v14;
	v6 =	vmul.f32 v24, v10;
	v0 =	vadd.f32 v11, v0  }
0x18c: {  	v3 =	vadd.f32 v13, v3;
	v7 =	vmul.f32 v7, v10;
	v5 =	vmul.f32 v20, v10  }
0x18d: {  	v2 =	vadd.f32 v15, v2;
	v9 =	vmul.f32 v18, v17;
	v1 =	vadd.f32 v6, v1  }
0x18e: {  	[tilespmem:s24+$0x14C70] =	vst v3;
	v0 =	vadd.f32 v7, v0;
	v4 =	vadd.f32 v5, v4;
	v5 =	vmul.f32 v8, v10  }
0x18f: {  	v3 =	vmul.f32 v16, v10;
	[tilespmem:s24+$0x14C90] =	vst v1;
	v8 =	vadd.f32 v9, v12  }
0x190: {  	[tilespmem:s24+$0x14CA0] =	vst v0;
	v2 =	vadd.f32 v5, v2  }
0x191: {  	p0 =	seq.s32 s23, $0x1F;
	[tilespmem:s24+$0x14C80] =	vst v4;
	v3 =	vadd.f32 v3, v8  }
0x192: {  	s29 =	simm.s32 $0x0;
	s26 =	sshra.s32 @!p0 s26, $0x2;
	[tilespmem:s24+$0x14CB0] =	vst v2  }
0x193: {  	s30 =	simm.s32 @!p0 $0xC8;
	s31 =	simm.s32 @!p0 $0x8400;
	v0 =	vadd.s32 s29, v53;
	s29 =	sadd.s32 @!p0 $0x320, s26;
	[tilespmem:s24+$0x14CB8] =	vst v3  }
0x194: {  	[tilespmem:s31], [sflag:$0x1] =	stream.indirect.gather @!p0 [hbm4b:s3+s30], $0x40, s29, s30, $0xb8;
	[tilespmem:$0x1B000] =	vst v63  }
0x195: {  	_ =	swait.ge [sflag:s18], $0x3200  }
0x196: {  	v39 =	vld [tilespmem:$0x1FF10]  }
0x197: {  	v44 =	vld [tilespmem:$0x1FEE0]  }
0x198: {  	v47 =	vld [tilespmem:$0x1FEF0]  }
0x199: {  	v24 =	vld [tilespmem:$0x1FEA0]  }
0x19a: {  	v36 =	vld [tilespmem:$0x1FE20]  }
0x19b: {  	v41 =	vld [tilespmem:$0x1FED0]  }
0x19c: {  	v46 =	vld [tilespmem:$0x1FE90]  }
0x19d: {  	v59 =	vld [tilespmem:$0x1FDF0]  }
0x19e: {  	v34 =	vld [tilespmem:$0x1FE80]  }
0x19f: {  	v52 =	vld [tilespmem:$0x1FDD0]  }
0x1a0: {  	v51 =	vld [tilespmem:$0x1FDC0]  }
0x1a1: {  	v40 =	vld [tilespmem:$0x1FE60]  }
0x1a2: {  	v60 =	vld [tilespmem:$0x1FE00]  }
0x1a3: {  	v62 =	vld [tilespmem:$0x1FE10]  }
0x1a4: {  	v0 =	vand.u32 $0xF, v0;
	v15 =	vld [tilespmem:$0x1FDE0]  }
0x1a5: {  	s28 =	sor.u32 $0x1, s25;
	v10 =	vor.u32 v56, v0;
	v45 =	vld [tilespmem:$0x1FEC0]  }
0x1a6: {  	v4 =	vmov s28;
	v23 =	vld [tilespmem:$0x1FE40];
	v5 =	vor.u32 v39, v0  }
0x1a7: {  	v1 =	vshll.u32 v4, $0x6;
	v30 =	vld [tilespmem:$0x1FE50];
	v6 =	vor.u32 v44, v0  }
0x1a8: {  	v35 =	vbroadcast v1, $0x0;
	[sflag:s18] =	ssyncset.done $0x0;
	v42 =	vld [tilespmem:$0x1FF00];
	v7 =	vor.u32 v47, v0  }
0x1a9: {  	v37 =	vld [tilespmem:$0x1FFF0];
	[sflag:s18] =	ssyncadd.s32 $0xFFFFCE00  }
0x1aa: {  	v1 =	vor.u32 v35, v0;
	v48 =	vor.u32 $0x20, v35;
	v10 =	vld.idx.msk [tilespmem:v10+s12+$0x0], $0xffff  }
0x1ab: {  	v8 =	vor.u32 v48, v0;
	v5 =	vld.idx.msk [tilespmem:v5+s12+$0x0], $0xffff  }
0x1ac: {  	v12 =	vor.u32 v46, v0;
	v57 =	vld.idx.msk [tilespmem:v6+s12+$0x0], $0xffff  }
0x1ad: {  	v63 =	vld.idx.msk [tilespmem:v7+s12+$0x0], $0xffff  }
0x1ae: {  	v6 =	vor.u32 v41, v0;
	v7 =	vld [tilespmem:$0x1FE70]  }
0x1af: {  	v1 =	vld.idx.msk [tilespmem:v1+s9+$0x0], $0xffff  }
0x1b0: {  	v16 =	vld.idx.msk [tilespmem:v8+s9+$0x0], $0xffff;
	[tilespmem:$0x1FAA0] =	vst v5;
	v5 =	vor.u32 v36, v0  }
0x1b1: {  	v3 =	vor.u32 v50, v0;
	v33 =	vld.idx.msk [tilespmem:v12+s12+$0x0], $0xffff  }
0x1b2: {  	v4 =	vor.u32 v55, v0;
	v38 =	vor.u32 $0x10, v35;
	v12 =	vld [tilespmem:$0x1FEB0]  }
0x1b3: {  	v9 =	vor.u32 v24, v0;
	v14 =	vor.u32 v7, v0;
	v6 =	vld.idx.msk [tilespmem:v6+s12+$0x0], $0xffff;
	v7 =	vor.u32 $0x30, v35  }
0x1b4: {  	v2 =	vor.u32 v54, v0;
	v19 =	vor.u32 v38, v0;
	[tilespmem:$0x1FB70] =	vst v7;
	v18 =	vor.u32 v7, v0;
	v7 =	vld [tilespmem:$0x1FE30]  }
0x1b5: {  	v8 =	vor.u32 v59, v0;
	v13 =	vor.u32 v34, v0;
	v20 =	vor.u32 v51, v0;
	v5 =	vld.idx.msk [tilespmem:v5+s12+$0x0], $0xffff  }
0x1b6: {  	v3 =	vld.idx.msk [tilespmem:v3+s12+$0x0], $0xffff;
	v22 =	vor.u32 v40, v0;
	v11 =	vor.u32 v60, v0;
	v17 =	vor.u32 v62, v0  }
0x1b7: {  	v4 =	vld.idx.msk [tilespmem:v4+s12+$0x0], $0xffff;
	v27 =	vor.u32 v15, v0;
	v28 =	vor.u32 v45, v0;
	v29 =	vor.u32 v30, v0  }
0x1b8: {  	v21 =	vor.u32 v42, v0;
	v31 =	vor.u32 v37, v0;
	v9 =	vld.idx.msk [tilespmem:v9+s12+$0x0], $0xffff;
	v25 =	vor.u32 v12, v0  }
0x1b9: {  	[tilespmem:$0x1FAC0] =	vst v6;
	v6 =	vor.u32 v49, v0;
	v26 =	vor.u32 v7, v0;
	v58 =	vld.idx.msk [tilespmem:v18+s9+$0x0], $0xffff  }
0x1ba: {  	v18 =	vor.u32 v23, v0;
	[tilespmem:$0x1FAB0] =	vst v5;
	v5 =	vor.u32 v52, v0;
	v0 =	vmul.f32 v10, v1  }
0x1bb: {  	v32 =	vimm.f32 $0.0e+00;
	v2 =	vld.idx.msk [tilespmem:v2+s12+$0x0], $0xffff  }
0x1bc: {  	v43 =	vld.idx.msk [tilespmem:v8+s12+$0x0], $0xffff;
	v0 =	vadd.f32 v0, v32  }
0x1bd: {  	v13 =	vld.idx.msk [tilespmem:v13+s12+$0x0], $0xffff  }
0x1be: {  	v3 =	vmul.f32 v3, v1;
	v8 =	vld.idx.msk [tilespmem:v20+s12+$0x0], $0xffff;
	[tilespmem:$0x1FB10] =	vst v0;
	v0 =	vmul.f32 v9, v16  }
0x1bf: {  	v4 =	vmul.f32 v4, v1;
	v5 =	vld.idx.msk [tilespmem:v5+s12+$0x0], $0xffff  }
0x1c0: {  	v3 =	vadd.f32 v3, v32;
	[tilespmem:$0x1FBA0] =	vst v0;
	v0 =	vld.idx.msk [tilespmem:v28+s12+$0x0], $0xffff  }
0x1c1: {  	v4 =	vadd.f32 v4, v32;
	v6 =	vld.idx.msk [tilespmem:v6+s12+$0x0], $0xffff  }
0x1c2: {  	s29 =	simm.s32 $0x1;
	v19 =	vld.idx.msk [tilespmem:v19+s9+$0x0], $0xffff;
	[tilespmem:$0x1FB40] =	vst v3  }
0x1c3: {  	v2 =	vmul.f32 v2, v1;
	v20 =	vld.idx.msk [tilespmem:v11+s12+$0x0], $0xffff;
	[tilespmem:$0x1FB00] =	vst v4;
	v4 =	vadd.s32 s29, v53  }
0x1c4: {  	v61 =	vand.u32 $0xF, v4;
	[tilespmem:$0x1FAF0] =	vst v8;
	v4 =	vld [tilespmem:$0x1FAA0];
	v3 =	vmul.f32 v5, v1;
	v5 =	vmul.f32 v13, v16  }
0x1c5: {  	v8 =	vmul.f32 v33, v16;
	v33 =	vld.idx.msk [tilespmem:v18+s12+$0x0], $0xffff;
	[tilespmem:$0x1FB20] =	vst v0  }
0x1c6: {  	v0 =	vadd.f32 v2, v32;
	v2 =	vmul.f32 v6, v1;
	[tilespmem:$0x1FB60] =	vst v5;
	v5 =	vld.idx.msk [tilespmem:v25+s12+$0x0], $0xffff  }
0x1c7: {  	v9 =	vld [tilespmem:$0x1FAC0]  }
0x1c8: {  	v6 =	vld.idx.msk [tilespmem:v31+s12+$0x0], $0xffff;
	v37 =	vadd.f32 v2, v32;
	v2 =	vor.u32 v35, v61  }
0x1c9: {  	v31 =	vld.idx.msk [tilespmem:v26+s12+$0x0], $0xffff;
	v26 =	vor.u32 v50, v61  }
0x1ca: {  	v27 =	vld.idx.msk [tilespmem:v27+s12+$0x0], $0xffff  }
0x1cb: {  	[tilespmem:$0x1FB30] =	vst v5;
	v5 =	vmul.f32 v63, v58;
	v63 =	vmul.f32 v4, v58;
	v4 =	vld.idx.msk [tilespmem:v21+s12+$0x0], $0xffff  }
0x1cc: {  	[tilespmem:$0x1FAE0] =	vst v48;
	v11 =	vmul.f32 v9, v58;
	v9 =	vor.u32 v59, v61;
	v21 =	vld.idx.msk [tilespmem:v17+s12+$0x0], $0xffff  }
0x1cd: {  	[tilespmem:$0x1FB90] =	vst v9;
	v25 =	vadd.f32 v3, v32;
	v9 =	vld.idx.msk [tilespmem:v2+s9+$0x0], $0xffff;
	v2 =	vmul.f32 v33, v19  }
0x1ce: {  	v17 =	vor.u32 v39, v61;
	v39 =	vor.u32 v47, v61;
	v47 =	vor.u32 v48, v61;
	v48 =	vld.idx.msk [tilespmem:v26+s12+$0x0], $0xffff  }
0x1cf: {  	[tilespmem:$0x1FA90] =	vst v35;
	v35 =	vor.u32 v55, v61;
	v26 =	vadd.f32 v2, v25;
	v2 =	vld [tilespmem:$0x1FAF0]  }
0x1d0: {  	[tilespmem:$0x1FB50] =	vst v4;
	v4 =	vld [tilespmem:$0x1FAB0];
	_ =	sdelay $0x2  }
0x1d1: {  	v20 =	vmul.f32 v20, v19;
	v10 =	vld.idx.msk [tilespmem:v22+s12+$0x0], $0xffff;
	v22 =	vmul.f32 v43, v19  }
0x1d2: {  	v50 =	vor.u32 v24, v61;
	v24 =	vld.idx.msk [tilespmem:v35+s12+$0x0], $0xffff;
	v35 =	vmul.f32 v27, v19;
	v1 =	vmul.f32 v2, v1  }
0x1d3: {  	v2 =	vld.idx.msk [tilespmem:v17+s12+$0x0], $0xffff;
	v17 =	vmul.f32 v31, v19;
	v43 =	vmul.f32 v4, v19  }
0x1d4: {  	v19 =	vmul.f32 v21, v19;
	v21 =	vadd.f32 v1, v32;
	v1 =	vor.u32 v15, v61;
	v15 =	vld [tilespmem:$0x1FB10];
	_ =	sdelay $0x4  }
0x1d5: {  	[tilespmem:$0x1FAD0] =	vst v38;
	v13 =	vor.u32 v38, v61;
	v38 =	vadd.f32 v20, v15;
	v20 =	vld [tilespmem:$0x1FB20];
	_ =	sdelay $0x1  }
0x1d6: {  	v29 =	vld.idx.msk [tilespmem:v29+s12+$0x0], $0xffff  }
0x1d7: {  	v14 =	vld.idx.msk [tilespmem:v14+s12+$0x0], $0xffff  }
0x1d8: {  	v59 =	vor.u32 v60, v61;
	v60 =	vor.u32 v62, v61;
	v62 =	vor.u32 v7, v61;
	v7 =	vld [tilespmem:$0x1FB00]  }
0x1d9: {  	v31 =	vmul.f32 v20, v58;
	v20 =	vld [tilespmem:$0x1FB30];
	_ =	sdelay $0x1  }
0x1da: {  	v28 =	vor.u32 v56, v61  }
0x1db: {  	v3 =	vmul.f32 v14, v16;
	v14 =	vmul.f32 v10, v16;
	v10 =	vor.u32 v49, v61  }
0x1dc: {  	v49 =	vor.u32 v36, v61;
	v36 =	vadd.f32 v22, v7;
	v7 =	vor.u32 v12, v61;
	v12 =	vld.idx.msk [tilespmem:v39+s12+$0x0], $0xffff  }
0x1dd: {  	v25 =	vmul.f32 v29, v16;
	v39 =	vmul.f32 v20, v16;
	v16 =	vld [tilespmem:$0x1FB40];
	_ =	sdelay $0x3  }
0x1de: {  	v29 =	vld.idx.msk [tilespmem:v28+s12+$0x0], $0xffff  }
0x1df: {  	v28 =	vadd.f32 v43, v16;
	v16 =	vld.idx.msk [tilespmem:v49+s12+$0x0], $0xffff  }
0x1e0: {  	v49 =	vadd.f32 v17, v21;
	v21 =	vld [tilespmem:$0x1FB50];
	_ =	sdelay $0x3  }
0x1e1: {  	v15 =	vld.idx.msk [tilespmem:v47+s9+$0x0], $0xffff  }
0x1e2: {  	v47 =	vadd.f32 v19, v37;
	v37 =	vmul.f32 v21, v58;
	v21 =	vld [tilespmem:$0x1FB60];
	_ =	sdelay $0x3  }
0x1e3: {  	[tilespmem:$0x1FB80] =	vst v8;
	v8 =	vor.u32 v54, v61  }
0x1e4: {  	v27 =	vor.u32 v40, v61;
	v40 =	vadd.f32 v21, v47;
	v21 =	vld [tilespmem:$0x1FB70];
	_ =	sdelay $0x3  }
0x1e5: {  	v18 =	vor.u32 v52, v61;
	v52 =	vor.u32 v44, v61;
	v44 =	vld.idx.msk [tilespmem:v8+s12+$0x0], $0xffff  }
0x1e6: {  	v43 =	vor.u32 v21, v61;
	v21 =	vld [tilespmem:$0x1FB80];
	_ =	sdelay $0x3  }
0x1e7: {  	v8 =	vld.idx.msk [tilespmem:v52+s12+$0x0], $0xffff  }
0x1e8: {  	v19 =	vor.u32 v23, v61;
	v23 =	vmul.f32 v44, v9;
	v44 =	vadd.f32 v21, v28;
	v28 =	vld [tilespmem:$0x1FB90]  }
0x1e9: {  	v52 =	vor.u32 v46, v61;
	v17 =	vld [tilespmem:$0x1FE70]  }
0x1ea: {  	v4 =	vor.u32 v51, v61;
	v51 =	vor.u32 v41, v61  }
0x1eb: {  	v20 =	vor.u32 v30, v61;
	v30 =	vld [tilespmem:$0x1FBA0];
	_ =	sdelay $0x1  }
0x1ec: {  	v22 =	vld.idx.msk [tilespmem:v50+s12+$0x0], $0xffff;
	v33 =	vor.u32 v34, v61  }
0x1ed: {  	v34 =	vld.idx.msk [tilespmem:v52+s12+$0x0], $0xffff;
	v41 =	vor.u32 v17, v61  }
0x1ee: {  	v32 =	vmul.f32 v48, v9;
	v17 =	vld.idx.msk [tilespmem:v51+s12+$0x0], $0xffff  }
0x1ef: {  	s29 =	simm.s32 $0x2;
	v21 =	vor.u32 v42, v61;
	v42 =	vadd.f32 v30, v49;
	v30 =	vor.u32 v45, v61;
	v28 =	vld.idx.msk [tilespmem:v28+s12+$0x0], $0xffff  }
.LBB2_7:
0x1f0: {  	_ = 	snop  }
0x1f1: {  	v33 =	vld.idx.msk [tilespmem:v33+s12+$0x0], $0xffff  }
0x1f2: {  	v48 =	vld.idx.msk [tilespmem:v41+s12+$0x0], $0xffff  }
0x1f3: {  	v18 =	vld.idx.msk [tilespmem:v18+s12+$0x0], $0xffff  }
0x1f4: {  	v0 =	vadd.f32 v35, v0;
	v10 =	vld.idx.msk [tilespmem:v10+s12+$0x0], $0xffff  }
0x1f5: {  	v6 =	vmul.f32 v6, v58;
	v49 =	vld [tilespmem:$0x1FFF0]  }
0x1f6: {  	v21 =	vld.idx.msk [tilespmem:v21+s12+$0x0], $0xffff;
	v0 =	vadd.f32 v25, v0;
	v25 =	vadd.f32 v39, v26;
	v26 =	vmul.f32 v57, v58  }
0x1f7: {  	v3 =	vadd.f32 v3, v38;
	v5 =	vadd.f32 v5, v44;
	v58 =	vld.idx.msk [tilespmem:v43+s9+$0x0], $0xffff  }
0x1f8: {  	v0 =	vadd.f32 v6, v0;
	v6 =	vadd.f32 v26, v40;
	v26 =	vld.idx.msk [tilespmem:v1+s12+$0x0], $0xffff  }
0x1f9: {  	v38 =	vmovc v9;
	v37 =	vadd.f32 v37, v42;
	v57 =	vmovc v8;
	v8 =	vadd.f32 v63, v25;
	v40 =	vmov v15;
	v1 =	vld [tilespmem:$0x1FAD0]  }
0x1fa: {  	v39 =	vld.idx.msk [tilespmem:v13+s9+$0x0], $0xffff;
	v42 =	vmul.f32 v34, v40;
	v34 =	vadd.f32 v32, v5;
	v5 =	vmul.f32 v18, v38  }
0x1fb: {  	s30 =	smov.u32 s29;
	v24 =	vmul.f32 v24, v9;
	v9 =	vmul.f32 v29, v38;
	v29 =	vld.idx.msk [tilespmem:v4+s12+$0x0], $0xffff  }
0x1fc: {  	v4 =	vld.idx.msk [tilespmem:v27+s12+$0x0], $0xffff;
	v46 =	vmul.f32 v22, v40;
	v22 =	vadd.f32 v5, v8;
	v5 =	vadd.s32 s30, v53  }
0x1fd: {  	v14 =	vadd.f32 v14, v36;
	v43 =	vld.idx.msk [tilespmem:v7+s12+$0x0], $0xffff;
	v36 =	vor.u32 v49, v61;
	v61 =	vand.u32 $0xF, v5  }
0x1fe: {  	v3 =	vadd.f32 v11, v3;
	v13 =	vor.u32 v1, v61;
	v1 =	vld [tilespmem:$0x1FE10]  }
0x1ff: {  	v15 =	vld.idx.msk [tilespmem:v30+s12+$0x0], $0xffff  }
0x200: {  	v45 =	vadd.f32 v9, v3;
	v9 =	vld [tilespmem:$0x1FDD0]  }
0x201: {  	v8 =	vld.idx.msk [tilespmem:v19+s12+$0x0], $0xffff  }
0x202: {  	v14 =	vadd.f32 v31, v14;
	v47 =	vmul.f32 v16, v39;
	v16 =	vld.idx.msk [tilespmem:v60+s12+$0x0], $0xffff  }
0x203: {  	v60 =	vor.u32 v1, v61;
	v1 =	vld [tilespmem:$0x1FEE0]  }
0x204: {  	v32 =	vadd.f32 v24, v14;
	v14 =	vmul.f32 v4, v40;
	v4 =	vld [tilespmem:$0x1FDA0]  }
0x205: {  	v7 =	vmul.f32 v10, v38;
	v19 =	vld.idx.msk [tilespmem:v20+s12+$0x0], $0xffff  }
0x206: {  	v18 =	vor.u32 v9, v61;
	v9 =	vld [tilespmem:$0x1FDF0]  }
0x207: {  	v0 =	vadd.f32 v23, v0;
	v23 =	vmul.f32 v28, v39;
	v28 =	vadd.f32 v7, v6;
	v7 =	vld [tilespmem:$0x1FA90]  }
0x208: {  	v27 =	vor.u32 v1, v61;
	v1 =	vld [tilespmem:$0x1FE30]  }
0x209: {  	v10 =	vor.u32 v4, v61;
	v4 =	vld [tilespmem:$0x1FDB0]  }
0x20a: {  	v20 =	vld.idx.msk [tilespmem:v62+s12+$0x0], $0xffff  }
0x20b: {  	v3 =	vmul.f32 v48, v40;
	v48 =	vor.u32 v9, v61;
	v9 =	vld [tilespmem:$0x1FE00]  }
0x20c: {  	v31 =	vmul.f32 v15, v58;
	v15 =	vld [tilespmem:$0x1FE50]  }
0x20d: {  	v62 =	vor.u32 v1, v61;
	v1 =	vld [tilespmem:$0x1FAE0]  }
0x20e: {  	v6 =	vld.idx.msk [tilespmem:v36+s12+$0x0], $0xffff;
	v24 =	vor.u32 v4, v61  }
0x20f: {  	v63 =	vmul.f32 v2, v58;
	v2 =	vor.u32 v55, v61;
	v36 =	vld.idx.msk [tilespmem:v59+s12+$0x0], $0xffff  }
0x210: {  	v59 =	vor.u32 v9, v61;
	v9 =	vld [tilespmem:$0x1FF10]  }
0x211: {  	v5 =	vmul.f32 v12, v58;
	v12 =	vor.u32 v54, v61;
	v53 =	vmul.f32 v8, v39;
	v8 =	vld [tilespmem:$0x1FE40]  }
0x212: {  	v41 =	vor.u32 v1, v61;
	v1 =	vld [tilespmem:$0x1FEF0]  }
0x213: {  	v50 =	vld.idx.msk [tilespmem:v24+s12+$0x0], $0xffff  }
0x214: {  	v24 =	vld.idx.msk [tilespmem:v2+s12+$0x0], $0xffff  }
0x215: {  	v11 =	vmul.f32 v17, v58;
	v2 =	vld [tilespmem:$0x1FED0];
	v17 =	vor.u32 v9, v61  }
0x216: {  	v49 =	vld.idx.msk [tilespmem:v12+s12+$0x0], $0xffff  }
0x217: {  	v12 =	vor.u32 v1, v61;
	v1 =	vld [tilespmem:$0x1FE20]  }
0x218: {  	v35 =	vmul.f32 v26, v39;
	v26 =	vadd.f32 v53, v22;
	v22 =	vld [tilespmem:$0x1FE70]  }
0x219: {  	v25 =	vmul.f32 v19, v40;
	v19 =	vor.u32 v8, v61;
	v8 =	vld [tilespmem:$0x1FE90]  }
0x21a: {  	v7 =	vor.u32 v7, v61;
	v54 =	vor.u32 v2, v61;
	v2 =	vld.idx.msk [tilespmem:v17+s12+$0x0], $0xffff  }
0x21b: {  	v17 =	vld [tilespmem:$0x1FE60]  }
0x21c: {  	v51 =	vor.u32 v1, v61;
	v1 =	vld [tilespmem:$0x1FEA0]  }
0x21d: {  	v30 =	vor.u32 v56, v61;
	v4 =	vld [tilespmem:$0x1FDC0]  }
0x21e: {  	v56 =	vor.u32 v8, v61;
	v8 =	vld.idx.msk [tilespmem:v27+s12+$0x0], $0xffff  }
0x21f: {  	v9 =	vld.idx.msk [tilespmem:v7+s9+$0x0], $0xffff  }
0x220: {  	v55 =	vmul.f32 v20, v39;
	v20 =	vor.u32 v15, v61;
	v15 =	vld.idx.msk [tilespmem:v41+s9+$0x0], $0xffff  }
0x221: {  	v27 =	vor.u32 v17, v61;
	v17 =	vmul.f32 v29, v38;
	v52 =	vor.u32 v1, v61;
	v1 =	vld [tilespmem:$0x1FE80]  }
0x222: {  	v29 =	vld.idx.msk [tilespmem:v30+s12+$0x0], $0xffff  }
0x223: {  	v38 =	vmul.f32 v36, v39;
	v30 =	vadd.f32 v17, v37;
	v37 =	vmul.f32 v21, v58;
	v21 =	vld [tilespmem:$0x1FB70]  }
0x224: {  	v36 =	vadd.f32 v23, v32;
	v32 =	vmul.f32 v50, v9;
	v50 =	vadd.f32 v47, v34;
	v34 =	vld.idx.msk [tilespmem:v56+s12+$0x0], $0xffff  }
0x225: {  	v56 =	vld [tilespmem:$0x1FD90]  }
0x226: {  	v44 =	vmul.f32 v33, v40;
	v39 =	vmul.f32 v16, v39;
	v33 =	vor.u32 v1, v61;
	v1 =	vld [tilespmem:$0x1FEB0]  }
0x227: {  	v17 =	vld.idx.msk [tilespmem:v54+s12+$0x0], $0xffff  }
0x228: {  	v28 =	vadd.f32 v39, v28;
	v39 =	vmul.f32 v43, v40;
	v43 =	vor.u32 v21, v61;
	v21 =	vld [tilespmem:$0x1FF00]  }
0x229: {  	v16 =	vld.idx.msk [tilespmem:v51+s12+$0x0], $0xffff  }
0x22a: {  	v51 =	vadd.f32 v55, v30;
	v30 =	vld [tilespmem:$0x1FEC0]  }
0x22b: {  	p1 =	sne.s32 s29, $0xF;
	v7 =	vor.u32 v1, v61;
	v1 =	vld [tilespmem:$0x1FDE0]  }
.Ltmp4:
0x22c: {  	v54 =	vld [tilespmem:$0x1FD70];
	(pc) =	sbr.rel @p1 .LBB2_7-.Ltmp4, $4  }
0x22d: {  	v53 =	vlaneseq.u32;
	v4 =	vor.u32 v4, v61;
	v12 =	vld.idx.msk [tilespmem:v12+s12+$0x0], $0xffff  }
0x22e: {  	v41 =	vor.u32 v22, v61;
	v38 =	vadd.f32 v38, v45;
	v40 =	vadd.f32 v44, v28;
	v28 =	vld.idx.msk [tilespmem:v48+s12+$0x0], $0xffff  }
0x22f: {  	v23 =	vmul.f32 v49, v9;
	v44 =	vadd.f32 v42, v50;
	v55 =	vld [tilespmem:$0x1FD80];
	v42 =	vadd.f32 v46, v51  }
0x230: {  	s29 =	sadd.s32 $0x1, s29;
	v21 =	vor.u32 v21, v61;
	v22 =	vld.idx.msk [tilespmem:v52+s12+$0x0], $0xffff;
	v30 =	vor.u32 v30, v61;
	v1 =	vor.u32 v1, v61  }
0x231: {  	_ =	sdelay $0x3  }
0x232: {  	v33 =	vld.idx.msk [tilespmem:v33+s12+$0x0], $0xffff  }
0x233: {  	v41 =	vld.idx.msk [tilespmem:v41+s12+$0x0], $0xffff  }
0x234: {  	v18 =	vld.idx.msk [tilespmem:v18+s12+$0x0], $0xffff  }
0x235: {  	v10 =	vld.idx.msk [tilespmem:v10+s12+$0x0], $0xffff  }
0x236: {  	v4 =	vld.idx.msk [tilespmem:v4+s12+$0x0], $0xffff  }
0x237: {  	v27 =	vld.idx.msk [tilespmem:v27+s12+$0x0], $0xffff  }
0x238: {  	v19 =	vld.idx.msk [tilespmem:v19+s12+$0x0], $0xffff  }
0x239: {  	v20 =	vld.idx.msk [tilespmem:v20+s12+$0x0], $0xffff  }
0x23a: {  	v46 =	vld.idx.msk [tilespmem:v59+s12+$0x0], $0xffff  }
0x23b: {  	v1 =	vld.idx.msk [tilespmem:v1+s12+$0x0], $0xffff  }
0x23c: {  	v47 =	vld.idx.msk [tilespmem:v60+s12+$0x0], $0xffff  }
0x23d: {  	v7 =	vld.idx.msk [tilespmem:v7+s12+$0x0], $0xffff  }
0x23e: {  	v51 =	vld [tilespmem:$0x1FA90]  }
0x23f: {  	v14 =	vadd.f32 v14, v36;
	v36 =	vld [tilespmem:$0x1FFA0]  }
0x240: {  	v48 =	vld [tilespmem:$0x1FF30]  }
0x241: {  	v60 =	vld [tilespmem:$0x1FF50]  }
0x242: {  	v6 =	vmul.f32 v6, v58;
	v45 =	vmul.f32 v57, v58;
	v58 =	vld [tilespmem:$0x1FAD0]  }
0x243: {  	v3 =	vadd.f32 v3, v38;
	v24 =	vmul.f32 v24, v9;
	v38 =	vld [tilespmem:$0x1FFD0]  }
0x244: {  	v26 =	vadd.f32 v39, v26;
	v29 =	vmul.f32 v29, v9;
	v39 =	vld [tilespmem:$0x1FFE0];
	v18 =	vmul.f32 v18, v9  }
0x245: {  	v0 =	vadd.f32 v35, v0;
	v10 =	vmul.f32 v10, v9;
	v4 =	vmul.f32 v4, v9;
	v9 =	vld [tilespmem:$0x1FFF0]  }
0x246: {  	v5 =	vadd.f32 v5, v44;
	v44 =	vld [tilespmem:$0x1FD60]  }
0x247: {  	v0 =	vadd.f32 v25, v0;
	v25 =	vld.idx.msk [tilespmem:v43+s9+$0x0], $0xffff;
	v14 =	vadd.f32 v31, v14  }
0x248: {  	v3 =	vadd.f32 v11, v3;
	v11 =	vadd.f32 v45, v40;
	v31 =	vmul.f32 v34, v15;
	v34 =	vld [tilespmem:$0x1FF20]  }
0x249: {  	v26 =	vadd.f32 v63, v26;
	v0 =	vadd.f32 v6, v0;
	v6 =	vld.idx.msk [tilespmem:v13+s9+$0x0], $0xffff  }
0x24a: {  	v5 =	vadd.f32 v32, v5;
	v63 =	vld [tilespmem:$0x1FD10];
	v13 =	vadd.f32 v37, v42;
	v9 =	vor.u32 v9, v61  }
0x24b: {  	v45 =	vld [tilespmem:$0x1FF70];
	v14 =	vadd.f32 v24, v14;
	v22 =	vmul.f32 v22, v15;
	v24 =	vmul.f32 v33, v15  }
0x24c: {  	v32 =	vld [tilespmem:$0x1FD00];
	v3 =	vadd.f32 v29, v3;
	v29 =	vmul.f32 v41, v15;
	v27 =	vmul.f32 v27, v15  }
0x24d: {  	v7 =	vmul.f32 v7, v15;
	v0 =	vadd.f32 v23, v0;
	v23 =	vld.idx.msk [tilespmem:v62+s12+$0x0], $0xffff;
	v18 =	vadd.f32 v18, v26  }
0x24e: {  	v40 =	vld [tilespmem:$0x1FD20];
	v10 =	vadd.f32 v10, v11;
	v28 =	vmul.f32 v28, v6;
	v19 =	vmul.f32 v19, v6  }
0x24f: {  	v4 =	vadd.f32 v4, v13;
	v11 =	vmul.f32 v16, v6;
	v16 =	vmul.f32 v17, v25;
	v9 =	vld.idx.msk [tilespmem:v9+s12+$0x0], $0xffff  }
0x250: {  	v26 =	vld.idx.msk [tilespmem:v30+s12+$0x0], $0xffff;
	v1 =	vmul.f32 v1, v6;
	v17 =	vadd.f32 v19, v18;
	v18 =	vmul.f32 v20, v15  }
0x251: {  	v14 =	vadd.f32 v28, v14;
	v19 =	vld.idx.msk [tilespmem:v21+s12+$0x0], $0xffff;
	v20 =	vmul.f32 v46, v6;
	v21 =	vmul.f32 v47, v6  }
0x252: {  	v43 =	vld [tilespmem:$0x1FD50];
	v6 =	vmul.f32 v23, v6;
	v0 =	vadd.f32 v1, v0;
	v5 =	vadd.f32 v11, v5  }
0x253: {  	v37 =	vld [tilespmem:$0x1FF90];
	v12 =	vmul.f32 v12, v25;
	v3 =	vadd.f32 v20, v3;
	v10 =	vadd.f32 v21, v10  }
0x254: {  	v42 =	vld [tilespmem:$0x1FD40];
	v0 =	vadd.f32 v18, v0;
	v4 =	vadd.f32 v6, v4;
	v9 =	vmul.f32 v9, v25  }
0x255: {  	s28 =	smul.u32 $0x320, s28;
	v33 =	vld [tilespmem:$0x1FF40];
	v1 =	vmul.f32 v26, v25;
	v6 =	vadd.f32 v27, v14;
	v5 =	vadd.f32 v31, v5  }
0x256: {  	v41 =	vld [tilespmem:$0x1FD30];
	v2 =	vmul.f32 v2, v25;
	v3 =	vadd.f32 v29, v3;
	v0 =	vadd.f32 v9, v0  }
0x257: {  	s29 =	sshra.s32 s28, $0x2;
	s28 =	simm.s32 $0x0;
	v62 =	vld [tilespmem:$0x1FB70];
	v8 =	vmul.f32 v8, v25;
	v1 =	vadd.f32 v1, v6;
	v9 =	vadd.f32 v24, v10  }
0x258: {  	v30 =	vld [tilespmem:$0x1FFC0];
	v4 =	vadd.f32 v22, v4;
	v3 =	vadd.f32 v16, v3;
	[tilespmem:s29+$0x14C00] =	vst v0;
	v0 =	vadd.s32 s28, v53  }
0x259: {  	v61 =	vld [tilespmem:$0x1FF60];
	v11 =	vmul.f32 v19, v25;
	[tilespmem:s29+$0x14C10] =	vst v1;
	v6 =	vadd.f32 v8, v9;
	v0 =	vand.u32 $0xF, v0  }
0x25a: {  	v47 =	vld [tilespmem:$0x1FCF0];
	v1 =	vadd.f32 v12, v5;
	v5 =	vadd.f32 v7, v17;
	[tilespmem:s29+$0x14C20] =	vst v3;
	v3 =	vor.u32 v51, v0  }
0x25b: {  	v46 =	vld [tilespmem:$0x1FCE0];
	v4 =	vadd.f32 v11, v4;
	[tilespmem:s29+$0x14C30] =	vst v6;
	v6 =	vor.u32 v33, v0  }
0x25c: {  	v29 =	vld [tilespmem:$0x1FCC0];
	v2 =	vadd.f32 v2, v5;
	[tilespmem:s29+$0x14C40] =	vst v1;
	v1 =	vor.u32 v34, v0  }
0x25d: {  	[tilespmem:s29+$0x14C50] =	vst v4;
	v25 =	vld [tilespmem:$0x1FFB0];
	v4 =	vor.u32 v36, v0  }
0x25e: {  	[tilespmem:s29+$0x14C60] =	vst v2;
	v24 =	vld [tilespmem:$0x1FF80];
	v2 =	vor.u32 v37, v0  }
0x25f: {  	v5 =	vor.u32 v47, v0;
	v3 =	vld.idx.msk [tilespmem:v3+s9+$0x0], $0xffff  }
0x260: {  	v7 =	vor.u32 v48, v0;
	v6 =	vld.idx.msk [tilespmem:v6+s12+$0x0], $0xffff  }
0x261: {  	v1 =	vld.idx.msk [tilespmem:v1+s12+$0x0], $0xffff  }
0x262: {  	v9 =	vor.u32 v25, v0;
	v4 =	vld.idx.msk [tilespmem:v4+s12+$0x0], $0xffff  }
0x263: {  	v10 =	vor.u32 v29, v0;
	v31 =	vld.idx.msk [tilespmem:v2+s12+$0x0], $0xffff  }
0x264: {  	v11 =	vor.u32 v61, v0;
	v5 =	vld.idx.msk [tilespmem:v5+s12+$0x0], $0xffff  }
0x265: {  	v12 =	vor.u32 v30, v0;
	v7 =	vld.idx.msk [tilespmem:v7+s12+$0x0], $0xffff  }
0x266: {  	v15 =	vor.u32 v60, v0;
	v2 =	vld [tilespmem:$0x1FAE0]  }
0x267: {  	v9 =	vld.idx.msk [tilespmem:v9+s12+$0x0], $0xffff  }
0x268: {  	v16 =	vor.u32 v58, v0;
	v10 =	vld.idx.msk [tilespmem:v10+s12+$0x0], $0xffff  }
0x269: {  	v18 =	vor.u32 v45, v0;
	v11 =	vld.idx.msk [tilespmem:v11+s12+$0x0], $0xffff  }
0x26a: {  	v8 =	vor.u32 v24, v0;
	v12 =	vld.idx.msk [tilespmem:v12+s12+$0x0], $0xffff  }
0x26b: {  	v20 =	vor.u32 v38, v0;
	v15 =	vld.idx.msk [tilespmem:v15+s12+$0x0], $0xffff  }
0x26c: {  	v14 =	vor.u32 v2, v0;
	v2 =	vld [tilespmem:$0x1FCD0]  }
0x26d: {  	v19 =	vimm.f32 $0.0e+00;
	v21 =	vor.u32 v32, v0;
	v16 =	vld.idx.msk [tilespmem:v16+s9+$0x0], $0xffff  }
0x26e: {  	v13 =	vor.u32 v63, v0;
	v22 =	vor.u32 v62, v0;
	v18 =	vld.idx.msk [tilespmem:v18+s12+$0x0], $0xffff;
	v7 =	vmul.f32 v7, v3  }
0x26f: {  	v23 =	vor.u32 v46, v0;
	v52 =	vor.u32 v39, v0;
	v49 =	vor.u32 v40, v0;
	v8 =	vld.idx.msk [tilespmem:v8+s12+$0x0], $0xffff  }
0x270: {  	v26 =	vor.u32 v44, v0;
	v27 =	vor.u32 v43, v0;
	v50 =	vadd.f32 v7, v19;
	v7 =	vld.idx.msk [tilespmem:v20+s12+$0x0], $0xffff  }
0x271: {  	v28 =	vor.u32 v41, v0;
	v17 =	vor.u32 v2, v0;
	v14 =	vld.idx.msk [tilespmem:v14+s9+$0x0], $0xffff;
	v0 =	vor.u32 v42, v0  }
0x272: {  	v6 =	vmul.f32 v6, v3;
	v1 =	vmul.f32 v1, v3;
	v20 =	vld.idx.msk [tilespmem:v21+s12+$0x0], $0xffff  }
0x273: {  	v13 =	vld.idx.msk [tilespmem:v13+s12+$0x0], $0xffff;
	v10 =	vmul.f32 v10, v3;
	v11 =	vmul.f32 v11, v3  }
0x274: {  	s28 =	simm.s32 $0x1;
	v23 =	vld.idx.msk [tilespmem:v23+s12+$0x0], $0xffff;
	v3 =	vmul.f32 v15, v3;
	v5 =	vmul.f32 v5, v16;
	v1 =	vadd.f32 v1, v19  }
0x275: {  	v27 =	vld.idx.msk [tilespmem:v27+s12+$0x0], $0xffff;
	v21 =	vadd.s32 s28, v53;
	v6 =	vadd.f32 v6, v19;
	v10 =	vadd.f32 v10, v19  }
0x276: {  	v57 =	vand.u32 $0xF, v21;
	v4 =	vmul.f32 v4, v14;
	v15 =	vld.idx.msk [tilespmem:v0+s12+$0x0], $0xffff;
	v0 =	vmul.f32 v8, v16  }
0x277: {  	v17 =	vld.idx.msk [tilespmem:v17+s12+$0x0], $0xffff;
	v8 =	vmul.f32 v18, v16;
	v18 =	vmul.f32 v20, v16;
	v20 =	vor.u32 v34, v57  }
0x278: {  	v3 =	vadd.f32 v3, v19;
	v5 =	vadd.f32 v5, v6;
	[tilespmem:$0x1FA70] =	vst v4;
	v4 =	vld.idx.msk [tilespmem:v26+s12+$0x0], $0xffff  }
0x279: {  	v21 =	vld.idx.msk [tilespmem:v28+s12+$0x0], $0xffff;
	v26 =	vmul.f32 v9, v14;
	v9 =	vadd.f32 v11, v19;
	v11 =	vor.u32 v51, v57  }
0x27a: {  	v6 =	vor.u32 v37, v57;
	v28 =	vor.u32 v24, v57;
	v35 =	vmul.f32 v31, v14;
	v31 =	vld.idx.msk [tilespmem:v22+s9+$0x0], $0xffff  }
0x27b: {  	v13 =	vmul.f32 v13, v14;
	v22 =	vld.idx.msk [tilespmem:v52+s12+$0x0], $0xffff;
	v19 =	vor.u32 v48, v57;
	v10 =	vadd.f32 v18, v10  }
0x27c: {  	v17 =	vmul.f32 v17, v16;
	v16 =	vmul.f32 v23, v16;
	v23 =	vor.u32 v36, v57;
	v34 =	vld.idx.msk [tilespmem:v20+s12+$0x0], $0xffff  }
0x27d: {  	v18 =	vor.u32 v61, v57;
	[tilespmem:$0x1FA80] =	vst v4;
	v4 =	vmul.f32 v12, v14;
	v12 =	vld.idx.msk [tilespmem:v49+s12+$0x0], $0xffff  }
0x27e: {  	v48 =	vor.u32 v63, v57;
	v9 =	vadd.f32 v0, v9;
	v14 =	vmul.f32 v7, v14;
	v0 =	vld.idx.msk [tilespmem:v11+s9+$0x0], $0xffff  }
0x27f: {  	v7 =	vor.u32 v33, v57;
	v1 =	vadd.f32 v17, v1;
	v33 =	vadd.f32 v13, v5;
	v5 =	vld.idx.msk [tilespmem:v6+s12+$0x0], $0xffff  }
0x280: {  	v61 =	vmov v24;
	v20 =	vor.u32 v25, v57;
	v36 =	vld.idx.msk [tilespmem:v19+s12+$0x0], $0xffff;
	v11 =	vadd.f32 v4, v9  }
0x281: {  	v24 =	vadd.f32 v14, v10;
	v10 =	vmul.f32 v22, v31;
	v4 =	vld.idx.msk [tilespmem:v23+s12+$0x0], $0xffff;
	v23 =	vadd.f32 v35, v1  }
0x282: {  	v17 =	vor.u32 v47, v57;
	v6 =	vld [tilespmem:$0x1FA70]  }
0x283: {  	v52 =	vmovc v2;
	v9 =	vor.u32 v2, v57;
	v2 =	vmul.f32 v27, v31;
	v22 =	vadd.f32 v10, v23;
	v10 =	vld [tilespmem:$0x1FAE0]  }
0x284: {  	v49 =	vmov v25;
	v25 =	vld.idx.msk [tilespmem:v48+s12+$0x0], $0xffff  }
0x285: {  	v3 =	vadd.f32 v8, v3;
	v13 =	vadd.f32 v2, v11;
	v11 =	vld.idx.msk [tilespmem:v20+s12+$0x0], $0xffff  }
0x286: {  	v16 =	vadd.f32 v16, v50;
	v50 =	vmov v29;
	v29 =	vor.u32 v29, v57;
	v47 =	vld.idx.msk [tilespmem:v7+s12+$0x0], $0xffff  }
0x287: {  	v8 =	vor.u32 v58, v57;
	v14 =	vmul.f32 v21, v31;
	v35 =	vor.u32 v30, v57;
	v1 =	vld.idx.msk [tilespmem:v17+s12+$0x0], $0xffff  }
0x288: {  	v59 =	vmovc v60;
	v51 =	vmovc v30;
	v58 =	vmov v45;
	v3 =	vadd.f32 v26, v3;
	v17 =	vor.u32 v10, v57;
	v10 =	vld [tilespmem:$0x1FA80]  }
0x289: {  	v20 =	vld.idx.msk [tilespmem:v18+s12+$0x0], $0xffff;
	v18 =	vadd.f32 v14, v33;
	v7 =	vor.u32 v60, v57;
	v27 =	vadd.f32 v6, v16  }
0x28a: {  	v2 =	vld.idx.msk [tilespmem:v28+s12+$0x0], $0xffff;
	v6 =	vor.u32 v45, v57;
	v21 =	vmul.f32 v12, v31;
	v16 =	vmul.f32 v15, v31  }
0x28b: {  	v60 =	vmovc v63;
	v19 =	vld.idx.msk [tilespmem:v29+s12+$0x0], $0xffff;
	v63 =	vmov v32;
	v12 =	vor.u32 v32, v57;
	v23 =	vmul.f32 v34, v0  }
0x28c: {  	v26 =	vmul.f32 v36, v0;
	v3 =	vadd.f32 v16, v3;
	v16 =	vor.u32 v46, v57;
	v15 =	vld.idx.msk [tilespmem:v35+s12+$0x0], $0xffff  }
0x28d: {  	s28 =	simm.s32 $0x2;
	v14 =	vmul.f32 v47, v0;
	v28 =	vmul.f32 v10, v31;
	v10 =	vor.u32 v62, v57;
	v62 =	vmovc v46  }
.LBB2_9:
0x28e: {  	_ = 	snop  }
0x28f: {  	v29 =	vld.idx.msk [tilespmem:v17+s9+$0x0], $0xffff  }
0x290: {  	v7 =	vld.idx.msk [tilespmem:v7+s12+$0x0], $0xffff  }
0x291: {  	v31 =	vld.idx.msk [tilespmem:v8+s9+$0x0], $0xffff  }
0x292: {  	v34 =	vld.idx.msk [tilespmem:v9+s12+$0x0], $0xffff  }
0x293: {  	v16 =	vld.idx.msk [tilespmem:v16+s12+$0x0], $0xffff  }
0x294: {  	v12 =	vld.idx.msk [tilespmem:v12+s12+$0x0], $0xffff  }
0x295: {  	v33 =	vor.u32 v44, v57;
	v9 =	vmul.f32 v19, v0;
	v19 =	vld.idx.msk [tilespmem:v6+s12+$0x0], $0xffff  }
0x296: {  	v24 =	vadd.f32 v28, v24;
	v14 =	vadd.f32 v14, v18;
	v18 =	vmul.f32 v4, v29;
	v4 =	vld [tilespmem:$0x1FA90]  }
0x297: {  	v17 =	vor.u32 v38, v57;
	v6 =	vmul.f32 v20, v0;
	v38 =	vmul.f32 v7, v0;
	v0 =	vld [tilespmem:$0x1FAD0]  }
0x298: {  	v32 =	vor.u32 v42, v57;
	v20 =	vadd.f32 v9, v24;
	v24 =	vmul.f32 v5, v29;
	v5 =	vld [tilespmem:$0x1FF20]  }
0x299: {  	v21 =	vadd.f32 v21, v27;
	v8 =	vor.u32 v41, v57;
	v13 =	vadd.f32 v6, v13;
	v6 =	vld [tilespmem:$0x1FF30]  }
0x29a: {  	v22 =	vadd.f32 v23, v22;
	v27 =	vor.u32 v39, v57;
	v23 =	vmul.f32 v25, v29;
	v25 =	vld.idx.msk [tilespmem:v33+s12+$0x0], $0xffff  }
0x29b: {  	v28 =	vor.u32 v40, v57;
	v33 =	vld.idx.msk [tilespmem:v10+s9+$0x0], $0xffff  }
0x29c: {  	s30 =	smov.u32 s28;
	v30 =	vor.u32 v43, v57;
	v10 =	vld.idx.msk [tilespmem:v17+s12+$0x0], $0xffff  }
0x29d: {  	v9 =	vadd.s32 s30, v53;
	v32 =	vld.idx.msk [tilespmem:v32+s12+$0x0], $0xffff  }
0x29e: {  	v57 =	vand.u32 $0xF, v9;
	v39 =	vld.idx.msk [tilespmem:v8+s12+$0x0], $0xffff  }
0x29f: {  	v41 =	vor.u32 v61, v57;
	v27 =	vld.idx.msk [tilespmem:v27+s12+$0x0], $0xffff  }
0x2a0: {  	v48 =	vor.u32 v50, v57;
	v28 =	vld.idx.msk [tilespmem:v28+s12+$0x0], $0xffff  }
0x2a1: {  	v45 =	vor.u32 v51, v57;
	v30 =	vld.idx.msk [tilespmem:v30+s12+$0x0], $0xffff  }
0x2a2: {  	v2 =	vmul.f32 v2, v31;
	v8 =	vor.u32 v0, v57;
	v0 =	vld [tilespmem:$0x1FFA0]  }
0x2a3: {  	v3 =	vadd.f32 v38, v3;
	v19 =	vmul.f32 v19, v31;
	v35 =	vor.u32 v6, v57;
	v6 =	vld [tilespmem:$0x1FF40]  }
0x2a4: {  	v15 =	vmul.f32 v15, v29;
	v13 =	vadd.f32 v2, v13;
	v2 =	vld.idx.msk [tilespmem:v41+s12+$0x0], $0xffff  }
0x2a5: {  	v5 =	vor.u32 v5, v57;
	v3 =	vadd.f32 v19, v3;
	v19 =	vld.idx.msk [tilespmem:v48+s12+$0x0], $0xffff  }
0x2a6: {  	v13 =	vadd.f32 v15, v13;
	v15 =	vld.idx.msk [tilespmem:v45+s12+$0x0], $0xffff  }
0x2a7: {  	v4 =	vor.u32 v4, v57;
	v40 =	vor.u32 v0, v57;
	v0 =	vld [tilespmem:$0x1FF90]  }
0x2a8: {  	v41 =	vld [tilespmem:$0x1FD30]  }
0x2a9: {  	v26 =	vadd.f32 v26, v21;
	v21 =	vor.u32 v6, v57;
	v6 =	vld [tilespmem:$0x1FF60]  }
0x2aa: {  	v47 =	vld.idx.msk [tilespmem:v5+s12+$0x0], $0xffff  }
0x2ab: {  	v1 =	vmul.f32 v1, v31;
	v5 =	vld [tilespmem:$0x1FB70]  }
0x2ac: {  	v34 =	vmul.f32 v34, v31;
	v42 =	vor.u32 v0, v57;
	v0 =	vld.idx.msk [tilespmem:v4+s9+$0x0], $0xffff  }
0x2ad: {  	v46 =	vmul.f32 v12, v31;
	v14 =	vadd.f32 v1, v14;
	v31 =	vmul.f32 v16, v31;
	v4 =	vld [tilespmem:$0x1FAE0]  }
0x2ae: {  	v22 =	vadd.f32 v34, v22;
	v34 =	vor.u32 v60, v57;
	v37 =	vor.u32 v6, v57;
	v6 =	vld [tilespmem:$0x1FCF0]  }
0x2af: {  	v38 =	vadd.f32 v23, v14;
	v26 =	vadd.f32 v31, v26;
	v39 =	vmul.f32 v39, v33;
	v43 =	vld.idx.msk [tilespmem:v21+s12+$0x0], $0xffff  }
0x2b0: {  	v21 =	vmul.f32 v28, v33;
	v28 =	vmul.f32 v30, v33;
	v30 =	vld.idx.msk [tilespmem:v35+s12+$0x0], $0xffff  }
0x2b1: {  	v35 =	vmul.f32 v27, v33;
	v27 =	vadd.f32 v18, v26;
	v18 =	vadd.f32 v39, v38;
	v39 =	vld [tilespmem:$0x1FFE0]  }
0x2b2: {  	v38 =	vld [tilespmem:$0x1FFD0]  }
0x2b3: {  	v13 =	vadd.f32 v28, v13;
	v28 =	vmul.f32 v25, v33;
	v25 =	vld.idx.msk [tilespmem:v34+s12+$0x0], $0xffff  }
0x2b4: {  	v36 =	vmul.f32 v11, v29;
	v17 =	vor.u32 v4, v57;
	v4 =	vld.idx.msk [tilespmem:v40+s12+$0x0], $0xffff  }
0x2b5: {  	v29 =	vmul.f32 v10, v29;
	v10 =	vor.u32 v5, v57;
	v5 =	vld.idx.msk [tilespmem:v42+s12+$0x0], $0xffff;
	v11 =	vor.u32 v6, v57  }
0x2b6: {  	v44 =	vor.u32 v49, v57;
	v42 =	vld [tilespmem:$0x1FD40]  }
0x2b7: {  	p1 =	sne.s32 s28, $0xF;
	v20 =	vadd.f32 v46, v20;
	v40 =	vld [tilespmem:$0x1FD20]  }
.Ltmp5:
0x2b8: {  	v22 =	vadd.f32 v24, v22;
	v14 =	vmul.f32 v43, v0;
	v43 =	vld [tilespmem:$0x1FD50];
	(pc) =	sbr.rel @p1 .LBB2_9-.Ltmp5, $4  }
0x2b9: {  	v3 =	vadd.f32 v36, v3;
	v24 =	vadd.f32 v29, v20;
	v29 =	vmul.f32 v32, v33;
	v20 =	vld.idx.msk [tilespmem:v37+s12+$0x0], $0xffff  }
0x2ba: {  	v7 =	vor.u32 v59, v57;
	v9 =	vor.u32 v52, v57;
	v12 =	vor.u32 v63, v57;
	v1 =	vld.idx.msk [tilespmem:v11+s12+$0x0], $0xffff  }
0x2bb: {  	v16 =	vor.u32 v62, v57;
	v3 =	vadd.f32 v29, v3;
	v22 =	vadd.f32 v35, v22;
	v11 =	vld.idx.msk [tilespmem:v44+s12+$0x0], $0xffff  }
0x2bc: {  	s28 =	sadd.s32 $0x1, s28;
	v23 =	vmul.f32 v47, v0;
	v6 =	vor.u32 v58, v57;
	v26 =	vmul.f32 v30, v0;
	v44 =	vld [tilespmem:$0x1FD60]  }
0x2bd: {  	_ =	sdelay $0x3  }
0x2be: {  	v17 =	vld.idx.msk [tilespmem:v17+s9+$0x0], $0xffff  }
0x2bf: {  	v7 =	vld.idx.msk [tilespmem:v7+s12+$0x0], $0xffff  }
0x2c0: {  	v29 =	vor.u32 v38, v57;
	v8 =	vld.idx.msk [tilespmem:v8+s9+$0x0], $0xffff  }
0x2c1: {  	v21 =	vadd.f32 v21, v27;
	v24 =	vadd.f32 v28, v24;
	v27 =	vor.u32 v39, v57;
	v9 =	vld.idx.msk [tilespmem:v9+s12+$0x0], $0xffff  }
0x2c2: {  	v28 =	vor.u32 v40, v57;
	v30 =	vor.u32 v43, v57;
	v31 =	vor.u32 v41, v57;
	v16 =	vld.idx.msk [tilespmem:v16+s12+$0x0], $0xffff  }
0x2c3: {  	v32 =	vor.u32 v42, v57;
	v19 =	vmul.f32 v19, v0;
	v12 =	vld.idx.msk [tilespmem:v12+s12+$0x0], $0xffff;
	v14 =	vadd.f32 v14, v18  }
0x2c4: {  	v6 =	vld.idx.msk [tilespmem:v6+s12+$0x0], $0xffff;
	v20 =	vmul.f32 v20, v0;
	v22 =	vadd.f32 v23, v22;
	v23 =	vmul.f32 v25, v17  }
0x2c5: {  	v10 =	vld.idx.msk [tilespmem:v10+s9+$0x0], $0xffff;
	v21 =	vadd.f32 v26, v21;
	v4 =	vmul.f32 v4, v17;
	v5 =	vmul.f32 v5, v17  }
0x2c6: {  	v33 =	vor.u32 v44, v57;
	v15 =	vmul.f32 v15, v17;
	v18 =	vld.idx.msk [tilespmem:v29+s12+$0x0], $0xffff;
	v0 =	vmul.f32 v7, v0  }
0x2c7: {  	v7 =	vadd.f32 v20, v13;
	v13 =	vld.idx.msk [tilespmem:v27+s12+$0x0], $0xffff;
	v1 =	vmul.f32 v1, v8;
	v2 =	vmul.f32 v2, v8  }
0x2c8: {  	v19 =	vadd.f32 v19, v24;
	v20 =	vld.idx.msk [tilespmem:v28+s12+$0x0], $0xffff;
	v12 =	vmul.f32 v12, v8;
	v9 =	vmul.f32 v9, v8  }
0x2c9: {  	v24 =	vld.idx.msk [tilespmem:v31+s12+$0x0], $0xffff;
	v16 =	vmul.f32 v16, v8;
	v2 =	vadd.f32 v2, v7;
	v1 =	vadd.f32 v1, v14  }
0x2ca: {  	v11 =	vmul.f32 v11, v17;
	v7 =	vld.idx.msk [tilespmem:v32+s12+$0x0], $0xffff;
	v0 =	vadd.f32 v0, v3;
	v3 =	vadd.f32 v9, v22  }
0x2cb: {  	v6 =	vmul.f32 v6, v8;
	v8 =	vld.idx.msk [tilespmem:v30+s12+$0x0], $0xffff;
	v12 =	vadd.f32 v12, v19;
	v14 =	vadd.f32 v16, v21  }
0x2cc: {  	v16 =	vld.idx.msk [tilespmem:v33+s12+$0x0], $0xffff;
	v1 =	vadd.f32 v23, v1;
	v3 =	vadd.f32 v5, v3;
	v13 =	vmul.f32 v13, v10  }
0x2cd: {  	v0 =	vadd.f32 v6, v0;
	v4 =	vadd.f32 v4, v14;
	v5 =	vmul.f32 v20, v10  }
0x2ce: {  	v9 =	vmul.f32 v18, v17;
	v6 =	vmul.f32 v24, v10;
	v3 =	vadd.f32 v13, v3  }
0x2cf: {  	v0 =	vadd.f32 v11, v0;
	v7 =	vmul.f32 v7, v10;
	v4 =	vadd.f32 v5, v4  }
0x2d0: {  	v2 =	vadd.f32 v15, v2;
	v5 =	vmul.f32 v8, v10;
	v1 =	vadd.f32 v6, v1;
	[tilespmem:s29+$0x14C70] =	vst v3  }
0x2d1: {  	v8 =	vadd.f32 v9, v12;
	v3 =	vmul.f32 v16, v10;
	v0 =	vadd.f32 v7, v0;
	[tilespmem:s29+$0x14C80] =	vst v4  }
0x2d2: {  	v2 =	vadd.f32 v5, v2;
	[tilespmem:s29+$0x14C90] =	vst v1  }
0x2d3: {  	v3 =	vadd.f32 v3, v8;
	[tilespmem:s29+$0x14CA0] =	vst v0  }
0x2d4: {  	s30 =	simm.s32 $0x0;
	[tilespmem:s29+$0x14CB0] =	vst v2  }
0x2d5: {  	s31 =	simm.s32 @!p0 $0xB600;
	v0 =	vadd.s32 s30, v53;
	s30 =	simm.s32 @!p0 $0xC8;
	[tilespmem:s29+$0x14CB8] =	vst v3;
	s29 =	sadd.s32 @!p0 $0x3E8, s26  }
0x2d6: {  	[tilespmem:s31], [sflag:$0x2] =	stream.indirect.gather @!p0 [hbm4b:s3+s30], $0x40, s29, s30, $0xb8;
	[tilespmem:$0x1B000] =	vst v63  }
0x2d7: {  	_ =	swait.ge [sflag:s19], $0x3200  }
0x2d8: {  	v39 =	vld [tilespmem:$0x1FDB0]  }
0x2d9: {  	v44 =	vld [tilespmem:$0x1FF10]  }
0x2da: {  	v47 =	vld [tilespmem:$0x1FEE0]  }
0x2db: {  	v48 =	vld [tilespmem:$0x1FEF0]  }
0x2dc: {  	v50 =	vld [tilespmem:$0x1FEA0]  }
0x2dd: {  	v49 =	vld [tilespmem:$0x1FE20]  }
0x2de: {  	v51 =	vld [tilespmem:$0x1FED0]  }
0x2df: {  	v52 =	vld [tilespmem:$0x1FE90]  }
0x2e0: {  	v46 =	vld [tilespmem:$0x1FDF0]  }
0x2e1: {  	v36 =	vld [tilespmem:$0x1FE80]  }
0x2e2: {  	v41 =	vld [tilespmem:$0x1FE70]  }
0x2e3: {  	v59 =	vld [tilespmem:$0x1FDD0]  }
0x2e4: {  	v43 =	vld [tilespmem:$0x1FDA0]  }
0x2e5: {  	v60 =	vld [tilespmem:$0x1FDC0]  }
0x2e6: {  	s28 =	sor.u32 $0x2, s25;
	v40 =	vld [tilespmem:$0x1FE60]  }
0x2e7: {  	v4 =	vmov s28;
	v62 =	vld [tilespmem:$0x1FE00]  }
0x2e8: {  	v1 =	vshll.u32 v4, $0x6;
	v0 =	vand.u32 $0xF, v0;
	v15 =	vld [tilespmem:$0x1FEB0]  }
0x2e9: {  	v35 =	vbroadcast v1, $0x0;
	v23 =	vld [tilespmem:$0x1FDE0];
	v5 =	vor.u32 v44, v0  }
0x2ea: {  	v45 =	vld [tilespmem:$0x1FEC0]  }
0x2eb: {  	v1 =	vor.u32 v35, v0;
	v30 =	vld [tilespmem:$0x1FE40]  }
0x2ec: {  	v2 =	vor.u32 v54, v0;
	v24 =	vor.u32 $0x20, v35;
	[sflag:s19] =	ssyncset.done $0x0;
	v32 =	vld [tilespmem:$0x1FE50]  }
0x2ed: {  	v8 =	vor.u32 v24, v0;
	v42 =	vld [tilespmem:$0x1FF00];
	[sflag:s19] =	ssyncadd.s32 $0xFFFFCE00  }
0x2ee: {  	v4 =	vor.u32 v55, v0;
	v5 =	vld.idx.msk [tilespmem:v5+s14+$0x0], $0xffff  }
0x2ef: {  	v10 =	vor.u32 v56, v0;
	v37 =	vld [tilespmem:$0x1FFF0]  }
0x2f0: {  	v1 =	vld.idx.msk [tilespmem:v1+s9+$0x0], $0xffff;
	v6 =	vor.u32 v47, v0  }
0x2f1: {  	v2 =	vld.idx.msk [tilespmem:v2+s14+$0x0], $0xffff;
	v7 =	vor.u32 v48, v0  }
0x2f2: {  	v16 =	vld.idx.msk [tilespmem:v8+s9+$0x0], $0xffff;
	v8 =	vor.u32 v46, v0  }
0x2f3: {  	v4 =	vld.idx.msk [tilespmem:v4+s14+$0x0], $0xffff;
	[tilespmem:$0x1F970] =	vst v5;
	v5 =	vor.u32 v49, v0  }
0x2f4: {  	v10 =	vld.idx.msk [tilespmem:v10+s14+$0x0], $0xffff  }
0x2f5: {  	v57 =	vld.idx.msk [tilespmem:v6+s14+$0x0], $0xffff  }
0x2f6: {  	v38 =	vor.u32 $0x10, v35;
	v6 =	vor.u32 v51, v0;
	v63 =	vld.idx.msk [tilespmem:v7+s14+$0x0], $0xffff  }
0x2f7: {  	v19 =	vor.u32 v38, v0;
	v61 =	vld.idx.msk [tilespmem:v8+s14+$0x0], $0xffff  }
0x2f8: {  	v3 =	vor.u32 v39, v0;
	v5 =	vld.idx.msk [tilespmem:v5+s14+$0x0], $0xffff  }
0x2f9: {  	v9 =	vor.u32 v50, v0;
	v7 =	vor.u32 $0x30, v35;
	v8 =	vld [tilespmem:$0x1FE10]  }
0x2fa: {  	v12 =	vor.u32 v52, v0;
	[tilespmem:$0x1FA40] =	vst v7;
	v18 =	vor.u32 v7, v0;
	v7 =	vld [tilespmem:$0x1FE30]  }
0x2fb: {  	v13 =	vor.u32 v36, v0;
	v14 =	vor.u32 v41, v0;
	v20 =	vor.u32 v60, v0;
	v6 =	vld.idx.msk [tilespmem:v6+s14+$0x0], $0xffff  }
0x2fc: {  	v19 =	vld.idx.msk [tilespmem:v19+s9+$0x0], $0xffff;
	v22 =	vor.u32 v40, v0;
	v11 =	vor.u32 v62, v0;
	v25 =	vor.u32 v15, v0  }
0x2fd: {  	v27 =	vor.u32 v23, v0;
	v3 =	vld.idx.msk [tilespmem:v3+s14+$0x0], $0xffff;
	[tilespmem:$0x1F980] =	vst v5;
	v5 =	vor.u32 v59, v0  }
0x2fe: {  	v28 =	vor.u32 v45, v0;
	v29 =	vor.u32 v32, v0;
	v21 =	vor.u32 v42, v0;
	v9 =	vld.idx.msk [tilespmem:v9+s14+$0x0], $0xffff  }
0x2ff: {  	v31 =	vor.u32 v37, v0;
	v17 =	vor.u32 v8, v0;
	v26 =	vor.u32 v7, v0;
	v58 =	vld.idx.msk [tilespmem:v18+s9+$0x0], $0xffff  }
0x300: {  	v18 =	vor.u32 v30, v0;
	[tilespmem:$0x1F990] =	vst v6;
	v6 =	vor.u32 v43, v0;
	v0 =	vmul.f32 v10, v1  }
0x301: {  	v34 =	vimm.f32 $0.0e+00;
	v4 =	vmul.f32 v4, v1;
	v13 =	vld.idx.msk [tilespmem:v13+s14+$0x0], $0xffff  }
0x302: {  	v0 =	vadd.f32 v0, v34;
	v5 =	vld.idx.msk [tilespmem:v5+s14+$0x0], $0xffff  }
0x303: {  	v4 =	vadd.f32 v4, v34;
	v33 =	vld.idx.msk [tilespmem:v12+s14+$0x0], $0xffff;
	v3 =	vmul.f32 v3, v1  }
0x304: {  	v12 =	vld.idx.msk [tilespmem:v20+s14+$0x0], $0xffff;
	[tilespmem:$0x1F9E0] =	vst v0;
	v0 =	vmul.f32 v9, v16  }
0x305: {  	[tilespmem:$0x1F9D0] =	vst v4;
	v3 =	vadd.f32 v3, v34;
	v6 =	vld.idx.msk [tilespmem:v6+s14+$0x0], $0xffff  }
0x306: {  	s29 =	simm.s32 $0x1;
	[tilespmem:$0x1FA60] =	vst v0;
	v0 =	vld.idx.msk [tilespmem:v28+s14+$0x0], $0xffff  }
0x307: {  	v4 =	vadd.s32 s29, v53;
	[tilespmem:$0x1FA10] =	vst v3;
	v10 =	vld.idx.msk [tilespmem:v22+s14+$0x0], $0xffff;
	v3 =	vmul.f32 v5, v1;
	v5 =	vmul.f32 v13, v16  }
0x308: {  	v22 =	vmul.f32 v61, v19;
	v61 =	vand.u32 $0xF, v4;
	v4 =	vld [tilespmem:$0x1F970]  }
0x309: {  	v2 =	vmul.f32 v2, v1;
	[tilespmem:$0x1FA30] =	vst v5;
	v5 =	vld.idx.msk [tilespmem:v25+s14+$0x0], $0xffff  }
0x30a: {  	v20 =	vld.idx.msk [tilespmem:v11+s14+$0x0], $0xffff;
	[tilespmem:$0x1F9C0] =	vst v12;
	v12 =	vmul.f32 v33, v16  }
0x30b: {  	v33 =	vld.idx.msk [tilespmem:v18+s14+$0x0], $0xffff;
	[tilespmem:$0x1F9F0] =	vst v0;
	v0 =	vadd.f32 v2, v34;
	v2 =	vmul.f32 v6, v1  }
0x30c: {  	v18 =	vor.u32 v59, v61;
	v59 =	vor.u32 v62, v61;
	v62 =	vor.u32 v7, v61;
	v7 =	vld [tilespmem:$0x1F9D0]  }
0x30d: {  	v9 =	vld [tilespmem:$0x1F990];
	v37 =	vadd.f32 v2, v34;
	v2 =	vor.u32 v35, v61  }
0x30e: {  	[tilespmem:$0x1FA00] =	vst v5;
	v5 =	vmul.f32 v63, v58;
	v63 =	vmul.f32 v4, v58;
	v4 =	vld.idx.msk [tilespmem:v21+s14+$0x0], $0xffff  }
0x30f: {  	v6 =	vld.idx.msk [tilespmem:v31+s14+$0x0], $0xffff  }
0x310: {  	v31 =	vld.idx.msk [tilespmem:v26+s14+$0x0], $0xffff;
	v26 =	vor.u32 v39, v61  }
0x311: {  	v14 =	vld.idx.msk [tilespmem:v14+s14+$0x0], $0xffff  }
0x312: {  	[tilespmem:$0x1F9A0] =	vst v38;
	v11 =	vmul.f32 v9, v58;
	v9 =	vld.idx.msk [tilespmem:v2+s9+$0x0], $0xffff  }
0x313: {  	v13 =	vor.u32 v38, v61;
	v38 =	vor.u32 v47, v61;
	v2 =	vmul.f32 v33, v19;
	[tilespmem:$0x1FA20] =	vst v4;
	v4 =	vld [tilespmem:$0x1F980]  }
0x314: {  	v33 =	vor.u32 v36, v61;
	v36 =	vadd.f32 v22, v7;
	v7 =	vor.u32 v15, v61;
	v15 =	vld [tilespmem:$0x1F9E0]  }
0x315: {  	v20 =	vmul.f32 v20, v19;
	v39 =	vor.u32 v48, v61;
	v25 =	vadd.f32 v3, v34;
	v48 =	vld.idx.msk [tilespmem:v26+s14+$0x0], $0xffff  }
0x316: {  	v3 =	vmul.f32 v14, v16;
	v14 =	vmul.f32 v10, v16;
	v21 =	vld.idx.msk [tilespmem:v17+s14+$0x0], $0xffff  }
0x317: {  	v10 =	vor.u32 v43, v61;
	v17 =	vor.u32 v44, v61;
	v26 =	vadd.f32 v2, v25;
	v2 =	vld [tilespmem:$0x1F9C0]  }
0x318: {  	v43 =	vmul.f32 v4, v19;
	v4 =	vor.u32 v60, v61;
	v60 =	vor.u32 v8, v61;
	v8 =	vld.idx.msk [tilespmem:v38+s14+$0x0], $0xffff  }
0x319: {  	v38 =	vadd.f32 v20, v15;
	v20 =	vld [tilespmem:$0x1F9F0];
	_ =	sdelay $0x2  }
0x31a: {  	v29 =	vld.idx.msk [tilespmem:v29+s14+$0x0], $0xffff;
	[tilespmem:$0x1FA50] =	vst v12;
	v12 =	vor.u32 v54, v61  }
0x31b: {  	v1 =	vmul.f32 v2, v1;
	v2 =	vld.idx.msk [tilespmem:v17+s14+$0x0], $0xffff  }
0x31c: {  	v17 =	vmul.f32 v31, v19;
	v31 =	vmul.f32 v20, v58;
	v20 =	vld [tilespmem:$0x1FA00];
	_ =	sdelay $0x1  }
0x31d: {  	v27 =	vld.idx.msk [tilespmem:v27+s14+$0x0], $0xffff  }
0x31e: {  	[tilespmem:$0x1F960] =	vst v35;
	v35 =	vor.u32 v55, v61;
	v44 =	vld.idx.msk [tilespmem:v12+s14+$0x0], $0xffff  }
0x31f: {  	v28 =	vor.u32 v56, v61;
	v12 =	vld.idx.msk [tilespmem:v39+s14+$0x0], $0xffff  }
0x320: {  	v49 =	vor.u32 v49, v61;
	v25 =	vmul.f32 v29, v16;
	v39 =	vmul.f32 v20, v16;
	v16 =	vld [tilespmem:$0x1FA10];
	_ =	sdelay $0x2  }
0x321: {  	[tilespmem:$0x1F9B0] =	vst v24;
	v47 =	vor.u32 v24, v61;
	v24 =	vld.idx.msk [tilespmem:v35+s14+$0x0], $0xffff  }
0x322: {  	v35 =	vmul.f32 v27, v19;
	v29 =	vld.idx.msk [tilespmem:v28+s14+$0x0], $0xffff;
	v19 =	vmul.f32 v21, v19;
	v21 =	vadd.f32 v1, v34  }
0x323: {  	v28 =	vadd.f32 v43, v16;
	v16 =	vld.idx.msk [tilespmem:v49+s14+$0x0], $0xffff  }
0x324: {  	v49 =	vadd.f32 v17, v21;
	v21 =	vld [tilespmem:$0x1FA20];
	_ =	sdelay $0x3  }
0x325: {  	v15 =	vld.idx.msk [tilespmem:v47+s9+$0x0], $0xffff  }
0x326: {  	v47 =	vadd.f32 v19, v37;
	v37 =	vmul.f32 v21, v58;
	v21 =	vld [tilespmem:$0x1FA30];
	_ =	sdelay $0x4  }
0x327: {  	v27 =	vor.u32 v40, v61;
	v40 =	vadd.f32 v21, v47;
	v21 =	vld [tilespmem:$0x1FA40];
	_ =	sdelay $0x2  }
0x328: {  	v50 =	vor.u32 v50, v61  }
0x329: {  	v52 =	vor.u32 v52, v61  }
0x32a: {  	v51 =	vor.u32 v51, v61;
	v43 =	vor.u32 v21, v61;
	v21 =	vld [tilespmem:$0x1FA50]  }
0x32b: {  	v46 =	vor.u32 v46, v61;
	v19 =	vor.u32 v30, v61;
	v30 =	vld [tilespmem:$0x1FA60];
	_ =	sdelay $0x1  }
0x32c: {  	v22 =	vld.idx.msk [tilespmem:v50+s14+$0x0], $0xffff  }
0x32d: {  	v41 =	vor.u32 v41, v61;
	v1 =	vor.u32 v23, v61;
	v23 =	vmul.f32 v44, v9;
	v34 =	vld.idx.msk [tilespmem:v52+s14+$0x0], $0xffff  }
0x32e: {  	v20 =	vor.u32 v32, v61;
	v32 =	vmul.f32 v48, v9;
	v17 =	vld.idx.msk [tilespmem:v51+s14+$0x0], $0xffff;
	v44 =	vadd.f32 v21, v28  }
0x32f: {  	s29 =	simm.s32 $0x2;
	v21 =	vor.u32 v42, v61;
	v28 =	vld.idx.msk [tilespmem:v46+s14+$0x0], $0xffff;
	v42 =	vadd.f32 v30, v49;
	v30 =	vor.u32 v45, v61  }
.LBB2_11:
0x330: {  	_ = 	snop  }
0x331: {  	v33 =	vld.idx.msk [tilespmem:v33+s14+$0x0], $0xffff  }
0x332: {  	v48 =	vld.idx.msk [tilespmem:v41+s14+$0x0], $0xffff  }
0x333: {  	v18 =	vld.idx.msk [tilespmem:v18+s14+$0x0], $0xffff  }
0x334: {  	v0 =	vadd.f32 v35, v0;
	v10 =	vld.idx.msk [tilespmem:v10+s14+$0x0], $0xffff  }
0x335: {  	v6 =	vmul.f32 v6, v58;
	v49 =	vld [tilespmem:$0x1FFF0]  }
0x336: {  	v21 =	vld.idx.msk [tilespmem:v21+s14+$0x0], $0xffff;
	v0 =	vadd.f32 v25, v0;
	v25 =	vadd.f32 v39, v26;
	v26 =	vmul.f32 v57, v58  }
0x337: {  	v3 =	vadd.f32 v3, v38;
	v5 =	vadd.f32 v5, v44;
	v58 =	vld.idx.msk [tilespmem:v43+s9+$0x0], $0xffff  }
0x338: {  	v0 =	vadd.f32 v6, v0;
	v6 =	vadd.f32 v26, v40;
	v26 =	vld.idx.msk [tilespmem:v1+s14+$0x0], $0xffff  }
0x339: {  	v38 =	vmovc v9;
	v37 =	vadd.f32 v37, v42;
	v57 =	vmovc v8;
	v8 =	vadd.f32 v63, v25;
	v40 =	vmov v15;
	v1 =	vld [tilespmem:$0x1F9A0]  }
0x33a: {  	v39 =	vld.idx.msk [tilespmem:v13+s9+$0x0], $0xffff;
	v42 =	vmul.f32 v34, v40;
	v34 =	vadd.f32 v32, v5;
	v5 =	vmul.f32 v18, v38  }
0x33b: {  	s30 =	smov.u32 s29;
	v24 =	vmul.f32 v24, v9;
	v9 =	vmul.f32 v29, v38;
	v29 =	vld.idx.msk [tilespmem:v4+s14+$0x0], $0xffff  }
0x33c: {  	v4 =	vld.idx.msk [tilespmem:v27+s14+$0x0], $0xffff;
	v46 =	vmul.f32 v22, v40;
	v22 =	vadd.f32 v5, v8;
	v5 =	vadd.s32 s30, v53  }
0x33d: {  	v14 =	vadd.f32 v14, v36;
	v43 =	vld.idx.msk [tilespmem:v7+s14+$0x0], $0xffff;
	v36 =	vor.u32 v49, v61;
	v61 =	vand.u32 $0xF, v5  }
0x33e: {  	v3 =	vadd.f32 v11, v3;
	v13 =	vor.u32 v1, v61;
	v1 =	vld [tilespmem:$0x1FE10]  }
0x33f: {  	v15 =	vld.idx.msk [tilespmem:v30+s14+$0x0], $0xffff  }
0x340: {  	v45 =	vadd.f32 v9, v3;
	v9 =	vld [tilespmem:$0x1FDD0]  }
0x341: {  	v8 =	vld.idx.msk [tilespmem:v19+s14+$0x0], $0xffff  }
0x342: {  	v14 =	vadd.f32 v31, v14;
	v47 =	vmul.f32 v16, v39;
	v16 =	vld.idx.msk [tilespmem:v60+s14+$0x0], $0xffff  }
0x343: {  	v60 =	vor.u32 v1, v61;
	v1 =	vld [tilespmem:$0x1FEE0]  }
0x344: {  	v32 =	vadd.f32 v24, v14;
	v14 =	vmul.f32 v4, v40;
	v4 =	vld [tilespmem:$0x1FDA0]  }
0x345: {  	v7 =	vmul.f32 v10, v38;
	v19 =	vld.idx.msk [tilespmem:v20+s14+$0x0], $0xffff  }
0x346: {  	v18 =	vor.u32 v9, v61;
	v9 =	vld [tilespmem:$0x1FDF0]  }
0x347: {  	v0 =	vadd.f32 v23, v0;
	v23 =	vmul.f32 v28, v39;
	v28 =	vadd.f32 v7, v6;
	v7 =	vld [tilespmem:$0x1F960]  }
0x348: {  	v27 =	vor.u32 v1, v61;
	v1 =	vld [tilespmem:$0x1FE30]  }
0x349: {  	v10 =	vor.u32 v4, v61;
	v4 =	vld [tilespmem:$0x1FDB0]  }
0x34a: {  	v20 =	vld.idx.msk [tilespmem:v62+s14+$0x0], $0xffff  }
0x34b: {  	v3 =	vmul.f32 v48, v40;
	v48 =	vor.u32 v9, v61;
	v9 =	vld [tilespmem:$0x1FE00]  }
0x34c: {  	v31 =	vmul.f32 v15, v58;
	v15 =	vld [tilespmem:$0x1FE50]  }
0x34d: {  	v62 =	vor.u32 v1, v61;
	v1 =	vld [tilespmem:$0x1F9B0]  }
0x34e: {  	v6 =	vld.idx.msk [tilespmem:v36+s14+$0x0], $0xffff;
	v24 =	vor.u32 v4, v61  }
0x34f: {  	v63 =	vmul.f32 v2, v58;
	v2 =	vor.u32 v55, v61;
	v36 =	vld.idx.msk [tilespmem:v59+s14+$0x0], $0xffff  }
0x350: {  	v59 =	vor.u32 v9, v61;
	v9 =	vld [tilespmem:$0x1FF10]  }
0x351: {  	v5 =	vmul.f32 v12, v58;
	v12 =	vor.u32 v54, v61;
	v53 =	vmul.f32 v8, v39;
	v8 =	vld [tilespmem:$0x1FE40]  }
0x352: {  	v41 =	vor.u32 v1, v61;
	v1 =	vld [tilespmem:$0x1FEF0]  }
0x353: {  	v50 =	vld.idx.msk [tilespmem:v24+s14+$0x0], $0xffff  }
0x354: {  	v24 =	vld.idx.msk [tilespmem:v2+s14+$0x0], $0xffff  }
0x355: {  	v11 =	vmul.f32 v17, v58;
	v2 =	vld [tilespmem:$0x1FED0];
	v17 =	vor.u32 v9, v61  }
0x356: {  	v49 =	vld.idx.msk [tilespmem:v12+s14+$0x0], $0xffff  }
0x357: {  	v12 =	vor.u32 v1, v61;
	v1 =	vld [tilespmem:$0x1FE20]  }
0x358: {  	v35 =	vmul.f32 v26, v39;
	v26 =	vadd.f32 v53, v22;
	v22 =	vld [tilespmem:$0x1FE70]  }
0x359: {  	v25 =	vmul.f32 v19, v40;
	v19 =	vor.u32 v8, v61;
	v8 =	vld [tilespmem:$0x1FE90]  }
0x35a: {  	v7 =	vor.u32 v7, v61;
	v54 =	vor.u32 v2, v61;
	v2 =	vld.idx.msk [tilespmem:v17+s14+$0x0], $0xffff  }
0x35b: {  	v17 =	vld [tilespmem:$0x1FE60]  }
0x35c: {  	v51 =	vor.u32 v1, v61;
	v1 =	vld [tilespmem:$0x1FEA0]  }
0x35d: {  	v30 =	vor.u32 v56, v61;
	v4 =	vld [tilespmem:$0x1FDC0]  }
0x35e: {  	v56 =	vor.u32 v8, v61;
	v8 =	vld.idx.msk [tilespmem:v27+s14+$0x0], $0xffff  }
0x35f: {  	v9 =	vld.idx.msk [tilespmem:v7+s9+$0x0], $0xffff  }
0x360: {  	v55 =	vmul.f32 v20, v39;
	v20 =	vor.u32 v15, v61;
	v15 =	vld.idx.msk [tilespmem:v41+s9+$0x0], $0xffff  }
0x361: {  	v27 =	vor.u32 v17, v61;
	v17 =	vmul.f32 v29, v38;
	v52 =	vor.u32 v1, v61;
	v1 =	vld [tilespmem:$0x1FE80]  }
0x362: {  	v29 =	vld.idx.msk [tilespmem:v30+s14+$0x0], $0xffff  }
0x363: {  	v38 =	vmul.f32 v36, v39;
	v30 =	vadd.f32 v17, v37;
	v37 =	vmul.f32 v21, v58;
	v21 =	vld [tilespmem:$0x1FA40]  }
0x364: {  	v36 =	vadd.f32 v23, v32;
	v32 =	vmul.f32 v50, v9;
	v50 =	vadd.f32 v47, v34;
	v34 =	vld.idx.msk [tilespmem:v56+s14+$0x0], $0xffff  }
0x365: {  	v56 =	vld [tilespmem:$0x1FD90]  }
0x366: {  	v44 =	vmul.f32 v33, v40;
	v39 =	vmul.f32 v16, v39;
	v33 =	vor.u32 v1, v61;
	v1 =	vld [tilespmem:$0x1FEB0]  }
0x367: {  	v17 =	vld.idx.msk [tilespmem:v54+s14+$0x0], $0xffff  }
0x368: {  	v28 =	vadd.f32 v39, v28;
	v39 =	vmul.f32 v43, v40;
	v43 =	vor.u32 v21, v61;
	v21 =	vld [tilespmem:$0x1FF00]  }
0x369: {  	v16 =	vld.idx.msk [tilespmem:v51+s14+$0x0], $0xffff  }
0x36a: {  	v51 =	vadd.f32 v55, v30;
	v30 =	vld [tilespmem:$0x1FEC0]  }
0x36b: {  	p1 =	sne.s32 s29, $0xF;
	v7 =	vor.u32 v1, v61;
	v1 =	vld [tilespmem:$0x1FDE0]  }
.Ltmp6:
0x36c: {  	v54 =	vld [tilespmem:$0x1FD70];
	(pc) =	sbr.rel @p1 .LBB2_11-.Ltmp6, $4  }
0x36d: {  	v53 =	vlaneseq.u32;
	v4 =	vor.u32 v4, v61;
	v12 =	vld.idx.msk [tilespmem:v12+s14+$0x0], $0xffff  }
0x36e: {  	v41 =	vor.u32 v22, v61;
	v38 =	vadd.f32 v38, v45;
	v40 =	vadd.f32 v44, v28;
	v28 =	vld.idx.msk [tilespmem:v48+s14+$0x0], $0xffff  }
0x36f: {  	v23 =	vmul.f32 v49, v9;
	v44 =	vadd.f32 v42, v50;
	v55 =	vld [tilespmem:$0x1FD80];
	v42 =	vadd.f32 v46, v51  }
0x370: {  	s29 =	sadd.s32 $0x1, s29;
	v21 =	vor.u32 v21, v61;
	v22 =	vld.idx.msk [tilespmem:v52+s14+$0x0], $0xffff;
	v30 =	vor.u32 v30, v61;
	v1 =	vor.u32 v1, v61  }
0x371: {  	_ =	sdelay $0x3  }
0x372: {  	v33 =	vld.idx.msk [tilespmem:v33+s14+$0x0], $0xffff  }
0x373: {  	v41 =	vld.idx.msk [tilespmem:v41+s14+$0x0], $0xffff  }
0x374: {  	v18 =	vld.idx.msk [tilespmem:v18+s14+$0x0], $0xffff  }
0x375: {  	v10 =	vld.idx.msk [tilespmem:v10+s14+$0x0], $0xffff  }
0x376: {  	v4 =	vld.idx.msk [tilespmem:v4+s14+$0x0], $0xffff  }
0x377: {  	v27 =	vld.idx.msk [tilespmem:v27+s14+$0x0], $0xffff  }
0x378: {  	v19 =	vld.idx.msk [tilespmem:v19+s14+$0x0], $0xffff  }
0x379: {  	v20 =	vld.idx.msk [tilespmem:v20+s14+$0x0], $0xffff  }
0x37a: {  	v46 =	vld.idx.msk [tilespmem:v59+s14+$0x0], $0xffff  }
0x37b: {  	v1 =	vld.idx.msk [tilespmem:v1+s14+$0x0], $0xffff  }
0x37c: {  	v47 =	vld.idx.msk [tilespmem:v60+s14+$0x0], $0xffff  }
0x37d: {  	v7 =	vld.idx.msk [tilespmem:v7+s14+$0x0], $0xffff  }
0x37e: {  	v51 =	vld [tilespmem:$0x1F960]  }
0x37f: {  	v14 =	vadd.f32 v14, v36;
	v36 =	vld [tilespmem:$0x1FFA0]  }
0x380: {  	v48 =	vld [tilespmem:$0x1FF30]  }
0x381: {  	v60 =	vld [tilespmem:$0x1FF50]  }
0x382: {  	v6 =	vmul.f32 v6, v58;
	v45 =	vmul.f32 v57, v58;
	v58 =	vld [tilespmem:$0x1F9A0]  }
0x383: {  	v3 =	vadd.f32 v3, v38;
	v24 =	vmul.f32 v24, v9;
	v38 =	vld [tilespmem:$0x1FFD0]  }
0x384: {  	v26 =	vadd.f32 v39, v26;
	v29 =	vmul.f32 v29, v9;
	v39 =	vld [tilespmem:$0x1FFE0];
	v18 =	vmul.f32 v18, v9  }
0x385: {  	v0 =	vadd.f32 v35, v0;
	v10 =	vmul.f32 v10, v9;
	v4 =	vmul.f32 v4, v9;
	v9 =	vld [tilespmem:$0x1FFF0]  }
0x386: {  	v5 =	vadd.f32 v5, v44;
	v44 =	vld [tilespmem:$0x1FD60]  }
0x387: {  	v0 =	vadd.f32 v25, v0;
	v25 =	vld.idx.msk [tilespmem:v43+s9+$0x0], $0xffff;
	v14 =	vadd.f32 v31, v14  }
0x388: {  	v3 =	vadd.f32 v11, v3;
	v11 =	vadd.f32 v45, v40;
	v31 =	vmul.f32 v34, v15;
	v34 =	vld [tilespmem:$0x1FF20]  }
0x389: {  	v26 =	vadd.f32 v63, v26;
	v0 =	vadd.f32 v6, v0;
	v6 =	vld.idx.msk [tilespmem:v13+s9+$0x0], $0xffff  }
0x38a: {  	v5 =	vadd.f32 v32, v5;
	v63 =	vld [tilespmem:$0x1FD10];
	v13 =	vadd.f32 v37, v42;
	v9 =	vor.u32 v9, v61  }
0x38b: {  	v45 =	vld [tilespmem:$0x1FF70];
	v14 =	vadd.f32 v24, v14;
	v22 =	vmul.f32 v22, v15;
	v24 =	vmul.f32 v33, v15  }
0x38c: {  	v32 =	vld [tilespmem:$0x1FD00];
	v3 =	vadd.f32 v29, v3;
	v29 =	vmul.f32 v41, v15;
	v27 =	vmul.f32 v27, v15  }
0x38d: {  	v7 =	vmul.f32 v7, v15;
	v0 =	vadd.f32 v23, v0;
	v23 =	vld.idx.msk [tilespmem:v62+s14+$0x0], $0xffff;
	v18 =	vadd.f32 v18, v26  }
0x38e: {  	v40 =	vld [tilespmem:$0x1FD20];
	v10 =	vadd.f32 v10, v11;
	v28 =	vmul.f32 v28, v6;
	v19 =	vmul.f32 v19, v6  }
0x38f: {  	v4 =	vadd.f32 v4, v13;
	v11 =	vmul.f32 v16, v6;
	v16 =	vmul.f32 v17, v25;
	v9 =	vld.idx.msk [tilespmem:v9+s14+$0x0], $0xffff  }
0x390: {  	v26 =	vld.idx.msk [tilespmem:v30+s14+$0x0], $0xffff;
	v1 =	vmul.f32 v1, v6;
	v17 =	vadd.f32 v19, v18;
	v18 =	vmul.f32 v20, v15  }
0x391: {  	v14 =	vadd.f32 v28, v14;
	v19 =	vld.idx.msk [tilespmem:v21+s14+$0x0], $0xffff;
	v20 =	vmul.f32 v46, v6;
	v21 =	vmul.f32 v47, v6  }
0x392: {  	v43 =	vld [tilespmem:$0x1FD50];
	v6 =	vmul.f32 v23, v6;
	v0 =	vadd.f32 v1, v0;
	v5 =	vadd.f32 v11, v5  }
0x393: {  	v37 =	vld [tilespmem:$0x1FF90];
	v12 =	vmul.f32 v12, v25;
	v3 =	vadd.f32 v20, v3;
	v10 =	vadd.f32 v21, v10  }
0x394: {  	v42 =	vld [tilespmem:$0x1FD40];
	v0 =	vadd.f32 v18, v0;
	v4 =	vadd.f32 v6, v4;
	v9 =	vmul.f32 v9, v25  }
0x395: {  	s28 =	smul.u32 $0x320, s28;
	v33 =	vld [tilespmem:$0x1FF40];
	v1 =	vmul.f32 v26, v25;
	v6 =	vadd.f32 v27, v14;
	v5 =	vadd.f32 v31, v5  }
0x396: {  	v41 =	vld [tilespmem:$0x1FD30];
	v2 =	vmul.f32 v2, v25;
	v3 =	vadd.f32 v29, v3;
	v0 =	vadd.f32 v9, v0  }
0x397: {  	s29 =	simm.s32 $0x0;
	s28 =	sshra.s32 s28, $0x2;
	v62 =	vld [tilespmem:$0x1FA40];
	v8 =	vmul.f32 v8, v25;
	v1 =	vadd.f32 v1, v6;
	v9 =	vadd.f32 v24, v10  }
0x398: {  	v30 =	vld [tilespmem:$0x1FFC0];
	v4 =	vadd.f32 v22, v4;
	v3 =	vadd.f32 v16, v3;
	[tilespmem:s28+$0x14C00] =	vst v0;
	v0 =	vadd.s32 s29, v53  }
0x399: {  	v61 =	vld [tilespmem:$0x1FF60];
	v11 =	vmul.f32 v19, v25;
	[tilespmem:s28+$0x14C10] =	vst v1;
	v6 =	vadd.f32 v8, v9;
	v0 =	vand.u32 $0xF, v0  }
0x39a: {  	v47 =	vld [tilespmem:$0x1FCF0];
	v1 =	vadd.f32 v12, v5;
	v5 =	vadd.f32 v7, v17;
	[tilespmem:s28+$0x14C20] =	vst v3;
	v3 =	vor.u32 v51, v0  }
0x39b: {  	v46 =	vld [tilespmem:$0x1FCE0];
	v4 =	vadd.f32 v11, v4;
	[tilespmem:s28+$0x14C30] =	vst v6;
	v6 =	vor.u32 v33, v0  }
0x39c: {  	v29 =	vld [tilespmem:$0x1FCC0];
	v2 =	vadd.f32 v2, v5;
	[tilespmem:s28+$0x14C40] =	vst v1;
	v1 =	vor.u32 v34, v0  }
0x39d: {  	[tilespmem:s28+$0x14C50] =	vst v4;
	v25 =	vld [tilespmem:$0x1FFB0];
	v4 =	vor.u32 v36, v0  }
0x39e: {  	[tilespmem:s28+$0x14C60] =	vst v2;
	v24 =	vld [tilespmem:$0x1FF80];
	v2 =	vor.u32 v37, v0  }
0x39f: {  	v5 =	vor.u32 v47, v0;
	v3 =	vld.idx.msk [tilespmem:v3+s9+$0x0], $0xffff  }
0x3a0: {  	v7 =	vor.u32 v48, v0;
	v6 =	vld.idx.msk [tilespmem:v6+s14+$0x0], $0xffff  }
0x3a1: {  	v1 =	vld.idx.msk [tilespmem:v1+s14+$0x0], $0xffff  }
0x3a2: {  	v9 =	vor.u32 v25, v0;
	v4 =	vld.idx.msk [tilespmem:v4+s14+$0x0], $0xffff  }
0x3a3: {  	v10 =	vor.u32 v29, v0;
	v31 =	vld.idx.msk [tilespmem:v2+s14+$0x0], $0xffff  }
0x3a4: {  	v11 =	vor.u32 v61, v0;
	v5 =	vld.idx.msk [tilespmem:v5+s14+$0x0], $0xffff  }
0x3a5: {  	v12 =	vor.u32 v30, v0;
	v7 =	vld.idx.msk [tilespmem:v7+s14+$0x0], $0xffff  }
0x3a6: {  	v15 =	vor.u32 v60, v0;
	v2 =	vld [tilespmem:$0x1F9B0]  }
0x3a7: {  	v9 =	vld.idx.msk [tilespmem:v9+s14+$0x0], $0xffff  }
0x3a8: {  	v16 =	vor.u32 v58, v0;
	v10 =	vld.idx.msk [tilespmem:v10+s14+$0x0], $0xffff  }
0x3a9: {  	v18 =	vor.u32 v45, v0;
	v11 =	vld.idx.msk [tilespmem:v11+s14+$0x0], $0xffff  }
0x3aa: {  	v8 =	vor.u32 v24, v0;
	v12 =	vld.idx.msk [tilespmem:v12+s14+$0x0], $0xffff  }
0x3ab: {  	v20 =	vor.u32 v38, v0;
	v15 =	vld.idx.msk [tilespmem:v15+s14+$0x0], $0xffff  }
0x3ac: {  	v14 =	vor.u32 v2, v0;
	v2 =	vld [tilespmem:$0x1FCD0]  }
0x3ad: {  	v19 =	vimm.f32 $0.0e+00;
	v21 =	vor.u32 v32, v0;
	v16 =	vld.idx.msk [tilespmem:v16+s9+$0x0], $0xffff  }
0x3ae: {  	v13 =	vor.u32 v63, v0;
	v22 =	vor.u32 v62, v0;
	v18 =	vld.idx.msk [tilespmem:v18+s14+$0x0], $0xffff;
	v7 =	vmul.f32 v7, v3  }
0x3af: {  	v23 =	vor.u32 v46, v0;
	v52 =	vor.u32 v39, v0;
	v49 =	vor.u32 v40, v0;
	v8 =	vld.idx.msk [tilespmem:v8+s14+$0x0], $0xffff  }
0x3b0: {  	v26 =	vor.u32 v44, v0;
	v27 =	vor.u32 v43, v0;
	v50 =	vadd.f32 v7, v19;
	v7 =	vld.idx.msk [tilespmem:v20+s14+$0x0], $0xffff  }
0x3b1: {  	v28 =	vor.u32 v41, v0;
	v17 =	vor.u32 v2, v0;
	v14 =	vld.idx.msk [tilespmem:v14+s9+$0x0], $0xffff;
	v0 =	vor.u32 v42, v0  }
0x3b2: {  	v6 =	vmul.f32 v6, v3;
	v1 =	vmul.f32 v1, v3;
	v20 =	vld.idx.msk [tilespmem:v21+s14+$0x0], $0xffff  }
0x3b3: {  	v13 =	vld.idx.msk [tilespmem:v13+s14+$0x0], $0xffff;
	v10 =	vmul.f32 v10, v3;
	v11 =	vmul.f32 v11, v3  }
0x3b4: {  	s29 =	simm.s32 $0x1;
	v23 =	vld.idx.msk [tilespmem:v23+s14+$0x0], $0xffff;
	v3 =	vmul.f32 v15, v3;
	v5 =	vmul.f32 v5, v16;
	v1 =	vadd.f32 v1, v19  }
0x3b5: {  	v27 =	vld.idx.msk [tilespmem:v27+s14+$0x0], $0xffff;
	v21 =	vadd.s32 s29, v53;
	v6 =	vadd.f32 v6, v19;
	v10 =	vadd.f32 v10, v19  }
0x3b6: {  	v57 =	vand.u32 $0xF, v21;
	v4 =	vmul.f32 v4, v14;
	v15 =	vld.idx.msk [tilespmem:v0+s14+$0x0], $0xffff;
	v0 =	vmul.f32 v8, v16  }
0x3b7: {  	v17 =	vld.idx.msk [tilespmem:v17+s14+$0x0], $0xffff;
	v8 =	vmul.f32 v18, v16;
	v18 =	vmul.f32 v20, v16;
	v20 =	vor.u32 v34, v57  }
0x3b8: {  	v3 =	vadd.f32 v3, v19;
	v5 =	vadd.f32 v5, v6;
	[tilespmem:$0x1F940] =	vst v4;
	v4 =	vld.idx.msk [tilespmem:v26+s14+$0x0], $0xffff  }
0x3b9: {  	v21 =	vld.idx.msk [tilespmem:v28+s14+$0x0], $0xffff;
	v26 =	vmul.f32 v9, v14;
	v9 =	vadd.f32 v11, v19;
	v11 =	vor.u32 v51, v57  }
0x3ba: {  	v6 =	vor.u32 v37, v57;
	v28 =	vor.u32 v24, v57;
	v35 =	vmul.f32 v31, v14;
	v31 =	vld.idx.msk [tilespmem:v22+s9+$0x0], $0xffff  }
0x3bb: {  	v13 =	vmul.f32 v13, v14;
	v22 =	vld.idx.msk [tilespmem:v52+s14+$0x0], $0xffff;
	v19 =	vor.u32 v48, v57;
	v10 =	vadd.f32 v18, v10  }
0x3bc: {  	v17 =	vmul.f32 v17, v16;
	v16 =	vmul.f32 v23, v16;
	v23 =	vor.u32 v36, v57;
	v34 =	vld.idx.msk [tilespmem:v20+s14+$0x0], $0xffff  }
0x3bd: {  	v18 =	vor.u32 v61, v57;
	[tilespmem:$0x1F950] =	vst v4;
	v4 =	vmul.f32 v12, v14;
	v12 =	vld.idx.msk [tilespmem:v49+s14+$0x0], $0xffff  }
0x3be: {  	v48 =	vor.u32 v63, v57;
	v9 =	vadd.f32 v0, v9;
	v14 =	vmul.f32 v7, v14;
	v0 =	vld.idx.msk [tilespmem:v11+s9+$0x0], $0xffff  }
0x3bf: {  	v7 =	vor.u32 v33, v57;
	v1 =	vadd.f32 v17, v1;
	v33 =	vadd.f32 v13, v5;
	v5 =	vld.idx.msk [tilespmem:v6+s14+$0x0], $0xffff  }
0x3c0: {  	v61 =	vmov v24;
	v20 =	vor.u32 v25, v57;
	v36 =	vld.idx.msk [tilespmem:v19+s14+$0x0], $0xffff;
	v11 =	vadd.f32 v4, v9  }
0x3c1: {  	v24 =	vadd.f32 v14, v10;
	v10 =	vmul.f32 v22, v31;
	v4 =	vld.idx.msk [tilespmem:v23+s14+$0x0], $0xffff;
	v23 =	vadd.f32 v35, v1  }
0x3c2: {  	v17 =	vor.u32 v47, v57;
	v6 =	vld [tilespmem:$0x1F940]  }
0x3c3: {  	v52 =	vmovc v2;
	v9 =	vor.u32 v2, v57;
	v2 =	vmul.f32 v27, v31;
	v22 =	vadd.f32 v10, v23;
	v10 =	vld [tilespmem:$0x1F9B0]  }
0x3c4: {  	v49 =	vmov v25;
	v25 =	vld.idx.msk [tilespmem:v48+s14+$0x0], $0xffff  }
0x3c5: {  	v3 =	vadd.f32 v8, v3;
	v13 =	vadd.f32 v2, v11;
	v11 =	vld.idx.msk [tilespmem:v20+s14+$0x0], $0xffff  }
0x3c6: {  	v16 =	vadd.f32 v16, v50;
	v50 =	vmov v29;
	v29 =	vor.u32 v29, v57;
	v47 =	vld.idx.msk [tilespmem:v7+s14+$0x0], $0xffff  }
0x3c7: {  	v8 =	vor.u32 v58, v57;
	v14 =	vmul.f32 v21, v31;
	v35 =	vor.u32 v30, v57;
	v1 =	vld.idx.msk [tilespmem:v17+s14+$0x0], $0xffff  }
0x3c8: {  	v59 =	vmovc v60;
	v51 =	vmovc v30;
	v58 =	vmov v45;
	v3 =	vadd.f32 v26, v3;
	v17 =	vor.u32 v10, v57;
	v10 =	vld [tilespmem:$0x1F950]  }
0x3c9: {  	v20 =	vld.idx.msk [tilespmem:v18+s14+$0x0], $0xffff;
	v18 =	vadd.f32 v14, v33;
	v7 =	vor.u32 v60, v57;
	v27 =	vadd.f32 v6, v16  }
0x3ca: {  	v2 =	vld.idx.msk [tilespmem:v28+s14+$0x0], $0xffff;
	v6 =	vor.u32 v45, v57;
	v21 =	vmul.f32 v12, v31;
	v16 =	vmul.f32 v15, v31  }
0x3cb: {  	v60 =	vmovc v63;
	v19 =	vld.idx.msk [tilespmem:v29+s14+$0x0], $0xffff;
	v63 =	vmov v32;
	v12 =	vor.u32 v32, v57;
	v23 =	vmul.f32 v34, v0  }
0x3cc: {  	v26 =	vmul.f32 v36, v0;
	v3 =	vadd.f32 v16, v3;
	v16 =	vor.u32 v46, v57;
	v15 =	vld.idx.msk [tilespmem:v35+s14+$0x0], $0xffff  }
0x3cd: {  	s29 =	simm.s32 $0x2;
	v14 =	vmul.f32 v47, v0;
	v28 =	vmul.f32 v10, v31;
	v10 =	vor.u32 v62, v57;
	v62 =	vmovc v46  }
.LBB2_13:
0x3ce: {  	_ = 	snop  }
0x3cf: {  	v29 =	vld.idx.msk [tilespmem:v17+s9+$0x0], $0xffff  }
0x3d0: {  	v7 =	vld.idx.msk [tilespmem:v7+s14+$0x0], $0xffff  }
0x3d1: {  	v31 =	vld.idx.msk [tilespmem:v8+s9+$0x0], $0xffff  }
0x3d2: {  	v34 =	vld.idx.msk [tilespmem:v9+s14+$0x0], $0xffff  }
0x3d3: {  	v16 =	vld.idx.msk [tilespmem:v16+s14+$0x0], $0xffff  }
0x3d4: {  	v12 =	vld.idx.msk [tilespmem:v12+s14+$0x0], $0xffff  }
0x3d5: {  	v33 =	vor.u32 v44, v57;
	v9 =	vmul.f32 v19, v0;
	v19 =	vld.idx.msk [tilespmem:v6+s14+$0x0], $0xffff  }
0x3d6: {  	v24 =	vadd.f32 v28, v24;
	v14 =	vadd.f32 v14, v18;
	v18 =	vmul.f32 v4, v29;
	v4 =	vld [tilespmem:$0x1F960]  }
0x3d7: {  	v17 =	vor.u32 v38, v57;
	v6 =	vmul.f32 v20, v0;
	v38 =	vmul.f32 v7, v0;
	v0 =	vld [tilespmem:$0x1F9A0]  }
0x3d8: {  	v32 =	vor.u32 v42, v57;
	v20 =	vadd.f32 v9, v24;
	v24 =	vmul.f32 v5, v29;
	v5 =	vld [tilespmem:$0x1FF20]  }
0x3d9: {  	v21 =	vadd.f32 v21, v27;
	v8 =	vor.u32 v41, v57;
	v13 =	vadd.f32 v6, v13;
	v6 =	vld [tilespmem:$0x1FF30]  }
0x3da: {  	v22 =	vadd.f32 v23, v22;
	v27 =	vor.u32 v39, v57;
	v23 =	vmul.f32 v25, v29;
	v25 =	vld.idx.msk [tilespmem:v33+s14+$0x0], $0xffff  }
0x3db: {  	v28 =	vor.u32 v40, v57;
	v33 =	vld.idx.msk [tilespmem:v10+s9+$0x0], $0xffff  }
0x3dc: {  	s30 =	smov.u32 s29;
	v30 =	vor.u32 v43, v57;
	v10 =	vld.idx.msk [tilespmem:v17+s14+$0x0], $0xffff  }
0x3dd: {  	v9 =	vadd.s32 s30, v53;
	v32 =	vld.idx.msk [tilespmem:v32+s14+$0x0], $0xffff  }
0x3de: {  	v57 =	vand.u32 $0xF, v9;
	v39 =	vld.idx.msk [tilespmem:v8+s14+$0x0], $0xffff  }
0x3df: {  	v41 =	vor.u32 v61, v57;
	v27 =	vld.idx.msk [tilespmem:v27+s14+$0x0], $0xffff  }
0x3e0: {  	v48 =	vor.u32 v50, v57;
	v28 =	vld.idx.msk [tilespmem:v28+s14+$0x0], $0xffff  }
0x3e1: {  	v45 =	vor.u32 v51, v57;
	v30 =	vld.idx.msk [tilespmem:v30+s14+$0x0], $0xffff  }
0x3e2: {  	v2 =	vmul.f32 v2, v31;
	v8 =	vor.u32 v0, v57;
	v0 =	vld [tilespmem:$0x1FFA0]  }
0x3e3: {  	v3 =	vadd.f32 v38, v3;
	v19 =	vmul.f32 v19, v31;
	v35 =	vor.u32 v6, v57;
	v6 =	vld [tilespmem:$0x1FF40]  }
0x3e4: {  	v15 =	vmul.f32 v15, v29;
	v13 =	vadd.f32 v2, v13;
	v2 =	vld.idx.msk [tilespmem:v41+s14+$0x0], $0xffff  }
0x3e5: {  	v5 =	vor.u32 v5, v57;
	v3 =	vadd.f32 v19, v3;
	v19 =	vld.idx.msk [tilespmem:v48+s14+$0x0], $0xffff  }
0x3e6: {  	v13 =	vadd.f32 v15, v13;
	v15 =	vld.idx.msk [tilespmem:v45+s14+$0x0], $0xffff  }
0x3e7: {  	v4 =	vor.u32 v4, v57;
	v40 =	vor.u32 v0, v57;
	v0 =	vld [tilespmem:$0x1FF90]  }
0x3e8: {  	v41 =	vld [tilespmem:$0x1FD30]  }
0x3e9: {  	v26 =	vadd.f32 v26, v21;
	v21 =	vor.u32 v6, v57;
	v6 =	vld [tilespmem:$0x1FF60]  }
0x3ea: {  	v47 =	vld.idx.msk [tilespmem:v5+s14+$0x0], $0xffff  }
0x3eb: {  	v1 =	vmul.f32 v1, v31;
	v5 =	vld [tilespmem:$0x1FA40]  }
0x3ec: {  	v34 =	vmul.f32 v34, v31;
	v42 =	vor.u32 v0, v57;
	v0 =	vld.idx.msk [tilespmem:v4+s9+$0x0], $0xffff  }
0x3ed: {  	v46 =	vmul.f32 v12, v31;
	v14 =	vadd.f32 v1, v14;
	v31 =	vmul.f32 v16, v31;
	v4 =	vld [tilespmem:$0x1F9B0]  }
0x3ee: {  	v22 =	vadd.f32 v34, v22;
	v34 =	vor.u32 v60, v57;
	v37 =	vor.u32 v6, v57;
	v6 =	vld [tilespmem:$0x1FCF0]  }
0x3ef: {  	v38 =	vadd.f32 v23, v14;
	v26 =	vadd.f32 v31, v26;
	v39 =	vmul.f32 v39, v33;
	v43 =	vld.idx.msk [tilespmem:v21+s14+$0x0], $0xffff  }
0x3f0: {  	v21 =	vmul.f32 v28, v33;
	v28 =	vmul.f32 v30, v33;
	v30 =	vld.idx.msk [tilespmem:v35+s14+$0x0], $0xffff  }
0x3f1: {  	v35 =	vmul.f32 v27, v33;
	v27 =	vadd.f32 v18, v26;
	v18 =	vadd.f32 v39, v38;
	v39 =	vld [tilespmem:$0x1FFE0]  }
0x3f2: {  	v38 =	vld [tilespmem:$0x1FFD0]  }
0x3f3: {  	v13 =	vadd.f32 v28, v13;
	v28 =	vmul.f32 v25, v33;
	v25 =	vld.idx.msk [tilespmem:v34+s14+$0x0], $0xffff  }
0x3f4: {  	v36 =	vmul.f32 v11, v29;
	v17 =	vor.u32 v4, v57;
	v4 =	vld.idx.msk [tilespmem:v40+s14+$0x0], $0xffff  }
0x3f5: {  	v29 =	vmul.f32 v10, v29;
	v10 =	vor.u32 v5, v57;
	v5 =	vld.idx.msk [tilespmem:v42+s14+$0x0], $0xffff;
	v11 =	vor.u32 v6, v57  }
0x3f6: {  	v44 =	vor.u32 v49, v57;
	v42 =	vld [tilespmem:$0x1FD40]  }
0x3f7: {  	p1 =	sne.s32 s29, $0xF;
	v20 =	vadd.f32 v46, v20;
	v40 =	vld [tilespmem:$0x1FD20]  }
.Ltmp7:
0x3f8: {  	v22 =	vadd.f32 v24, v22;
	v14 =	vmul.f32 v43, v0;
	v43 =	vld [tilespmem:$0x1FD50];
	(pc) =	sbr.rel @p1 .LBB2_13-.Ltmp7, $4  }
0x3f9: {  	v3 =	vadd.f32 v36, v3;
	v24 =	vadd.f32 v29, v20;
	v29 =	vmul.f32 v32, v33;
	v20 =	vld.idx.msk [tilespmem:v37+s14+$0x0], $0xffff  }
0x3fa: {  	v7 =	vor.u32 v59, v57;
	v9 =	vor.u32 v52, v57;
	v12 =	vor.u32 v63, v57;
	v1 =	vld.idx.msk [tilespmem:v11+s14+$0x0], $0xffff  }
0x3fb: {  	v16 =	vor.u32 v62, v57;
	v3 =	vadd.f32 v29, v3;
	v22 =	vadd.f32 v35, v22;
	v11 =	vld.idx.msk [tilespmem:v44+s14+$0x0], $0xffff  }
0x3fc: {  	s29 =	sadd.s32 $0x1, s29;
	v23 =	vmul.f32 v47, v0;
	v6 =	vor.u32 v58, v57;
	v26 =	vmul.f32 v30, v0;
	v44 =	vld [tilespmem:$0x1FD60]  }
0x3fd: {  	_ =	sdelay $0x3  }
0x3fe: {  	v17 =	vld.idx.msk [tilespmem:v17+s9+$0x0], $0xffff  }
0x3ff: {  	v7 =	vld.idx.msk [tilespmem:v7+s14+$0x0], $0xffff  }
0x400: {  	v29 =	vor.u32 v38, v57;
	v8 =	vld.idx.msk [tilespmem:v8+s9+$0x0], $0xffff  }
0x401: {  	v21 =	vadd.f32 v21, v27;
	v24 =	vadd.f32 v28, v24;
	v27 =	vor.u32 v39, v57;
	v9 =	vld.idx.msk [tilespmem:v9+s14+$0x0], $0xffff  }
0x402: {  	v28 =	vor.u32 v40, v57;
	v30 =	vor.u32 v43, v57;
	v31 =	vor.u32 v41, v57;
	v16 =	vld.idx.msk [tilespmem:v16+s14+$0x0], $0xffff  }
0x403: {  	v32 =	vor.u32 v42, v57;
	v19 =	vmul.f32 v19, v0;
	v12 =	vld.idx.msk [tilespmem:v12+s14+$0x0], $0xffff;
	v14 =	vadd.f32 v14, v18  }
0x404: {  	v6 =	vld.idx.msk [tilespmem:v6+s14+$0x0], $0xffff;
	v20 =	vmul.f32 v20, v0;
	v22 =	vadd.f32 v23, v22;
	v23 =	vmul.f32 v25, v17  }
0x405: {  	v10 =	vld.idx.msk [tilespmem:v10+s9+$0x0], $0xffff;
	v21 =	vadd.f32 v26, v21;
	v4 =	vmul.f32 v4, v17;
	v5 =	vmul.f32 v5, v17  }
0x406: {  	v33 =	vor.u32 v44, v57;
	v15 =	vmul.f32 v15, v17;
	v18 =	vld.idx.msk [tilespmem:v29+s14+$0x0], $0xffff;
	v0 =	vmul.f32 v7, v0  }
0x407: {  	v7 =	vadd.f32 v20, v13;
	v13 =	vld.idx.msk [tilespmem:v27+s14+$0x0], $0xffff;
	v1 =	vmul.f32 v1, v8;
	v2 =	vmul.f32 v2, v8  }
0x408: {  	v19 =	vadd.f32 v19, v24;
	v20 =	vld.idx.msk [tilespmem:v28+s14+$0x0], $0xffff;
	v12 =	vmul.f32 v12, v8;
	v9 =	vmul.f32 v9, v8  }
0x409: {  	v24 =	vld.idx.msk [tilespmem:v31+s14+$0x0], $0xffff;
	v16 =	vmul.f32 v16, v8;
	v2 =	vadd.f32 v2, v7;
	v1 =	vadd.f32 v1, v14  }
0x40a: {  	v11 =	vmul.f32 v11, v17;
	v7 =	vld.idx.msk [tilespmem:v32+s14+$0x0], $0xffff;
	v0 =	vadd.f32 v0, v3;
	v3 =	vadd.f32 v9, v22  }
0x40b: {  	v6 =	vmul.f32 v6, v8;
	v8 =	vld.idx.msk [tilespmem:v30+s14+$0x0], $0xffff;
	v12 =	vadd.f32 v12, v19;
	v14 =	vadd.f32 v16, v21  }
0x40c: {  	v16 =	vld.idx.msk [tilespmem:v33+s14+$0x0], $0xffff;
	v1 =	vadd.f32 v23, v1;
	v3 =	vadd.f32 v5, v3;
	v13 =	vmul.f32 v13, v10  }
0x40d: {  	v0 =	vadd.f32 v6, v0;
	v4 =	vadd.f32 v4, v14;
	v5 =	vmul.f32 v20, v10  }
0x40e: {  	v9 =	vmul.f32 v18, v17;
	v6 =	vmul.f32 v24, v10;
	v3 =	vadd.f32 v13, v3  }
0x40f: {  	v0 =	vadd.f32 v11, v0;
	v7 =	vmul.f32 v7, v10;
	v4 =	vadd.f32 v5, v4  }
0x410: {  	v2 =	vadd.f32 v15, v2;
	v5 =	vmul.f32 v8, v10;
	v1 =	vadd.f32 v6, v1;
	[tilespmem:s28+$0x14C70] =	vst v3  }
0x411: {  	v8 =	vadd.f32 v9, v12;
	v3 =	vmul.f32 v16, v10;
	v0 =	vadd.f32 v7, v0;
	[tilespmem:s28+$0x14C80] =	vst v4  }
0x412: {  	v2 =	vadd.f32 v5, v2;
	[tilespmem:s28+$0x14C90] =	vst v1  }
0x413: {  	v3 =	vadd.f32 v3, v8;
	[tilespmem:s28+$0x14CA0] =	vst v0  }
0x414: {  	s29 =	simm.s32 $0x0;
	[tilespmem:s28+$0x14CB0] =	vst v2  }
0x415: {  	s26 =	sadd.s32 @!p0 $0x4B0, s26;
	v0 =	vadd.s32 s29, v53;
	s29 =	simm.s32 @!p0 $0xE800;
	[tilespmem:s28+$0x14CB8] =	vst v3;
	s28 =	simm.s32 @!p0 $0xC8  }
0x416: {  	[tilespmem:s29], [sflag:$0x3] =	stream.indirect.gather @!p0 [hbm4b:s3+s28], $0x40, s26, s28, $0xb8;
	[tilespmem:$0x1B000] =	vst v63  }
0x417: {  	_ =	swait.ge [sflag:s20], $0x3200  }
0x418: {  	v39 =	vld [tilespmem:$0x1FDB0]  }
0x419: {  	v44 =	vld [tilespmem:$0x1FF10]  }
0x41a: {  	v47 =	vld [tilespmem:$0x1FEE0]  }
0x41b: {  	v48 =	vld [tilespmem:$0x1FEF0]  }
0x41c: {  	v50 =	vld [tilespmem:$0x1FEA0]  }
0x41d: {  	v49 =	vld [tilespmem:$0x1FE20]  }
0x41e: {  	v51 =	vld [tilespmem:$0x1FED0]  }
0x41f: {  	v52 =	vld [tilespmem:$0x1FE90]  }
0x420: {  	v46 =	vld [tilespmem:$0x1FDF0]  }
0x421: {  	v36 =	vld [tilespmem:$0x1FE80]  }
0x422: {  	v41 =	vld [tilespmem:$0x1FE70]  }
0x423: {  	v59 =	vld [tilespmem:$0x1FDD0]  }
0x424: {  	v43 =	vld [tilespmem:$0x1FDA0]  }
0x425: {  	v60 =	vld [tilespmem:$0x1FDC0]  }
0x426: {  	s25 =	sor.u32 $0x3, s25;
	v40 =	vld [tilespmem:$0x1FE60]  }
0x427: {  	v4 =	vmov s25;
	v62 =	vld [tilespmem:$0x1FE00]  }
0x428: {  	v1 =	vshll.u32 v4, $0x6;
	v0 =	vand.u32 $0xF, v0;
	v15 =	vld [tilespmem:$0x1FEB0]  }
0x429: {  	v35 =	vbroadcast v1, $0x0;
	v23 =	vld [tilespmem:$0x1FDE0];
	v5 =	vor.u32 v44, v0  }
0x42a: {  	v45 =	vld [tilespmem:$0x1FEC0]  }
0x42b: {  	v1 =	vor.u32 v35, v0;
	v30 =	vld [tilespmem:$0x1FE40]  }
0x42c: {  	v2 =	vor.u32 v54, v0;
	v24 =	vor.u32 $0x20, v35;
	[sflag:s20] =	ssyncset.done $0x0;
	v32 =	vld [tilespmem:$0x1FE50]  }
0x42d: {  	v8 =	vor.u32 v24, v0;
	v42 =	vld [tilespmem:$0x1FF00];
	[sflag:s20] =	ssyncadd.s32 $0xFFFFCE00  }
0x42e: {  	v4 =	vor.u32 v55, v0;
	v5 =	vld.idx.msk [tilespmem:v5+s16+$0x0], $0xffff  }
0x42f: {  	v10 =	vor.u32 v56, v0;
	v37 =	vld [tilespmem:$0x1FFF0]  }
0x430: {  	v1 =	vld.idx.msk [tilespmem:v1+s9+$0x0], $0xffff;
	v6 =	vor.u32 v47, v0  }
0x431: {  	v2 =	vld.idx.msk [tilespmem:v2+s16+$0x0], $0xffff;
	v7 =	vor.u32 v48, v0  }
0x432: {  	v16 =	vld.idx.msk [tilespmem:v8+s9+$0x0], $0xffff;
	v8 =	vor.u32 v46, v0  }
0x433: {  	v4 =	vld.idx.msk [tilespmem:v4+s16+$0x0], $0xffff;
	[tilespmem:$0x1F840] =	vst v5;
	v5 =	vor.u32 v49, v0  }
0x434: {  	v10 =	vld.idx.msk [tilespmem:v10+s16+$0x0], $0xffff  }
0x435: {  	v57 =	vld.idx.msk [tilespmem:v6+s16+$0x0], $0xffff  }
0x436: {  	v38 =	vor.u32 $0x10, v35;
	v6 =	vor.u32 v51, v0;
	v63 =	vld.idx.msk [tilespmem:v7+s16+$0x0], $0xffff  }
0x437: {  	v19 =	vor.u32 v38, v0;
	v61 =	vld.idx.msk [tilespmem:v8+s16+$0x0], $0xffff  }
0x438: {  	v3 =	vor.u32 v39, v0;
	v5 =	vld.idx.msk [tilespmem:v5+s16+$0x0], $0xffff  }
0x439: {  	v9 =	vor.u32 v50, v0;
	v7 =	vor.u32 $0x30, v35;
	v8 =	vld [tilespmem:$0x1FE10]  }
0x43a: {  	v12 =	vor.u32 v52, v0;
	[tilespmem:$0x1F910] =	vst v7;
	v18 =	vor.u32 v7, v0;
	v7 =	vld [tilespmem:$0x1FE30]  }
0x43b: {  	v13 =	vor.u32 v36, v0;
	v14 =	vor.u32 v41, v0;
	v20 =	vor.u32 v60, v0;
	v6 =	vld.idx.msk [tilespmem:v6+s16+$0x0], $0xffff  }
0x43c: {  	v19 =	vld.idx.msk [tilespmem:v19+s9+$0x0], $0xffff;
	v22 =	vor.u32 v40, v0;
	v11 =	vor.u32 v62, v0;
	v25 =	vor.u32 v15, v0  }
0x43d: {  	v27 =	vor.u32 v23, v0;
	v3 =	vld.idx.msk [tilespmem:v3+s16+$0x0], $0xffff;
	[tilespmem:$0x1F850] =	vst v5;
	v5 =	vor.u32 v59, v0  }
0x43e: {  	v28 =	vor.u32 v45, v0;
	v29 =	vor.u32 v32, v0;
	v21 =	vor.u32 v42, v0;
	v9 =	vld.idx.msk [tilespmem:v9+s16+$0x0], $0xffff  }
0x43f: {  	v31 =	vor.u32 v37, v0;
	v17 =	vor.u32 v8, v0;
	v26 =	vor.u32 v7, v0;
	v58 =	vld.idx.msk [tilespmem:v18+s9+$0x0], $0xffff  }
0x440: {  	v18 =	vor.u32 v30, v0;
	[tilespmem:$0x1F860] =	vst v6;
	v6 =	vor.u32 v43, v0;
	v0 =	vmul.f32 v10, v1  }
0x441: {  	v34 =	vimm.f32 $0.0e+00;
	v4 =	vmul.f32 v4, v1;
	v13 =	vld.idx.msk [tilespmem:v13+s16+$0x0], $0xffff  }
0x442: {  	v0 =	vadd.f32 v0, v34;
	v5 =	vld.idx.msk [tilespmem:v5+s16+$0x0], $0xffff  }
0x443: {  	v4 =	vadd.f32 v4, v34;
	v33 =	vld.idx.msk [tilespmem:v12+s16+$0x0], $0xffff;
	v3 =	vmul.f32 v3, v1  }
0x444: {  	v12 =	vld.idx.msk [tilespmem:v20+s16+$0x0], $0xffff;
	[tilespmem:$0x1F8B0] =	vst v0;
	v0 =	vmul.f32 v9, v16  }
0x445: {  	[tilespmem:$0x1F8A0] =	vst v4;
	v3 =	vadd.f32 v3, v34;
	v6 =	vld.idx.msk [tilespmem:v6+s16+$0x0], $0xffff  }
0x446: {  	s31 =	simm.s32 $0x1;
	[tilespmem:$0x1F930] =	vst v0;
	v0 =	vld.idx.msk [tilespmem:v28+s16+$0x0], $0xffff  }
0x447: {  	v4 =	vadd.s32 s31, v53;
	[tilespmem:$0x1F8E0] =	vst v3;
	v10 =	vld.idx.msk [tilespmem:v22+s16+$0x0], $0xffff;
	v3 =	vmul.f32 v5, v1;
	v5 =	vmul.f32 v13, v16  }
0x448: {  	v22 =	vmul.f32 v61, v19;
	v61 =	vand.u32 $0xF, v4;
	v4 =	vld [tilespmem:$0x1F840]  }
0x449: {  	v2 =	vmul.f32 v2, v1;
	[tilespmem:$0x1F900] =	vst v5;
	v5 =	vld.idx.msk [tilespmem:v25+s16+$0x0], $0xffff  }
0x44a: {  	v20 =	vld.idx.msk [tilespmem:v11+s16+$0x0], $0xffff;
	[tilespmem:$0x1F890] =	vst v12;
	v12 =	vmul.f32 v33, v16  }
0x44b: {  	v33 =	vld.idx.msk [tilespmem:v18+s16+$0x0], $0xffff;
	[tilespmem:$0x1F8C0] =	vst v0;
	v0 =	vadd.f32 v2, v34;
	v2 =	vmul.f32 v6, v1  }
0x44c: {  	v18 =	vor.u32 v59, v61;
	v59 =	vor.u32 v62, v61;
	v62 =	vor.u32 v7, v61;
	v7 =	vld [tilespmem:$0x1F8A0]  }
0x44d: {  	v9 =	vld [tilespmem:$0x1F860];
	v37 =	vadd.f32 v2, v34;
	v2 =	vor.u32 v35, v61  }
0x44e: {  	[tilespmem:$0x1F8D0] =	vst v5;
	v5 =	vmul.f32 v63, v58;
	v63 =	vmul.f32 v4, v58;
	v4 =	vld.idx.msk [tilespmem:v21+s16+$0x0], $0xffff  }
0x44f: {  	v6 =	vld.idx.msk [tilespmem:v31+s16+$0x0], $0xffff  }
0x450: {  	v31 =	vld.idx.msk [tilespmem:v26+s16+$0x0], $0xffff;
	v26 =	vor.u32 v39, v61  }
0x451: {  	v14 =	vld.idx.msk [tilespmem:v14+s16+$0x0], $0xffff  }
0x452: {  	[tilespmem:$0x1F870] =	vst v38;
	v11 =	vmul.f32 v9, v58;
	v9 =	vld.idx.msk [tilespmem:v2+s9+$0x0], $0xffff  }
0x453: {  	v13 =	vor.u32 v38, v61;
	v38 =	vor.u32 v47, v61;
	v2 =	vmul.f32 v33, v19;
	[tilespmem:$0x1F8F0] =	vst v4;
	v4 =	vld [tilespmem:$0x1F850]  }
0x454: {  	v33 =	vor.u32 v36, v61;
	v36 =	vadd.f32 v22, v7;
	v7 =	vor.u32 v15, v61;
	v15 =	vld [tilespmem:$0x1F8B0]  }
0x455: {  	v20 =	vmul.f32 v20, v19;
	v39 =	vor.u32 v48, v61;
	v25 =	vadd.f32 v3, v34;
	v48 =	vld.idx.msk [tilespmem:v26+s16+$0x0], $0xffff  }
0x456: {  	v3 =	vmul.f32 v14, v16;
	v14 =	vmul.f32 v10, v16;
	v21 =	vld.idx.msk [tilespmem:v17+s16+$0x0], $0xffff  }
0x457: {  	v10 =	vor.u32 v43, v61;
	v17 =	vor.u32 v44, v61;
	v26 =	vadd.f32 v2, v25;
	v2 =	vld [tilespmem:$0x1F890]  }
0x458: {  	v43 =	vmul.f32 v4, v19;
	v4 =	vor.u32 v60, v61;
	v60 =	vor.u32 v8, v61;
	v8 =	vld.idx.msk [tilespmem:v38+s16+$0x0], $0xffff  }
0x459: {  	v38 =	vadd.f32 v20, v15;
	v20 =	vld [tilespmem:$0x1F8C0];
	_ =	sdelay $0x2  }
0x45a: {  	v29 =	vld.idx.msk [tilespmem:v29+s16+$0x0], $0xffff;
	[tilespmem:$0x1F920] =	vst v12;
	v12 =	vor.u32 v54, v61  }
0x45b: {  	v1 =	vmul.f32 v2, v1;
	v2 =	vld.idx.msk [tilespmem:v17+s16+$0x0], $0xffff  }
0x45c: {  	v17 =	vmul.f32 v31, v19;
	v31 =	vmul.f32 v20, v58;
	v20 =	vld [tilespmem:$0x1F8D0];
	_ =	sdelay $0x1  }
0x45d: {  	v27 =	vld.idx.msk [tilespmem:v27+s16+$0x0], $0xffff  }
0x45e: {  	[tilespmem:$0x1F830] =	vst v35;
	v35 =	vor.u32 v55, v61;
	v44 =	vld.idx.msk [tilespmem:v12+s16+$0x0], $0xffff  }
0x45f: {  	v28 =	vor.u32 v56, v61;
	v12 =	vld.idx.msk [tilespmem:v39+s16+$0x0], $0xffff  }
0x460: {  	v49 =	vor.u32 v49, v61;
	v25 =	vmul.f32 v29, v16;
	v39 =	vmul.f32 v20, v16;
	v16 =	vld [tilespmem:$0x1F8E0];
	_ =	sdelay $0x2  }
0x461: {  	[tilespmem:$0x1F880] =	vst v24;
	v47 =	vor.u32 v24, v61;
	v24 =	vld.idx.msk [tilespmem:v35+s16+$0x0], $0xffff  }
0x462: {  	v35 =	vmul.f32 v27, v19;
	v29 =	vld.idx.msk [tilespmem:v28+s16+$0x0], $0xffff;
	v19 =	vmul.f32 v21, v19;
	v21 =	vadd.f32 v1, v34  }
0x463: {  	v28 =	vadd.f32 v43, v16;
	v16 =	vld.idx.msk [tilespmem:v49+s16+$0x0], $0xffff  }
0x464: {  	v49 =	vadd.f32 v17, v21;
	v21 =	vld [tilespmem:$0x1F8F0];
	_ =	sdelay $0x3  }
0x465: {  	v15 =	vld.idx.msk [tilespmem:v47+s9+$0x0], $0xffff  }
0x466: {  	v47 =	vadd.f32 v19, v37;
	v37 =	vmul.f32 v21, v58;
	v21 =	vld [tilespmem:$0x1F900];
	_ =	sdelay $0x4  }
0x467: {  	v27 =	vor.u32 v40, v61;
	v40 =	vadd.f32 v21, v47;
	v21 =	vld [tilespmem:$0x1F910];
	_ =	sdelay $0x2  }
0x468: {  	v50 =	vor.u32 v50, v61  }
0x469: {  	v52 =	vor.u32 v52, v61  }
0x46a: {  	v51 =	vor.u32 v51, v61;
	v43 =	vor.u32 v21, v61;
	v21 =	vld [tilespmem:$0x1F920]  }
0x46b: {  	v46 =	vor.u32 v46, v61;
	v19 =	vor.u32 v30, v61;
	v30 =	vld [tilespmem:$0x1F930];
	_ =	sdelay $0x1  }
0x46c: {  	v22 =	vld.idx.msk [tilespmem:v50+s16+$0x0], $0xffff  }
0x46d: {  	v41 =	vor.u32 v41, v61;
	v1 =	vor.u32 v23, v61;
	v23 =	vmul.f32 v44, v9;
	v34 =	vld.idx.msk [tilespmem:v52+s16+$0x0], $0xffff  }
0x46e: {  	v20 =	vor.u32 v32, v61;
	v32 =	vmul.f32 v48, v9;
	v17 =	vld.idx.msk [tilespmem:v51+s16+$0x0], $0xffff;
	v44 =	vadd.f32 v21, v28  }
0x46f: {  	s26 =	simm.s32 $0x2;
	v21 =	vor.u32 v42, v61;
	v28 =	vld.idx.msk [tilespmem:v46+s16+$0x0], $0xffff;
	v42 =	vadd.f32 v30, v49;
	v30 =	vor.u32 v45, v61  }
.LBB2_15:
0x470: {  	_ = 	snop  }
0x471: {  	v33 =	vld.idx.msk [tilespmem:v33+s16+$0x0], $0xffff  }
0x472: {  	v48 =	vld.idx.msk [tilespmem:v41+s16+$0x0], $0xffff  }
0x473: {  	v18 =	vld.idx.msk [tilespmem:v18+s16+$0x0], $0xffff  }
0x474: {  	v0 =	vadd.f32 v35, v0;
	v10 =	vld.idx.msk [tilespmem:v10+s16+$0x0], $0xffff  }
0x475: {  	v6 =	vmul.f32 v6, v58;
	v49 =	vld [tilespmem:$0x1FFF0]  }
0x476: {  	v21 =	vld.idx.msk [tilespmem:v21+s16+$0x0], $0xffff;
	v0 =	vadd.f32 v25, v0;
	v25 =	vadd.f32 v39, v26;
	v26 =	vmul.f32 v57, v58  }
0x477: {  	v3 =	vadd.f32 v3, v38;
	v5 =	vadd.f32 v5, v44;
	v58 =	vld.idx.msk [tilespmem:v43+s9+$0x0], $0xffff  }
0x478: {  	v0 =	vadd.f32 v6, v0;
	v6 =	vadd.f32 v26, v40;
	v26 =	vld.idx.msk [tilespmem:v1+s16+$0x0], $0xffff  }
0x479: {  	v38 =	vmovc v9;
	v37 =	vadd.f32 v37, v42;
	v57 =	vmovc v8;
	v8 =	vadd.f32 v63, v25;
	v40 =	vmov v15;
	v1 =	vld [tilespmem:$0x1F870]  }
0x47a: {  	v39 =	vld.idx.msk [tilespmem:v13+s9+$0x0], $0xffff;
	v42 =	vmul.f32 v34, v40;
	v34 =	vadd.f32 v32, v5;
	v5 =	vmul.f32 v18, v38  }
0x47b: {  	s28 =	smov.u32 s26;
	v24 =	vmul.f32 v24, v9;
	v9 =	vmul.f32 v29, v38;
	v29 =	vld.idx.msk [tilespmem:v4+s16+$0x0], $0xffff  }
0x47c: {  	v4 =	vld.idx.msk [tilespmem:v27+s16+$0x0], $0xffff;
	v46 =	vmul.f32 v22, v40;
	v22 =	vadd.f32 v5, v8;
	v5 =	vadd.s32 s28, v53  }
0x47d: {  	v14 =	vadd.f32 v14, v36;
	v43 =	vld.idx.msk [tilespmem:v7+s16+$0x0], $0xffff;
	v36 =	vor.u32 v49, v61;
	v61 =	vand.u32 $0xF, v5  }
0x47e: {  	v3 =	vadd.f32 v11, v3;
	v13 =	vor.u32 v1, v61;
	v1 =	vld [tilespmem:$0x1FE10]  }
0x47f: {  	v15 =	vld.idx.msk [tilespmem:v30+s16+$0x0], $0xffff  }
0x480: {  	v45 =	vadd.f32 v9, v3;
	v9 =	vld [tilespmem:$0x1FDD0]  }
0x481: {  	v8 =	vld.idx.msk [tilespmem:v19+s16+$0x0], $0xffff  }
0x482: {  	v14 =	vadd.f32 v31, v14;
	v47 =	vmul.f32 v16, v39;
	v16 =	vld.idx.msk [tilespmem:v60+s16+$0x0], $0xffff  }
0x483: {  	v60 =	vor.u32 v1, v61;
	v1 =	vld [tilespmem:$0x1FEE0]  }
0x484: {  	v32 =	vadd.f32 v24, v14;
	v14 =	vmul.f32 v4, v40;
	v4 =	vld [tilespmem:$0x1FDA0]  }
0x485: {  	v7 =	vmul.f32 v10, v38;
	v19 =	vld.idx.msk [tilespmem:v20+s16+$0x0], $0xffff  }
0x486: {  	v18 =	vor.u32 v9, v61;
	v9 =	vld [tilespmem:$0x1FDF0]  }
0x487: {  	v0 =	vadd.f32 v23, v0;
	v23 =	vmul.f32 v28, v39;
	v28 =	vadd.f32 v7, v6;
	v7 =	vld [tilespmem:$0x1F830]  }
0x488: {  	v27 =	vor.u32 v1, v61;
	v1 =	vld [tilespmem:$0x1FE30]  }
0x489: {  	v10 =	vor.u32 v4, v61;
	v4 =	vld [tilespmem:$0x1FDB0]  }
0x48a: {  	v20 =	vld.idx.msk [tilespmem:v62+s16+$0x0], $0xffff  }
0x48b: {  	v3 =	vmul.f32 v48, v40;
	v48 =	vor.u32 v9, v61;
	v9 =	vld [tilespmem:$0x1FE00]  }
0x48c: {  	v31 =	vmul.f32 v15, v58;
	v15 =	vld [tilespmem:$0x1FE50]  }
0x48d: {  	v62 =	vor.u32 v1, v61;
	v1 =	vld [tilespmem:$0x1F880]  }
0x48e: {  	v6 =	vld.idx.msk [tilespmem:v36+s16+$0x0], $0xffff;
	v24 =	vor.u32 v4, v61  }
0x48f: {  	v63 =	vmul.f32 v2, v58;
	v2 =	vor.u32 v55, v61;
	v36 =	vld.idx.msk [tilespmem:v59+s16+$0x0], $0xffff  }
0x490: {  	v59 =	vor.u32 v9, v61;
	v9 =	vld [tilespmem:$0x1FF10]  }
0x491: {  	v5 =	vmul.f32 v12, v58;
	v12 =	vor.u32 v54, v61;
	v53 =	vmul.f32 v8, v39;
	v8 =	vld [tilespmem:$0x1FE40]  }
0x492: {  	v41 =	vor.u32 v1, v61;
	v1 =	vld [tilespmem:$0x1FEF0]  }
0x493: {  	v50 =	vld.idx.msk [tilespmem:v24+s16+$0x0], $0xffff  }
0x494: {  	v24 =	vld.idx.msk [tilespmem:v2+s16+$0x0], $0xffff  }
0x495: {  	v11 =	vmul.f32 v17, v58;
	v2 =	vld [tilespmem:$0x1FED0];
	v17 =	vor.u32 v9, v61  }
0x496: {  	v49 =	vld.idx.msk [tilespmem:v12+s16+$0x0], $0xffff  }
0x497: {  	v12 =	vor.u32 v1, v61;
	v1 =	vld [tilespmem:$0x1FE20]  }
0x498: {  	v35 =	vmul.f32 v26, v39;
	v26 =	vadd.f32 v53, v22;
	v22 =	vld [tilespmem:$0x1FE70]  }
0x499: {  	v25 =	vmul.f32 v19, v40;
	v19 =	vor.u32 v8, v61;
	v8 =	vld [tilespmem:$0x1FE90]  }
0x49a: {  	v7 =	vor.u32 v7, v61;
	v54 =	vor.u32 v2, v61;
	v2 =	vld.idx.msk [tilespmem:v17+s16+$0x0], $0xffff  }
0x49b: {  	v17 =	vld [tilespmem:$0x1FE60]  }
0x49c: {  	v51 =	vor.u32 v1, v61;
	v1 =	vld [tilespmem:$0x1FEA0]  }
0x49d: {  	v30 =	vor.u32 v56, v61;
	v4 =	vld [tilespmem:$0x1FDC0]  }
0x49e: {  	v56 =	vor.u32 v8, v61;
	v8 =	vld.idx.msk [tilespmem:v27+s16+$0x0], $0xffff  }
0x49f: {  	v9 =	vld.idx.msk [tilespmem:v7+s9+$0x0], $0xffff  }
0x4a0: {  	v55 =	vmul.f32 v20, v39;
	v20 =	vor.u32 v15, v61;
	v15 =	vld.idx.msk [tilespmem:v41+s9+$0x0], $0xffff  }
0x4a1: {  	v27 =	vor.u32 v17, v61;
	v17 =	vmul.f32 v29, v38;
	v52 =	vor.u32 v1, v61;
	v1 =	vld [tilespmem:$0x1FE80]  }
0x4a2: {  	v29 =	vld.idx.msk [tilespmem:v30+s16+$0x0], $0xffff  }
0x4a3: {  	v38 =	vmul.f32 v36, v39;
	v30 =	vadd.f32 v17, v37;
	v37 =	vmul.f32 v21, v58;
	v21 =	vld [tilespmem:$0x1F910]  }
0x4a4: {  	v36 =	vadd.f32 v23, v32;
	v32 =	vmul.f32 v50, v9;
	v50 =	vadd.f32 v47, v34;
	v34 =	vld.idx.msk [tilespmem:v56+s16+$0x0], $0xffff  }
0x4a5: {  	v56 =	vld [tilespmem:$0x1FD90]  }
0x4a6: {  	v44 =	vmul.f32 v33, v40;
	v39 =	vmul.f32 v16, v39;
	v33 =	vor.u32 v1, v61;
	v1 =	vld [tilespmem:$0x1FEB0]  }
0x4a7: {  	v17 =	vld.idx.msk [tilespmem:v54+s16+$0x0], $0xffff  }
0x4a8: {  	v28 =	vadd.f32 v39, v28;
	v39 =	vmul.f32 v43, v40;
	v43 =	vor.u32 v21, v61;
	v21 =	vld [tilespmem:$0x1FF00]  }
0x4a9: {  	v16 =	vld.idx.msk [tilespmem:v51+s16+$0x0], $0xffff  }
0x4aa: {  	v51 =	vadd.f32 v55, v30;
	v30 =	vld [tilespmem:$0x1FEC0]  }
0x4ab: {  	p1 =	sne.s32 s26, $0xF;
	v7 =	vor.u32 v1, v61;
	v1 =	vld [tilespmem:$0x1FDE0]  }
.Ltmp8:
0x4ac: {  	v54 =	vld [tilespmem:$0x1FD70];
	(pc) =	sbr.rel @p1 .LBB2_15-.Ltmp8, $4  }
0x4ad: {  	v53 =	vlaneseq.u32;
	v4 =	vor.u32 v4, v61;
	v12 =	vld.idx.msk [tilespmem:v12+s16+$0x0], $0xffff  }
0x4ae: {  	v41 =	vor.u32 v22, v61;
	v38 =	vadd.f32 v38, v45;
	v40 =	vadd.f32 v44, v28;
	v28 =	vld.idx.msk [tilespmem:v48+s16+$0x0], $0xffff  }
0x4af: {  	v23 =	vmul.f32 v49, v9;
	v44 =	vadd.f32 v42, v50;
	v55 =	vld [tilespmem:$0x1FD80];
	v42 =	vadd.f32 v46, v51  }
0x4b0: {  	s26 =	sadd.s32 $0x1, s26;
	v21 =	vor.u32 v21, v61;
	v22 =	vld.idx.msk [tilespmem:v52+s16+$0x0], $0xffff;
	v30 =	vor.u32 v30, v61;
	v1 =	vor.u32 v1, v61  }
0x4b1: {  	_ =	sdelay $0x3  }
0x4b2: {  	v33 =	vld.idx.msk [tilespmem:v33+s16+$0x0], $0xffff  }
0x4b3: {  	v41 =	vld.idx.msk [tilespmem:v41+s16+$0x0], $0xffff  }
0x4b4: {  	v18 =	vld.idx.msk [tilespmem:v18+s16+$0x0], $0xffff  }
0x4b5: {  	v10 =	vld.idx.msk [tilespmem:v10+s16+$0x0], $0xffff  }
0x4b6: {  	v4 =	vld.idx.msk [tilespmem:v4+s16+$0x0], $0xffff  }
0x4b7: {  	v27 =	vld.idx.msk [tilespmem:v27+s16+$0x0], $0xffff  }
0x4b8: {  	v19 =	vld.idx.msk [tilespmem:v19+s16+$0x0], $0xffff  }
0x4b9: {  	v20 =	vld.idx.msk [tilespmem:v20+s16+$0x0], $0xffff  }
0x4ba: {  	v1 =	vld.idx.msk [tilespmem:v1+s16+$0x0], $0xffff  }
0x4bb: {  	v7 =	vld.idx.msk [tilespmem:v7+s16+$0x0], $0xffff  }
0x4bc: {  	v52 =	vld [tilespmem:$0x1FFA0]  }
0x4bd: {  	v48 =	vld [tilespmem:$0x1FFC0]  }
0x4be: {  	v0 =	vadd.f32 v35, v0;
	v35 =	vld [tilespmem:$0x1FD10]  }
0x4bf: {  	v5 =	vadd.f32 v5, v44;
	v44 =	vld [tilespmem:$0x1F870]  }
0x4c0: {  	v14 =	vadd.f32 v14, v36;
	v36 =	vld [tilespmem:$0x1FFD0]  }
0x4c1: {  	v3 =	vadd.f32 v3, v38;
	v38 =	vld [tilespmem:$0x1FD00]  }
0x4c2: {  	v26 =	vadd.f32 v39, v26;
	v39 =	vld [tilespmem:$0x1FFE0]  }
0x4c3: {  	v47 =	vld [tilespmem:$0x1FD50]  }
0x4c4: {  	v24 =	vmul.f32 v24, v9;
	v45 =	vld [tilespmem:$0x1FD30]  }
0x4c5: {  	v29 =	vmul.f32 v29, v9;
	v46 =	vld [tilespmem:$0x1FD40];
	v18 =	vmul.f32 v18, v9  }
0x4c6: {  	v10 =	vmul.f32 v10, v9;
	v4 =	vmul.f32 v4, v9;
	v9 =	vld [tilespmem:$0x1FFF0]  }
0x4c7: {  	v6 =	vmul.f32 v6, v58;
	v58 =	vmul.f32 v57, v58;
	v0 =	vadd.f32 v25, v0;
	v25 =	vld.idx.msk [tilespmem:v43+s9+$0x0], $0xffff  }
0x4c8: {  	v14 =	vadd.f32 v31, v14;
	v26 =	vadd.f32 v63, v26;
	v63 =	vld.idx.msk [tilespmem:v60+s16+$0x0], $0xffff  }
0x4c9: {  	v3 =	vadd.f32 v11, v3;
	v11 =	vadd.f32 v58, v40;
	v60 =	vld [tilespmem:$0x1F830]  }
0x4ca: {  	v5 =	vadd.f32 v32, v5;
	v0 =	vadd.f32 v6, v0;
	v6 =	vld.idx.msk [tilespmem:v13+s9+$0x0], $0xffff  }
0x4cb: {  	v31 =	vmul.f32 v34, v15;
	v34 =	vld [tilespmem:$0x1FF40];
	v13 =	vadd.f32 v37, v42;
	v9 =	vor.u32 v9, v61  }
0x4cc: {  	v43 =	vld [tilespmem:$0x1FF90];
	v14 =	vadd.f32 v24, v14;
	v22 =	vmul.f32 v22, v15;
	v24 =	vmul.f32 v33, v15  }
0x4cd: {  	v32 =	vld [tilespmem:$0x1FCF0];
	v3 =	vadd.f32 v29, v3;
	v29 =	vmul.f32 v41, v15;
	v27 =	vmul.f32 v27, v15  }
0x4ce: {  	v7 =	vmul.f32 v7, v15;
	v0 =	vadd.f32 v23, v0;
	v12 =	vmul.f32 v12, v25;
	v61 =	vld.idx.msk [tilespmem:v59+s16+$0x0], $0xffff  }
0x4cf: {  	v23 =	vld.idx.msk [tilespmem:v62+s16+$0x0], $0xffff;
	v18 =	vadd.f32 v18, v26;
	v10 =	vadd.f32 v10, v11;
	v19 =	vmul.f32 v19, v6  }
0x4d0: {  	v4 =	vadd.f32 v4, v13;
	v28 =	vmul.f32 v28, v6;
	v1 =	vmul.f32 v1, v6;
	v9 =	vld.idx.msk [tilespmem:v9+s16+$0x0], $0xffff  }
0x4d1: {  	v26 =	vld.idx.msk [tilespmem:v30+s16+$0x0], $0xffff;
	v11 =	vmul.f32 v16, v6;
	v16 =	vmul.f32 v17, v25;
	v17 =	vadd.f32 v19, v18  }
0x4d2: {  	v18 =	vmul.f32 v20, v15;
	v19 =	vld.idx.msk [tilespmem:v21+s16+$0x0], $0xffff;
	v21 =	vmul.f32 v63, v6;
	v0 =	vadd.f32 v1, v0  }
0x4d3: {  	v42 =	vld [tilespmem:$0x1FF80];
	v14 =	vadd.f32 v28, v14;
	v5 =	vadd.f32 v11, v5;
	v20 =	vmul.f32 v61, v6  }
0x4d4: {  	v37 =	vld [tilespmem:$0x1FD20];
	v10 =	vadd.f32 v21, v10;
	v0 =	vadd.f32 v18, v0;
	v6 =	vmul.f32 v23, v6  }
0x4d5: {  	v33 =	vld [tilespmem:$0x1FF20];
	v5 =	vadd.f32 v31, v5;
	v3 =	vadd.f32 v20, v3;
	v9 =	vmul.f32 v9, v25  }
0x4d6: {  	s25 =	smul.u32 $0x320, s25;
	v41 =	vld [tilespmem:$0x1FF70];
	v1 =	vmul.f32 v26, v25;
	v4 =	vadd.f32 v6, v4;
	v6 =	vadd.f32 v27, v14  }
0x4d7: {  	v62 =	vld [tilespmem:$0x1FF30];
	v2 =	vmul.f32 v2, v25;
	v3 =	vadd.f32 v29, v3;
	v0 =	vadd.f32 v9, v0  }
0x4d8: {  	s26 =	simm.s32 $0x0;
	s25 =	sshra.s32 s25, $0x2;
	v8 =	vmul.f32 v8, v25;
	v30 =	vld [tilespmem:$0x1FCE0];
	v1 =	vadd.f32 v1, v6;
	v9 =	vadd.f32 v24, v10  }
0x4d9: {  	v59 =	vld [tilespmem:$0x1FFB0];
	v11 =	vmul.f32 v19, v25;
	v3 =	vadd.f32 v16, v3;
	[tilespmem:s25+$0x14C00] =	vst v0;
	v0 =	vadd.s32 s26, v53  }
0x4da: {  	v26 =	vld [tilespmem:$0x1FD60];
	v4 =	vadd.f32 v22, v4;
	[tilespmem:s25+$0x14C10] =	vst v1;
	v6 =	vadd.f32 v8, v9;
	v0 =	vand.u32 $0xF, v0  }
0x4db: {  	v61 =	vld [tilespmem:$0x1FCD0];
	v1 =	vadd.f32 v12, v5;
	v5 =	vadd.f32 v7, v17;
	[tilespmem:s25+$0x14C20] =	vst v3;
	v3 =	vor.u32 v60, v0  }
0x4dc: {  	v14 =	vld [tilespmem:$0x1F880];
	v4 =	vadd.f32 v11, v4;
	[tilespmem:s25+$0x14C30] =	vst v6;
	v6 =	vor.u32 v34, v0  }
0x4dd: {  	v27 =	vld [tilespmem:$0x1FF50];
	v2 =	vadd.f32 v2, v5;
	[tilespmem:s25+$0x14C40] =	vst v1;
	v1 =	vor.u32 v33, v0  }
0x4de: {  	v29 =	vld [tilespmem:$0x1FCC0];
	[tilespmem:s25+$0x14C50] =	vst v4;
	v4 =	vor.u32 v52, v0  }
0x4df: {  	v22 =	vld [tilespmem:$0x1F910];
	[tilespmem:s25+$0x14C60] =	vst v2;
	v2 =	vor.u32 v43, v0  }
0x4e0: {  	v3 =	vld.idx.msk [tilespmem:v3+s9+$0x0], $0xffff  }
0x4e1: {  	v5 =	vor.u32 v32, v0;
	v6 =	vld.idx.msk [tilespmem:v6+s16+$0x0], $0xffff  }
0x4e2: {  	v7 =	vor.u32 v62, v0;
	v1 =	vld.idx.msk [tilespmem:v1+s16+$0x0], $0xffff  }
0x4e3: {  	v8 =	vor.u32 v42, v0;
	v4 =	vld.idx.msk [tilespmem:v4+s16+$0x0], $0xffff  }
0x4e4: {  	v9 =	vor.u32 v59, v0;
	v31 =	vld.idx.msk [tilespmem:v2+s16+$0x0], $0xffff  }
0x4e5: {  	v10 =	vor.u32 v29, v0;
	v2 =	vld [tilespmem:$0x1FF60]  }
0x4e6: {  	v12 =	vor.u32 v48, v0;
	v5 =	vld.idx.msk [tilespmem:v5+s16+$0x0], $0xffff  }
0x4e7: {  	v13 =	vor.u32 v35, v0;
	v7 =	vld.idx.msk [tilespmem:v7+s16+$0x0], $0xffff  }
0x4e8: {  	v14 =	vor.u32 v14, v0;
	v8 =	vld.idx.msk [tilespmem:v8+s16+$0x0], $0xffff  }
0x4e9: {  	v15 =	vor.u32 v27, v0;
	v9 =	vld.idx.msk [tilespmem:v9+s16+$0x0], $0xffff  }
0x4ea: {  	v16 =	vor.u32 v44, v0;
	v10 =	vld.idx.msk [tilespmem:v10+s16+$0x0], $0xffff  }
0x4eb: {  	v17 =	vor.u32 v61, v0;
	v12 =	vld.idx.msk [tilespmem:v12+s16+$0x0], $0xffff  }
0x4ec: {  	v18 =	vor.u32 v41, v0;
	v13 =	vld.idx.msk [tilespmem:v13+s16+$0x0], $0xffff  }
0x4ed: {  	v14 =	vld.idx.msk [tilespmem:v14+s9+$0x0], $0xffff;
	v11 =	vor.u32 v2, v0  }
0x4ee: {  	v19 =	vimm.f32 $0.0e+00;
	v23 =	vor.u32 v30, v0;
	v15 =	vld.idx.msk [tilespmem:v15+s16+$0x0], $0xffff  }
0x4ef: {  	v20 =	vor.u32 v36, v0;
	v21 =	vor.u32 v38, v0;
	v22 =	vor.u32 v22, v0;
	v16 =	vld.idx.msk [tilespmem:v16+s9+$0x0], $0xffff  }
0x4f0: {  	v24 =	vor.u32 v39, v0;
	v25 =	vor.u32 v37, v0;
	v26 =	vor.u32 v26, v0;
	v17 =	vld.idx.msk [tilespmem:v17+s16+$0x0], $0xffff  }
0x4f1: {  	v50 =	vor.u32 v47, v0;
	v18 =	vld.idx.msk [tilespmem:v18+s16+$0x0], $0xffff;
	v6 =	vmul.f32 v6, v3;
	v1 =	vmul.f32 v1, v3  }
0x4f2: {  	v28 =	vor.u32 v45, v0;
	v7 =	vmul.f32 v7, v3;
	v10 =	vmul.f32 v10, v3;
	v11 =	vld.idx.msk [tilespmem:v11+s16+$0x0], $0xffff  }
0x4f3: {  	v23 =	vld.idx.msk [tilespmem:v23+s16+$0x0], $0xffff;
	v0 =	vor.u32 v46, v0;
	v13 =	vmul.f32 v13, v14;
	v51 =	vmul.f32 v4, v14  }
0x4f4: {  	v40 =	vmul.f32 v31, v14;
	v4 =	vmul.f32 v12, v14;
	v49 =	vadd.f32 v7, v19;
	v7 =	vld.idx.msk [tilespmem:v20+s16+$0x0], $0xffff  }
0x4f5: {  	s31 =	simm.s32 $0x1;
	v12 =	vmul.f32 v9, v14;
	v17 =	vmul.f32 v17, v16;
	v1 =	vadd.f32 v1, v19;
	v20 =	vld.idx.msk [tilespmem:v21+s16+$0x0], $0xffff  }
0x4f6: {  	v26 =	vld.idx.msk [tilespmem:v26+s16+$0x0], $0xffff;
	v5 =	vmul.f32 v5, v16;
	v21 =	vadd.s32 s31, v53;
	v6 =	vadd.f32 v6, v19  }
0x4f7: {  	v31 =	vld.idx.msk [tilespmem:v22+s9+$0x0], $0xffff;
	v57 =	vand.u32 $0xF, v21;
	v1 =	vadd.f32 v17, v1;
	v11 =	vmul.f32 v11, v3  }
0x4f8: {  	v17 =	vor.u32 v32, v57;
	v3 =	vmul.f32 v15, v3;
	v15 =	vld.idx.msk [tilespmem:v0+s16+$0x0], $0xffff;
	v0 =	vmul.f32 v8, v16  }
0x4f9: {  	v22 =	vld.idx.msk [tilespmem:v24+s16+$0x0], $0xffff;
	v8 =	vmul.f32 v18, v16;
	v9 =	vadd.f32 v11, v19;
	v11 =	vor.u32 v60, v57  }
0x4fa: {  	v24 =	vld.idx.msk [tilespmem:v25+s16+$0x0], $0xffff;
	v18 =	vmul.f32 v20, v16;
	v16 =	vmul.f32 v23, v16;
	v23 =	vor.u32 v52, v57  }
0x4fb: {  	v25 =	vld.idx.msk [tilespmem:v50+s16+$0x0], $0xffff;
	v10 =	vadd.f32 v10, v19;
	v14 =	vmul.f32 v7, v14;
	v7 =	vor.u32 v34, v57  }
0x4fc: {  	v63 =	vmov v62;
	v21 =	vld.idx.msk [tilespmem:v28+s16+$0x0], $0xffff;
	v5 =	vadd.f32 v5, v6;
	v28 =	vadd.f32 v40, v1  }
0x4fd: {  	v6 =	vor.u32 v43, v57;
	v1 =	vld.idx.msk [tilespmem:v17+s16+$0x0], $0xffff;
	v10 =	vadd.f32 v18, v10;
	v9 =	vadd.f32 v0, v9  }
0x4fe: {  	v20 =	vor.u32 v33, v57;
	v3 =	vadd.f32 v3, v19;
	v19 =	vor.u32 v62, v57;
	v0 =	vld.idx.msk [tilespmem:v11+s9+$0x0], $0xffff  }
0x4ff: {  	v11 =	vadd.f32 v4, v9;
	v4 =	vld.idx.msk [tilespmem:v23+s16+$0x0], $0xffff;
	v23 =	vadd.f32 v14, v10;
	v10 =	vmul.f32 v22, v31  }
0x500: {  	v58 =	vmovc v27;
	v62 =	vmov v32;
	v32 =	vld.idx.msk [tilespmem:v7+s16+$0x0], $0xffff;
	v7 =	vor.u32 v27, v57;
	v27 =	vor.u32 v42, v57  }
0x501: {  	v17 =	vor.u32 v48, v57;
	v60 =	vmov v33;
	v22 =	vadd.f32 v10, v28;
	v10 =	vld [tilespmem:$0x1F880]  }
0x502: {  	v18 =	vor.u32 v2, v57;
	v33 =	vadd.f32 v13, v5;
	v16 =	vadd.f32 v16, v49;
	v5 =	vld.idx.msk [tilespmem:v6+s16+$0x0], $0xffff  }
0x503: {  	v50 =	vmovc v2;
	v49 =	vmov v29;
	v29 =	vor.u32 v29, v57;
	v2 =	vmul.f32 v25, v31;
	v34 =	vld.idx.msk [tilespmem:v20+s16+$0x0], $0xffff  }
0x504: {  	v6 =	vor.u32 v41, v57;
	v3 =	vadd.f32 v8, v3;
	v20 =	vor.u32 v59, v57;
	v25 =	vld.idx.msk [tilespmem:v19+s16+$0x0], $0xffff  }
0x505: {  	v59 =	vmov v61;
	v9 =	vor.u32 v61, v57;
	v13 =	vadd.f32 v2, v11;
	v2 =	vld.idx.msk [tilespmem:v27+s16+$0x0], $0xffff  }
0x506: {  	v61 =	vmovc v35;
	v35 =	vor.u32 v35, v57;
	v27 =	vadd.f32 v51, v16;
	v16 =	vor.u32 v10, v57;
	v10 =	vld [tilespmem:$0x1F910]  }
0x507: {  	v8 =	vor.u32 v44, v57;
	v3 =	vadd.f32 v12, v3;
	v14 =	vmul.f32 v21, v31;
	v19 =	vld.idx.msk [tilespmem:v18+s16+$0x0], $0xffff  }
0x508: {  	v12 =	vor.u32 v38, v57;
	v21 =	vmul.f32 v24, v31;
	v24 =	vmul.f32 v15, v31;
	v15 =	vld.idx.msk [tilespmem:v17+s16+$0x0], $0xffff  }
0x509: {  	v52 =	vmovc v30;
	v17 =	vor.u32 v30, v57;
	v28 =	vmul.f32 v26, v31;
	v51 =	vmov v38;
	v11 =	vld.idx.msk [tilespmem:v20+s16+$0x0], $0xffff  }
0x50a: {  	v18 =	vadd.f32 v14, v33;
	v3 =	vadd.f32 v24, v3;
	v20 =	vld.idx.msk [tilespmem:v29+s16+$0x0], $0xffff;
	v14 =	vmul.f32 v32, v0  }
0x50b: {  	s26 =	simm.s32 $0x2;
	v24 =	vmul.f32 v34, v0;
	v26 =	vmul.f32 v25, v0;
	v25 =	vld.idx.msk [tilespmem:v35+s16+$0x0], $0xffff;
	v10 =	vor.u32 v10, v57  }
.LBB2_17:
0x50c: {  	_ = 	snop  }
0x50d: {  	v29 =	vld.idx.msk [tilespmem:v16+s9+$0x0], $0xffff  }
0x50e: {  	v7 =	vld.idx.msk [tilespmem:v7+s16+$0x0], $0xffff  }
0x50f: {  	v31 =	vld.idx.msk [tilespmem:v8+s9+$0x0], $0xffff  }
0x510: {  	v33 =	vld [tilespmem:$0x1FD60]  }
0x511: {  	v12 =	vld.idx.msk [tilespmem:v12+s16+$0x0], $0xffff  }
0x512: {  	v34 =	vld.idx.msk [tilespmem:v9+s16+$0x0], $0xffff;
	v21 =	vadd.f32 v21, v27  }
0x513: {  	v17 =	vld.idx.msk [tilespmem:v17+s16+$0x0], $0xffff;
	v23 =	vadd.f32 v28, v23;
	v14 =	vadd.f32 v14, v18  }
0x514: {  	v27 =	vor.u32 v39, v57;
	v32 =	vor.u32 v46, v57;
	v9 =	vmul.f32 v20, v0;
	v20 =	vld.idx.msk [tilespmem:v6+s16+$0x0], $0xffff  }
0x515: {  	v8 =	vor.u32 v45, v57;
	v6 =	vmul.f32 v19, v0;
	v18 =	vmul.f32 v4, v29;
	v4 =	vld [tilespmem:$0x1F830]  }
0x516: {  	v38 =	vmul.f32 v7, v0;
	v0 =	vld [tilespmem:$0x1F870];
	v46 =	vmul.f32 v12, v31;
	v19 =	vadd.f32 v9, v23  }
0x517: {  	v28 =	vor.u32 v37, v57;
	v13 =	vadd.f32 v6, v13;
	v6 =	vld [tilespmem:$0x1FF40]  }
0x518: {  	v30 =	vor.u32 v47, v57;
	v19 =	vadd.f32 v46, v19;
	v46 =	vld [tilespmem:$0x1FD40]  }
0x519: {  	v33 =	vor.u32 v33, v57;
	v32 =	vld.idx.msk [tilespmem:v32+s16+$0x0], $0xffff  }
0x51a: {  	s28 =	smov.u32 s26;
	v39 =	vld.idx.msk [tilespmem:v8+s16+$0x0], $0xffff  }
0x51b: {  	v16 =	vor.u32 v36, v57;
	v9 =	vadd.s32 s28, v53;
	v27 =	vld.idx.msk [tilespmem:v27+s16+$0x0], $0xffff  }
0x51c: {  	v57 =	vand.u32 $0xF, v9;
	v28 =	vld.idx.msk [tilespmem:v28+s16+$0x0], $0xffff  }
0x51d: {  	v22 =	vadd.f32 v24, v22;
	v24 =	vmul.f32 v5, v29;
	v5 =	vor.u32 v60, v57;
	v30 =	vld.idx.msk [tilespmem:v30+s16+$0x0], $0xffff  }
0x51e: {  	v23 =	vmul.f32 v25, v29;
	v25 =	vld.idx.msk [tilespmem:v33+s16+$0x0], $0xffff  }
0x51f: {  	v36 =	vmul.f32 v11, v29;
	v11 =	vor.u32 v62, v57;
	v33 =	vld.idx.msk [tilespmem:v10+s9+$0x0], $0xffff  }
0x520: {  	v45 =	vor.u32 v48, v57;
	v48 =	vor.u32 v49, v57;
	v10 =	vld.idx.msk [tilespmem:v16+s16+$0x0], $0xffff  }
0x521: {  	v8 =	vor.u32 v0, v57;
	v0 =	vld [tilespmem:$0x1FFA0]  }
0x522: {  	v1 =	vmul.f32 v1, v31;
	v47 =	vld.idx.msk [tilespmem:v5+s16+$0x0], $0xffff  }
0x523: {  	v2 =	vmul.f32 v2, v31;
	v3 =	vadd.f32 v38, v3;
	v20 =	vmul.f32 v20, v31;
	v5 =	vld [tilespmem:$0x1F910]  }
0x524: {  	v15 =	vmul.f32 v15, v29;
	v14 =	vadd.f32 v1, v14;
	v1 =	vld.idx.msk [tilespmem:v11+s16+$0x0], $0xffff  }
0x525: {  	v13 =	vadd.f32 v2, v13;
	v4 =	vor.u32 v4, v57;
	v3 =	vadd.f32 v20, v3;
	v20 =	vld.idx.msk [tilespmem:v48+s16+$0x0], $0xffff  }
0x526: {  	v48 =	vld [tilespmem:$0x1FFC0]  }
0x527: {  	v26 =	vadd.f32 v26, v21;
	v13 =	vadd.f32 v15, v13;
	v21 =	vor.u32 v6, v57;
	v15 =	vld.idx.msk [tilespmem:v45+s16+$0x0], $0xffff  }
0x528: {  	v35 =	vor.u32 v63, v57;
	v45 =	vld [tilespmem:$0x1FD30]  }
0x529: {  	v6 =	vor.u32 v41, v57;
	v41 =	vor.u32 v42, v57;
	v3 =	vadd.f32 v36, v3;
	v36 =	vld [tilespmem:$0x1FFD0]  }
0x52a: {  	v40 =	vor.u32 v0, v57;
	v0 =	vld.idx.msk [tilespmem:v4+s9+$0x0], $0xffff  }
0x52b: {  	v4 =	vld [tilespmem:$0x1F880]  }
0x52c: {  	v34 =	vmul.f32 v34, v31;
	v37 =	vor.u32 v50, v57;
	v42 =	vor.u32 v43, v57;
	v43 =	vld.idx.msk [tilespmem:v21+s16+$0x0], $0xffff  }
0x52d: {  	v21 =	vmul.f32 v28, v33;
	v28 =	vmul.f32 v30, v33;
	v30 =	vld.idx.msk [tilespmem:v35+s16+$0x0], $0xffff  }
0x52e: {  	v2 =	vld.idx.msk [tilespmem:v41+s16+$0x0], $0xffff  }
0x52f: {  	v22 =	vadd.f32 v34, v22;
	v31 =	vmul.f32 v17, v31;
	v29 =	vmul.f32 v10, v29;
	v41 =	vld [tilespmem:$0x1FF70]  }
0x530: {  	v34 =	vor.u32 v61, v57;
	v38 =	vadd.f32 v23, v14;
	v16 =	vor.u32 v4, v57;
	v4 =	vld [tilespmem:$0x1FFB0]  }
0x531: {  	v26 =	vadd.f32 v31, v26;
	v39 =	vmul.f32 v39, v33;
	v23 =	vadd.f32 v29, v19;
	v19 =	vld.idx.msk [tilespmem:v37+s16+$0x0], $0xffff  }
0x532: {  	v37 =	vld [tilespmem:$0x1FD20]  }
0x533: {  	v35 =	vmul.f32 v27, v33;
	v27 =	vadd.f32 v18, v26;
	v18 =	vadd.f32 v39, v38;
	v39 =	vld [tilespmem:$0x1FFE0]  }
0x534: {  	v10 =	vor.u32 v5, v57;
	v5 =	vld.idx.msk [tilespmem:v42+s16+$0x0], $0xffff  }
0x535: {  	p1 =	sne.s32 s26, $0xF;
	v42 =	vld [tilespmem:$0x1FF80];
	v44 =	vor.u32 v4, v57  }
.Ltmp9:
0x536: {  	v13 =	vadd.f32 v28, v13;
	v28 =	vmul.f32 v25, v33;
	v25 =	vld.idx.msk [tilespmem:v34+s16+$0x0], $0xffff;
	(pc) =	sbr.rel @p1 .LBB2_17-.Ltmp9, $4  }
0x537: {  	v22 =	vadd.f32 v24, v22;
	v24 =	vmul.f32 v47, v0;
	v47 =	vld [tilespmem:$0x1FD50]  }
0x538: {  	v7 =	vor.u32 v58, v57;
	v29 =	vmul.f32 v32, v33;
	v14 =	vmul.f32 v43, v0;
	v43 =	vld [tilespmem:$0x1FF90]  }
0x539: {  	v9 =	vor.u32 v59, v57;
	v12 =	vor.u32 v51, v57;
	v17 =	vor.u32 v52, v57;
	v4 =	vld.idx.msk [tilespmem:v40+s16+$0x0], $0xffff  }
0x53a: {  	s26 =	sadd.s32 $0x1, s26;
	v22 =	vadd.f32 v35, v22;
	v3 =	vadd.f32 v29, v3;
	v26 =	vmul.f32 v30, v0;
	v11 =	vld.idx.msk [tilespmem:v44+s16+$0x0], $0xffff  }
0x53b: {  	_ =	sdelay $0x3  }
0x53c: {  	v16 =	vld.idx.msk [tilespmem:v16+s9+$0x0], $0xffff  }
0x53d: {  	v7 =	vld.idx.msk [tilespmem:v7+s16+$0x0], $0xffff  }
0x53e: {  	v8 =	vld.idx.msk [tilespmem:v8+s9+$0x0], $0xffff  }
0x53f: {  	v29 =	vor.u32 v36, v57;
	v9 =	vld.idx.msk [tilespmem:v9+s16+$0x0], $0xffff  }
0x540: {  	v21 =	vadd.f32 v21, v27;
	v23 =	vadd.f32 v28, v23;
	v40 =	vor.u32 v39, v57;
	v17 =	vld.idx.msk [tilespmem:v17+s16+$0x0], $0xffff  }
0x541: {  	v41 =	vor.u32 v37, v57;
	v31 =	vor.u32 v45, v57;
	v32 =	vor.u32 v46, v57;
	v33 =	vld [tilespmem:$0x1FD60]  }
0x542: {  	v20 =	vmul.f32 v20, v0;
	v6 =	vld.idx.msk [tilespmem:v6+s16+$0x0], $0xffff;
	v19 =	vmul.f32 v19, v0;
	v14 =	vadd.f32 v14, v18  }
0x543: {  	v12 =	vld.idx.msk [tilespmem:v12+s16+$0x0], $0xffff;
	v30 =	vor.u32 v47, v57;
	v22 =	vadd.f32 v24, v22;
	v42 =	vmul.f32 v25, v16  }
0x544: {  	v10 =	vld.idx.msk [tilespmem:v10+s9+$0x0], $0xffff;
	v21 =	vadd.f32 v26, v21;
	v4 =	vmul.f32 v4, v16;
	v5 =	vmul.f32 v5, v16  }
0x545: {  	v13 =	vadd.f32 v19, v13;
	v43 =	vld.idx.msk [tilespmem:v29+s16+$0x0], $0xffff;
	v44 =	vmul.f32 v7, v0;
	v2 =	vmul.f32 v2, v8  }
0x546: {  	v33 =	vor.u32 v33, v57;
	v45 =	vld.idx.msk [tilespmem:v40+s16+$0x0], $0xffff;
	v1 =	vmul.f32 v1, v8;
	v9 =	vmul.f32 v9, v8  }
0x547: {  	v20 =	vadd.f32 v20, v23;
	v46 =	vld.idx.msk [tilespmem:v41+s16+$0x0], $0xffff;
	v6 =	vmul.f32 v6, v8;
	v17 =	vmul.f32 v17, v8  }
0x548: {  	v47 =	vld.idx.msk [tilespmem:v31+s16+$0x0], $0xffff;
	v8 =	vmul.f32 v12, v8;
	v2 =	vadd.f32 v2, v13;
	v1 =	vadd.f32 v1, v14  }
0x549: {  	v15 =	vmul.f32 v15, v16;
	v48 =	vld.idx.msk [tilespmem:v32+s16+$0x0], $0xffff;
	v9 =	vadd.f32 v9, v22;
	v0 =	vadd.f32 v44, v3  }
0x54a: {  	v11 =	vmul.f32 v11, v16;
	v49 =	vld.idx.msk [tilespmem:v30+s16+$0x0], $0xffff;
	v51 =	vadd.f32 v17, v21;
	v8 =	vadd.f32 v8, v20  }
0x54b: {  	v5 =	vadd.f32 v5, v9;
	v0 =	vadd.f32 v6, v0;
	v52 =	vld.idx.msk [tilespmem:v33+s16+$0x0], $0xffff;
	v7 =	vmul.f32 v45, v10  }
0x54c: {  	v3 =	vadd.f32 v4, v51;
	v1 =	vadd.f32 v42, v1;
	v57 =	vmul.f32 v46, v10  }
0x54d: {  	v50 =	vmul.f32 v43, v16;
	v58 =	vmul.f32 v47, v10;
	v5 =	vadd.f32 v7, v5  }
0x54e: {  	v59 =	vmul.f32 v48, v10;
	v0 =	vadd.f32 v11, v0;
	v3 =	vadd.f32 v57, v3  }
0x54f: {  	v2 =	vadd.f32 v15, v2;
	v60 =	vmul.f32 v49, v10;
	v1 =	vadd.f32 v58, v1;
	[tilespmem:s25+$0x14C70] =	vst v5  }
.Ltmp10:
0x550: {  	v61 =	vadd.f32 v50, v8;
	v0 =	vadd.f32 v59, v0;
	[tilespmem:s25+$0x14C80] =	vst v3;
	v62 =	vmul.f32 v52, v10;
	(pc) =	sbr.rel @p0 .LBB2_20-.Ltmp10, $4  }
0x551: {  	v51 =	vld [tilespmem:$0x1FDC0];
	v2 =	vadd.f32 v60, v2;
	[tilespmem:s25+$0x14C90] =	vst v1  }
0x552: {  	v49 =	vld [tilespmem:$0x1FDA0];
	[tilespmem:s25+$0x14CA0] =	vst v0;
	v63 =	vadd.f32 v62, v61  }
0x553: {  	v50 =	vld [tilespmem:$0x1FDB0];
	[tilespmem:s25+$0x14CB0] =	vst v2  }
0x554: {  	v52 =	vld [tilespmem:$0x1FDD0];
	[tilespmem:s25+$0x14CB8] =	vst v63  }
0x555: {  	v21 =	vld [tilespmem:$0x1FDE0]  }
0x556: {  	v24 =	vld [tilespmem:$0x1FDF0]  }
0x557: {  	v59 =	vld [tilespmem:$0x1FE00]  }
0x558: {  	v27 =	vld [tilespmem:$0x1FE10]  }
0x559: {  	v30 =	vld [tilespmem:$0x1FE20]  }
0x55a: {  	v47 =	vld [tilespmem:$0x1FE30]  }
0x55b: {  	v29 =	vld [tilespmem:$0x1FE40]  }
0x55c: {  	v42 =	vld [tilespmem:$0x1FE50]  }
0x55d: {  	v22 =	vld [tilespmem:$0x1FE60]  }
0x55e: {  	v14 =	vld [tilespmem:$0x1FE70]  }
0x55f: {  	v34 =	vld [tilespmem:$0x1FE80]  }
0x560: {  	v15 =	vld [tilespmem:$0x1FE90]  }
0x561: {  	v45 =	vld [tilespmem:$0x1FEA0]  }
0x562: {  	v25 =	vld [tilespmem:$0x1FEB0]  }
0x563: {  	v46 =	vld [tilespmem:$0x1FEC0]  }
0x564: {  	v16 =	vld [tilespmem:$0x1FED0]  }
.Ltmp11:
0x565: {  	v37 =	vld [tilespmem:$0x1FEE0];
	(pc) =	sbr.rel .LBB2_2-.Ltmp11, $4  }
0x566: {  	v7 =	vld [tilespmem:$0x1FEF0]  }
0x567: {  	v33 =	vld [tilespmem:$0x1FF00]  }
0x568: {  	s24 =	sadd.s32 $0x578, s24;
	s23 =	sadd.s32 $0x1, s23;
	v38 =	vld [tilespmem:$0x1FF10]  }
0x569: {  	v31 =	vld [tilespmem:$0x1FFF0];
	[tilespmem:s16], [sflag:$0x4] =	stream.indirect.gather [hbm4b:s3+s10], $0x40, s24, s10, $0xb8  }
.LBB2_21:
0x56a: {  	_ =	sfence.sel $0x180000  }
0x56b: {  	[bflag:$0x0] =	sbarrier.arrive $0xFFFF  }
0x56c: {  	p0 =	sne.s32 s1, $0x0;
	_ =	strace $0x9000004A  }
0x56d: {  	s0 =	sadd.s32 @!p0 $0x100000, s0;
	[bflag:$0x2] =	sbarrier.arrive $0xFFFF  }
0x56e: {  	[sflag:s0] =	ssyncadd.tile.s32 @!p0 $0x1;
	_ =	shalt  }
.Lfunc_end2:
_tile_overlayer_lowered:
.L_overlay_start_2:
0x56f: {  	(tag) =	ssettag $0x2  }
0x570: {  	s0 =	rddreg [dreg:$0x0];
	s2 =	stileid.u32  }
0x571: {  	s1 =	rddreg [dreg:$0x1];
	p0 =	sne.s32 s2, $0x0  }
0x572: {  	s3 =	rddreg [dreg:$0x2];
	[bflag:$0x3] =	sbarrier.arrive $0xFFFF;
	s2 =	simm.s32 @!p0 $0x1C05  }
0x573: {  	[timem:s3], [sflag:s2] =	dma.local @!p0 [hbm:s0], s1  }
0x574: {  	s0 =	simm.s32 @!p0 $0x5  }
0x575: {  	_ =	swait.ge @!p0 [sflag:s0], s1  }
0x576: {  	s1 =	ssub.s32 @!p0 $0x0, s1;
	[sflag:s0] =	ssyncset.done @!p0 $0x0  }
0x577: {  	[sflag:s0] =	ssyncadd.s32 @!p0 s1  }
0x578: {  	[bflag:$0x3] =	sbarrier.arrive $0xFFFF  }
0x579: {  	_ =	shalt  }

// kernel: sparse-core-data-format-call.cloned.1.call-start
scs
called_computation_lowered:
.L_overlay_start_0:
0x0: {  	s2 =	sld [smem:$0x3FD9]  }
0x1: {  	s3 =	sld [smem:$0x3FFE];
	_ =	sdelay $0x1  }
0x2: {  	s1 =	srdreg.scid  }
0x3: {  	s0 =	sand.u32 $0x1, s1  }
0x4: {  	s18 =	sshll.u32 s0, $0xA;
	s2 =	sadd.s32 s3, s2  }
0x5: {  	s2 =	sadd.s32 s2, s18  }
0x6: {  	[smem:$0x3FC5] =	sst s2  }
0x7: {  	_ = 	snop  }
0x8: {  	s2 =	sld [smem:$0x3FC7];
	(tm) =	ssettm $0x1  }
0x9: {  	s19 =	sld [smem:$0x3FFB];
	_ =	sdelay $0x3  }
0xa: {  	_ =	strace s19  }
0xb: {  	s3 =	sld [smem:$0x3FFC];
	_ =	sdelay $0x3  }
0xc: {  	_ =	strace s3  }
0xd: {  	s3 =	sld [smem:$0x3FFD];
	_ =	sdelay $0x3  }
0xe: {  	_ =	strace s3  }
0xf: {  	_ =	strace $0x8FFFFFFF  }
0x10: {  	s20 =	sld [smem:$0x3FDB];
	_ =	sdelay $0x1  }
0x11: {  	s4 =	simm.s32 $_scs_section_size  }
0x12: {  	s5 =	simm.s32 $_size__tile_overlayer_lowered;
	s6 =	simm.s32 $_tile_overlayer_lowered  }
0x13: {  	s23 =	simm.s32 $0x1BFF;
	s22 =	sshll.u32 s6, $0x1;
	s3 =	sadd.s32 s4, s20  }
0x14: {  	s7 =	simm.s32 $0x0;
	s21 =	sshll.u32 s5, $0x1;
	s5 =	sadd.s32 s22, s3  }
0x15: {  	[timem:s7], [sflag:s23] =	dma.local [hbm:s5], s21  }
0x16: {  	_ =	swait.ge [sflag:s23], s21  }
0x17: {  	s4 =	ssub.s32 $0x0, s21;
	[sflag:s23] =	ssyncset.done $0x0  }
0x18: {  	[sflag:s23] =	ssyncadd.s32 s4;
	_ =	sdelay $0x1  }
0x19: {  	s24 =	simm.s32 $0x1B8B  }
0x1a: {  	_ =	swait.ge [sflag:s24], $0x1  }
0x1b: {  	[sflag:s24] =	ssyncset.done $0x0  }
0x1c: {  	s26 =	simm.s32 $0x1B8E;
	s25 =	sld [smem:$0x3FFE];
	[sflag:s24] =	ssyncadd.s32 $0xFFFFFFFF  }
0x1d: {  	s27 =	simm.s32 $execute0_lowered;
	[smem:$0x3FD2] =	sst s26  }
0x1e: {  	s5 =	sshll.u32 s27, $0x1;
	_ =	strace $0x80000046;
	[dreg:$0x1] =	wrdreg $0xFFFFFFFF  }
0x1f: {  	s28 =	simm.s32 $_size_execute0_lowered;
	s3 =	sadd.s32 s3, s5;
	[dreg:$0x0] =	wrdreg $0x0  }
0x20: {  	s5 =	sshll.u32 s28, $0x1;
	[dreg:$0x2] =	wrdreg s3  }
0x21: {  	[dreg:$0x3] =	wrdreg s5  }
0x22: {  	[dreg:$0x4] =	wrdreg $0xC0  }
0x23: {  	_ =	task [dreg:s7], $0x5FFFF  }
0x24: {  	[dreg:$0x1] =	wrdreg $0xFFFFFFFF  }
0x25: {  	[dreg:$0x0] =	wrdreg $0x60  }
0x26: {  	[dreg:$0x2] =	wrdreg s2  }
0x27: {  	[dreg:$0x3] =	wrdreg s25  }
0x28: {  	[dreg:$0x4] =	wrdreg $0x9  }
0x29: {  	_ =	task.clear_ibuf [dreg:s7], $0x5FFFF;
	_ =	strace $0x90000046  }
0x2a: {  	s29 =	simm.s32 $0x9;
	_ =	strace $0x80000048  }
0x2b: {  	_ =	swait.ge [sflag:s29], $0x1  }
0x2c: {  	[sflag:s29] =	ssyncadd.s32 $0xFFFFFFFF  }
0x2d: {  	_ =	strace $0x90000048  }
0x2e: {  	_ =	sfence  }
0x2f: {  	s30 =	sld [smem:$0x0];
	_ =	sdelay $0x2  }
0x30: {  	s31 =	sshll.u32 s1, $0xD;
	s1 =	sshrl.u32 s1, $0x2  }
0x31: {  	s3 =	sand.u32 $0x4000, s31;
	s1 =	sadd.s32 s1, s30  }
0x32: {  	s0 =	sor.u32 s3, s0;
	s1 =	sshll.u32 s1, $0x11  }
0x33: {  	s0 =	sor.u32 s1, s0  }
0x34: {  	s0 =	sadd.s32 $0x8F2B, s0  }
0x35: {  	[sflag:s0] =	ssyncadd.remote.s32 $0x1  }
0x36: {  	_ =	sfence.sel $0xFFFF  }
0x37: {  	[dreg:$0x0] =	wrdreg $0xFFFFFFFF;
	(pc) =	sbr.abs _section_cstart, $3  }
0x38: {  	[dreg:$0x1] =	wrdreg $0xFFFFFFFF  }
0x39: {  	_ =	task.clear_ibuf [dreg:s7], $0x2FFFF;
	_ =	strace $0x9FFFFFFF  }
0x3a: {  	(tm) =	ssettm $0x7FFFFFFF  }
0x3b: {  	_ =	shalt  }
tec
execute0_lowered:
.L_overlay_start_1:
0x0: {  	(tag) =	ssettag $0x1  }
0x1: {  	s0 =	srdreg.scid;
	s2 =	rddreg [dreg:$0x0]  }
0x2: {  	s5 =	rddreg [dreg:$0x1];
	s1 =	stileid.u32  }
0x3: {  	s4 =	simm.s32 $0x1;
	s6 =	simm.s32 $0x2;
	s15 =	simm.s32 $0x0  }
0x4: {  	p0 =	por $0x0, $0x0;
	s8 =	simm.s32 $0x80;
	s0 =	sshll.u32 s0, $0x4  }
0x5: {  	s14 =	simm.s32 $0x0;
	s9 =	simm.s32 $0x0;
	s3 =	sand.u32 $0x10, s0  }
.Ltmp0:
0x6: {  	s10 =	simm.s32 $0x0;
	s3 =	sor.u32 s1, s3;
	(pc) =	sbr.rel .LBB1_1-.Ltmp0, $4  }
0x7: {  	s0 =	rddreg [dreg:$0x2];
	_ =	strace $0x80000047;
	s3 =	sshll.u32 s3, $0x7  }
0x8: {  	s12 =	simm.s32 $0x0;
	[sflag:s4] =	ssyncpa.u1 $0x0;
	s7 =	ssub.s32 $0xF4200, s3  }
0x9: {  	s13 =	simm.s32 $0x0;
	[sflag:s6] =	ssyncpa.u1 $0x0;
	s6 =	sshrl.u32 s7, $0xC  }
0xa: {  	s5 =	sadd.s32 $0xC00, s5;
	s11 =	smov.u32 s3;
	s7 =	sadd.s32 $0x2, s6  }
.LBB1_5:
0xb: {  	p1 =	slt.u32 s13, $0x2  }
0xc: {  	s17 =	smov.u32 s15;
	p2 =	sgt.s32 @!p1 s15, $0xF41C0;
	s16 =	sshra.s32 @!p1 s15, $0x1F  }
0xd: {  	p3 =	sgt.s32 @!p1 s14, $0x40;
	s18 =	sshra.s32 @!p1 s14, $0x1F;
	p2 =	por !p2, p1  }
0xe: {  	s15 =	sand.u32 @!p1 s16, s15;
	p3 =	por !p3, p1;
	s16 =	smov.u32 s14  }
0xf: {  	s14 =	sand.u32 @!p1 s18, s14;
	s17 =	simm.s32 @p2 $0xF41C0;
	s16 =	simm.s32 @p3 $0x40  }
0x10: {  	s15 =	ssub.s32 @!p1 s17, s15;
	s14 =	ssub.s32 @!p1 s16, s14  }
0x11: {  	s18 =	smov.u32 s12;
	s16 =	sadd.s32 @!p1 $0xFFF0BE40, s15;
	s17 =	sadd.s32 @!p1 $0xFFFFFFC0, s14  }
0x12: {  	s15 =	ssub.s32 @!p1 $0xF4240, s15;
	p2 =	sgt.s32 @!p1 s16, $0x7F;
	p3 =	sgt.s32 @!p1 s17, $0x3F  }
0x13: {  	s14 =	ssub.s32 @!p1 $0x80, s14;
	p2 =	por !p2, p1;
	p3 =	por !p3, p1  }
0x14: {  	s16 =	sadd.s32 $0x1000, s11;
	s15 =	simm.s32 @!p2 $0x0;
	s14 =	simm.s32 @!p3 $0x0  }
0x15: {  	p2 =	sgt.s32 s16, $0xF423F;
	s14 =	smul.u32 @!p1 s14, s15;
	s15 =	sadd.s32 $0x40, s12  }
0x16: {  	s18 =	smov.u32 @p2 s15  }
0x17: {  	s16 =	smov.u32 @p2 s3;
	p2 =	sgt.s32 s18, $0x3F  }
0x18: {  	s18 =	simm.s32 @p2 $0x0;
	p2 =	sne.s32 s13, s7  }
.Ltmp1:
0x19: {  	p0 =	por !p0, !p0;
	s17 =	simm.s32 @!p1 $0x2;
	(pc) =	sbr.rel @!p2 .LBB1_6-.Ltmp1, $4  }
0x1a: {  	s15 =	smov.u32 s9;
	s9 =	smov.u32 s11;
	s14 =	sand.u32 @!p1 $0x3FFFFFFF, s14  }
0x1b: {  	s11 =	smov.u32 s16;
	_ =	swait.ge @!p1 [sflag:s17], s14;
	s19 =	ssub.s32 @!p1 $0x0, s14  }
0x1c: {  	s14 =	smov.u32 s10;
	s13 =	sadd.s32 $0x1, s13;
	[sflag:s17] =	ssyncset.done @!p1 $0x0  }
0x1d: {  	s10 =	smov.u32 s12;
	s12 =	smov.u32 s18;
	[sflag:s17] =	ssyncadd.s32 @!p1 s19  }
.LBB1_1:
0x1e: {  	p1 =	sgt.u32 s13, s6  }
0x1f: {  	s16 =	sshrl.u32 @!p1 s12, $0x3  }
0x20: {  	s17 =	sshll.u32 @!p1 s11, $0x3;
	s16 =	smul.u32 @!p1 $0x7A1400, s16  }
0x21: {  	s18 =	sshll.u32 @!p1 s12, $0x7;
	s17 =	sand.u32 @!p1 $0xFFFFFC00, s17  }
0x22: {  	s16 =	sadd.s32 @!p1 s16, s17;
	s17 =	sand.u32 @!p1 $0x380, s18  }
0x23: {  	s18 =	sand.u32 @!p1 $0x7F, s11;
	s16 =	sor.u32 @!p1 s17, s16  }
0x24: {  	s17 =	sor.u32 @!p1 s18, s16  }
0x25: {  	s18 =	smulhi.u32 @!p1 $0x218D6287, s17;
	_ =	sdelay $0x1  }
0x26: {  	s16 =	smulhi.u32 @!p1 $0x218D6287, s16;
	s18 =	sshrl.u32 @!p1 s18, $0x11  }
0x27: {  	s18 =	smul.u32 @!p1 $0xF4280, s18  }
0x28: {  	s19 =	sxor.u32 @!p1 $0xFFFFFFFF, s13;
	s16 =	sshrl.u32 @!p1 s16, $0x11  }
0x29: {  	s19 =	sshll.u32 @!p1 s19, $0xD;
	s16 =	sand.u32 @!p1 $0x3F, s16;
	s17 =	ssub.s32 @!p1 s17, s18  }
0x2a: {  	s16 =	smul.u32 @!p1 $0x1E850, s16;
	s18 =	sshrl.u32 @!p1 s17, $0x3;
	s17 =	sand.u32 @!p1 $0x7, s17  }
0x2b: {  	s19 =	sand.u32 @!p1 $0x2000, s19;
	s18 =	sadd.s32 @!p1 s2, s18;
	s17 =	sshll.u32 @!p1 s17, $0x12  }
0x2c: {  	s16 =	sadd.s32 @!p1 s16, s18;
	s17 =	sor.u32 @!p1 $0x400, s17;
	s18 =	simm.s32 @!p1 $0x7A1400  }
0x2d: {  	[tilespmem:s19], [sflag:$0x1] =	stream.strided.gather @!p1 [hbm4b:s16+s17], $0x2000, s18, s17, $0x38;
	[tilespmem:$0x8100] =	vst v63  }
0x2e: {  	p1 =	seq.s32 s13, $0x0  }
0x2f: {  	p2 =	sge.u32 @!p1 s13, s7  }
0x30: {  	p1 =	por p1, p2  }
.Ltmp2:
0x31: {  	_ = 	snop;
	(pc) =	sbr.rel @p1 .LBB1_5-.Ltmp2, $1  }
0x32: {  	_ =	sdelay $0x3  }
0x33: {  	s16 =	simm.s32 $0x1  }
0x34: {  	_ =	swait.ge [sflag:s4], $0x2000;
	s16 =	simm.s32 @!p0 $0x0  }
0x35: {  	[sflag:s4] =	ssyncset.done $0x0;
	s17 =	sshll.u32 s16, $0xD  }
0x36: {  	[sflag:s4] =	ssyncadd.s32 $0xFFFFE000;
	s17 =	sor.u32 $0x40, s17  }
0x37: {  	s16 =	smul.u32 $0x8200, s16;
	v0 =	vld [tilespmem:s17+$0x30]  }
0x38: {  	v1 =	vld [tilespmem:s17+$0xFFFFFFD0]  }
0x39: {  	s16 =	sshrl.u32 s16, $0x2;
	v5 =	vld [tilespmem:s17+$0xFFFFFFE0]  }
0x3a: {  	v6 =	vld [tilespmem:s17+$0xFFFFFFF0];
	s19 =	sor.u32 $0x4000, s16  }
0x3b: {  	s31 =	sand.u32 $0x1, s13;
	v4 =	vld [tilespmem:s17+$0x0];
	s18 =	sadd.s32 $0x0, s19  }
0x3c: {  	v3 =	vld [tilespmem:s17+$0x10];
	s16 =	smul.u32 $0x8200, s31;
	[tilespmem:s18+$0x1C70 ss:$0x41] =	vst.msk $0xffff, v0  }
0x3d: {  	v2 =	vld [tilespmem:s17+$0x20];
	[tilespmem:s18+$0x410 ss:$0x41] =	vst.msk $0xffff, v1  }
0x3e: {  	s16 =	sshrl.u32 s16, $0x2;
	v1 =	vld [tilespmem:s17+$0xFFFFFFC0];
	[tilespmem:s18+$0x820 ss:$0x41] =	vst.msk $0xffff, v5;
	s17 =	sadd.s32 $0x80, s17  }
0x3f: {  	s20 =	simm.s32 $0x4;
	s21 =	simm.s32 $0x8;
	s16 =	sor.u32 $0x4000, s16;
	[tilespmem:s18+$0xC30 ss:$0x41] =	vst.msk $0xffff, v6;
	v0 =	vld [tilespmem:s17+$0x30]  }
.LBB1_3:
0x40: {  	p1 =	sne.s32 s21, $0xFC;
	v5 =	vld [tilespmem:s17+$0xFFFFFFD0];
	[tilespmem:s18+$0x1040 ss:$0x41] =	vst.msk $0xffff, v4  }
0x41: {  	v6 =	vld [tilespmem:s17+$0xFFFFFFE0];
	[tilespmem:s18+$0x1450 ss:$0x41] =	vst.msk $0xffff, v3  }
0x42: {  	s22 =	sshra.s32 s20, $0x2;
	s20 =	smov.u32 s21;
	v7 =	vld [tilespmem:s17+$0xFFFFFFF0];
	[tilespmem:s18+$0x1860 ss:$0x41] =	vst.msk $0xffff, v2  }
.Ltmp3:
0x43: {  	v4 =	vld [tilespmem:s17+$0x0];
	[tilespmem:s18+$0x0 ss:$0x41] =	vst.msk $0xffff, v1;
	s18 =	sadd.s32 s22, s19;
	(pc) =	sbr.rel @p1 .LBB1_3-.Ltmp3, $4  }
0x44: {  	v3 =	vld [tilespmem:s17+$0x10];
	[tilespmem:s18+$0x1C70 ss:$0x41] =	vst.msk $0xffff, v0  }
0x45: {  	[tilespmem:s18+$0x410 ss:$0x41] =	vst.msk $0xffff, v5;
	v2 =	vld [tilespmem:s17+$0x20]  }
0x46: {  	v1 =	vld [tilespmem:s17+$0xFFFFFFC0];
	[tilespmem:s18+$0x820 ss:$0x41] =	vst.msk $0xffff, v6;
	s17 =	sadd.s32 $0x80, s17  }
0x47: {  	s21 =	sadd.s32 $0x4, s21;
	v0 =	vld [tilespmem:s17+$0x30];
	[tilespmem:s18+$0xC30 ss:$0x41] =	vst.msk $0xffff, v7  }
0x48: {  	s21 =	sshll.u32 s9, $0x7;
	s22 =	sshll.u32 s10, $0x3;
	s20 =	sshra.s32 s20, $0x2  }
0x49: {  	p1 =	sgt.s32 s9, $0xF41C0;
	s30 =	sshra.s32 s9, $0x1F;
	s25 =	sshra.s32 s10, $0x1F  }
0x4a: {  	v5 =	vld [tilespmem:s17+$0xFFFFFFD0];
	s28 =	sshrl.u32 s10, $0x3;
	s23 =	sand.u32 $0xFFFFFC00, s21;
	s22 =	sand.u32 $0xFFFFFC00, s22  }
0x4b: {  	[tilespmem:s18+$0x1040 ss:$0x41] =	vst.msk $0xffff, v4;
	v58 =	vld [tilespmem:s17+$0xFFFFFFE0];
	s21 =	sand.u32 $0x380, s21;
	s19 =	sadd.s32 s20, s19;
	s22 =	sadd.s32 s22, s23  }
0x4c: {  	v59 =	vld [tilespmem:s17+$0xFFFFFFF0];
	[tilespmem:s18+$0x1450 ss:$0x41] =	vst.msk $0xffff, v3;
	s29 =	sor.u32 s21, s22;
	s21 =	smov.u32 s9;
	s22 =	sand.u32 s30, s9  }
0x4d: {  	v60 =	vld [tilespmem:s17+$0x0];
	[tilespmem:s18+$0x1860 ss:$0x41] =	vst.msk $0xffff, v2;
	s30 =	sand.u32 $0x7, s10;
	s20 =	sshrl.u32 s29, $0x7;
	s21 =	simm.s32 @!p1 $0xF41C0  }
0x4e: {  	v61 =	vld [tilespmem:s17+$0x10];
	[tilespmem:s18+$0x0 ss:$0x41] =	vst.msk $0xffff, v1;
	p1 =	sgt.s32 s10, $0x40;
	s24 =	ssub.s32 s21, s22;
	s21 =	smov.u32 s10  }
0x4f: {  	v62 =	vld [tilespmem:s17+$0x20];
	[tilespmem:s19+$0x1C70 ss:$0x41] =	vst.msk $0xffff, v0;
	s31 =	smulhi.u32 $0x218DEF5, s20;
	s22 =	sand.u32 s25, s10;
	s21 =	simm.s32 @!p1 $0x40  }
0x50: {  	v63 =	vld [tilespmem:s17+$0xFFFFFFC0];
	[tilespmem:s19+$0x410 ss:$0x41] =	vst.msk $0xffff, v5;
	s26 =	sadd.s32 $0xFFF0BE40, s24;
	s17 =	ssub.s32 $0xF4240, s24;
	s21 =	ssub.s32 s21, s22  }
0x51: {  	[tilespmem:s19+$0x820 ss:$0x41] =	vst.msk $0xffff, v58;
	s23 =	sshrl.u32 s31, $0xD;
	p1 =	sgt.s32 s26, $0x7F;
	s27 =	sadd.s32 $0xFFFFFFC0, s21  }
0x52: {  	[tilespmem:s19+$0xC30 ss:$0x41] =	vst.msk $0xffff, v59;
	s23 =	smul.u32 $0xF4240, s23;
	s18 =	ssub.s32 $0x80, s21;
	p2 =	sgt.s32 s27, $0x3F  }
.Ltmp4:
0x53: {  	[tilespmem:s19+$0x1040 ss:$0x41] =	vst.msk $0xffff, v60;
	s17 =	simm.s32 @p1 $0x0;
	s18 =	simm.s32 @p2 $0x0;
	(pc) =	sbr.rel .LBB1_5-.Ltmp4, $4  }
0x54: {  	s29 =	sand.u32 $0xF, s28;
	[tilespmem:s19+$0x1450 ss:$0x41] =	vst.msk $0xffff, v61;
	s20 =	ssub.s32 s20, s23;
	s17 =	smul.u32 s18, s17  }
0x55: {  	[tilespmem:s19+$0x1860 ss:$0x41] =	vst.msk $0xffff, v62;
	s21 =	sshll.u32 s30, $0x12;
	s20 =	sshll.u32 s20, $0x4;
	s18 =	sadd.s32 s5, s29  }
0x56: {  	[tilespmem:s19+$0x0 ss:$0x41] =	vst.msk $0xffff, v63;
	s31 =	sor.u32 $0x40, s21;
	s18 =	sadd.s32 s20, s18;
	s17 =	sand.u32 $0x3FFFFFFF, s17  }
0x57: {  	[hbm4b:s18+s31] =	stream.strided.scatter [tilespmem:s16], [sflag:$0x2], s17, s8, s31, $0x18;
	[tilespmem:$0x8100] =	vst v63  }
.LBB1_6:
0x58: {  	_ =	sfence.sel $0x180000  }
0x59: {  	s2 =	simm.s32 $0x1;
	[bflag:$0x0] =	sbarrier.arrive $0xFFFF  }
0x5a: {  	s31 =	simm.s32 $0x2;
	[sflag:s2] =	ssyncpa.u1 $0x1  }
0x5b: {  	[sflag:s31] =	ssyncpa.u1 $0x1  }
0x5c: {  	p0 =	sne.s32 s1, $0x0;
	_ =	strace $0x90000047  }
0x5d: {  	s0 =	sadd.s32 @!p0 $0x100000, s0;
	[bflag:$0x2] =	sbarrier.arrive $0xFFFF  }
0x5e: {  	[sflag:s0] =	ssyncadd.tile.s32 @!p0 $0x1;
	_ =	shalt  }
.Lfunc_end1:
_tile_overlayer_lowered:
.L_overlay_start_2:
0x5f: {  	(tag) =	ssettag $0x2  }
0x60: {  	s0 =	rddreg [dreg:$0x0];
	s2 =	stileid.u32  }
0x61: {  	s1 =	rddreg [dreg:$0x1];
	p0 =	sne.s32 s2, $0x0  }
0x62: {  	s3 =	rddreg [dreg:$0x2];
	[bflag:$0x3] =	sbarrier.arrive $0xFFFF;
	s2 =	simm.s32 @!p0 $0x1C01  }
0x63: {  	[timem:s3], [sflag:s2] =	dma.local @!p0 [hbm:s0], s1  }
0x64: {  	s0 =	simm.s32 @!p0 $0x1  }
0x65: {  	_ =	swait.ge @!p0 [sflag:s0], s1  }
0x66: {  	s1 =	ssub.s32 @!p0 $0x0, s1;
	[sflag:s0] =	ssyncset.done @!p0 $0x0  }
0x67: {  	[sflag:s0] =	ssyncadd.s32 @!p0 s1  }
0x68: {  	[bflag:$0x3] =	sbarrier.arrive $0xFFFF  }
0x69: {  	_ =	shalt  }

</sc_bundles>
